<compile_context>
chip_gen: v7x
topology: tpu7x:2x2x1
jax: 0.10.2.dev20260603
libtpu: 0.0.44.dev20260713+nightly
codegen_flags: <defaults>
</compile_context>

<pallas_src>
import functools

import jax
import jax.numpy as jnp
from jax import lax
from jax.experimental import pallas as pl
from jax.experimental.pallas import tpu as pltpu
from jax.experimental.pallas import tpu_sc as plsc

NC, NS, LANES = 2, 16, 16
NW = NC * NS

N = 10000
E = 320000
D = 128
G = 64

NPAD = 10240
C = 128
NCH = 160
DH = D // NC
ROWS_PT = NPAD // NS
R = 1000
NBLK = N // R

def _zero_rows(buf, nrows, width):
    zero = jnp.zeros((LANES,), jnp.float32)
    ngrp = width // LANES

    def zr(i, _):
        buf[i // ngrp, pl.ds((i % ngrp) * LANES, LANES)] = zero
        return 0

    lax.fori_loop(0, nrows * ngrp, zr, 0)


def _hist_body(dst_hbm, out_hbm, dst_v, ones_v, bounce_v, accum):
    cid = lax.axis_index("c")
    sid = lax.axis_index("s")
    one = jnp.ones((LANES,), jnp.float32)

    def fill1(i, _):
        ones_v[i, pl.ds(0, LANES)] = one
        return 0

    lax.fori_loop(0, C, fill1, 0)
    _zero_rows(bounce_v, ROWS_PT, LANES)
    pltpu.sync_copy(bounce_v, accum.at[pl.ds(sid * ROWS_PT, ROWS_PT)])
    plsc.subcore_barrier()
    pltpu.sync_copy(dst_hbm.at[sid], dst_v)
    base_ch = cid * (NCH // NC)

    def step(g, _):
        pltpu.sync_copy(ones_v, accum.at[dst_v.at[base_ch + g]], add=True)
        return 0

    lax.fori_loop(0, NCH // NC, step, 0)
    plsc.subcore_barrier()
    pltpu.sync_copy(accum.at[pl.ds(sid * ROWS_PT, ROWS_PT)], bounce_v)
    pltpu.sync_copy(bounce_v, out_hbm.at[cid, pl.ds(sid * ROWS_PT, ROWS_PT)])


@functools.cache
def _hist_kernel():
    mesh = plsc.VectorSubcoreMesh(
        core_axis_name="c", subcore_axis_name="s",
        num_cores=NC, num_subcores=NS)
    return pl.kernel(
        _hist_body,
        out_type=jax.ShapeDtypeStruct((NC, NPAD, LANES), jnp.float32),
        mesh=mesh,
        scratch_types=[
            pltpu.VMEM((NCH, C), jnp.int32),
            pltpu.VMEM((C, LANES), jnp.float32),
            pltpu.VMEM((ROWS_PT, LANES), jnp.float32),
            pltpu.VMEM_SHARED((NPAD, LANES), jnp.float32),
        ],
        compiler_params=pltpu.CompilerParams(use_tc_tiling_on_sc=False),
    )


KBUF = 4


def _agg_body(zs_hbm, src_hbm, dst_hbm, out_hbm,
              src_v, dst_v, bufs,
              gs0, gs1, gs2, gs3, ss0, ss1, ss2, ss3, accum):
    gsems = (gs0, gs1, gs2, gs3)
    ssems = (ss0, ss1, ss2, ss3)
    rows_a = bufs.at[0]
    cid = lax.axis_index("c")
    sid = lax.axis_index("s")
    zero = jnp.zeros((LANES,), jnp.float32)
    ngrp = DH // LANES

    def zr(i, _):
        bufs[0, i // ngrp, pl.ds((i % ngrp) * LANES, LANES)] = zero
        return 0

    lax.fori_loop(0, C * ngrp, zr, 0)

    def zcp(j, _):
        pltpu.sync_copy(rows_a, accum.at[pl.ds(sid * ROWS_PT + j * C, C)])
        return 0

    lax.fori_loop(0, ROWS_PT // C, zcp, 0)
    plsc.subcore_barrier()
    pltpu.sync_copy(src_hbm.at[sid], src_v)
    pltpu.sync_copy(dst_hbm.at[sid], dst_v)

    def addc(i, _):
        r = i // (C // LANES)
        col = (i % (C // LANES)) * LANES
        src_v[r, pl.ds(col, LANES)] += cid
        return 0

    lax.fori_loop(0, (NCH + 1) * (C // LANES), addc, 0)

    def step(t, _):
        base = t * KBUF
        gh = [pltpu.async_copy(zs_hbm.at[src_v.at[base + j]], bufs.at[j],
                               gsems[j]) for j in range(KBUF)]
        sh = []
        for j in range(KBUF):
            gh[j].wait()
            sh.append(pltpu.async_copy(bufs.at[j],
                                       accum.at[dst_v.at[base + j]],
                                       ssems[j], add=True))
        for j in range(KBUF):
            sh[j].wait()
        return 0

    lax.fori_loop(0, NCH // KBUF, step, 0)
    plsc.subcore_barrier()

    def wcp(j, _):
        off = sid * ROWS_PT + j * C
        pltpu.sync_copy(accum.at[pl.ds(off, C)], rows_a)
        pltpu.sync_copy(rows_a, out_hbm.at[cid, pl.ds(off, C)])
        return 0

    lax.fori_loop(0, ROWS_PT // C, wcp, 0)


@functools.cache
def _agg_kernel():
    mesh = plsc.VectorSubcoreMesh(
        core_axis_name="c", subcore_axis_name="s",
        num_cores=NC, num_subcores=NS)
    return pl.kernel(
        _agg_body,
        out_type=jax.ShapeDtypeStruct((NC, NPAD, DH), jnp.float32),
        mesh=mesh,
        scratch_types=[
            pltpu.VMEM((NCH, C), jnp.int32),
            pltpu.VMEM((NCH, C), jnp.int32),
            pltpu.VMEM((KBUF, C, DH), jnp.float32),
            pltpu.SemaphoreType.DMA,
            pltpu.SemaphoreType.DMA,
            pltpu.SemaphoreType.DMA,
            pltpu.SemaphoreType.DMA,
            pltpu.SemaphoreType.DMA,
            pltpu.SemaphoreType.DMA,
            pltpu.SemaphoreType.DMA,
            pltpu.SemaphoreType.DMA,
            pltpu.VMEM_SHARED((NPAD, DH), jnp.float32),
        ],
        compiler_params=pltpu.CompilerParams(use_tc_tiling_on_sc=False),
    )



def _tc1_body(x_ref, w_ref, p0_ref, p1_ref, zs_ref, dn_ref):
    deg = 1.0 + p0_ref[:, 0:1] + p1_ref[:, 0:1]
    dn = lax.rsqrt(deg)
    z = jnp.dot(x_ref[...], w_ref[...], preferred_element_type=jnp.float32)
    zs_ref[...] = z * dn
    dn_ref[...] = jnp.broadcast_to(dn, (R, LANES))


def _tc_layer_body(p0_ref, p1_ref, zsp_ref, dn_ref, b_ref, w_ref, zs_ref):
    dn = dn_ref[:, 0:1]
    agg = jnp.concatenate([p0_ref[...], p1_ref[...]], axis=1)
    h = jnp.maximum(dn * (agg + zsp_ref[...]) + b_ref[...], 0.0)
    zs_ref[...] = dn * jnp.dot(h, w_ref[...],
                               preferred_element_type=jnp.float32)


def _tc_f1_body(p0_ref, p1_ref, zsp_ref, dn_ref, b_ref, gw_ref, batch_ref,
                h3_ref, gate_ref, gmax_ref):
    g = pl.program_id(0)
    dn = dn_ref[:, 0:1]
    agg = jnp.concatenate([p0_ref[...], p1_ref[...]], axis=1)
    h3 = dn * (agg + zsp_ref[...]) + b_ref[...]
    h3_ref[...] = h3
    gate = jnp.dot(h3, gw_ref[...], preferred_element_type=jnp.float32)[:, 0:1]
    gate_ref[...] = jnp.broadcast_to(gate, (R, LANES))

    @pl.when(g == 0)
    def _():
        gmax_ref[...] = jnp.full((8, 128), -jnp.inf, jnp.float32)

    mask = batch_ref[:, 0:1] == lax.broadcasted_iota(jnp.int32, (R, 128), 1)
    gm = jnp.max(jnp.where(mask, gate, -jnp.inf), axis=0, keepdims=True)
    gmax_ref[...] = jnp.maximum(gmax_ref[...], jnp.broadcast_to(gm, (8, 128)))


def _tc_f2_body(h3_ref, gate_ref, batch_ref, gmax_ref, rw_ref, rb_ref,
                out_ref, num_ref, den_ref):
    g = pl.program_id(0)

    @pl.when(g == 0)
    def _():
        num_ref[...] = jnp.zeros((128, 128), jnp.float32)
        den_ref[...] = jnp.zeros((128, 128), jnp.float32)

    mask = batch_ref[:, 0:1] == lax.broadcasted_iota(jnp.int32, (R, 128), 1)
    gmax_row = gmax_ref[0:1, :]
    gmax_node = jnp.max(jnp.where(mask, jnp.broadcast_to(gmax_row, (R, 128)),
                                  -jnp.inf), axis=1, keepdims=True)
    ge = jnp.exp(gate_ref[:, 0:1] - gmax_node)
    wgt = jnp.where(mask, jnp.broadcast_to(ge, (R, 128)), 0.0)
    num_ref[...] += lax.dot_general(
        wgt, h3_ref[...], (((0,), (0,)), ((), ())),
        preferred_element_type=jnp.float32)
    den_ref[...] += lax.dot_general(
        wgt, jnp.ones((R, 128), jnp.float32), (((0,), (0,)), ((), ())),
        preferred_element_type=jnp.float32)

    @pl.when(g == NBLK - 1)
    def _():
        pooled = num_ref[...] / (den_ref[...] + 1e-16)
        r = jnp.dot(pooled, rw_ref[...],
                    preferred_element_type=jnp.float32) + rb_ref[...]
        out_ref[...] = 2.0 * jnp.tanh(r)


def _row_spec(shape):
    return pl.BlockSpec(shape, lambda g: (g, 0))


def _full_spec(shape):
    return pl.BlockSpec(shape, lambda g: (0, 0))


_tc1 = pl.pallas_call(
    _tc1_body,
    grid=(NBLK,),
    in_specs=[_row_spec((R, D)), _full_spec((D, D)),
              _row_spec((R, LANES)), _row_spec((R, LANES))],
    out_specs=[_row_spec((R, D)), _row_spec((R, LANES))],
    out_shape=[jax.ShapeDtypeStruct((N, D), jnp.float32),
               jax.ShapeDtypeStruct((N, LANES), jnp.float32)],
)

_tc_layer = pl.pallas_call(
    _tc_layer_body,
    grid=(NBLK,),
    in_specs=[_row_spec((R, DH)), _row_spec((R, DH)), _row_spec((R, D)),
              _row_spec((R, LANES)), _full_spec((1, D)), _full_spec((D, D))],
    out_specs=_row_spec((R, D)),
    out_shape=jax.ShapeDtypeStruct((N, D), jnp.float32),
)

_tc_f1 = pl.pallas_call(
    _tc_f1_body,
    grid=(NBLK,),
    in_specs=[_row_spec((R, DH)), _row_spec((R, DH)), _row_spec((R, D)),
              _row_spec((R, LANES)), _full_spec((1, D)), _full_spec((D, D)),
              _row_spec((R, LANES))],
    out_specs=[_row_spec((R, D)), _row_spec((R, LANES)),
               _full_spec((8, 128))],
    out_shape=[jax.ShapeDtypeStruct((N, D), jnp.float32),
               jax.ShapeDtypeStruct((N, LANES), jnp.float32),
               jax.ShapeDtypeStruct((8, 128), jnp.float32)],
)

_tc_f2 = pl.pallas_call(
    _tc_f2_body,
    grid=(NBLK,),
    in_specs=[_row_spec((R, D)), _row_spec((R, LANES)),
              _row_spec((R, LANES)), _full_spec((8, 128)),
              _full_spec((D, D)), _full_spec((1, D))],
    out_specs=_full_spec((128, 128)),
    out_shape=jax.ShapeDtypeStruct((128, 128), jnp.float32),
    scratch_shapes=[pltpu.VMEM((128, 128), jnp.float32),
                    pltpu.VMEM((128, 128), jnp.float32)],
)


def kernel(x, edge_index, batch, W1, b1, W2, b2, W3, b3,
           gate_W, gate_b, reg_W, reg_b):
    del gate_b
    src = edge_index[0].astype(jnp.int32)
    dst = edge_index[1].astype(jnp.int32)
    e_pad = NS * NCH * C
    src_p = jnp.concatenate(
        [src * 2, jnp.zeros((e_pad - E,), jnp.int32)]).reshape(NS, NCH, C)
    dst_p = jnp.concatenate(
        [dst, jnp.full((e_pad - E,), NPAD - 1, jnp.int32)]).reshape(NS, NCH, C)
    batchb = jnp.broadcast_to(batch.astype(jnp.int32)[:, None], (N, LANES))
    b1r = b1.reshape(1, D)
    b2r = b2.reshape(1, D)
    b3r = b3.reshape(1, D)
    gwp = jnp.pad(gate_W, ((0, 0), (0, D - gate_W.shape[1])))
    rwp = jnp.pad(reg_W, ((0, 0), (0, D - reg_W.shape[1])))
    rbp = jnp.pad(reg_b.reshape(1, -1), ((0, 0), (0, D - reg_b.shape[0])))

    hist = _hist_kernel()(dst_p)
    zs1, dn16 = _tc1(x, W1, hist[0], hist[1])
    agg = _agg_kernel()
    a1 = agg(zs1.reshape(N * NC, DH), src_p, dst_p)
    zs2 = _tc_layer(a1[0, :N], a1[1, :N], zs1, dn16, b1r, W2)
    a2 = agg(zs2.reshape(N * NC, DH), src_p, dst_p)
    zs3 = _tc_layer(a2[0, :N], a2[1, :N], zs2, dn16, b2r, W3)
    a3 = agg(zs3.reshape(N * NC, DH), src_p, dst_p)
    h3, gate16, gmax = _tc_f1(a3[0, :N], a3[1, :N], zs3, dn16, b3r, gwp,
                              batchb)
    out = _tc_f2(h3, gate16, batchb, gmax, rwp, rbp)
    return out[:G, :reg_W.shape[1]]

# --- scband reference (transcript-rebuilt; emitter-appended) ---
"""Pipeline reference for scband-gnn-22952305230166 (READ-ONLY COPY).

The authoritative reference and input builder live on the scoring server;
editing this copy changes nothing except your own understanding.
"""

import jax, jax.numpy as jnp
import numpy as np

N = 10000
E = 320000
D_IN = 128
H = 128
D_OUT = 128
G = 64
OUT_FEATS = 3


def _glorot(key, shape):
    lim = (6.0 / (shape[0] + shape[1])) ** 0.5
    return jax.random.uniform(key, shape, jnp.float32, -lim, lim)


def setup_inputs(seed: int = 0):
    key = jax.random.key(seed)
    ks = jax.random.split(key, 12)
    x = jax.random.normal(ks[0], (N, D_IN), dtype=jnp.float32)
    edge_index = jax.random.randint(ks[1], (2, E), 0, N)
    batch = jnp.sort(jax.random.randint(ks[2], (N,), 0, G))
    W1 = _glorot(ks[3], (D_IN, H)); b1 = jnp.zeros((H,), jnp.float32)
    W2 = _glorot(ks[4], (H, H)); b2 = jnp.zeros((H,), jnp.float32)
    W3 = _glorot(ks[5], (H, D_OUT)); b3 = jnp.zeros((D_OUT,), jnp.float32)
    gate_W = _glorot(ks[6], (D_OUT, 1)); gate_b = jnp.zeros((1,), jnp.float32)
    reg_W = _glorot(ks[7], (D_OUT, OUT_FEATS)); reg_b = jnp.zeros((OUT_FEATS,), jnp.float32)
    return {"x": x, "edge_index": edge_index, "batch": batch,
            "W1": W1, "b1": b1, "W2": W2, "b2": b2, "W3": W3, "b3": b3,
            "gate_W": gate_W, "gate_b": gate_b, "reg_W": reg_W, "reg_b": reg_b}


def _gcn_conv(x, src, dst, deg_norm, W, b):
    # GCNConv: D^{-1/2} (A + I) D^{-1/2} X W + b  (self-loops already appended to src/dst)
    h = x @ W
    msg = h[src] * (deg_norm[src] * deg_norm[dst])[:, None]
    out = jax.ops.segment_sum(msg, dst, num_segments=N)
    return out + b


def _forward(x, edge_index, batch, W1, b1, W2, b2, W3, b3, gate_W, gate_b, reg_W, reg_b):
    loops = jnp.arange(N)
    src = jnp.concatenate([edge_index[0], loops])
    dst = jnp.concatenate([edge_index[1], loops])
    deg = jax.ops.segment_sum(jnp.ones_like(src, jnp.float32), dst, num_segments=N)
    deg_norm = jnp.where(deg > 0, deg ** -0.5, 0.0)
    # 3-layer GCN: relu between layers, last layer linear (PyG GCN semantics)
    h = jax.nn.relu(_gcn_conv(x, src, dst, deg_norm, W1, b1))
    h = jax.nn.relu(_gcn_conv(h, src, dst, deg_norm, W2, b2))
    h = _gcn_conv(h, src, dst, deg_norm, W3, b3)
    # AttentionalAggregation: softmax(gate_nn(h)) per graph, weighted sum
    gate = (h @ gate_W + gate_b)[:, 0]
    gmax = jax.ops.segment_max(gate, batch, num_segments=G)
    ge = jnp.exp(gate - gmax[batch])
    denom = jax.ops.segment_sum(ge, batch, num_segments=G)
    alpha = ge / (denom[batch] + 1e-16)
    pooled = jax.ops.segment_sum(alpha[:, None] * h, batch, num_segments=G)
    # dropout_rate=0.0 (inference); feats='cartesian' -> 2 * tanh(regressor(x))
    return 2.0 * jnp.tanh(pooled @ reg_W + reg_b)


def reference(x, edge_index, batch, W1, b1, W2, b2, W3, b3, gate_W, gate_b, reg_W, reg_b):
    return _forward(x, edge_index, batch, W1, b1, W2, b2, W3, b3, gate_W, gate_b, reg_W, reg_b)

if __name__ == "__main__":
    import jax
    _d = setup_inputs()
    print(jax.jit(kernel)(*tuple(_d.values())))

</pallas_src>

<mosaic_0001>
#map = affine_map<(d0, d1) -> (0, 0)>
#map1 = affine_map<(d0, d1) -> (0, 0, 0)>
module attributes {stable_mosaic.version = 14 : i64} {
  func.func @_agg_body(%arg0: i32, %arg1: i32, %arg2: memref<20000x64xf32, #tpu.memory_space<hbm>>, %arg3: memref<16x160x128xi32, #tpu.memory_space<hbm>>, %arg4: memref<16x160x128xi32, #tpu.memory_space<hbm>>, %arg5: memref<2x10240x64xf32, #tpu.memory_space<hbm>>, %arg6: memref<160x128xi32, #tpu.memory_space<vmem>>, %arg7: memref<160x128xi32, #tpu.memory_space<vmem>>, %arg8: memref<4x128x64xf32, #tpu.memory_space<vmem>>, %arg9: memref<!tpu.dma_semaphore, #tpu.memory_space<semaphore_mem>>, %arg10: memref<!tpu.dma_semaphore, #tpu.memory_space<semaphore_mem>>, %arg11: memref<!tpu.dma_semaphore, #tpu.memory_space<semaphore_mem>>, %arg12: memref<!tpu.dma_semaphore, #tpu.memory_space<semaphore_mem>>, %arg13: memref<!tpu.dma_semaphore, #tpu.memory_space<semaphore_mem>>, %arg14: memref<!tpu.dma_semaphore, #tpu.memory_space<semaphore_mem>>, %arg15: memref<!tpu.dma_semaphore, #tpu.memory_space<semaphore_mem>>, %arg16: memref<!tpu.dma_semaphore, #tpu.memory_space<semaphore_mem>>, %arg17: memref<10240x64xf32, #tpu.memory_space<vmem_shared>>) attributes {dimension_semantics = [#tpu.dimension_semantics<core_parallel>, #tpu.dimension_semantics<subcore_parallel>], iteration_bounds = array<i64: 2, 16>, scalar_prefetch = 0 : i64, scratch_operands = 12 : i64, tpu.core_type = #tpu.core_type<sc_vector_subcore>, window_params = [{transform_indices = #map}, {transform_indices = #map1}, {transform_indices = #map1}, {transform_indices = #map1}]} {
    %broadcast_in_dim3A = arith.constant 0.000000e+00 : f32
    %broadcast_in_dim3A_0 = vector.broadcast %broadcast_in_dim3A : f32 to vector<16xf32>
    %scan3A = arith.constant 0 : i32
    %scan3A_1 = arith.constant 0 : i32
    %scan3A_2 = arith.constant 512 : i32
    %scan3A_3 = arith.addi %scan3A_1, %scan3A_2 : i32
    %scan3A_4 = arith.constant 1 : i32
    %scan3A_5 = scf.for %scan3A_38 = %scan3A_1 to %scan3A_3 step %scan3A_4 iter_args(%scan3A_39 = %scan3A) -> (i32)  : i32 {
      %jit3A = arith.constant 4 : i32
      %div3A = arith.divsi %scan3A_38, %jit3A : i32
      %sign3A = arith.constant 0 : i32
      %sign3A_40 = arith.cmpi sgt, %scan3A_38, %sign3A : i32
      %sign3A_41 = arith.extui %sign3A_40 : i1 to i32
      %sign3A_42 = arith.constant 0 : i32
      %sign3A_43 = arith.cmpi slt, %scan3A_38, %sign3A_42 : i32
      %sign3A_44 = arith.extui %sign3A_43 : i1 to i32
      %sign3A_45 = arith.subi %sign3A_41, %sign3A_44 : i32
      %sign3A_46 = arith.constant 0 : i32
      %sign3A_47 = arith.cmpi sgt, %jit3A, %sign3A_46 : i32
      %sign3A_48 = arith.extui %sign3A_47 : i1 to i32
      %sign3A_49 = arith.constant 0 : i32
      %sign3A_50 = arith.cmpi slt, %jit3A, %sign3A_49 : i32
      %sign3A_51 = arith.extui %sign3A_50 : i1 to i32
      %sign3A_52 = arith.subi %sign3A_48, %sign3A_51 : i32
      %ne3A = arith.cmpi ne, %sign3A_45, %sign3A_52 : i32
      %rem3A = arith.remsi %scan3A_38, %jit3A : i32
      %ne3A_53 = arith.constant 0 : i32
      %ne3A_54 = arith.cmpi ne, %rem3A, %ne3A_53 : i32
      %and3A = arith.andi %ne3A, %ne3A_54 : i1
      %sub3A = arith.constant 1 : i32
      %sub3A_55 = arith.subi %div3A, %sub3A : i32
      %select_n3A = arith.select %and3A, %sub3A_55, %div3A : i32
      %jit3A_56 = arith.constant 4 : i32
      %eq3A = arith.constant 0 : i32
      %eq3A_57 = arith.cmpi eq, %jit3A_56, %eq3A : i32
      %jit3A_58 = arith.constant 1 : i32
      %select_n3A_59 = arith.select %eq3A_57, %jit3A_58, %jit3A_56 : i32
      %rem3A_60 = arith.remsi %scan3A_38, %select_n3A_59 : i32
      %ne3A_61 = arith.constant 0 : i32
      %ne3A_62 = arith.cmpi ne, %rem3A_60, %ne3A_61 : i32
      %lt3A = arith.constant 0 : i32
      %lt3A_63 = arith.cmpi slt, %rem3A_60, %lt3A : i32
      %lt3A_64 = arith.constant 0 : i32
      %lt3A_65 = arith.cmpi slt, %select_n3A_59, %lt3A_64 : i32
      %ne3A_66 = arith.xori %lt3A_63, %lt3A_65 : i1
      %and3A_67 = arith.andi %ne3A_66, %ne3A_62 : i1
      %add3A = arith.addi %rem3A_60, %select_n3A_59 : i32
      %select_n3A_68 = arith.select %and3A_67, %add3A, %rem3A_60 : i32
      %mul3A = arith.constant 16 : i32
      %mul3A_69 = arith.muli %select_n3A_68, %mul3A : i32
      %swap3A = arith.constant 0 : i32
      %swap3A_70 = arith.index_cast %swap3A : i32 to index
      %swap3A_71 = arith.index_cast %select_n3A : i32 to index
      %swap3A_72 = arith.index_cast %mul3A_69 : i32 to index
      %swap3A_73 = tpu.vector_load %arg8[%swap3A_70, %swap3A_71, %swap3A_72] {strides = array<i32>} : memref<4x128x64xf32, #tpu.memory_space<vmem>>, vector<1x1x16xf32>,
      %swap3A_74 = vector.shape_cast %swap3A_73 : vector<1x1x16xf32> to vector<16xf32>
      %swap3A_75 = vector.shape_cast %broadcast_in_dim3A_0 : vector<16xf32> to vector<1x1x16xf32>
      tpu.vector_store %arg8[%swap3A_70, %swap3A_71, %swap3A_72], %swap3A_75 {strides = array<i32>} : memref<4x128x64xf32, #tpu.memory_space<vmem>>, vector<1x1x16xf32>,
      %scan3A_76 = arith.constant 0 : i32
      scf.yield %scan3A_76 : i32
    }
    %scan3A_6 = arith.constant 512 : i32
    %scan3A_7 = arith.constant 0 : i32
    %scan3A_8 = arith.constant 0 : i32
    %scan3A_9 = arith.constant 0 : i32
    %scan3A_10 = arith.constant 5 : i32
    %scan3A_11 = arith.addi %scan3A_9, %scan3A_10 : i32
    %scan3A_12 = arith.constant 1 : i32
    %scan3A_13 = scf.for %scan3A_38 = %scan3A_9 to %scan3A_11 step %scan3A_12 iter_args(%scan3A_39 = %scan3A_8) -> (i32)  : i32 {
      %mul3A = arith.constant 640 : i32
      %mul3A_40 = arith.muli %arg1, %mul3A : i32
      %mul3A_41 = arith.constant 128 : i32
      %mul3A_42 = arith.muli %scan3A_38, %mul3A_41 : i32
      %add3A = arith.addi %mul3A_40, %mul3A_42 : i32
      "tpu.region"() ({
        %run_scoped3A = tpu.sem_alloc : memref<!tpu.dma_semaphore, #tpu.memory_space<semaphore_mem>>
        %dma_start3A = arith.constant 0 : i32
        %dma_start3A_44 = arith.constant 0 : i32
        %dma_start3A_45 = tpu.memref_slice %arg8[%scan3A_7, %dma_start3A, %dma_start3A_44] : memref<4x128x64xf32, #tpu.memory_space<vmem>> -> memref<1x128x64xf32, #tpu.memory_space<vmem>>
        %dma_start3A_46 = tpu.memref_squeeze %dma_start3A_45 : memref<1x128x64xf32, #tpu.memory_space<vmem>> -> memref<128x64xf32, #tpu.memory_space<vmem>>
        %dma_start3A_47 = arith.constant 0 : i32
        %dma_start3A_48 = tpu.memref_slice %arg17[%add3A, %dma_start3A_47] : memref<10240x64xf32, #tpu.memory_space<vmem_shared>> -> memref<128x64xf32, #tpu.memory_space<vmem_shared>>
        %dma_start3A_49 = arith.constant 0 : i32
        %dma_start3A_50 = tpu.memref_slice %arg17[%add3A, %dma_start3A_49] : memref<10240x64xf32, #tpu.memory_space<vmem_shared>> -> memref<128x64xf32, #tpu.memory_space<vmem_shared>>
        %dma_start3A_51 = arith.constant 0 : i32
        %dma_start3A_52 = arith.constant 0 : i32
        %dma_start3A_53 = tpu.memref_slice %arg8[%scan3A_7, %dma_start3A_51, %dma_start3A_52] : memref<4x128x64xf32, #tpu.memory_space<vmem>> -> memref<1x128x64xf32, #tpu.memory_space<vmem>>
        %dma_start3A_54 = tpu.memref_squeeze %dma_start3A_53 : memref<1x128x64xf32, #tpu.memory_space<vmem>> -> memref<128x64xf32, #tpu.memory_space<vmem>>
        tpu.enqueue_dma source(%dma_start3A_54 : memref<128x64xf32, #tpu.memory_space<vmem>>) target(%dma_start3A_50 : memref<128x64xf32, #tpu.memory_space<vmem_shared>>) target_semaphore(%run_scoped3A : memref<!tpu.dma_semaphore, #tpu.memory_space<semaphore_mem>>)
        %dma_wait3A = arith.constant 0 : i32
        %dma_wait3A_55 = arith.constant 0 : i32
        %dma_wait3A_56 = tpu.memref_slice %arg8[%scan3A_7, %dma_wait3A, %dma_wait3A_55] : memref<4x128x64xf32, #tpu.memory_space<vmem>> -> memref<1x128x64xf32, #tpu.memory_space<vmem>>
        %dma_wait3A_57 = tpu.memref_squeeze %dma_wait3A_56 : memref<1x128x64xf32, #tpu.memory_space<vmem>> -> memref<128x64xf32, #tpu.memory_space<vmem>>
        %dma_wait3A_58 = arith.constant 0 : i32
        %dma_wait3A_59 = tpu.memref_slice %arg17[%add3A, %dma_wait3A_58] : memref<10240x64xf32, #tpu.memory_space<vmem_shared>> -> memref<128x64xf32, #tpu.memory_space<vmem_shared>>
        %dma_wait3A_60 = arith.constant 0 : i32
        %dma_wait3A_61 = tpu.memref_slice %arg17[%add3A, %dma_wait3A_60] : memref<10240x64xf32, #tpu.memory_space<vmem_shared>> -> memref<128x64xf32, #tpu.memory_space<vmem_shared>>
        %dma_wait3A_62 = arith.constant 0 : i32
        %dma_wait3A_63 = arith.constant 0 : i32
        %dma_wait3A_64 = tpu.memref_slice %arg8[%scan3A_7, %dma_wait3A_62, %dma_wait3A_63] : memref<4x128x64xf32, #tpu.memory_space<vmem>> -> memref<1x128x64xf32, #tpu.memory_space<vmem>>
        %dma_wait3A_65 = tpu.memref_squeeze %dma_wait3A_64 : memref<1x128x64xf32, #tpu.memory_space<vmem>> -> memref<128x64xf32, #tpu.memory_space<vmem>>
        tpu.wait_dma2 semaphore(%run_scoped3A : memref<!tpu.dma_semaphore, #tpu.memory_space<semaphore_mem>>) src(%dma_wait3A_65 : memref<128x64xf32, #tpu.memory_space<vmem>>) dst(%dma_wait3A_61 : memref<128x64xf32, #tpu.memory_space<vmem_shared>>)
        tpu.yield
      }) : () -> ()
      %scan3A_43 = arith.constant 0 : i32
      scf.yield %scan3A_43 : i32
    }
    %scan3A_14 = arith.constant 5 : i32
    %barrier3A = arith.constant 0 : index
    tpu.barrier barrier_id(%barrier3A)
    "tpu.region"() ({
      %run_scoped3A = tpu.sem_alloc : memref<!tpu.dma_semaphore, #tpu.memory_space<semaphore_mem>>
      %dma_start3A = arith.constant 0 : i32
      %dma_start3A_38 = arith.constant 0 : i32
      %dma_start3A_39 = tpu.memref_slice %arg3[%arg1, %dma_start3A, %dma_start3A_38] : memref<16x160x128xi32, #tpu.memory_space<hbm>> -> memref<1x160x128xi32, #tpu.memory_space<hbm>>
      %dma_start3A_40 = tpu.memref_squeeze %dma_start3A_39 : memref<1x160x128xi32, #tpu.memory_space<hbm>> -> memref<160x128xi32, #tpu.memory_space<hbm>>
      %dma_start3A_41 = arith.constant 0 : i32
      %dma_start3A_42 = arith.constant 0 : i32
      %dma_start3A_43 = tpu.memref_slice %arg3[%arg1, %dma_start3A_41, %dma_start3A_42] : memref<16x160x128xi32, #tpu.memory_space<hbm>> -> memref<1x160x128xi32, #tpu.memory_space<hbm>>
      %dma_start3A_44 = tpu.memref_squeeze %dma_start3A_43 : memref<1x160x128xi32, #tpu.memory_space<hbm>> -> memref<160x128xi32, #tpu.memory_space<hbm>>
      tpu.enqueue_dma source(%dma_start3A_44 : memref<160x128xi32, #tpu.memory_space<hbm>>) target(%arg6 : memref<160x128xi32, #tpu.memory_space<vmem>>) target_semaphore(%run_scoped3A : memref<!tpu.dma_semaphore, #tpu.memory_space<semaphore_mem>>)
      %dma_wait3A = arith.constant 0 : i32
      %dma_wait3A_45 = arith.constant 0 : i32
      %dma_wait3A_46 = tpu.memref_slice %arg3[%arg1, %dma_wait3A, %dma_wait3A_45] : memref<16x160x128xi32, #tpu.memory_space<hbm>> -> memref<1x160x128xi32, #tpu.memory_space<hbm>>
      %dma_wait3A_47 = tpu.memref_squeeze %dma_wait3A_46 : memref<1x160x128xi32, #tpu.memory_space<hbm>> -> memref<160x128xi32, #tpu.memory_space<hbm>>
      %dma_wait3A_48 = arith.constant 0 : i32
      %dma_wait3A_49 = arith.constant 0 : i32
      %dma_wait3A_50 = tpu.memref_slice %arg3[%arg1, %dma_wait3A_48, %dma_wait3A_49] : memref<16x160x128xi32, #tpu.memory_space<hbm>> -> memref<1x160x128xi32, #tpu.memory_space<hbm>>
      %dma_wait3A_51 = tpu.memref_squeeze %dma_wait3A_50 : memref<1x160x128xi32, #tpu.memory_space<hbm>> -> memref<160x128xi32, #tpu.memory_space<hbm>>
      tpu.wait_dma2 semaphore(%run_scoped3A : memref<!tpu.dma_semaphore, #tpu.memory_space<semaphore_mem>>) src(%dma_wait3A_51 : memref<160x128xi32, #tpu.memory_space<hbm>>) dst(%arg6 : memref<160x128xi32, #tpu.memory_space<vmem>>)
      tpu.yield
    }) : () -> ()
    "tpu.region"() ({
      %run_scoped3A = tpu.sem_alloc : memref<!tpu.dma_semaphore, #tpu.memory_space<semaphore_mem>>
      %dma_start3A = arith.constant 0 : i32
      %dma_start3A_38 = arith.constant 0 : i32
      %dma_start3A_39 = tpu.memref_slice %arg4[%arg1, %dma_start3A, %dma_start3A_38] : memref<16x160x128xi32, #tpu.memory_space<hbm>> -> memref<1x160x128xi32, #tpu.memory_space<hbm>>
      %dma_start3A_40 = tpu.memref_squeeze %dma_start3A_39 : memref<1x160x128xi32, #tpu.memory_space<hbm>> -> memref<160x128xi32, #tpu.memory_space<hbm>>
      %dma_start3A_41 = arith.constant 0 : i32
      %dma_start3A_42 = arith.constant 0 : i32
      %dma_start3A_43 = tpu.memref_slice %arg4[%arg1, %dma_start3A_41, %dma_start3A_42] : memref<16x160x128xi32, #tpu.memory_space<hbm>> -> memref<1x160x128xi32, #tpu.memory_space<hbm>>
      %dma_start3A_44 = tpu.memref_squeeze %dma_start3A_43 : memref<1x160x128xi32, #tpu.memory_space<hbm>> -> memref<160x128xi32, #tpu.memory_space<hbm>>
      tpu.enqueue_dma source(%dma_start3A_44 : memref<160x128xi32, #tpu.memory_space<hbm>>) target(%arg7 : memref<160x128xi32, #tpu.memory_space<vmem>>) target_semaphore(%run_scoped3A : memref<!tpu.dma_semaphore, #tpu.memory_space<semaphore_mem>>)
      %dma_wait3A = arith.constant 0 : i32
      %dma_wait3A_45 = arith.constant 0 : i32
      %dma_wait3A_46 = tpu.memref_slice %arg4[%arg1, %dma_wait3A, %dma_wait3A_45] : memref<16x160x128xi32, #tpu.memory_space<hbm>> -> memref<1x160x128xi32, #tpu.memory_space<hbm>>
      %dma_wait3A_47 = tpu.memref_squeeze %dma_wait3A_46 : memref<1x160x128xi32, #tpu.memory_space<hbm>> -> memref<160x128xi32, #tpu.memory_space<hbm>>
      %dma_wait3A_48 = arith.constant 0 : i32
      %dma_wait3A_49 = arith.constant 0 : i32
      %dma_wait3A_50 = tpu.memref_slice %arg4[%arg1, %dma_wait3A_48, %dma_wait3A_49] : memref<16x160x128xi32, #tpu.memory_space<hbm>> -> memref<1x160x128xi32, #tpu.memory_space<hbm>>
      %dma_wait3A_51 = tpu.memref_squeeze %dma_wait3A_50 : memref<1x160x128xi32, #tpu.memory_space<hbm>> -> memref<160x128xi32, #tpu.memory_space<hbm>>
      tpu.wait_dma2 semaphore(%run_scoped3A : memref<!tpu.dma_semaphore, #tpu.memory_space<semaphore_mem>>) src(%dma_wait3A_51 : memref<160x128xi32, #tpu.memory_space<hbm>>) dst(%arg7 : memref<160x128xi32, #tpu.memory_space<vmem>>)
      tpu.yield
    }) : () -> ()
    %scan3A_15 = arith.constant 0 : i32
    %scan3A_16 = arith.constant 0 : i32
    %scan3A_17 = arith.constant 1288 : i32
    %scan3A_18 = arith.addi %scan3A_16, %scan3A_17 : i32
    %scan3A_19 = arith.constant 1 : i32
    %scan3A_20 = scf.for %scan3A_38 = %scan3A_16 to %scan3A_18 step %scan3A_19 iter_args(%scan3A_39 = %scan3A_15) -> (i32)  : i32 {
      %jit3A = arith.constant 8 : i32
      %div3A = arith.divsi %scan3A_38, %jit3A : i32
      %sign3A = arith.constant 0 : i32
      %sign3A_40 = arith.cmpi sgt, %scan3A_38, %sign3A : i32
      %sign3A_41 = arith.extui %sign3A_40 : i1 to i32
      %sign3A_42 = arith.constant 0 : i32
      %sign3A_43 = arith.cmpi slt, %scan3A_38, %sign3A_42 : i32
      %sign3A_44 = arith.extui %sign3A_43 : i1 to i32
      %sign3A_45 = arith.subi %sign3A_41, %sign3A_44 : i32
      %sign3A_46 = arith.constant 0 : i32
      %sign3A_47 = arith.cmpi sgt, %jit3A, %sign3A_46 : i32
      %sign3A_48 = arith.extui %sign3A_47 : i1 to i32
      %sign3A_49 = arith.constant 0 : i32
      %sign3A_50 = arith.cmpi slt, %jit3A, %sign3A_49 : i32
      %sign3A_51 = arith.extui %sign3A_50 : i1 to i32
      %sign3A_52 = arith.subi %sign3A_48, %sign3A_51 : i32
      %ne3A = arith.cmpi ne, %sign3A_45, %sign3A_52 : i32
      %rem3A = arith.remsi %scan3A_38, %jit3A : i32
      %ne3A_53 = arith.constant 0 : i32
      %ne3A_54 = arith.cmpi ne, %rem3A, %ne3A_53 : i32
      %and3A = arith.andi %ne3A, %ne3A_54 : i1
      %sub3A = arith.constant 1 : i32
      %sub3A_55 = arith.subi %div3A, %sub3A : i32
      %select_n3A = arith.select %and3A, %sub3A_55, %div3A : i32
      %jit3A_56 = arith.constant 8 : i32
      %eq3A = arith.constant 0 : i32
      %eq3A_57 = arith.cmpi eq, %jit3A_56, %eq3A : i32
      %jit3A_58 = arith.constant 1 : i32
      %select_n3A_59 = arith.select %eq3A_57, %jit3A_58, %jit3A_56 : i32
      %rem3A_60 = arith.remsi %scan3A_38, %select_n3A_59 : i32
      %ne3A_61 = arith.constant 0 : i32
      %ne3A_62 = arith.cmpi ne, %rem3A_60, %ne3A_61 : i32
      %lt3A = arith.constant 0 : i32
      %lt3A_63 = arith.cmpi slt, %rem3A_60, %lt3A : i32
      %lt3A_64 = arith.constant 0 : i32
      %lt3A_65 = arith.cmpi slt, %select_n3A_59, %lt3A_64 : i32
      %ne3A_66 = arith.xori %lt3A_63, %lt3A_65 : i1
      %and3A_67 = arith.andi %ne3A_66, %ne3A_62 : i1
      %add3A = arith.addi %rem3A_60, %select_n3A_59 : i32
      %select_n3A_68 = arith.select %and3A_67, %add3A, %rem3A_60 : i32
      %mul3A = arith.constant 16 : i32
      %mul3A_69 = arith.muli %select_n3A_68, %mul3A : i32
      %get3A = arith.index_cast %select_n3A : i32 to index
      %get3A_70 = arith.index_cast %mul3A_69 : i32 to index
      %get3A_71 = tpu.vector_load %arg6[%get3A, %get3A_70] {strides = array<i32>} : memref<160x128xi32, #tpu.memory_space<vmem>>, vector<1x16xi32>,
      %get3A_72 = vector.shape_cast %get3A_71 : vector<1x16xi32> to vector<16xi32>
      %add3A_73 = vector.broadcast %arg0 : i32 to vector<16xi32>
      %add3A_74 = arith.addi %get3A_72, %add3A_73 : vector<16xi32>
      %swap3A = arith.index_cast %select_n3A : i32 to index
      %swap3A_75 = arith.index_cast %mul3A_69 : i32 to index
      %swap3A_76 = tpu.vector_load %arg6[%swap3A, %swap3A_75] {strides = array<i32>} : memref<160x128xi32, #tpu.memory_space<vmem>>, vector<1x16xi32>,
      %swap3A_77 = vector.shape_cast %swap3A_76 : vector<1x16xi32> to vector<16xi32>
      %swap3A_78 = vector.shape_cast %add3A_74 : vector<16xi32> to vector<1x16xi32>
      tpu.vector_store %arg6[%swap3A, %swap3A_75], %swap3A_78 {strides = array<i32>} : memref<160x128xi32, #tpu.memory_space<vmem>>, vector<1x16xi32>,
      %scan3A_79 = arith.constant 0 : i32
      scf.yield %scan3A_79 : i32
    }
    %scan3A_21 = arith.constant 1288 : i32
    %scan3A_22 = arith.constant 0 : i32
    %scan3A_23 = arith.constant 0 : i32
    %scan3A_24 = arith.constant 40 : i32
    %scan3A_25 = arith.addi %scan3A_23, %scan3A_24 : i32
    %scan3A_26 = arith.constant 1 : i32
    %scan3A_27 = scf.for %scan3A_38 = %scan3A_23 to %scan3A_25 step %scan3A_26 iter_args(%scan3A_39 = %scan3A_22) -> (i32)  : i32 {
      %mul3A = arith.constant 4 : i32
      %mul3A_40 = arith.muli %scan3A_38, %mul3A : i32
      %add3A = arith.constant 0 : i32
      %add3A_41 = arith.addi %mul3A_40, %add3A : i32
      %dma_start3A = arith.constant 0 : i32
      %dma_start3A_42 = arith.constant 0 : i32
      %dma_start3A_43 = arith.constant 0 : i32
      %dma_start3A_44 = tpu.memref_slice %arg8[%dma_start3A, %dma_start3A_42, %dma_start3A_43] : memref<4x128x64xf32, #tpu.memory_space<vmem>> -> memref<1x128x64xf32, #tpu.memory_space<vmem>>
      %dma_start3A_45 = tpu.memref_squeeze %dma_start3A_44 : memref<1x128x64xf32, #tpu.memory_space<vmem>> -> memref<128x64xf32, #tpu.memory_space<vmem>>
      %dma_start3A_46 = arith.constant 0 : i32
      %dma_start3A_47 = tpu.memref_slice %arg6[%add3A_41, %dma_start3A_46] : memref<160x128xi32, #tpu.memory_space<vmem>> -> memref<1x128xi32, #tpu.memory_space<vmem>>
      %dma_start3A_48 = tpu.memref_squeeze %dma_start3A_47 : memref<1x128xi32, #tpu.memory_space<vmem>> -> memref<128xi32, #tpu.memory_space<vmem>>
      %dma_start3A_49 = arith.constant 0 : i32
      %dma_start3A_50 = arith.constant 0 : i32
      %dma_start3A_51 = tpu.memref_slice %arg2[%dma_start3A_49, %dma_start3A_50] : memref<20000x64xf32, #tpu.memory_space<hbm>> -> memref<20000x64xf32, #tpu.memory_space<hbm>>
      tpu.enqueue_indirect_dma source(%dma_start3A_51 : memref<20000x64xf32, #tpu.memory_space<hbm>>) target(%dma_start3A_45 : memref<128x64xf32, #tpu.memory_space<vmem>>) offsets(%dma_start3A_48 : memref<128xi32, #tpu.memory_space<vmem>>) semaphore(%arg9 : memref<!tpu.dma_semaphore, #tpu.memory_space<semaphore_mem>>)
      %add3A_52 = arith.constant 1 : i32
      %add3A_53 = arith.addi %mul3A_40, %add3A_52 : i32
      %dma_start3A_54 = arith.constant 1 : i32
      %dma_start3A_55 = arith.constant 0 : i32
      %dma_start3A_56 = arith.constant 0 : i32
      %dma_start3A_57 = tpu.memref_slice %arg8[%dma_start3A_54, %dma_start3A_55, %dma_start3A_56] : memref<4x128x64xf32, #tpu.memory_space<vmem>> -> memref<1x128x64xf32, #tpu.memory_space<vmem>>
      %dma_start3A_58 = tpu.memref_squeeze %dma_start3A_57 : memref<1x128x64xf32, #tpu.memory_space<vmem>> -> memref<128x64xf32, #tpu.memory_space<vmem>>
      %dma_start3A_59 = arith.constant 0 : i32
      %dma_start3A_60 = tpu.memref_slice %arg6[%add3A_53, %dma_start3A_59] : memref<160x128xi32, #tpu.memory_space<vmem>> -> memref<1x128xi32, #tpu.memory_space<vmem>>
      %dma_start3A_61 = tpu.memref_squeeze %dma_start3A_60 : memref<1x128xi32, #tpu.memory_space<vmem>> -> memref<128xi32, #tpu.memory_space<vmem>>
      %dma_start3A_62 = arith.constant 0 : i32
      %dma_start3A_63 = arith.constant 0 : i32
      %dma_start3A_64 = tpu.memref_slice %arg2[%dma_start3A_62, %dma_start3A_63] : memref<20000x64xf32, #tpu.memory_space<hbm>> -> memref<20000x64xf32, #tpu.memory_space<hbm>>
      tpu.enqueue_indirect_dma source(%dma_start3A_64 : memref<20000x64xf32, #tpu.memory_space<hbm>>) target(%dma_start3A_58 : memref<128x64xf32, #tpu.memory_space<vmem>>) offsets(%dma_start3A_61 : memref<128xi32, #tpu.memory_space<vmem>>) semaphore(%arg10 : memref<!tpu.dma_semaphore, #tpu.memory_space<semaphore_mem>>)
      %add3A_65 = arith.constant 2 : i32
      %add3A_66 = arith.addi %mul3A_40, %add3A_65 : i32
      %dma_start3A_67 = arith.constant 2 : i32
      %dma_start3A_68 = arith.constant 0 : i32
      %dma_start3A_69 = arith.constant 0 : i32
      %dma_start3A_70 = tpu.memref_slice %arg8[%dma_start3A_67, %dma_start3A_68, %dma_start3A_69] : memref<4x128x64xf32, #tpu.memory_space<vmem>> -> memref<1x128x64xf32, #tpu.memory_space<vmem>>
      %dma_start3A_71 = tpu.memref_squeeze %dma_start3A_70 : memref<1x128x64xf32, #tpu.memory_space<vmem>> -> memref<128x64xf32, #tpu.memory_space<vmem>>
      %dma_start3A_72 = arith.constant 0 : i32
      %dma_start3A_73 = tpu.memref_slice %arg6[%add3A_66, %dma_start3A_72] : memref<160x128xi32, #tpu.memory_space<vmem>> -> memref<1x128xi32, #tpu.memory_space<vmem>>
      %dma_start3A_74 = tpu.memref_squeeze %dma_start3A_73 : memref<1x128xi32, #tpu.memory_space<vmem>> -> memref<128xi32, #tpu.memory_space<vmem>>
      %dma_start3A_75 = arith.constant 0 : i32
      %dma_start3A_76 = arith.constant 0 : i32
      %dma_start3A_77 = tpu.memref_slice %arg2[%dma_start3A_75, %dma_start3A_76] : memref<20000x64xf32, #tpu.memory_space<hbm>> -> memref<20000x64xf32, #tpu.memory_space<hbm>>
      tpu.enqueue_indirect_dma source(%dma_start3A_77 : memref<20000x64xf32, #tpu.memory_space<hbm>>) target(%dma_start3A_71 : memref<128x64xf32, #tpu.memory_space<vmem>>) offsets(%dma_start3A_74 : memref<128xi32, #tpu.memory_space<vmem>>) semaphore(%arg11 : memref<!tpu.dma_semaphore, #tpu.memory_space<semaphore_mem>>)
      %add3A_78 = arith.constant 3 : i32
      %add3A_79 = arith.addi %mul3A_40, %add3A_78 : i32
      %dma_start3A_80 = arith.constant 3 : i32
      %dma_start3A_81 = arith.constant 0 : i32
      %dma_start3A_82 = arith.constant 0 : i32
      %dma_start3A_83 = tpu.memref_slice %arg8[%dma_start3A_80, %dma_start3A_81, %dma_start3A_82] : memref<4x128x64xf32, #tpu.memory_space<vmem>> -> memref<1x128x64xf32, #tpu.memory_space<vmem>>
      %dma_start3A_84 = tpu.memref_squeeze %dma_start3A_83 : memref<1x128x64xf32, #tpu.memory_space<vmem>> -> memref<128x64xf32, #tpu.memory_space<vmem>>
      %dma_start3A_85 = arith.constant 0 : i32
      %dma_start3A_86 = tpu.memref_slice %arg6[%add3A_79, %dma_start3A_85] : memref<160x128xi32, #tpu.memory_space<vmem>> -> memref<1x128xi32, #tpu.memory_space<vmem>>
      %dma_start3A_87 = tpu.memref_squeeze %dma_start3A_86 : memref<1x128xi32, #tpu.memory_space<vmem>> -> memref<128xi32, #tpu.memory_space<vmem>>
      %dma_start3A_88 = arith.constant 0 : i32
      %dma_start3A_89 = arith.constant 0 : i32
      %dma_start3A_90 = tpu.memref_slice %arg2[%dma_start3A_88, %dma_start3A_89] : memref<20000x64xf32, #tpu.memory_space<hbm>> -> memref<20000x64xf32, #tpu.memory_space<hbm>>
      tpu.enqueue_indirect_dma source(%dma_start3A_90 : memref<20000x64xf32, #tpu.memory_space<hbm>>) target(%dma_start3A_84 : memref<128x64xf32, #tpu.memory_space<vmem>>) offsets(%dma_start3A_87 : memref<128xi32, #tpu.memory_space<vmem>>) semaphore(%arg12 : memref<!tpu.dma_semaphore, #tpu.memory_space<semaphore_mem>>)
      %dma_wait3A = arith.constant 0 : i32
      %dma_wait3A_91 = arith.constant 0 : i32
      %dma_wait3A_92 = arith.constant 0 : i32
      %dma_wait3A_93 = tpu.memref_slice %arg8[%dma_wait3A, %dma_wait3A_91, %dma_wait3A_92] : memref<4x128x64xf32, #tpu.memory_space<vmem>> -> memref<1x128x64xf32, #tpu.memory_space<vmem>>
      %dma_wait3A_94 = tpu.memref_squeeze %dma_wait3A_93 : memref<1x128x64xf32, #tpu.memory_space<vmem>> -> memref<128x64xf32, #tpu.memory_space<vmem>>
      %dma_wait3A_95 = arith.constant 0 : i32
      %dma_wait3A_96 = tpu.memref_slice %arg6[%add3A_41, %dma_wait3A_95] : memref<160x128xi32, #tpu.memory_space<vmem>> -> memref<1x128xi32, #tpu.memory_space<vmem>>
      %dma_wait3A_97 = tpu.memref_squeeze %dma_wait3A_96 : memref<1x128xi32, #tpu.memory_space<vmem>> -> memref<128xi32, #tpu.memory_space<vmem>>
      %dma_wait3A_98 = arith.constant 0 : i32
      %dma_wait3A_99 = arith.constant 0 : i32
      %dma_wait3A_100 = tpu.memref_slice %arg2[%dma_wait3A_98, %dma_wait3A_99] : memref<20000x64xf32, #tpu.memory_space<hbm>> -> memref<20000x64xf32, #tpu.memory_space<hbm>>
      tpu.wait_indirect_dma semaphore(%arg9 : memref<!tpu.dma_semaphore, #tpu.memory_space<semaphore_mem>>) src(%dma_wait3A_100 : memref<20000x64xf32, #tpu.memory_space<hbm>>) dst(%dma_wait3A_94 : memref<128x64xf32, #tpu.memory_space<vmem>>)
      %add3A_101 = arith.constant 0 : i32
      %add3A_102 = arith.addi %mul3A_40, %add3A_101 : i32
      %dma_start3A_103 = arith.constant 0 : i32
      %dma_start3A_104 = arith.constant 0 : i32
      %dma_start3A_105 = arith.constant 0 : i32
      %dma_start3A_106 = tpu.memref_slice %arg8[%dma_start3A_103, %dma_start3A_104, %dma_start3A_105] : memref<4x128x64xf32, #tpu.memory_space<vmem>> -> memref<1x128x64xf32, #tpu.memory_space<vmem>>
      %dma_start3A_107 = tpu.memref_squeeze %dma_start3A_106 : memref<1x128x64xf32, #tpu.memory_space<vmem>> -> memref<128x64xf32, #tpu.memory_space<vmem>>
      %dma_start3A_108 = arith.constant 0 : i32
      %dma_start3A_109 = tpu.memref_slice %arg7[%add3A_102, %dma_start3A_108] : memref<160x128xi32, #tpu.memory_space<vmem>> -> memref<1x128xi32, #tpu.memory_space<vmem>>
      %dma_start3A_110 = tpu.memref_squeeze %dma_start3A_109 : memref<1x128xi32, #tpu.memory_space<vmem>> -> memref<128xi32, #tpu.memory_space<vmem>>
      %dma_start3A_111 = arith.constant 0 : i32
      %dma_start3A_112 = arith.constant 0 : i32
      %dma_start3A_113 = tpu.memref_slice %arg17[%dma_start3A_111, %dma_start3A_112] : memref<10240x64xf32, #tpu.memory_space<vmem_shared>> -> memref<10240x64xf32, #tpu.memory_space<vmem_shared>>
      tpu.enqueue_indirect_dma source(%dma_start3A_107 : memref<128x64xf32, #tpu.memory_space<vmem>>) target(%dma_start3A_113 : memref<10240x64xf32, #tpu.memory_space<vmem_shared>>) offsets(%dma_start3A_110 : memref<128xi32, #tpu.memory_space<vmem>>) semaphore(%arg13 : memref<!tpu.dma_semaphore, #tpu.memory_space<semaphore_mem>>) {add = true}
      %dma_wait3A_114 = arith.constant 1 : i32
      %dma_wait3A_115 = arith.constant 0 : i32
      %dma_wait3A_116 = arith.constant 0 : i32
      %dma_wait3A_117 = tpu.memref_slice %arg8[%dma_wait3A_114, %dma_wait3A_115, %dma_wait3A_116] : memref<4x128x64xf32, #tpu.memory_space<vmem>> -> memref<1x128x64xf32, #tpu.memory_space<vmem>>
      %dma_wait3A_118 = tpu.memref_squeeze %dma_wait3A_117 : memref<1x128x64xf32, #tpu.memory_space<vmem>> -> memref<128x64xf32, #tpu.memory_space<vmem>>
      %dma_wait3A_119 = arith.constant 0 : i32
      %dma_wait3A_120 = tpu.memref_slice %arg6[%add3A_53, %dma_wait3A_119] : memref<160x128xi32, #tpu.memory_space<vmem>> -> memref<1x128xi32, #tpu.memory_space<vmem>>
      %dma_wait3A_121 = tpu.memref_squeeze %dma_wait3A_120 : memref<1x128xi32, #tpu.memory_space<vmem>> -> memref<128xi32, #tpu.memory_space<vmem>>
      %dma_wait3A_122 = arith.constant 0 : i32
      %dma_wait3A_123 = arith.constant 0 : i32
      %dma_wait3A_124 = tpu.memref_slice %arg2[%dma_wait3A_122, %dma_wait3A_123] : memref<20000x64xf32, #tpu.memory_space<hbm>> -> memref<20000x64xf32, #tpu.memory_space<hbm>>
      tpu.wait_indirect_dma semaphore(%arg10 : memref<!tpu.dma_semaphore, #tpu.memory_space<semaphore_mem>>) src(%dma_wait3A_124 : memref<20000x64xf32, #tpu.memory_space<hbm>>) dst(%dma_wait3A_118 : memref<128x64xf32, #tpu.memory_space<vmem>>)
      %add3A_125 = arith.constant 1 : i32
      %add3A_126 = arith.addi %mul3A_40, %add3A_125 : i32
      %dma_start3A_127 = arith.constant 1 : i32
      %dma_start3A_128 = arith.constant 0 : i32
      %dma_start3A_129 = arith.constant 0 : i32
      %dma_start3A_130 = tpu.memref_slice %arg8[%dma_start3A_127, %dma_start3A_128, %dma_start3A_129] : memref<4x128x64xf32, #tpu.memory_space<vmem>> -> memref<1x128x64xf32, #tpu.memory_space<vmem>>
      %dma_start3A_131 = tpu.memref_squeeze %dma_start3A_130 : memref<1x128x64xf32, #tpu.memory_space<vmem>> -> memref<128x64xf32, #tpu.memory_space<vmem>>
      %dma_start3A_132 = arith.constant 0 : i32
      %dma_start3A_133 = tpu.memref_slice %arg7[%add3A_126, %dma_start3A_132] : memref<160x128xi32, #tpu.memory_space<vmem>> -> memref<1x128xi32, #tpu.memory_space<vmem>>
      %dma_start3A_134 = tpu.memref_squeeze %dma_start3A_133 : memref<1x128xi32, #tpu.memory_space<vmem>> -> memref<128xi32, #tpu.memory_space<vmem>>
      %dma_start3A_135 = arith.constant 0 : i32
      %dma_start3A_136 = arith.constant 0 : i32
      %dma_start3A_137 = tpu.memref_slice %arg17[%dma_start3A_135, %dma_start3A_136] : memref<10240x64xf32, #tpu.memory_space<vmem_shared>> -> memref<10240x64xf32, #tpu.memory_space<vmem_shared>>
      tpu.enqueue_indirect_dma source(%dma_start3A_131 : memref<128x64xf32, #tpu.memory_space<vmem>>) target(%dma_start3A_137 : memref<10240x64xf32, #tpu.memory_space<vmem_shared>>) offsets(%dma_start3A_134 : memref<128xi32, #tpu.memory_space<vmem>>) semaphore(%arg14 : memref<!tpu.dma_semaphore, #tpu.memory_space<semaphore_mem>>) {add = true}
      %dma_wait3A_138 = arith.constant 2 : i32
      %dma_wait3A_139 = arith.constant 0 : i32
      %dma_wait3A_140 = arith.constant 0 : i32
      %dma_wait3A_141 = tpu.memref_slice %arg8[%dma_wait3A_138, %dma_wait3A_139, %dma_wait3A_140] : memref<4x128x64xf32, #tpu.memory_space<vmem>> -> memref<1x128x64xf32, #tpu.memory_space<vmem>>
      %dma_wait3A_142 = tpu.memref_squeeze %dma_wait3A_141 : memref<1x128x64xf32, #tpu.memory_space<vmem>> -> memref<128x64xf32, #tpu.memory_space<vmem>>
      %dma_wait3A_143 = arith.constant 0 : i32
      %dma_wait3A_144 = tpu.memref_slice %arg6[%add3A_66, %dma_wait3A_143] : memref<160x128xi32, #tpu.memory_space<vmem>> -> memref<1x128xi32, #tpu.memory_space<vmem>>
      %dma_wait3A_145 = tpu.memref_squeeze %dma_wait3A_144 : memref<1x128xi32, #tpu.memory_space<vmem>> -> memref<128xi32, #tpu.memory_space<vmem>>
      %dma_wait3A_146 = arith.constant 0 : i32
      %dma_wait3A_147 = arith.constant 0 : i32
      %dma_wait3A_148 = tpu.memref_slice %arg2[%dma_wait3A_146, %dma_wait3A_147] : memref<20000x64xf32, #tpu.memory_space<hbm>> -> memref<20000x64xf32, #tpu.memory_space<hbm>>
      tpu.wait_indirect_dma semaphore(%arg11 : memref<!tpu.dma_semaphore, #tpu.memory_space<semaphore_mem>>) src(%dma_wait3A_148 : memref<20000x64xf32, #tpu.memory_space<hbm>>) dst(%dma_wait3A_142 : memref<128x64xf32, #tpu.memory_space<vmem>>)
      %add3A_149 = arith.constant 2 : i32
      %add3A_150 = arith.addi %mul3A_40, %add3A_149 : i32
      %dma_start3A_151 = arith.constant 2 : i32
      %dma_start3A_152 = arith.constant 0 : i32
      %dma_start3A_153 = arith.constant 0 : i32
      %dma_start3A_154 = tpu.memref_slice %arg8[%dma_start3A_151, %dma_start3A_152, %dma_start3A_153] : memref<4x128x64xf32, #tpu.memory_space<vmem>> -> memref<1x128x64xf32, #tpu.memory_space<vmem>>
      %dma_start3A_155 = tpu.memref_squeeze %dma_start3A_154 : memref<1x128x64xf32, #tpu.memory_space<vmem>> -> memref<128x64xf32, #tpu.memory_space<vmem>>
      %dma_start3A_156 = arith.constant 0 : i32
      %dma_start3A_157 = tpu.memref_slice %arg7[%add3A_150, %dma_start3A_156] : memref<160x128xi32, #tpu.memory_space<vmem>> -> memref<1x128xi32, #tpu.memory_space<vmem>>
      %dma_start3A_158 = tpu.memref_squeeze %dma_start3A_157 : memref<1x128xi32, #tpu.memory_space<vmem>> -> memref<128xi32, #tpu.memory_space<vmem>>
      %dma_start3A_159 = arith.constant 0 : i32
      %dma_start3A_160 = arith.constant 0 : i32
      %dma_start3A_161 = tpu.memref_slice %arg17[%dma_start3A_159, %dma_start3A_160] : memref<10240x64xf32, #tpu.memory_space<vmem_shared>> -> memref<10240x64xf32, #tpu.memory_space<vmem_shared>>
      tpu.enqueue_indirect_dma source(%dma_start3A_155 : memref<128x64xf32, #tpu.memory_space<vmem>>) target(%dma_start3A_161 : memref<10240x64xf32, #tpu.memory_space<vmem_shared>>) offsets(%dma_start3A_158 : memref<128xi32, #tpu.memory_space<vmem>>) semaphore(%arg15 : memref<!tpu.dma_semaphore, #tpu.memory_space<semaphore_mem>>) {add = true}
      %dma_wait3A_162 = arith.constant 3 : i32
      %dma_wait3A_163 = arith.constant 0 : i32
      %dma_wait3A_164 = arith.constant 0 : i32
      %dma_wait3A_165 = tpu.memref_slice %arg8[%dma_wait3A_162, %dma_wait3A_163, %dma_wait3A_164] : memref<4x128x64xf32, #tpu.memory_space<vmem>> -> memref<1x128x64xf32, #tpu.memory_space<vmem>>
      %dma_wait3A_166 = tpu.memref_squeeze %dma_wait3A_165 : memref<1x128x64xf32, #tpu.memory_space<vmem>> -> memref<128x64xf32, #tpu.memory_space<vmem>>
      %dma_wait3A_167 = arith.constant 0 : i32
      %dma_wait3A_168 = tpu.memref_slice %arg6[%add3A_79, %dma_wait3A_167] : memref<160x128xi32, #tpu.memory_space<vmem>> -> memref<1x128xi32, #tpu.memory_space<vmem>>
      %dma_wait3A_169 = tpu.memref_squeeze %dma_wait3A_168 : memref<1x128xi32, #tpu.memory_space<vmem>> -> memref<128xi32, #tpu.memory_space<vmem>>
      %dma_wait3A_170 = arith.constant 0 : i32
      %dma_wait3A_171 = arith.constant 0 : i32
      %dma_wait3A_172 = tpu.memref_slice %arg2[%dma_wait3A_170, %dma_wait3A_171] : memref<20000x64xf32, #tpu.memory_space<hbm>> -> memref<20000x64xf32, #tpu.memory_space<hbm>>
      tpu.wait_indirect_dma semaphore(%arg12 : memref<!tpu.dma_semaphore, #tpu.memory_space<semaphore_mem>>) src(%dma_wait3A_172 : memref<20000x64xf32, #tpu.memory_space<hbm>>) dst(%dma_wait3A_166 : memref<128x64xf32, #tpu.memory_space<vmem>>)
      %add3A_173 = arith.constant 3 : i32
      %add3A_174 = arith.addi %mul3A_40, %add3A_173 : i32
      %dma_start3A_175 = arith.constant 3 : i32
      %dma_start3A_176 = arith.constant 0 : i32
      %dma_start3A_177 = arith.constant 0 : i32
      %dma_start3A_178 = tpu.memref_slice %arg8[%dma_start3A_175, %dma_start3A_176, %dma_start3A_177] : memref<4x128x64xf32, #tpu.memory_space<vmem>> -> memref<1x128x64xf32, #tpu.memory_space<vmem>>
      %dma_start3A_179 = tpu.memref_squeeze %dma_start3A_178 : memref<1x128x64xf32, #tpu.memory_space<vmem>> -> memref<128x64xf32, #tpu.memory_space<vmem>>
      %dma_start3A_180 = arith.constant 0 : i32
      %dma_start3A_181 = tpu.memref_slice %arg7[%add3A_174, %dma_start3A_180] : memref<160x128xi32, #tpu.memory_space<vmem>> -> memref<1x128xi32, #tpu.memory_space<vmem>>
      %dma_start3A_182 = tpu.memref_squeeze %dma_start3A_181 : memref<1x128xi32, #tpu.memory_space<vmem>> -> memref<128xi32, #tpu.memory_space<vmem>>
      %dma_start3A_183 = arith.constant 0 : i32
      %dma_start3A_184 = arith.constant 0 : i32
      %dma_start3A_185 = tpu.memref_slice %arg17[%dma_start3A_183, %dma_start3A_184] : memref<10240x64xf32, #tpu.memory_space<vmem_shared>> -> memref<10240x64xf32, #tpu.memory_space<vmem_shared>>
      tpu.enqueue_indirect_dma source(%dma_start3A_179 : memref<128x64xf32, #tpu.memory_space<vmem>>) target(%dma_start3A_185 : memref<10240x64xf32, #tpu.memory_space<vmem_shared>>) offsets(%dma_start3A_182 : memref<128xi32, #tpu.memory_space<vmem>>) semaphore(%arg16 : memref<!tpu.dma_semaphore, #tpu.memory_space<semaphore_mem>>) {add = true}
      %dma_wait3A_186 = arith.constant 0 : i32
      %dma_wait3A_187 = arith.constant 0 : i32
      %dma_wait3A_188 = arith.constant 0 : i32
      %dma_wait3A_189 = tpu.memref_slice %arg8[%dma_wait3A_186, %dma_wait3A_187, %dma_wait3A_188] : memref<4x128x64xf32, #tpu.memory_space<vmem>> -> memref<1x128x64xf32, #tpu.memory_space<vmem>>
      %dma_wait3A_190 = tpu.memref_squeeze %dma_wait3A_189 : memref<1x128x64xf32, #tpu.memory_space<vmem>> -> memref<128x64xf32, #tpu.memory_space<vmem>>
      %dma_wait3A_191 = arith.constant 0 : i32
      %dma_wait3A_192 = tpu.memref_slice %arg7[%add3A_102, %dma_wait3A_191] : memref<160x128xi32, #tpu.memory_space<vmem>> -> memref<1x128xi32, #tpu.memory_space<vmem>>
      %dma_wait3A_193 = tpu.memref_squeeze %dma_wait3A_192 : memref<1x128xi32, #tpu.memory_space<vmem>> -> memref<128xi32, #tpu.memory_space<vmem>>
      %dma_wait3A_194 = arith.constant 0 : i32
      %dma_wait3A_195 = arith.constant 0 : i32
      %dma_wait3A_196 = tpu.memref_slice %arg17[%dma_wait3A_194, %dma_wait3A_195] : memref<10240x64xf32, #tpu.memory_space<vmem_shared>> -> memref<10240x64xf32, #tpu.memory_space<vmem_shared>>
      tpu.wait_indirect_dma semaphore(%arg13 : memref<!tpu.dma_semaphore, #tpu.memory_space<semaphore_mem>>) src(%dma_wait3A_190 : memref<128x64xf32, #tpu.memory_space<vmem>>) dst(%dma_wait3A_196 : memref<10240x64xf32, #tpu.memory_space<vmem_shared>>)
      %dma_wait3A_197 = arith.constant 1 : i32
      %dma_wait3A_198 = arith.constant 0 : i32
      %dma_wait3A_199 = arith.constant 0 : i32
      %dma_wait3A_200 = tpu.memref_slice %arg8[%dma_wait3A_197, %dma_wait3A_198, %dma_wait3A_199] : memref<4x128x64xf32, #tpu.memory_space<vmem>> -> memref<1x128x64xf32, #tpu.memory_space<vmem>>
      %dma_wait3A_201 = tpu.memref_squeeze %dma_wait3A_200 : memref<1x128x64xf32, #tpu.memory_space<vmem>> -> memref<128x64xf32, #tpu.memory_space<vmem>>
      %dma_wait3A_202 = arith.constant 0 : i32
      %dma_wait3A_203 = tpu.memref_slice %arg7[%add3A_126, %dma_wait3A_202] : memref<160x128xi32, #tpu.memory_space<vmem>> -> memref<1x128xi32, #tpu.memory_space<vmem>>
      %dma_wait3A_204 = tpu.memref_squeeze %dma_wait3A_203 : memref<1x128xi32, #tpu.memory_space<vmem>> -> memref<128xi32, #tpu.memory_space<vmem>>
      %dma_wait3A_205 = arith.constant 0 : i32
      %dma_wait3A_206 = arith.constant 0 : i32
      %dma_wait3A_207 = tpu.memref_slice %arg17[%dma_wait3A_205, %dma_wait3A_206] : memref<10240x64xf32, #tpu.memory_space<vmem_shared>> -> memref<10240x64xf32, #tpu.memory_space<vmem_shared>>
      tpu.wait_indirect_dma semaphore(%arg14 : memref<!tpu.dma_semaphore, #tpu.memory_space<semaphore_mem>>) src(%dma_wait3A_201 : memref<128x64xf32, #tpu.memory_space<vmem>>) dst(%dma_wait3A_207 : memref<10240x64xf32, #tpu.memory_space<vmem_shared>>)
      %dma_wait3A_208 = arith.constant 2 : i32
      %dma_wait3A_209 = arith.constant 0 : i32
      %dma_wait3A_210 = arith.constant 0 : i32
      %dma_wait3A_211 = tpu.memref_slice %arg8[%dma_wait3A_208, %dma_wait3A_209, %dma_wait3A_210] : memref<4x128x64xf32, #tpu.memory_space<vmem>> -> memref<1x128x64xf32, #tpu.memory_space<vmem>>
      %dma_wait3A_212 = tpu.memref_squeeze %dma_wait3A_211 : memref<1x128x64xf32, #tpu.memory_space<vmem>> -> memref<128x64xf32, #tpu.memory_space<vmem>>
      %dma_wait3A_213 = arith.constant 0 : i32
      %dma_wait3A_214 = tpu.memref_slice %arg7[%add3A_150, %dma_wait3A_213] : memref<160x128xi32, #tpu.memory_space<vmem>> -> memref<1x128xi32, #tpu.memory_space<vmem>>
      %dma_wait3A_215 = tpu.memref_squeeze %dma_wait3A_214 : memref<1x128xi32, #tpu.memory_space<vmem>> -> memref<128xi32, #tpu.memory_space<vmem>>
      %dma_wait3A_216 = arith.constant 0 : i32
      %dma_wait3A_217 = arith.constant 0 : i32
      %dma_wait3A_218 = tpu.memref_slice %arg17[%dma_wait3A_216, %dma_wait3A_217] : memref<10240x64xf32, #tpu.memory_space<vmem_shared>> -> memref<10240x64xf32, #tpu.memory_space<vmem_shared>>
      tpu.wait_indirect_dma semaphore(%arg15 : memref<!tpu.dma_semaphore, #tpu.memory_space<semaphore_mem>>) src(%dma_wait3A_212 : memref<128x64xf32, #tpu.memory_space<vmem>>) dst(%dma_wait3A_218 : memref<10240x64xf32, #tpu.memory_space<vmem_shared>>)
      %dma_wait3A_219 = arith.constant 3 : i32
      %dma_wait3A_220 = arith.constant 0 : i32
      %dma_wait3A_221 = arith.constant 0 : i32
      %dma_wait3A_222 = tpu.memref_slice %arg8[%dma_wait3A_219, %dma_wait3A_220, %dma_wait3A_221] : memref<4x128x64xf32, #tpu.memory_space<vmem>> -> memref<1x128x64xf32, #tpu.memory_space<vmem>>
      %dma_wait3A_223 = tpu.memref_squeeze %dma_wait3A_222 : memref<1x128x64xf32, #tpu.memory_space<vmem>> -> memref<128x64xf32, #tpu.memory_space<vmem>>
      %dma_wait3A_224 = arith.constant 0 : i32
      %dma_wait3A_225 = tpu.memref_slice %arg7[%add3A_174, %dma_wait3A_224] : memref<160x128xi32, #tpu.memory_space<vmem>> -> memref<1x128xi32, #tpu.memory_space<vmem>>
      %dma_wait3A_226 = tpu.memref_squeeze %dma_wait3A_225 : memref<1x128xi32, #tpu.memory_space<vmem>> -> memref<128xi32, #tpu.memory_space<vmem>>
      %dma_wait3A_227 = arith.constant 0 : i32
      %dma_wait3A_228 = arith.constant 0 : i32
      %dma_wait3A_229 = tpu.memref_slice %arg17[%dma_wait3A_227, %dma_wait3A_228] : memref<10240x64xf32, #tpu.memory_space<vmem_shared>> -> memref<10240x64xf32, #tpu.memory_space<vmem_shared>>
      tpu.wait_indirect_dma semaphore(%arg16 : memref<!tpu.dma_semaphore, #tpu.memory_space<semaphore_mem>>) src(%dma_wait3A_223 : memref<128x64xf32, #tpu.memory_space<vmem>>) dst(%dma_wait3A_229 : memref<10240x64xf32, #tpu.memory_space<vmem_shared>>)
      %scan3A_230 = arith.constant 0 : i32
      scf.yield %scan3A_230 : i32
    }
    %scan3A_28 = arith.constant 40 : i32
    %barrier3A_29 = arith.constant 0 : index
    tpu.barrier barrier_id(%barrier3A_29)
    %scan3A_30 = arith.constant 0 : i32
    %scan3A_31 = arith.constant 0 : i32
    %scan3A_32 = arith.constant 0 : i32
    %scan3A_33 = arith.constant 5 : i32
    %scan3A_34 = arith.addi %scan3A_32, %scan3A_33 : i32
    %scan3A_35 = arith.constant 1 : i32
    %scan3A_36 = scf.for %scan3A_38 = %scan3A_32 to %scan3A_34 step %scan3A_35 iter_args(%scan3A_39 = %scan3A_31) -> (i32)  : i32 {
      %mul3A = arith.constant 640 : i32
      %mul3A_40 = arith.muli %arg1, %mul3A : i32
      %mul3A_41 = arith.constant 128 : i32
      %mul3A_42 = arith.muli %scan3A_38, %mul3A_41 : i32
      %add3A = arith.addi %mul3A_40, %mul3A_42 : i32
      "tpu.region"() ({
        %run_scoped3A = tpu.sem_alloc : memref<!tpu.dma_semaphore, #tpu.memory_space<semaphore_mem>>
        %dma_start3A = arith.constant 0 : i32
        %dma_start3A_44 = arith.constant 0 : i32
        %dma_start3A_45 = tpu.memref_slice %arg8[%scan3A_30, %dma_start3A, %dma_start3A_44] : memref<4x128x64xf32, #tpu.memory_space<vmem>> -> memref<1x128x64xf32, #tpu.memory_space<vmem>>
        %dma_start3A_46 = tpu.memref_squeeze %dma_start3A_45 : memref<1x128x64xf32, #tpu.memory_space<vmem>> -> memref<128x64xf32, #tpu.memory_space<vmem>>
        %dma_start3A_47 = arith.constant 0 : i32
        %dma_start3A_48 = tpu.memref_slice %arg17[%add3A, %dma_start3A_47] : memref<10240x64xf32, #tpu.memory_space<vmem_shared>> -> memref<128x64xf32, #tpu.memory_space<vmem_shared>>
        %dma_start3A_49 = arith.constant 0 : i32
        %dma_start3A_50 = arith.constant 0 : i32
        %dma_start3A_51 = tpu.memref_slice %arg8[%scan3A_30, %dma_start3A_49, %dma_start3A_50] : memref<4x128x64xf32, #tpu.memory_space<vmem>> -> memref<1x128x64xf32, #tpu.memory_space<vmem>>
        %dma_start3A_52 = tpu.memref_squeeze %dma_start3A_51 : memref<1x128x64xf32, #tpu.memory_space<vmem>> -> memref<128x64xf32, #tpu.memory_space<vmem>>
        %dma_start3A_53 = arith.constant 0 : i32
        %dma_start3A_54 = tpu.memref_slice %arg17[%add3A, %dma_start3A_53] : memref<10240x64xf32, #tpu.memory_space<vmem_shared>> -> memref<128x64xf32, #tpu.memory_space<vmem_shared>>
        tpu.enqueue_dma source(%dma_start3A_54 : memref<128x64xf32, #tpu.memory_space<vmem_shared>>) target(%dma_start3A_52 : memref<128x64xf32, #tpu.memory_space<vmem>>) target_semaphore(%run_scoped3A : memref<!tpu.dma_semaphore, #tpu.memory_space<semaphore_mem>>)
        %dma_wait3A = arith.constant 0 : i32
        %dma_wait3A_55 = arith.constant 0 : i32
        %dma_wait3A_56 = tpu.memref_slice %arg8[%scan3A_30, %dma_wait3A, %dma_wait3A_55] : memref<4x128x64xf32, #tpu.memory_space<vmem>> -> memref<1x128x64xf32, #tpu.memory_space<vmem>>
        %dma_wait3A_57 = tpu.memref_squeeze %dma_wait3A_56 : memref<1x128x64xf32, #tpu.memory_space<vmem>> -> memref<128x64xf32, #tpu.memory_space<vmem>>
        %dma_wait3A_58 = arith.constant 0 : i32
        %dma_wait3A_59 = tpu.memref_slice %arg17[%add3A, %dma_wait3A_58] : memref<10240x64xf32, #tpu.memory_space<vmem_shared>> -> memref<128x64xf32, #tpu.memory_space<vmem_shared>>
        %dma_wait3A_60 = arith.constant 0 : i32
        %dma_wait3A_61 = arith.constant 0 : i32
        %dma_wait3A_62 = tpu.memref_slice %arg8[%scan3A_30, %dma_wait3A_60, %dma_wait3A_61] : memref<4x128x64xf32, #tpu.memory_space<vmem>> -> memref<1x128x64xf32, #tpu.memory_space<vmem>>
        %dma_wait3A_63 = tpu.memref_squeeze %dma_wait3A_62 : memref<1x128x64xf32, #tpu.memory_space<vmem>> -> memref<128x64xf32, #tpu.memory_space<vmem>>
        %dma_wait3A_64 = arith.constant 0 : i32
        %dma_wait3A_65 = tpu.memref_slice %arg17[%add3A, %dma_wait3A_64] : memref<10240x64xf32, #tpu.memory_space<vmem_shared>> -> memref<128x64xf32, #tpu.memory_space<vmem_shared>>
        tpu.wait_dma2 semaphore(%run_scoped3A : memref<!tpu.dma_semaphore, #tpu.memory_space<semaphore_mem>>) src(%dma_wait3A_65 : memref<128x64xf32, #tpu.memory_space<vmem_shared>>) dst(%dma_wait3A_63 : memref<128x64xf32, #tpu.memory_space<vmem>>)
        tpu.yield
      }) : () -> ()
      "tpu.region"() ({
        %run_scoped3A = tpu.sem_alloc : memref<!tpu.dma_semaphore, #tpu.memory_space<semaphore_mem>>
        %dma_start3A = arith.constant 0 : i32
        %dma_start3A_44 = arith.constant 0 : i32
        %dma_start3A_45 = tpu.memref_slice %arg8[%scan3A_30, %dma_start3A, %dma_start3A_44] : memref<4x128x64xf32, #tpu.memory_space<vmem>> -> memref<1x128x64xf32, #tpu.memory_space<vmem>>
        %dma_start3A_46 = tpu.memref_squeeze %dma_start3A_45 : memref<1x128x64xf32, #tpu.memory_space<vmem>> -> memref<128x64xf32, #tpu.memory_space<vmem>>
        %dma_start3A_47 = arith.constant 0 : i32
        %dma_start3A_48 = tpu.memref_slice %arg5[%arg0, %add3A, %dma_start3A_47] : memref<2x10240x64xf32, #tpu.memory_space<hbm>> -> memref<1x128x64xf32, #tpu.memory_space<hbm>>
        %dma_start3A_49 = tpu.memref_squeeze %dma_start3A_48 : memref<1x128x64xf32, #tpu.memory_space<hbm>> -> memref<128x64xf32, #tpu.memory_space<hbm>>
        %dma_start3A_50 = arith.constant 0 : i32
        %dma_start3A_51 = tpu.memref_slice %arg5[%arg0, %add3A, %dma_start3A_50] : memref<2x10240x64xf32, #tpu.memory_space<hbm>> -> memref<1x128x64xf32, #tpu.memory_space<hbm>>
        %dma_start3A_52 = tpu.memref_squeeze %dma_start3A_51 : memref<1x128x64xf32, #tpu.memory_space<hbm>> -> memref<128x64xf32, #tpu.memory_space<hbm>>
        %dma_start3A_53 = arith.constant 0 : i32
        %dma_start3A_54 = arith.constant 0 : i32
        %dma_start3A_55 = tpu.memref_slice %arg8[%scan3A_30, %dma_start3A_53, %dma_start3A_54] : memref<4x128x64xf32, #tpu.memory_space<vmem>> -> memref<1x128x64xf32, #tpu.memory_space<vmem>>
        %dma_start3A_56 = tpu.memref_squeeze %dma_start3A_55 : memref<1x128x64xf32, #tpu.memory_space<vmem>> -> memref<128x64xf32, #tpu.memory_space<vmem>>
        tpu.enqueue_dma source(%dma_start3A_56 : memref<128x64xf32, #tpu.memory_space<vmem>>) target(%dma_start3A_52 : memref<128x64xf32, #tpu.memory_space<hbm>>) target_semaphore(%run_scoped3A : memref<!tpu.dma_semaphore, #tpu.memory_space<semaphore_mem>>)
        %dma_wait3A = arith.constant 0 : i32
        %dma_wait3A_57 = arith.constant 0 : i32
        %dma_wait3A_58 = tpu.memref_slice %arg8[%scan3A_30, %dma_wait3A, %dma_wait3A_57] : memref<4x128x64xf32, #tpu.memory_space<vmem>> -> memref<1x128x64xf32, #tpu.memory_space<vmem>>
        %dma_wait3A_59 = tpu.memref_squeeze %dma_wait3A_58 : memref<1x128x64xf32, #tpu.memory_space<vmem>> -> memref<128x64xf32, #tpu.memory_space<vmem>>
        %dma_wait3A_60 = arith.constant 0 : i32
        %dma_wait3A_61 = tpu.memref_slice %arg5[%arg0, %add3A, %dma_wait3A_60] : memref<2x10240x64xf32, #tpu.memory_space<hbm>> -> memref<1x128x64xf32, #tpu.memory_space<hbm>>
        %dma_wait3A_62 = tpu.memref_squeeze %dma_wait3A_61 : memref<1x128x64xf32, #tpu.memory_space<hbm>> -> memref<128x64xf32, #tpu.memory_space<hbm>>
        %dma_wait3A_63 = arith.constant 0 : i32
        %dma_wait3A_64 = tpu.memref_slice %arg5[%arg0, %add3A, %dma_wait3A_63] : memref<2x10240x64xf32, #tpu.memory_space<hbm>> -> memref<1x128x64xf32, #tpu.memory_space<hbm>>
        %dma_wait3A_65 = tpu.memref_squeeze %dma_wait3A_64 : memref<1x128x64xf32, #tpu.memory_space<hbm>> -> memref<128x64xf32, #tpu.memory_space<hbm>>
        %dma_wait3A_66 = arith.constant 0 : i32
        %dma_wait3A_67 = arith.constant 0 : i32
        %dma_wait3A_68 = tpu.memref_slice %arg8[%scan3A_30, %dma_wait3A_66, %dma_wait3A_67] : memref<4x128x64xf32, #tpu.memory_space<vmem>> -> memref<1x128x64xf32, #tpu.memory_space<vmem>>
        %dma_wait3A_69 = tpu.memref_squeeze %dma_wait3A_68 : memref<1x128x64xf32, #tpu.memory_space<vmem>> -> memref<128x64xf32, #tpu.memory_space<vmem>>
        tpu.wait_dma2 semaphore(%run_scoped3A : memref<!tpu.dma_semaphore, #tpu.memory_space<semaphore_mem>>) src(%dma_wait3A_69 : memref<128x64xf32, #tpu.memory_space<vmem>>) dst(%dma_wait3A_65 : memref<128x64xf32, #tpu.memory_space<hbm>>)
        tpu.yield
      }) : () -> ()
      %scan3A_43 = arith.constant 0 : i32
      scf.yield %scan3A_43 : i32
    }
    %scan3A_37 = arith.constant 5 : i32
    return
  }
}

#map = affine_map<(d0, d1) -> (0, 0, 0)>
module attributes {stable_mosaic.version = 14 : i64} {
  func.func @_hist_body(%arg0: i32, %arg1: i32, %arg2: memref<16x160x128xi32, #tpu.memory_space<hbm>>, %arg3: memref<2x10240x16xf32, #tpu.memory_space<hbm>>, %arg4: memref<160x128xi32, #tpu.memory_space<vmem>>, %arg5: memref<128x16xf32, #tpu.memory_space<vmem>>, %arg6: memref<640x16xf32, #tpu.memory_space<vmem>>, %arg7: memref<10240x16xf32, #tpu.memory_space<vmem_shared>>) attributes {dimension_semantics = [#tpu.dimension_semantics<core_parallel>, #tpu.dimension_semantics<subcore_parallel>], iteration_bounds = array<i64: 2, 16>, scalar_prefetch = 0 : i64, scratch_operands = 4 : i64, tpu.core_type = #tpu.core_type<sc_vector_subcore>, window_params = [{transform_indices = #map}, {transform_indices = #map}]} {
    %broadcast_in_dim3A = arith.constant 1.000000e+00 : f32
    %broadcast_in_dim3A_0 = vector.broadcast %broadcast_in_dim3A : f32 to vector<16xf32>
    %scan3A = arith.constant 0 : i32
    %scan3A_1 = arith.constant 0 : i32
    %scan3A_2 = arith.constant 128 : i32
    %scan3A_3 = arith.addi %scan3A_1, %scan3A_2 : i32
    %scan3A_4 = arith.constant 1 : i32
    %scan3A_5 = scf.for %scan3A_31 = %scan3A_1 to %scan3A_3 step %scan3A_4 iter_args(%scan3A_32 = %scan3A) -> (i32)  : i32 {
      %swap3A = arith.index_cast %scan3A_31 : i32 to index
      %swap3A_33 = arith.constant 0 : index
      %swap3A_34 = tpu.vector_load %arg5[%swap3A, %swap3A_33] {strides = array<i32>} : memref<128x16xf32, #tpu.memory_space<vmem>>, vector<1x16xf32>,
      %swap3A_35 = vector.shape_cast %swap3A_34 : vector<1x16xf32> to vector<16xf32>
      %swap3A_36 = vector.shape_cast %broadcast_in_dim3A_0 : vector<16xf32> to vector<1x16xf32>
      tpu.vector_store %arg5[%swap3A, %swap3A_33], %swap3A_36 {strides = array<i32>} : memref<128x16xf32, #tpu.memory_space<vmem>>, vector<1x16xf32>,
      %scan3A_37 = arith.constant 0 : i32
      scf.yield %scan3A_37 : i32
    }
    %scan3A_6 = arith.constant 128 : i32
    %broadcast_in_dim3A_7 = arith.constant 0.000000e+00 : f32
    %broadcast_in_dim3A_8 = vector.broadcast %broadcast_in_dim3A_7 : f32 to vector<16xf32>
    %scan3A_9 = arith.constant 0 : i32
    %scan3A_10 = arith.constant 0 : i32
    %scan3A_11 = arith.constant 640 : i32
    %scan3A_12 = arith.addi %scan3A_10, %scan3A_11 : i32
    %scan3A_13 = arith.constant 1 : i32
    %scan3A_14 = scf.for %scan3A_31 = %scan3A_10 to %scan3A_12 step %scan3A_13 iter_args(%scan3A_32 = %scan3A_9) -> (i32)  : i32 {
      %jit3A = arith.constant 1 : i32
      %div3A = arith.divsi %scan3A_31, %jit3A : i32
      %sign3A = arith.constant 0 : i32
      %sign3A_33 = arith.cmpi sgt, %scan3A_31, %sign3A : i32
      %sign3A_34 = arith.extui %sign3A_33 : i1 to i32
      %sign3A_35 = arith.constant 0 : i32
      %sign3A_36 = arith.cmpi slt, %scan3A_31, %sign3A_35 : i32
      %sign3A_37 = arith.extui %sign3A_36 : i1 to i32
      %sign3A_38 = arith.subi %sign3A_34, %sign3A_37 : i32
      %sign3A_39 = arith.constant 0 : i32
      %sign3A_40 = arith.cmpi sgt, %jit3A, %sign3A_39 : i32
      %sign3A_41 = arith.extui %sign3A_40 : i1 to i32
      %sign3A_42 = arith.constant 0 : i32
      %sign3A_43 = arith.cmpi slt, %jit3A, %sign3A_42 : i32
      %sign3A_44 = arith.extui %sign3A_43 : i1 to i32
      %sign3A_45 = arith.subi %sign3A_41, %sign3A_44 : i32
      %ne3A = arith.cmpi ne, %sign3A_38, %sign3A_45 : i32
      %rem3A = arith.remsi %scan3A_31, %jit3A : i32
      %ne3A_46 = arith.constant 0 : i32
      %ne3A_47 = arith.cmpi ne, %rem3A, %ne3A_46 : i32
      %and3A = arith.andi %ne3A, %ne3A_47 : i1
      %sub3A = arith.constant 1 : i32
      %sub3A_48 = arith.subi %div3A, %sub3A : i32
      %select_n3A = arith.select %and3A, %sub3A_48, %div3A : i32
      %jit3A_49 = arith.constant 1 : i32
      %eq3A = arith.constant 0 : i32
      %eq3A_50 = arith.cmpi eq, %jit3A_49, %eq3A : i32
      %jit3A_51 = arith.constant 1 : i32
      %select_n3A_52 = arith.select %eq3A_50, %jit3A_51, %jit3A_49 : i32
      %rem3A_53 = arith.remsi %scan3A_31, %select_n3A_52 : i32
      %ne3A_54 = arith.constant 0 : i32
      %ne3A_55 = arith.cmpi ne, %rem3A_53, %ne3A_54 : i32
      %lt3A = arith.constant 0 : i32
      %lt3A_56 = arith.cmpi slt, %rem3A_53, %lt3A : i32
      %lt3A_57 = arith.constant 0 : i32
      %lt3A_58 = arith.cmpi slt, %select_n3A_52, %lt3A_57 : i32
      %ne3A_59 = arith.xori %lt3A_56, %lt3A_58 : i1
      %and3A_60 = arith.andi %ne3A_59, %ne3A_55 : i1
      %add3A = arith.addi %rem3A_53, %select_n3A_52 : i32
      %select_n3A_61 = arith.select %and3A_60, %add3A, %rem3A_53 : i32
      %mul3A_62 = arith.constant 16 : i32
      %mul3A_63 = arith.muli %select_n3A_61, %mul3A_62 : i32
      %swap3A = arith.index_cast %select_n3A : i32 to index
      %swap3A_64 = arith.index_cast %mul3A_63 : i32 to index
      %swap3A_65 = tpu.vector_load %arg6[%swap3A, %swap3A_64] {strides = array<i32>} : memref<640x16xf32, #tpu.memory_space<vmem>>, vector<1x16xf32>,
      %swap3A_66 = vector.shape_cast %swap3A_65 : vector<1x16xf32> to vector<16xf32>
      %swap3A_67 = vector.shape_cast %broadcast_in_dim3A_8 : vector<16xf32> to vector<1x16xf32>
      tpu.vector_store %arg6[%swap3A, %swap3A_64], %swap3A_67 {strides = array<i32>} : memref<640x16xf32, #tpu.memory_space<vmem>>, vector<1x16xf32>,
      %scan3A_68 = arith.constant 0 : i32
      scf.yield %scan3A_68 : i32
    }
    %scan3A_15 = arith.constant 640 : i32
    %mul3A = arith.constant 640 : i32
    %mul3A_16 = arith.muli %arg1, %mul3A : i32
    "tpu.region"() ({
      %run_scoped3A = tpu.sem_alloc : memref<!tpu.dma_semaphore, #tpu.memory_space<semaphore_mem>>
      %dma_start3A = arith.constant 0 : i32
      %dma_start3A_31 = tpu.memref_slice %arg7[%mul3A_16, %dma_start3A] : memref<10240x16xf32, #tpu.memory_space<vmem_shared>> -> memref<640x16xf32, #tpu.memory_space<vmem_shared>>
      %dma_start3A_32 = arith.constant 0 : i32
      %dma_start3A_33 = tpu.memref_slice %arg7[%mul3A_16, %dma_start3A_32] : memref<10240x16xf32, #tpu.memory_space<vmem_shared>> -> memref<640x16xf32, #tpu.memory_space<vmem_shared>>
      tpu.enqueue_dma source(%arg6 : memref<640x16xf32, #tpu.memory_space<vmem>>) target(%dma_start3A_33 : memref<640x16xf32, #tpu.memory_space<vmem_shared>>) target_semaphore(%run_scoped3A : memref<!tpu.dma_semaphore, #tpu.memory_space<semaphore_mem>>)
      %dma_wait3A = arith.constant 0 : i32
      %dma_wait3A_34 = tpu.memref_slice %arg7[%mul3A_16, %dma_wait3A] : memref<10240x16xf32, #tpu.memory_space<vmem_shared>> -> memref<640x16xf32, #tpu.memory_space<vmem_shared>>
      %dma_wait3A_35 = arith.constant 0 : i32
      %dma_wait3A_36 = tpu.memref_slice %arg7[%mul3A_16, %dma_wait3A_35] : memref<10240x16xf32, #tpu.memory_space<vmem_shared>> -> memref<640x16xf32, #tpu.memory_space<vmem_shared>>
      tpu.wait_dma2 semaphore(%run_scoped3A : memref<!tpu.dma_semaphore, #tpu.memory_space<semaphore_mem>>) src(%arg6 : memref<640x16xf32, #tpu.memory_space<vmem>>) dst(%dma_wait3A_36 : memref<640x16xf32, #tpu.memory_space<vmem_shared>>)
      tpu.yield
    }) : () -> ()
    %barrier3A = arith.constant 0 : index
    tpu.barrier barrier_id(%barrier3A)
    "tpu.region"() ({
      %run_scoped3A = tpu.sem_alloc : memref<!tpu.dma_semaphore, #tpu.memory_space<semaphore_mem>>
      %dma_start3A = arith.constant 0 : i32
      %dma_start3A_31 = arith.constant 0 : i32
      %dma_start3A_32 = tpu.memref_slice %arg2[%arg1, %dma_start3A, %dma_start3A_31] : memref<16x160x128xi32, #tpu.memory_space<hbm>> -> memref<1x160x128xi32, #tpu.memory_space<hbm>>
      %dma_start3A_33 = tpu.memref_squeeze %dma_start3A_32 : memref<1x160x128xi32, #tpu.memory_space<hbm>> -> memref<160x128xi32, #tpu.memory_space<hbm>>
      %dma_start3A_34 = arith.constant 0 : i32
      %dma_start3A_35 = arith.constant 0 : i32
      %dma_start3A_36 = tpu.memref_slice %arg2[%arg1, %dma_start3A_34, %dma_start3A_35] : memref<16x160x128xi32, #tpu.memory_space<hbm>> -> memref<1x160x128xi32, #tpu.memory_space<hbm>>
      %dma_start3A_37 = tpu.memref_squeeze %dma_start3A_36 : memref<1x160x128xi32, #tpu.memory_space<hbm>> -> memref<160x128xi32, #tpu.memory_space<hbm>>
      tpu.enqueue_dma source(%dma_start3A_37 : memref<160x128xi32, #tpu.memory_space<hbm>>) target(%arg4 : memref<160x128xi32, #tpu.memory_space<vmem>>) target_semaphore(%run_scoped3A : memref<!tpu.dma_semaphore, #tpu.memory_space<semaphore_mem>>)
      %dma_wait3A = arith.constant 0 : i32
      %dma_wait3A_38 = arith.constant 0 : i32
      %dma_wait3A_39 = tpu.memref_slice %arg2[%arg1, %dma_wait3A, %dma_wait3A_38] : memref<16x160x128xi32, #tpu.memory_space<hbm>> -> memref<1x160x128xi32, #tpu.memory_space<hbm>>
      %dma_wait3A_40 = tpu.memref_squeeze %dma_wait3A_39 : memref<1x160x128xi32, #tpu.memory_space<hbm>> -> memref<160x128xi32, #tpu.memory_space<hbm>>
      %dma_wait3A_41 = arith.constant 0 : i32
      %dma_wait3A_42 = arith.constant 0 : i32
      %dma_wait3A_43 = tpu.memref_slice %arg2[%arg1, %dma_wait3A_41, %dma_wait3A_42] : memref<16x160x128xi32, #tpu.memory_space<hbm>> -> memref<1x160x128xi32, #tpu.memory_space<hbm>>
      %dma_wait3A_44 = tpu.memref_squeeze %dma_wait3A_43 : memref<1x160x128xi32, #tpu.memory_space<hbm>> -> memref<160x128xi32, #tpu.memory_space<hbm>>
      tpu.wait_dma2 semaphore(%run_scoped3A : memref<!tpu.dma_semaphore, #tpu.memory_space<semaphore_mem>>) src(%dma_wait3A_44 : memref<160x128xi32, #tpu.memory_space<hbm>>) dst(%arg4 : memref<160x128xi32, #tpu.memory_space<vmem>>)
      tpu.yield
    }) : () -> ()
    %mul3A_17 = arith.constant 80 : i32
    %mul3A_18 = arith.muli %arg0, %mul3A_17 : i32
    %scan3A_19 = arith.constant 0 : i32
    %scan3A_20 = arith.constant 0 : i32
    %scan3A_21 = arith.constant 80 : i32
    %scan3A_22 = arith.addi %scan3A_20, %scan3A_21 : i32
    %scan3A_23 = arith.constant 1 : i32
    %scan3A_24 = scf.for %scan3A_31 = %scan3A_20 to %scan3A_22 step %scan3A_23 iter_args(%scan3A_32 = %scan3A_19) -> (i32)  : i32 {
      %add3A = arith.addi %mul3A_18, %scan3A_31 : i32
      "tpu.region"() ({
        %run_scoped3A = tpu.sem_alloc : memref<!tpu.dma_semaphore, #tpu.memory_space<semaphore_mem>>
        %dma_start3A = arith.constant 0 : i32
        %dma_start3A_34 = tpu.memref_slice %arg4[%add3A, %dma_start3A] : memref<160x128xi32, #tpu.memory_space<vmem>> -> memref<1x128xi32, #tpu.memory_space<vmem>>
        %dma_start3A_35 = tpu.memref_squeeze %dma_start3A_34 : memref<1x128xi32, #tpu.memory_space<vmem>> -> memref<128xi32, #tpu.memory_space<vmem>>
        %dma_start3A_36 = arith.constant 0 : i32
        %dma_start3A_37 = arith.constant 0 : i32
        %dma_start3A_38 = tpu.memref_slice %arg7[%dma_start3A_36, %dma_start3A_37] : memref<10240x16xf32, #tpu.memory_space<vmem_shared>> -> memref<10240x16xf32, #tpu.memory_space<vmem_shared>>
        tpu.enqueue_indirect_dma source(%arg5 : memref<128x16xf32, #tpu.memory_space<vmem>>) target(%dma_start3A_38 : memref<10240x16xf32, #tpu.memory_space<vmem_shared>>) offsets(%dma_start3A_35 : memref<128xi32, #tpu.memory_space<vmem>>) semaphore(%run_scoped3A : memref<!tpu.dma_semaphore, #tpu.memory_space<semaphore_mem>>) {add = true}
        %dma_wait3A = arith.constant 0 : i32
        %dma_wait3A_39 = tpu.memref_slice %arg4[%add3A, %dma_wait3A] : memref<160x128xi32, #tpu.memory_space<vmem>> -> memref<1x128xi32, #tpu.memory_space<vmem>>
        %dma_wait3A_40 = tpu.memref_squeeze %dma_wait3A_39 : memref<1x128xi32, #tpu.memory_space<vmem>> -> memref<128xi32, #tpu.memory_space<vmem>>
        %dma_wait3A_41 = arith.constant 0 : i32
        %dma_wait3A_42 = arith.constant 0 : i32
        %dma_wait3A_43 = tpu.memref_slice %arg7[%dma_wait3A_41, %dma_wait3A_42] : memref<10240x16xf32, #tpu.memory_space<vmem_shared>> -> memref<10240x16xf32, #tpu.memory_space<vmem_shared>>
        tpu.wait_indirect_dma semaphore(%run_scoped3A : memref<!tpu.dma_semaphore, #tpu.memory_space<semaphore_mem>>) src(%arg5 : memref<128x16xf32, #tpu.memory_space<vmem>>) dst(%dma_wait3A_43 : memref<10240x16xf32, #tpu.memory_space<vmem_shared>>)
        tpu.yield
      }) : () -> ()
      %scan3A_33 = arith.constant 0 : i32
      scf.yield %scan3A_33 : i32
    }
    %scan3A_25 = arith.constant 80 : i32
    %barrier3A_26 = arith.constant 0 : index
    tpu.barrier barrier_id(%barrier3A_26)
    %mul3A_27 = arith.constant 640 : i32
    %mul3A_28 = arith.muli %arg1, %mul3A_27 : i32
    "tpu.region"() ({
      %run_scoped3A = tpu.sem_alloc : memref<!tpu.dma_semaphore, #tpu.memory_space<semaphore_mem>>
      %dma_start3A = arith.constant 0 : i32
      %dma_start3A_31 = tpu.memref_slice %arg7[%mul3A_28, %dma_start3A] : memref<10240x16xf32, #tpu.memory_space<vmem_shared>> -> memref<640x16xf32, #tpu.memory_space<vmem_shared>>
      %dma_start3A_32 = arith.constant 0 : i32
      %dma_start3A_33 = tpu.memref_slice %arg7[%mul3A_28, %dma_start3A_32] : memref<10240x16xf32, #tpu.memory_space<vmem_shared>> -> memref<640x16xf32, #tpu.memory_space<vmem_shared>>
      tpu.enqueue_dma source(%dma_start3A_33 : memref<640x16xf32, #tpu.memory_space<vmem_shared>>) target(%arg6 : memref<640x16xf32, #tpu.memory_space<vmem>>) target_semaphore(%run_scoped3A : memref<!tpu.dma_semaphore, #tpu.memory_space<semaphore_mem>>)
      %dma_wait3A = arith.constant 0 : i32
      %dma_wait3A_34 = tpu.memref_slice %arg7[%mul3A_28, %dma_wait3A] : memref<10240x16xf32, #tpu.memory_space<vmem_shared>> -> memref<640x16xf32, #tpu.memory_space<vmem_shared>>
      %dma_wait3A_35 = arith.constant 0 : i32
      %dma_wait3A_36 = tpu.memref_slice %arg7[%mul3A_28, %dma_wait3A_35] : memref<10240x16xf32, #tpu.memory_space<vmem_shared>> -> memref<640x16xf32, #tpu.memory_space<vmem_shared>>
      tpu.wait_dma2 semaphore(%run_scoped3A : memref<!tpu.dma_semaphore, #tpu.memory_space<semaphore_mem>>) src(%dma_wait3A_36 : memref<640x16xf32, #tpu.memory_space<vmem_shared>>) dst(%arg6 : memref<640x16xf32, #tpu.memory_space<vmem>>)
      tpu.yield
    }) : () -> ()
    %mul3A_29 = arith.constant 640 : i32
    %mul3A_30 = arith.muli %arg1, %mul3A_29 : i32
    "tpu.region"() ({
      %run_scoped3A = tpu.sem_alloc : memref<!tpu.dma_semaphore, #tpu.memory_space<semaphore_mem>>
      %dma_start3A = arith.constant 0 : i32
      %dma_start3A_31 = tpu.memref_slice %arg3[%arg0, %mul3A_30, %dma_start3A] : memref<2x10240x16xf32, #tpu.memory_space<hbm>> -> memref<1x640x16xf32, #tpu.memory_space<hbm>>
      %dma_start3A_32 = tpu.memref_squeeze %dma_start3A_31 : memref<1x640x16xf32, #tpu.memory_space<hbm>> -> memref<640x16xf32, #tpu.memory_space<hbm>>
      %dma_start3A_33 = arith.constant 0 : i32
      %dma_start3A_34 = tpu.memref_slice %arg3[%arg0, %mul3A_30, %dma_start3A_33] : memref<2x10240x16xf32, #tpu.memory_space<hbm>> -> memref<1x640x16xf32, #tpu.memory_space<hbm>>
      %dma_start3A_35 = tpu.memref_squeeze %dma_start3A_34 : memref<1x640x16xf32, #tpu.memory_space<hbm>> -> memref<640x16xf32, #tpu.memory_space<hbm>>
      tpu.enqueue_dma source(%arg6 : memref<640x16xf32, #tpu.memory_space<vmem>>) target(%dma_start3A_35 : memref<640x16xf32, #tpu.memory_space<hbm>>) target_semaphore(%run_scoped3A : memref<!tpu.dma_semaphore, #tpu.memory_space<semaphore_mem>>)
      %dma_wait3A = arith.constant 0 : i32
      %dma_wait3A_36 = tpu.memref_slice %arg3[%arg0, %mul3A_30, %dma_wait3A] : memref<2x10240x16xf32, #tpu.memory_space<hbm>> -> memref<1x640x16xf32, #tpu.memory_space<hbm>>
      %dma_wait3A_37 = tpu.memref_squeeze %dma_wait3A_36 : memref<1x640x16xf32, #tpu.memory_space<hbm>> -> memref<640x16xf32, #tpu.memory_space<hbm>>
      %dma_wait3A_38 = arith.constant 0 : i32
      %dma_wait3A_39 = tpu.memref_slice %arg3[%arg0, %mul3A_30, %dma_wait3A_38] : memref<2x10240x16xf32, #tpu.memory_space<hbm>> -> memref<1x640x16xf32, #tpu.memory_space<hbm>>
      %dma_wait3A_40 = tpu.memref_squeeze %dma_wait3A_39 : memref<1x640x16xf32, #tpu.memory_space<hbm>> -> memref<640x16xf32, #tpu.memory_space<hbm>>
      tpu.wait_dma2 semaphore(%run_scoped3A : memref<!tpu.dma_semaphore, #tpu.memory_space<semaphore_mem>>) src(%arg6 : memref<640x16xf32, #tpu.memory_space<vmem>>) dst(%dma_wait3A_40 : memref<640x16xf32, #tpu.memory_space<hbm>>)
      tpu.yield
    }) : () -> ()
    return
  }
}

#map = affine_map<(d0, d1) -> (0, 0)>
#map1 = affine_map<(d0, d1) -> (0, 0, 0)>
module attributes {stable_mosaic.version = 14 : i64} {
  func.func @_agg_body(%arg0: i32, %arg1: i32, %arg2: memref<20000x64xf32, #tpu.memory_space<hbm>>, %arg3: memref<16x160x128xi32, #tpu.memory_space<hbm>>, %arg4: memref<16x160x128xi32, #tpu.memory_space<hbm>>, %arg5: memref<2x10240x64xf32, #tpu.memory_space<hbm>>, %arg6: memref<160x128xi32, #tpu.memory_space<vmem>>, %arg7: memref<160x128xi32, #tpu.memory_space<vmem>>, %arg8: memref<4x128x64xf32, #tpu.memory_space<vmem>>, %arg9: memref<!tpu.dma_semaphore, #tpu.memory_space<semaphore_mem>>, %arg10: memref<!tpu.dma_semaphore, #tpu.memory_space<semaphore_mem>>, %arg11: memref<!tpu.dma_semaphore, #tpu.memory_space<semaphore_mem>>, %arg12: memref<!tpu.dma_semaphore, #tpu.memory_space<semaphore_mem>>, %arg13: memref<!tpu.dma_semaphore, #tpu.memory_space<semaphore_mem>>, %arg14: memref<!tpu.dma_semaphore, #tpu.memory_space<semaphore_mem>>, %arg15: memref<!tpu.dma_semaphore, #tpu.memory_space<semaphore_mem>>, %arg16: memref<!tpu.dma_semaphore, #tpu.memory_space<semaphore_mem>>, %arg17: memref<10240x64xf32, #tpu.memory_space<vmem_shared>>) attributes {dimension_semantics = [#tpu.dimension_semantics<core_parallel>, #tpu.dimension_semantics<subcore_parallel>], iteration_bounds = array<i64: 2, 16>, scalar_prefetch = 0 : i64, scratch_operands = 12 : i64, tpu.core_type = #tpu.core_type<sc_vector_subcore>, window_params = [{transform_indices = #map}, {transform_indices = #map1}, {transform_indices = #map1}, {transform_indices = #map1}]} {
    %broadcast_in_dim3A = arith.constant 0.000000e+00 : f32
    %broadcast_in_dim3A_0 = vector.broadcast %broadcast_in_dim3A : f32 to vector<16xf32>
    %scan3A = arith.constant 0 : i32
    %scan3A_1 = arith.constant 0 : i32
    %scan3A_2 = arith.constant 512 : i32
    %scan3A_3 = arith.addi %scan3A_1, %scan3A_2 : i32
    %scan3A_4 = arith.constant 1 : i32
    %scan3A_5 = scf.for %scan3A_38 = %scan3A_1 to %scan3A_3 step %scan3A_4 iter_args(%scan3A_39 = %scan3A) -> (i32)  : i32 {
      %jit3A = arith.constant 4 : i32
      %div3A = arith.divsi %scan3A_38, %jit3A : i32
      %sign3A = arith.constant 0 : i32
      %sign3A_40 = arith.cmpi sgt, %scan3A_38, %sign3A : i32
      %sign3A_41 = arith.extui %sign3A_40 : i1 to i32
      %sign3A_42 = arith.constant 0 : i32
      %sign3A_43 = arith.cmpi slt, %scan3A_38, %sign3A_42 : i32
      %sign3A_44 = arith.extui %sign3A_43 : i1 to i32
      %sign3A_45 = arith.subi %sign3A_41, %sign3A_44 : i32
      %sign3A_46 = arith.constant 0 : i32
      %sign3A_47 = arith.cmpi sgt, %jit3A, %sign3A_46 : i32
      %sign3A_48 = arith.extui %sign3A_47 : i1 to i32
      %sign3A_49 = arith.constant 0 : i32
      %sign3A_50 = arith.cmpi slt, %jit3A, %sign3A_49 : i32
      %sign3A_51 = arith.extui %sign3A_50 : i1 to i32
      %sign3A_52 = arith.subi %sign3A_48, %sign3A_51 : i32
      %ne3A = arith.cmpi ne, %sign3A_45, %sign3A_52 : i32
      %rem3A = arith.remsi %scan3A_38, %jit3A : i32
      %ne3A_53 = arith.constant 0 : i32
      %ne3A_54 = arith.cmpi ne, %rem3A, %ne3A_53 : i32
      %and3A = arith.andi %ne3A, %ne3A_54 : i1
      %sub3A = arith.constant 1 : i32
      %sub3A_55 = arith.subi %div3A, %sub3A : i32
      %select_n3A = arith.select %and3A, %sub3A_55, %div3A : i32
      %jit3A_56 = arith.constant 4 : i32
      %eq3A = arith.constant 0 : i32
      %eq3A_57 = arith.cmpi eq, %jit3A_56, %eq3A : i32
      %jit3A_58 = arith.constant 1 : i32
      %select_n3A_59 = arith.select %eq3A_57, %jit3A_58, %jit3A_56 : i32
      %rem3A_60 = arith.remsi %scan3A_38, %select_n3A_59 : i32
      %ne3A_61 = arith.constant 0 : i32
      %ne3A_62 = arith.cmpi ne, %rem3A_60, %ne3A_61 : i32
      %lt3A = arith.constant 0 : i32
      %lt3A_63 = arith.cmpi slt, %rem3A_60, %lt3A : i32
      %lt3A_64 = arith.constant 0 : i32
      %lt3A_65 = arith.cmpi slt, %select_n3A_59, %lt3A_64 : i32
      %ne3A_66 = arith.xori %lt3A_63, %lt3A_65 : i1
      %and3A_67 = arith.andi %ne3A_66, %ne3A_62 : i1
      %add3A = arith.addi %rem3A_60, %select_n3A_59 : i32
      %select_n3A_68 = arith.select %and3A_67, %add3A, %rem3A_60 : i32
      %mul3A = arith.constant 16 : i32
      %mul3A_69 = arith.muli %select_n3A_68, %mul3A : i32
      %swap3A = arith.constant 0 : i32
      %swap3A_70 = arith.index_cast %swap3A : i32 to index
      %swap3A_71 = arith.index_cast %select_n3A : i32 to index
      %swap3A_72 = arith.index_cast %mul3A_69 : i32 to index
      %swap3A_73 = tpu.vector_load %arg8[%swap3A_70, %swap3A_71, %swap3A_72] {strides = array<i32>} : memref<4x128x64xf32, #tpu.memory_space<vmem>>, vector<1x1x16xf32>,
      %swap3A_74 = vector.shape_cast %swap3A_73 : vector<1x1x16xf32> to vector<16xf32>
      %swap3A_75 = vector.shape_cast %broadcast_in_dim3A_0 : vector<16xf32> to vector<1x1x16xf32>
      tpu.vector_store %arg8[%swap3A_70, %swap3A_71, %swap3A_72], %swap3A_75 {strides = array<i32>} : memref<4x128x64xf32, #tpu.memory_space<vmem>>, vector<1x1x16xf32>,
      %scan3A_76 = arith.constant 0 : i32
      scf.yield %scan3A_76 : i32
    }
    %scan3A_6 = arith.constant 512 : i32
    %scan3A_7 = arith.constant 0 : i32
    %scan3A_8 = arith.constant 0 : i32
    %scan3A_9 = arith.constant 0 : i32
    %scan3A_10 = arith.constant 5 : i32
    %scan3A_11 = arith.addi %scan3A_9, %scan3A_10 : i32
    %scan3A_12 = arith.constant 1 : i32
    %scan3A_13 = scf.for %scan3A_38 = %scan3A_9 to %scan3A_11 step %scan3A_12 iter_args(%scan3A_39 = %scan3A_8) -> (i32)  : i32 {
      %mul3A = arith.constant 640 : i32
      %mul3A_40 = arith.muli %arg1, %mul3A : i32
      %mul3A_41 = arith.constant 128 : i32
      %mul3A_42 = arith.muli %scan3A_38, %mul3A_41 : i32
      %add3A = arith.addi %mul3A_40, %mul3A_42 : i32
      "tpu.region"() ({
        %run_scoped3A = tpu.sem_alloc : memref<!tpu.dma_semaphore, #tpu.memory_space<semaphore_mem>>
        %dma_start3A = arith.constant 0 : i32
        %dma_start3A_44 = arith.constant 0 : i32
        %dma_start3A_45 = tpu.memref_slice %arg8[%scan3A_7, %dma_start3A, %dma_start3A_44] : memref<4x128x64xf32, #tpu.memory_space<vmem>> -> memref<1x128x64xf32, #tpu.memory_space<vmem>>
        %dma_start3A_46 = tpu.memref_squeeze %dma_start3A_45 : memref<1x128x64xf32, #tpu.memory_space<vmem>> -> memref<128x64xf32, #tpu.memory_space<vmem>>
        %dma_start3A_47 = arith.constant 0 : i32
        %dma_start3A_48 = tpu.memref_slice %arg17[%add3A, %dma_start3A_47] : memref<10240x64xf32, #tpu.memory_space<vmem_shared>> -> memref<128x64xf32, #tpu.memory_space<vmem_shared>>
        %dma_start3A_49 = arith.constant 0 : i32
        %dma_start3A_50 = tpu.memref_slice %arg17[%add3A, %dma_start3A_49] : memref<10240x64xf32, #tpu.memory_space<vmem_shared>> -> memref<128x64xf32, #tpu.memory_space<vmem_shared>>
        %dma_start3A_51 = arith.constant 0 : i32
        %dma_start3A_52 = arith.constant 0 : i32
        %dma_start3A_53 = tpu.memref_slice %arg8[%scan3A_7, %dma_start3A_51, %dma_start3A_52] : memref<4x128x64xf32, #tpu.memory_space<vmem>> -> memref<1x128x64xf32, #tpu.memory_space<vmem>>
        %dma_start3A_54 = tpu.memref_squeeze %dma_start3A_53 : memref<1x128x64xf32, #tpu.memory_space<vmem>> -> memref<128x64xf32, #tpu.memory_space<vmem>>
        tpu.enqueue_dma source(%dma_start3A_54 : memref<128x64xf32, #tpu.memory_space<vmem>>) target(%dma_start3A_50 : memref<128x64xf32, #tpu.memory_space<vmem_shared>>) target_semaphore(%run_scoped3A : memref<!tpu.dma_semaphore, #tpu.memory_space<semaphore_mem>>)
        %dma_wait3A = arith.constant 0 : i32
        %dma_wait3A_55 = arith.constant 0 : i32
        %dma_wait3A_56 = tpu.memref_slice %arg8[%scan3A_7, %dma_wait3A, %dma_wait3A_55] : memref<4x128x64xf32, #tpu.memory_space<vmem>> -> memref<1x128x64xf32, #tpu.memory_space<vmem>>
        %dma_wait3A_57 = tpu.memref_squeeze %dma_wait3A_56 : memref<1x128x64xf32, #tpu.memory_space<vmem>> -> memref<128x64xf32, #tpu.memory_space<vmem>>
        %dma_wait3A_58 = arith.constant 0 : i32
        %dma_wait3A_59 = tpu.memref_slice %arg17[%add3A, %dma_wait3A_58] : memref<10240x64xf32, #tpu.memory_space<vmem_shared>> -> memref<128x64xf32, #tpu.memory_space<vmem_shared>>
        %dma_wait3A_60 = arith.constant 0 : i32
        %dma_wait3A_61 = tpu.memref_slice %arg17[%add3A, %dma_wait3A_60] : memref<10240x64xf32, #tpu.memory_space<vmem_shared>> -> memref<128x64xf32, #tpu.memory_space<vmem_shared>>
        %dma_wait3A_62 = arith.constant 0 : i32
        %dma_wait3A_63 = arith.constant 0 : i32
        %dma_wait3A_64 = tpu.memref_slice %arg8[%scan3A_7, %dma_wait3A_62, %dma_wait3A_63] : memref<4x128x64xf32, #tpu.memory_space<vmem>> -> memref<1x128x64xf32, #tpu.memory_space<vmem>>
        %dma_wait3A_65 = tpu.memref_squeeze %dma_wait3A_64 : memref<1x128x64xf32, #tpu.memory_space<vmem>> -> memref<128x64xf32, #tpu.memory_space<vmem>>
        tpu.wait_dma2 semaphore(%run_scoped3A : memref<!tpu.dma_semaphore, #tpu.memory_space<semaphore_mem>>) src(%dma_wait3A_65 : memref<128x64xf32, #tpu.memory_space<vmem>>) dst(%dma_wait3A_61 : memref<128x64xf32, #tpu.memory_space<vmem_shared>>)
        tpu.yield
      }) : () -> ()
      %scan3A_43 = arith.constant 0 : i32
      scf.yield %scan3A_43 : i32
    }
    %scan3A_14 = arith.constant 5 : i32
    %barrier3A = arith.constant 0 : index
    tpu.barrier barrier_id(%barrier3A)
    "tpu.region"() ({
      %run_scoped3A = tpu.sem_alloc : memref<!tpu.dma_semaphore, #tpu.memory_space<semaphore_mem>>
      %dma_start3A = arith.constant 0 : i32
      %dma_start3A_38 = arith.constant 0 : i32
      %dma_start3A_39 = tpu.memref_slice %arg3[%arg1, %dma_start3A, %dma_start3A_38] : memref<16x160x128xi32, #tpu.memory_space<hbm>> -> memref<1x160x128xi32, #tpu.memory_space<hbm>>
      %dma_start3A_40 = tpu.memref_squeeze %dma_start3A_39 : memref<1x160x128xi32, #tpu.memory_space<hbm>> -> memref<160x128xi32, #tpu.memory_space<hbm>>
      %dma_start3A_41 = arith.constant 0 : i32
      %dma_start3A_42 = arith.constant 0 : i32
      %dma_start3A_43 = tpu.memref_slice %arg3[%arg1, %dma_start3A_41, %dma_start3A_42] : memref<16x160x128xi32, #tpu.memory_space<hbm>> -> memref<1x160x128xi32, #tpu.memory_space<hbm>>
      %dma_start3A_44 = tpu.memref_squeeze %dma_start3A_43 : memref<1x160x128xi32, #tpu.memory_space<hbm>> -> memref<160x128xi32, #tpu.memory_space<hbm>>
      tpu.enqueue_dma source(%dma_start3A_44 : memref<160x128xi32, #tpu.memory_space<hbm>>) target(%arg6 : memref<160x128xi32, #tpu.memory_space<vmem>>) target_semaphore(%run_scoped3A : memref<!tpu.dma_semaphore, #tpu.memory_space<semaphore_mem>>)
      %dma_wait3A = arith.constant 0 : i32
      %dma_wait3A_45 = arith.constant 0 : i32
      %dma_wait3A_46 = tpu.memref_slice %arg3[%arg1, %dma_wait3A, %dma_wait3A_45] : memref<16x160x128xi32, #tpu.memory_space<hbm>> -> memref<1x160x128xi32, #tpu.memory_space<hbm>>
      %dma_wait3A_47 = tpu.memref_squeeze %dma_wait3A_46 : memref<1x160x128xi32, #tpu.memory_space<hbm>> -> memref<160x128xi32, #tpu.memory_space<hbm>>
      %dma_wait3A_48 = arith.constant 0 : i32
      %dma_wait3A_49 = arith.constant 0 : i32
      %dma_wait3A_50 = tpu.memref_slice %arg3[%arg1, %dma_wait3A_48, %dma_wait3A_49] : memref<16x160x128xi32, #tpu.memory_space<hbm>> -> memref<1x160x128xi32, #tpu.memory_space<hbm>>
      %dma_wait3A_51 = tpu.memref_squeeze %dma_wait3A_50 : memref<1x160x128xi32, #tpu.memory_space<hbm>> -> memref<160x128xi32, #tpu.memory_space<hbm>>
      tpu.wait_dma2 semaphore(%run_scoped3A : memref<!tpu.dma_semaphore, #tpu.memory_space<semaphore_mem>>) src(%dma_wait3A_51 : memref<160x128xi32, #tpu.memory_space<hbm>>) dst(%arg6 : memref<160x128xi32, #tpu.memory_space<vmem>>)
      tpu.yield
    }) : () -> ()
    "tpu.region"() ({
      %run_scoped3A = tpu.sem_alloc : memref<!tpu.dma_semaphore, #tpu.memory_space<semaphore_mem>>
      %dma_start3A = arith.constant 0 : i32
      %dma_start3A_38 = arith.constant 0 : i32
      %dma_start3A_39 = tpu.memref_slice %arg4[%arg1, %dma_start3A, %dma_start3A_38] : memref<16x160x128xi32, #tpu.memory_space<hbm>> -> memref<1x160x128xi32, #tpu.memory_space<hbm>>
      %dma_start3A_40 = tpu.memref_squeeze %dma_start3A_39 : memref<1x160x128xi32, #tpu.memory_space<hbm>> -> memref<160x128xi32, #tpu.memory_space<hbm>>
      %dma_start3A_41 = arith.constant 0 : i32
      %dma_start3A_42 = arith.constant 0 : i32
      %dma_start3A_43 = tpu.memref_slice %arg4[%arg1, %dma_start3A_41, %dma_start3A_42] : memref<16x160x128xi32, #tpu.memory_space<hbm>> -> memref<1x160x128xi32, #tpu.memory_space<hbm>>
      %dma_start3A_44 = tpu.memref_squeeze %dma_start3A_43 : memref<1x160x128xi32, #tpu.memory_space<hbm>> -> memref<160x128xi32, #tpu.memory_space<hbm>>
      tpu.enqueue_dma source(%dma_start3A_44 : memref<160x128xi32, #tpu.memory_space<hbm>>) target(%arg7 : memref<160x128xi32, #tpu.memory_space<vmem>>) target_semaphore(%run_scoped3A : memref<!tpu.dma_semaphore, #tpu.memory_space<semaphore_mem>>)
      %dma_wait3A = arith.constant 0 : i32
      %dma_wait3A_45 = arith.constant 0 : i32
      %dma_wait3A_46 = tpu.memref_slice %arg4[%arg1, %dma_wait3A, %dma_wait3A_45] : memref<16x160x128xi32, #tpu.memory_space<hbm>> -> memref<1x160x128xi32, #tpu.memory_space<hbm>>
      %dma_wait3A_47 = tpu.memref_squeeze %dma_wait3A_46 : memref<1x160x128xi32, #tpu.memory_space<hbm>> -> memref<160x128xi32, #tpu.memory_space<hbm>>
      %dma_wait3A_48 = arith.constant 0 : i32
      %dma_wait3A_49 = arith.constant 0 : i32
      %dma_wait3A_50 = tpu.memref_slice %arg4[%arg1, %dma_wait3A_48, %dma_wait3A_49] : memref<16x160x128xi32, #tpu.memory_space<hbm>> -> memref<1x160x128xi32, #tpu.memory_space<hbm>>
      %dma_wait3A_51 = tpu.memref_squeeze %dma_wait3A_50 : memref<1x160x128xi32, #tpu.memory_space<hbm>> -> memref<160x128xi32, #tpu.memory_space<hbm>>
      tpu.wait_dma2 semaphore(%run_scoped3A : memref<!tpu.dma_semaphore, #tpu.memory_space<semaphore_mem>>) src(%dma_wait3A_51 : memref<160x128xi32, #tpu.memory_space<hbm>>) dst(%arg7 : memref<160x128xi32, #tpu.memory_space<vmem>>)
      tpu.yield
    }) : () -> ()
    %scan3A_15 = arith.constant 0 : i32
    %scan3A_16 = arith.constant 0 : i32
    %scan3A_17 = arith.constant 1288 : i32
    %scan3A_18 = arith.addi %scan3A_16, %scan3A_17 : i32
    %scan3A_19 = arith.constant 1 : i32
    %scan3A_20 = scf.for %scan3A_38 = %scan3A_16 to %scan3A_18 step %scan3A_19 iter_args(%scan3A_39 = %scan3A_15) -> (i32)  : i32 {
      %jit3A = arith.constant 8 : i32
      %div3A = arith.divsi %scan3A_38, %jit3A : i32
      %sign3A = arith.constant 0 : i32
      %sign3A_40 = arith.cmpi sgt, %scan3A_38, %sign3A : i32
      %sign3A_41 = arith.extui %sign3A_40 : i1 to i32
      %sign3A_42 = arith.constant 0 : i32
      %sign3A_43 = arith.cmpi slt, %scan3A_38, %sign3A_42 : i32
      %sign3A_44 = arith.extui %sign3A_43 : i1 to i32
      %sign3A_45 = arith.subi %sign3A_41, %sign3A_44 : i32
      %sign3A_46 = arith.constant 0 : i32
      %sign3A_47 = arith.cmpi sgt, %jit3A, %sign3A_46 : i32
      %sign3A_48 = arith.extui %sign3A_47 : i1 to i32
      %sign3A_49 = arith.constant 0 : i32
      %sign3A_50 = arith.cmpi slt, %jit3A, %sign3A_49 : i32
      %sign3A_51 = arith.extui %sign3A_50 : i1 to i32
      %sign3A_52 = arith.subi %sign3A_48, %sign3A_51 : i32
      %ne3A = arith.cmpi ne, %sign3A_45, %sign3A_52 : i32
      %rem3A = arith.remsi %scan3A_38, %jit3A : i32
      %ne3A_53 = arith.constant 0 : i32
      %ne3A_54 = arith.cmpi ne, %rem3A, %ne3A_53 : i32
      %and3A = arith.andi %ne3A, %ne3A_54 : i1
      %sub3A = arith.constant 1 : i32
      %sub3A_55 = arith.subi %div3A, %sub3A : i32
      %select_n3A = arith.select %and3A, %sub3A_55, %div3A : i32
      %jit3A_56 = arith.constant 8 : i32
      %eq3A = arith.constant 0 : i32
      %eq3A_57 = arith.cmpi eq, %jit3A_56, %eq3A : i32
      %jit3A_58 = arith.constant 1 : i32
      %select_n3A_59 = arith.select %eq3A_57, %jit3A_58, %jit3A_56 : i32
      %rem3A_60 = arith.remsi %scan3A_38, %select_n3A_59 : i32
      %ne3A_61 = arith.constant 0 : i32
      %ne3A_62 = arith.cmpi ne, %rem3A_60, %ne3A_61 : i32
      %lt3A = arith.constant 0 : i32
      %lt3A_63 = arith.cmpi slt, %rem3A_60, %lt3A : i32
      %lt3A_64 = arith.constant 0 : i32
      %lt3A_65 = arith.cmpi slt, %select_n3A_59, %lt3A_64 : i32
      %ne3A_66 = arith.xori %lt3A_63, %lt3A_65 : i1
      %and3A_67 = arith.andi %ne3A_66, %ne3A_62 : i1
      %add3A = arith.addi %rem3A_60, %select_n3A_59 : i32
      %select_n3A_68 = arith.select %and3A_67, %add3A, %rem3A_60 : i32
      %mul3A = arith.constant 16 : i32
      %mul3A_69 = arith.muli %select_n3A_68, %mul3A : i32
      %get3A = arith.index_cast %select_n3A : i32 to index
      %get3A_70 = arith.index_cast %mul3A_69 : i32 to index
      %get3A_71 = tpu.vector_load %arg6[%get3A, %get3A_70] {strides = array<i32>} : memref<160x128xi32, #tpu.memory_space<vmem>>, vector<1x16xi32>,
      %get3A_72 = vector.shape_cast %get3A_71 : vector<1x16xi32> to vector<16xi32>
      %add3A_73 = vector.broadcast %arg0 : i32 to vector<16xi32>
      %add3A_74 = arith.addi %get3A_72, %add3A_73 : vector<16xi32>
      %swap3A = arith.index_cast %select_n3A : i32 to index
      %swap3A_75 = arith.index_cast %mul3A_69 : i32 to index
      %swap3A_76 = tpu.vector_load %arg6[%swap3A, %swap3A_75] {strides = array<i32>} : memref<160x128xi32, #tpu.memory_space<vmem>>, vector<1x16xi32>,
      %swap3A_77 = vector.shape_cast %swap3A_76 : vector<1x16xi32> to vector<16xi32>
      %swap3A_78 = vector.shape_cast %add3A_74 : vector<16xi32> to vector<1x16xi32>
      tpu.vector_store %arg6[%swap3A, %swap3A_75], %swap3A_78 {strides = array<i32>} : memref<160x128xi32, #tpu.memory_space<vmem>>, vector<1x16xi32>,
      %scan3A_79 = arith.constant 0 : i32
      scf.yield %scan3A_79 : i32
    }
    %scan3A_21 = arith.constant 1288 : i32
    %scan3A_22 = arith.constant 0 : i32
    %scan3A_23 = arith.constant 0 : i32
    %scan3A_24 = arith.constant 40 : i32
    %scan3A_25 = arith.addi %scan3A_23, %scan3A_24 : i32
    %scan3A_26 = arith.constant 1 : i32
    %scan3A_27 = scf.for %scan3A_38 = %scan3A_23 to %scan3A_25 step %scan3A_26 iter_args(%scan3A_39 = %scan3A_22) -> (i32)  : i32 {
      %mul3A = arith.constant 4 : i32
      %mul3A_40 = arith.muli %scan3A_38, %mul3A : i32
      %add3A = arith.constant 0 : i32
      %add3A_41 = arith.addi %mul3A_40, %add3A : i32
      %dma_start3A = arith.constant 0 : i32
      %dma_start3A_42 = arith.constant 0 : i32
      %dma_start3A_43 = arith.constant 0 : i32
      %dma_start3A_44 = tpu.memref_slice %arg8[%dma_start3A, %dma_start3A_42, %dma_start3A_43] : memref<4x128x64xf32, #tpu.memory_space<vmem>> -> memref<1x128x64xf32, #tpu.memory_space<vmem>>
      %dma_start3A_45 = tpu.memref_squeeze %dma_start3A_44 : memref<1x128x64xf32, #tpu.memory_space<vmem>> -> memref<128x64xf32, #tpu.memory_space<vmem>>
      %dma_start3A_46 = arith.constant 0 : i32
      %dma_start3A_47 = tpu.memref_slice %arg6[%add3A_41, %dma_start3A_46] : memref<160x128xi32, #tpu.memory_space<vmem>> -> memref<1x128xi32, #tpu.memory_space<vmem>>
      %dma_start3A_48 = tpu.memref_squeeze %dma_start3A_47 : memref<1x128xi32, #tpu.memory_space<vmem>> -> memref<128xi32, #tpu.memory_space<vmem>>
      %dma_start3A_49 = arith.constant 0 : i32
      %dma_start3A_50 = arith.constant 0 : i32
      %dma_start3A_51 = tpu.memref_slice %arg2[%dma_start3A_49, %dma_start3A_50] : memref<20000x64xf32, #tpu.memory_space<hbm>> -> memref<20000x64xf32, #tpu.memory_space<hbm>>
      tpu.enqueue_indirect_dma source(%dma_start3A_51 : memref<20000x64xf32, #tpu.memory_space<hbm>>) target(%dma_start3A_45 : memref<128x64xf32, #tpu.memory_space<vmem>>) offsets(%dma_start3A_48 : memref<128xi32, #tpu.memory_space<vmem>>) semaphore(%arg9 : memref<!tpu.dma_semaphore, #tpu.memory_space<semaphore_mem>>)
      %add3A_52 = arith.constant 1 : i32
      %add3A_53 = arith.addi %mul3A_40, %add3A_52 : i32
      %dma_start3A_54 = arith.constant 1 : i32
      %dma_start3A_55 = arith.constant 0 : i32
      %dma_start3A_56 = arith.constant 0 : i32
      %dma_start3A_57 = tpu.memref_slice %arg8[%dma_start3A_54, %dma_start3A_55, %dma_start3A_56] : memref<4x128x64xf32, #tpu.memory_space<vmem>> -> memref<1x128x64xf32, #tpu.memory_space<vmem>>
      %dma_start3A_58 = tpu.memref_squeeze %dma_start3A_57 : memref<1x128x64xf32, #tpu.memory_space<vmem>> -> memref<128x64xf32, #tpu.memory_space<vmem>>
      %dma_start3A_59 = arith.constant 0 : i32
      %dma_start3A_60 = tpu.memref_slice %arg6[%add3A_53, %dma_start3A_59] : memref<160x128xi32, #tpu.memory_space<vmem>> -> memref<1x128xi32, #tpu.memory_space<vmem>>
      %dma_start3A_61 = tpu.memref_squeeze %dma_start3A_60 : memref<1x128xi32, #tpu.memory_space<vmem>> -> memref<128xi32, #tpu.memory_space<vmem>>
      %dma_start3A_62 = arith.constant 0 : i32
      %dma_start3A_63 = arith.constant 0 : i32
      %dma_start3A_64 = tpu.memref_slice %arg2[%dma_start3A_62, %dma_start3A_63] : memref<20000x64xf32, #tpu.memory_space<hbm>> -> memref<20000x64xf32, #tpu.memory_space<hbm>>
      tpu.enqueue_indirect_dma source(%dma_start3A_64 : memref<20000x64xf32, #tpu.memory_space<hbm>>) target(%dma_start3A_58 : memref<128x64xf32, #tpu.memory_space<vmem>>) offsets(%dma_start3A_61 : memref<128xi32, #tpu.memory_space<vmem>>) semaphore(%arg10 : memref<!tpu.dma_semaphore, #tpu.memory_space<semaphore_mem>>)
      %add3A_65 = arith.constant 2 : i32
      %add3A_66 = arith.addi %mul3A_40, %add3A_65 : i32
      %dma_start3A_67 = arith.constant 2 : i32
      %dma_start3A_68 = arith.constant 0 : i32
      %dma_start3A_69 = arith.constant 0 : i32
      %dma_start3A_70 = tpu.memref_slice %arg8[%dma_start3A_67, %dma_start3A_68, %dma_start3A_69] : memref<4x128x64xf32, #tpu.memory_space<vmem>> -> memref<1x128x64xf32, #tpu.memory_space<vmem>>
      %dma_start3A_71 = tpu.memref_squeeze %dma_start3A_70 : memref<1x128x64xf32, #tpu.memory_space<vmem>> -> memref<128x64xf32, #tpu.memory_space<vmem>>
      %dma_start3A_72 = arith.constant 0 : i32
      %dma_start3A_73 = tpu.memref_slice %arg6[%add3A_66, %dma_start3A_72] : memref<160x128xi32, #tpu.memory_space<vmem>> -> memref<1x128xi32, #tpu.memory_space<vmem>>
      %dma_start3A_74 = tpu.memref_squeeze %dma_start3A_73 : memref<1x128xi32, #tpu.memory_space<vmem>> -> memref<128xi32, #tpu.memory_space<vmem>>
      %dma_start3A_75 = arith.constant 0 : i32
      %dma_start3A_76 = arith.constant 0 : i32
      %dma_start3A_77 = tpu.memref_slice %arg2[%dma_start3A_75, %dma_start3A_76] : memref<20000x64xf32, #tpu.memory_space<hbm>> -> memref<20000x64xf32, #tpu.memory_space<hbm>>
      tpu.enqueue_indirect_dma source(%dma_start3A_77 : memref<20000x64xf32, #tpu.memory_space<hbm>>) target(%dma_start3A_71 : memref<128x64xf32, #tpu.memory_space<vmem>>) offsets(%dma_start3A_74 : memref<128xi32, #tpu.memory_space<vmem>>) semaphore(%arg11 : memref<!tpu.dma_semaphore, #tpu.memory_space<semaphore_mem>>)
      %add3A_78 = arith.constant 3 : i32
      %add3A_79 = arith.addi %mul3A_40, %add3A_78 : i32
      %dma_start3A_80 = arith.constant 3 : i32
      %dma_start3A_81 = arith.constant 0 : i32
      %dma_start3A_82 = arith.constant 0 : i32
      %dma_start3A_83 = tpu.memref_slice %arg8[%dma_start3A_80, %dma_start3A_81, %dma_start3A_82] : memref<4x128x64xf32, #tpu.memory_space<vmem>> -> memref<1x128x64xf32, #tpu.memory_space<vmem>>
      %dma_start3A_84 = tpu.memref_squeeze %dma_start3A_83 : memref<1x128x64xf32, #tpu.memory_space<vmem>> -> memref<128x64xf32, #tpu.memory_space<vmem>>
      %dma_start3A_85 = arith.constant 0 : i32
      %dma_start3A_86 = tpu.memref_slice %arg6[%add3A_79, %dma_start3A_85] : memref<160x128xi32, #tpu.memory_space<vmem>> -> memref<1x128xi32, #tpu.memory_space<vmem>>
      %dma_start3A_87 = tpu.memref_squeeze %dma_start3A_86 : memref<1x128xi32, #tpu.memory_space<vmem>> -> memref<128xi32, #tpu.memory_space<vmem>>
      %dma_start3A_88 = arith.constant 0 : i32
      %dma_start3A_89 = arith.constant 0 : i32
      %dma_start3A_90 = tpu.memref_slice %arg2[%dma_start3A_88, %dma_start3A_89] : memref<20000x64xf32, #tpu.memory_space<hbm>> -> memref<20000x64xf32, #tpu.memory_space<hbm>>
      tpu.enqueue_indirect_dma source(%dma_start3A_90 : memref<20000x64xf32, #tpu.memory_space<hbm>>) target(%dma_start3A_84 : memref<128x64xf32, #tpu.memory_space<vmem>>) offsets(%dma_start3A_87 : memref<128xi32, #tpu.memory_space<vmem>>) semaphore(%arg12 : memref<!tpu.dma_semaphore, #tpu.memory_space<semaphore_mem>>)
      %dma_wait3A = arith.constant 0 : i32
      %dma_wait3A_91 = arith.constant 0 : i32
      %dma_wait3A_92 = arith.constant 0 : i32
      %dma_wait3A_93 = tpu.memref_slice %arg8[%dma_wait3A, %dma_wait3A_91, %dma_wait3A_92] : memref<4x128x64xf32, #tpu.memory_space<vmem>> -> memref<1x128x64xf32, #tpu.memory_space<vmem>>
      %dma_wait3A_94 = tpu.memref_squeeze %dma_wait3A_93 : memref<1x128x64xf32, #tpu.memory_space<vmem>> -> memref<128x64xf32, #tpu.memory_space<vmem>>
      %dma_wait3A_95 = arith.constant 0 : i32
      %dma_wait3A_96 = tpu.memref_slice %arg6[%add3A_41, %dma_wait3A_95] : memref<160x128xi32, #tpu.memory_space<vmem>> -> memref<1x128xi32, #tpu.memory_space<vmem>>
      %dma_wait3A_97 = tpu.memref_squeeze %dma_wait3A_96 : memref<1x128xi32, #tpu.memory_space<vmem>> -> memref<128xi32, #tpu.memory_space<vmem>>
      %dma_wait3A_98 = arith.constant 0 : i32
      %dma_wait3A_99 = arith.constant 0 : i32
      %dma_wait3A_100 = tpu.memref_slice %arg2[%dma_wait3A_98, %dma_wait3A_99] : memref<20000x64xf32, #tpu.memory_space<hbm>> -> memref<20000x64xf32, #tpu.memory_space<hbm>>
      tpu.wait_indirect_dma semaphore(%arg9 : memref<!tpu.dma_semaphore, #tpu.memory_space<semaphore_mem>>) src(%dma_wait3A_100 : memref<20000x64xf32, #tpu.memory_space<hbm>>) dst(%dma_wait3A_94 : memref<128x64xf32, #tpu.memory_space<vmem>>)
      %add3A_101 = arith.constant 0 : i32
      %add3A_102 = arith.addi %mul3A_40, %add3A_101 : i32
      %dma_start3A_103 = arith.constant 0 : i32
      %dma_start3A_104 = arith.constant 0 : i32
      %dma_start3A_105 = arith.constant 0 : i32
      %dma_start3A_106 = tpu.memref_slice %arg8[%dma_start3A_103, %dma_start3A_104, %dma_start3A_105] : memref<4x128x64xf32, #tpu.memory_space<vmem>> -> memref<1x128x64xf32, #tpu.memory_space<vmem>>
      %dma_start3A_107 = tpu.memref_squeeze %dma_start3A_106 : memref<1x128x64xf32, #tpu.memory_space<vmem>> -> memref<128x64xf32, #tpu.memory_space<vmem>>
      %dma_start3A_108 = arith.constant 0 : i32
      %dma_start3A_109 = tpu.memref_slice %arg7[%add3A_102, %dma_start3A_108] : memref<160x128xi32, #tpu.memory_space<vmem>> -> memref<1x128xi32, #tpu.memory_space<vmem>>
      %dma_start3A_110 = tpu.memref_squeeze %dma_start3A_109 : memref<1x128xi32, #tpu.memory_space<vmem>> -> memref<128xi32, #tpu.memory_space<vmem>>
      %dma_start3A_111 = arith.constant 0 : i32
      %dma_start3A_112 = arith.constant 0 : i32
      %dma_start3A_113 = tpu.memref_slice %arg17[%dma_start3A_111, %dma_start3A_112] : memref<10240x64xf32, #tpu.memory_space<vmem_shared>> -> memref<10240x64xf32, #tpu.memory_space<vmem_shared>>
      tpu.enqueue_indirect_dma source(%dma_start3A_107 : memref<128x64xf32, #tpu.memory_space<vmem>>) target(%dma_start3A_113 : memref<10240x64xf32, #tpu.memory_space<vmem_shared>>) offsets(%dma_start3A_110 : memref<128xi32, #tpu.memory_space<vmem>>) semaphore(%arg13 : memref<!tpu.dma_semaphore, #tpu.memory_space<semaphore_mem>>) {add = true}
      %dma_wait3A_114 = arith.constant 1 : i32
      %dma_wait3A_115 = arith.constant 0 : i32
      %dma_wait3A_116 = arith.constant 0 : i32
      %dma_wait3A_117 = tpu.memref_slice %arg8[%dma_wait3A_114, %dma_wait3A_115, %dma_wait3A_116] : memref<4x128x64xf32, #tpu.memory_space<vmem>> -> memref<1x128x64xf32, #tpu.memory_space<vmem>>
      %dma_wait3A_118 = tpu.memref_squeeze %dma_wait3A_117 : memref<1x128x64xf32, #tpu.memory_space<vmem>> -> memref<128x64xf32, #tpu.memory_space<vmem>>
      %dma_wait3A_119 = arith.constant 0 : i32
      %dma_wait3A_120 = tpu.memref_slice %arg6[%add3A_53, %dma_wait3A_119] : memref<160x128xi32, #tpu.memory_space<vmem>> -> memref<1x128xi32, #tpu.memory_space<vmem>>
      %dma_wait3A_121 = tpu.memref_squeeze %dma_wait3A_120 : memref<1x128xi32, #tpu.memory_space<vmem>> -> memref<128xi32, #tpu.memory_space<vmem>>
      %dma_wait3A_122 = arith.constant 0 : i32
      %dma_wait3A_123 = arith.constant 0 : i32
      %dma_wait3A_124 = tpu.memref_slice %arg2[%dma_wait3A_122, %dma_wait3A_123] : memref<20000x64xf32, #tpu.memory_space<hbm>> -> memref<20000x64xf32, #tpu.memory_space<hbm>>
      tpu.wait_indirect_dma semaphore(%arg10 : memref<!tpu.dma_semaphore, #tpu.memory_space<semaphore_mem>>) src(%dma_wait3A_124 : memref<20000x64xf32, #tpu.memory_space<hbm>>) dst(%dma_wait3A_118 : memref<128x64xf32, #tpu.memory_space<vmem>>)
      %add3A_125 = arith.constant 1 : i32
      %add3A_126 = arith.addi %mul3A_40, %add3A_125 : i32
      %dma_start3A_127 = arith.constant 1 : i32
      %dma_start3A_128 = arith.constant 0 : i32
      %dma_start3A_129 = arith.constant 0 : i32
      %dma_start3A_130 = tpu.memref_slice %arg8[%dma_start3A_127, %dma_start3A_128, %dma_start3A_129] : memref<4x128x64xf32, #tpu.memory_space<vmem>> -> memref<1x128x64xf32, #tpu.memory_space<vmem>>
      %dma_start3A_131 = tpu.memref_squeeze %dma_start3A_130 : memref<1x128x64xf32, #tpu.memory_space<vmem>> -> memref<128x64xf32, #tpu.memory_space<vmem>>
      %dma_start3A_132 = arith.constant 0 : i32
      %dma_start3A_133 = tpu.memref_slice %arg7[%add3A_126, %dma_start3A_132] : memref<160x128xi32, #tpu.memory_space<vmem>> -> memref<1x128xi32, #tpu.memory_space<vmem>>
      %dma_start3A_134 = tpu.memref_squeeze %dma_start3A_133 : memref<1x128xi32, #tpu.memory_space<vmem>> -> memref<128xi32, #tpu.memory_space<vmem>>
      %dma_start3A_135 = arith.constant 0 : i32
      %dma_start3A_136 = arith.constant 0 : i32
      %dma_start3A_137 = tpu.memref_slice %arg17[%dma_start3A_135, %dma_start3A_136] : memref<10240x64xf32, #tpu.memory_space<vmem_shared>> -> memref<10240x64xf32, #tpu.memory_space<vmem_shared>>
      tpu.enqueue_indirect_dma source(%dma_start3A_131 : memref<128x64xf32, #tpu.memory_space<vmem>>) target(%dma_start3A_137 : memref<10240x64xf32, #tpu.memory_space<vmem_shared>>) offsets(%dma_start3A_134 : memref<128xi32, #tpu.memory_space<vmem>>) semaphore(%arg14 : memref<!tpu.dma_semaphore, #tpu.memory_space<semaphore_mem>>) {add = true}
      %dma_wait3A_138 = arith.constant 2 : i32
      %dma_wait3A_139 = arith.constant 0 : i32
      %dma_wait3A_140 = arith.constant 0 : i32
      %dma_wait3A_141 = tpu.memref_slice %arg8[%dma_wait3A_138, %dma_wait3A_139, %dma_wait3A_140] : memref<4x128x64xf32, #tpu.memory_space<vmem>> -> memref<1x128x64xf32, #tpu.memory_space<vmem>>
      %dma_wait3A_142 = tpu.memref_squeeze %dma_wait3A_141 : memref<1x128x64xf32, #tpu.memory_space<vmem>> -> memref<128x64xf32, #tpu.memory_space<vmem>>
      %dma_wait3A_143 = arith.constant 0 : i32
      %dma_wait3A_144 = tpu.memref_slice %arg6[%add3A_66, %dma_wait3A_143] : memref<160x128xi32, #tpu.memory_space<vmem>> -> memref<1x128xi32, #tpu.memory_space<vmem>>
      %dma_wait3A_145 = tpu.memref_squeeze %dma_wait3A_144 : memref<1x128xi32, #tpu.memory_space<vmem>> -> memref<128xi32, #tpu.memory_space<vmem>>
      %dma_wait3A_146 = arith.constant 0 : i32
      %dma_wait3A_147 = arith.constant 0 : i32
      %dma_wait3A_148 = tpu.memref_slice %arg2[%dma_wait3A_146, %dma_wait3A_147] : memref<20000x64xf32, #tpu.memory_space<hbm>> -> memref<20000x64xf32, #tpu.memory_space<hbm>>
      tpu.wait_indirect_dma semaphore(%arg11 : memref<!tpu.dma_semaphore, #tpu.memory_space<semaphore_mem>>) src(%dma_wait3A_148 : memref<20000x64xf32, #tpu.memory_space<hbm>>) dst(%dma_wait3A_142 : memref<128x64xf32, #tpu.memory_space<vmem>>)
      %add3A_149 = arith.constant 2 : i32
      %add3A_150 = arith.addi %mul3A_40, %add3A_149 : i32
      %dma_start3A_151 = arith.constant 2 : i32
      %dma_start3A_152 = arith.constant 0 : i32
      %dma_start3A_153 = arith.constant 0 : i32
      %dma_start3A_154 = tpu.memref_slice %arg8[%dma_start3A_151, %dma_start3A_152, %dma_start3A_153] : memref<4x128x64xf32, #tpu.memory_space<vmem>> -> memref<1x128x64xf32, #tpu.memory_space<vmem>>
      %dma_start3A_155 = tpu.memref_squeeze %dma_start3A_154 : memref<1x128x64xf32, #tpu.memory_space<vmem>> -> memref<128x64xf32, #tpu.memory_space<vmem>>
      %dma_start3A_156 = arith.constant 0 : i32
      %dma_start3A_157 = tpu.memref_slice %arg7[%add3A_150, %dma_start3A_156] : memref<160x128xi32, #tpu.memory_space<vmem>> -> memref<1x128xi32, #tpu.memory_space<vmem>>
      %dma_start3A_158 = tpu.memref_squeeze %dma_start3A_157 : memref<1x128xi32, #tpu.memory_space<vmem>> -> memref<128xi32, #tpu.memory_space<vmem>>
      %dma_start3A_159 = arith.constant 0 : i32
      %dma_start3A_160 = arith.constant 0 : i32
      %dma_start3A_161 = tpu.memref_slice %arg17[%dma_start3A_159, %dma_start3A_160] : memref<10240x64xf32, #tpu.memory_space<vmem_shared>> -> memref<10240x64xf32, #tpu.memory_space<vmem_shared>>
      tpu.enqueue_indirect_dma source(%dma_start3A_155 : memref<128x64xf32, #tpu.memory_space<vmem>>) target(%dma_start3A_161 : memref<10240x64xf32, #tpu.memory_space<vmem_shared>>) offsets(%dma_start3A_158 : memref<128xi32, #tpu.memory_space<vmem>>) semaphore(%arg15 : memref<!tpu.dma_semaphore, #tpu.memory_space<semaphore_mem>>) {add = true}
      %dma_wait3A_162 = arith.constant 3 : i32
      %dma_wait3A_163 = arith.constant 0 : i32
      %dma_wait3A_164 = arith.constant 0 : i32
      %dma_wait3A_165 = tpu.memref_slice %arg8[%dma_wait3A_162, %dma_wait3A_163, %dma_wait3A_164] : memref<4x128x64xf32, #tpu.memory_space<vmem>> -> memref<1x128x64xf32, #tpu.memory_space<vmem>>
      %dma_wait3A_166 = tpu.memref_squeeze %dma_wait3A_165 : memref<1x128x64xf32, #tpu.memory_space<vmem>> -> memref<128x64xf32, #tpu.memory_space<vmem>>
      %dma_wait3A_167 = arith.constant 0 : i32
      %dma_wait3A_168 = tpu.memref_slice %arg6[%add3A_79, %dma_wait3A_167] : memref<160x128xi32, #tpu.memory_space<vmem>> -> memref<1x128xi32, #tpu.memory_space<vmem>>
      %dma_wait3A_169 = tpu.memref_squeeze %dma_wait3A_168 : memref<1x128xi32, #tpu.memory_space<vmem>> -> memref<128xi32, #tpu.memory_space<vmem>>
      %dma_wait3A_170 = arith.constant 0 : i32
      %dma_wait3A_171 = arith.constant 0 : i32
      %dma_wait3A_172 = tpu.memref_slice %arg2[%dma_wait3A_170, %dma_wait3A_171] : memref<20000x64xf32, #tpu.memory_space<hbm>> -> memref<20000x64xf32, #tpu.memory_space<hbm>>
      tpu.wait_indirect_dma semaphore(%arg12 : memref<!tpu.dma_semaphore, #tpu.memory_space<semaphore_mem>>) src(%dma_wait3A_172 : memref<20000x64xf32, #tpu.memory_space<hbm>>) dst(%dma_wait3A_166 : memref<128x64xf32, #tpu.memory_space<vmem>>)
      %add3A_173 = arith.constant 3 : i32
      %add3A_174 = arith.addi %mul3A_40, %add3A_173 : i32
      %dma_start3A_175 = arith.constant 3 : i32
      %dma_start3A_176 = arith.constant 0 : i32
      %dma_start3A_177 = arith.constant 0 : i32
      %dma_start3A_178 = tpu.memref_slice %arg8[%dma_start3A_175, %dma_start3A_176, %dma_start3A_177] : memref<4x128x64xf32, #tpu.memory_space<vmem>> -> memref<1x128x64xf32, #tpu.memory_space<vmem>>
      %dma_start3A_179 = tpu.memref_squeeze %dma_start3A_178 : memref<1x128x64xf32, #tpu.memory_space<vmem>> -> memref<128x64xf32, #tpu.memory_space<vmem>>
      %dma_start3A_180 = arith.constant 0 : i32
      %dma_start3A_181 = tpu.memref_slice %arg7[%add3A_174, %dma_start3A_180] : memref<160x128xi32, #tpu.memory_space<vmem>> -> memref<1x128xi32, #tpu.memory_space<vmem>>
      %dma_start3A_182 = tpu.memref_squeeze %dma_start3A_181 : memref<1x128xi32, #tpu.memory_space<vmem>> -> memref<128xi32, #tpu.memory_space<vmem>>
      %dma_start3A_183 = arith.constant 0 : i32
      %dma_start3A_184 = arith.constant 0 : i32
      %dma_start3A_185 = tpu.memref_slice %arg17[%dma_start3A_183, %dma_start3A_184] : memref<10240x64xf32, #tpu.memory_space<vmem_shared>> -> memref<10240x64xf32, #tpu.memory_space<vmem_shared>>
      tpu.enqueue_indirect_dma source(%dma_start3A_179 : memref<128x64xf32, #tpu.memory_space<vmem>>) target(%dma_start3A_185 : memref<10240x64xf32, #tpu.memory_space<vmem_shared>>) offsets(%dma_start3A_182 : memref<128xi32, #tpu.memory_space<vmem>>) semaphore(%arg16 : memref<!tpu.dma_semaphore, #tpu.memory_space<semaphore_mem>>) {add = true}
      %dma_wait3A_186 = arith.constant 0 : i32
      %dma_wait3A_187 = arith.constant 0 : i32
      %dma_wait3A_188 = arith.constant 0 : i32
      %dma_wait3A_189 = tpu.memref_slice %arg8[%dma_wait3A_186, %dma_wait3A_187, %dma_wait3A_188] : memref<4x128x64xf32, #tpu.memory_space<vmem>> -> memref<1x128x64xf32, #tpu.memory_space<vmem>>
      %dma_wait3A_190 = tpu.memref_squeeze %dma_wait3A_189 : memref<1x128x64xf32, #tpu.memory_space<vmem>> -> memref<128x64xf32, #tpu.memory_space<vmem>>
      %dma_wait3A_191 = arith.constant 0 : i32
      %dma_wait3A_192 = tpu.memref_slice %arg7[%add3A_102, %dma_wait3A_191] : memref<160x128xi32, #tpu.memory_space<vmem>> -> memref<1x128xi32, #tpu.memory_space<vmem>>
      %dma_wait3A_193 = tpu.memref_squeeze %dma_wait3A_192 : memref<1x128xi32, #tpu.memory_space<vmem>> -> memref<128xi32, #tpu.memory_space<vmem>>
      %dma_wait3A_194 = arith.constant 0 : i32
      %dma_wait3A_195 = arith.constant 0 : i32
      %dma_wait3A_196 = tpu.memref_slice %arg17[%dma_wait3A_194, %dma_wait3A_195] : memref<10240x64xf32, #tpu.memory_space<vmem_shared>> -> memref<10240x64xf32, #tpu.memory_space<vmem_shared>>
      tpu.wait_indirect_dma semaphore(%arg13 : memref<!tpu.dma_semaphore, #tpu.memory_space<semaphore_mem>>) src(%dma_wait3A_190 : memref<128x64xf32, #tpu.memory_space<vmem>>) dst(%dma_wait3A_196 : memref<10240x64xf32, #tpu.memory_space<vmem_shared>>)
      %dma_wait3A_197 = arith.constant 1 : i32
      %dma_wait3A_198 = arith.constant 0 : i32
      %dma_wait3A_199 = arith.constant 0 : i32
      %dma_wait3A_200 = tpu.memref_slice %arg8[%dma_wait3A_197, %dma_wait3A_198, %dma_wait3A_199] : memref<4x128x64xf32, #tpu.memory_space<vmem>> -> memref<1x128x64xf32, #tpu.memory_space<vmem>>
      %dma_wait3A_201 = tpu.memref_squeeze %dma_wait3A_200 : memref<1x128x64xf32, #tpu.memory_space<vmem>> -> memref<128x64xf32, #tpu.memory_space<vmem>>
      %dma_wait3A_202 = arith.constant 0 : i32
      %dma_wait3A_203 = tpu.memref_slice %arg7[%add3A_126, %dma_wait3A_202] : memref<160x128xi32, #tpu.memory_space<vmem>> -> memref<1x128xi32, #tpu.memory_space<vmem>>
      %dma_wait3A_204 = tpu.memref_squeeze %dma_wait3A_203 : memref<1x128xi32, #tpu.memory_space<vmem>> -> memref<128xi32, #tpu.memory_space<vmem>>
      %dma_wait3A_205 = arith.constant 0 : i32
      %dma_wait3A_206 = arith.constant 0 : i32
      %dma_wait3A_207 = tpu.memref_slice %arg17[%dma_wait3A_205, %dma_wait3A_206] : memref<10240x64xf32, #tpu.memory_space<vmem_shared>> -> memref<10240x64xf32, #tpu.memory_space<vmem_shared>>
      tpu.wait_indirect_dma semaphore(%arg14 : memref<!tpu.dma_semaphore, #tpu.memory_space<semaphore_mem>>) src(%dma_wait3A_201 : memref<128x64xf32, #tpu.memory_space<vmem>>) dst(%dma_wait3A_207 : memref<10240x64xf32, #tpu.memory_space<vmem_shared>>)
      %dma_wait3A_208 = arith.constant 2 : i32
      %dma_wait3A_209 = arith.constant 0 : i32
      %dma_wait3A_210 = arith.constant 0 : i32
      %dma_wait3A_211 = tpu.memref_slice %arg8[%dma_wait3A_208, %dma_wait3A_209, %dma_wait3A_210] : memref<4x128x64xf32, #tpu.memory_space<vmem>> -> memref<1x128x64xf32, #tpu.memory_space<vmem>>
      %dma_wait3A_212 = tpu.memref_squeeze %dma_wait3A_211 : memref<1x128x64xf32, #tpu.memory_space<vmem>> -> memref<128x64xf32, #tpu.memory_space<vmem>>
      %dma_wait3A_213 = arith.constant 0 : i32
      %dma_wait3A_214 = tpu.memref_slice %arg7[%add3A_150, %dma_wait3A_213] : memref<160x128xi32, #tpu.memory_space<vmem>> -> memref<1x128xi32, #tpu.memory_space<vmem>>
      %dma_wait3A_215 = tpu.memref_squeeze %dma_wait3A_214 : memref<1x128xi32, #tpu.memory_space<vmem>> -> memref<128xi32, #tpu.memory_space<vmem>>
      %dma_wait3A_216 = arith.constant 0 : i32
      %dma_wait3A_217 = arith.constant 0 : i32
      %dma_wait3A_218 = tpu.memref_slice %arg17[%dma_wait3A_216, %dma_wait3A_217] : memref<10240x64xf32, #tpu.memory_space<vmem_shared>> -> memref<10240x64xf32, #tpu.memory_space<vmem_shared>>
      tpu.wait_indirect_dma semaphore(%arg15 : memref<!tpu.dma_semaphore, #tpu.memory_space<semaphore_mem>>) src(%dma_wait3A_212 : memref<128x64xf32, #tpu.memory_space<vmem>>) dst(%dma_wait3A_218 : memref<10240x64xf32, #tpu.memory_space<vmem_shared>>)
      %dma_wait3A_219 = arith.constant 3 : i32
      %dma_wait3A_220 = arith.constant 0 : i32
      %dma_wait3A_221 = arith.constant 0 : i32
      %dma_wait3A_222 = tpu.memref_slice %arg8[%dma_wait3A_219, %dma_wait3A_220, %dma_wait3A_221] : memref<4x128x64xf32, #tpu.memory_space<vmem>> -> memref<1x128x64xf32, #tpu.memory_space<vmem>>
      %dma_wait3A_223 = tpu.memref_squeeze %dma_wait3A_222 : memref<1x128x64xf32, #tpu.memory_space<vmem>> -> memref<128x64xf32, #tpu.memory_space<vmem>>
      %dma_wait3A_224 = arith.constant 0 : i32
      %dma_wait3A_225 = tpu.memref_slice %arg7[%add3A_174, %dma_wait3A_224] : memref<160x128xi32, #tpu.memory_space<vmem>> -> memref<1x128xi32, #tpu.memory_space<vmem>>
      %dma_wait3A_226 = tpu.memref_squeeze %dma_wait3A_225 : memref<1x128xi32, #tpu.memory_space<vmem>> -> memref<128xi32, #tpu.memory_space<vmem>>
      %dma_wait3A_227 = arith.constant 0 : i32
      %dma_wait3A_228 = arith.constant 0 : i32
      %dma_wait3A_229 = tpu.memref_slice %arg17[%dma_wait3A_227, %dma_wait3A_228] : memref<10240x64xf32, #tpu.memory_space<vmem_shared>> -> memref<10240x64xf32, #tpu.memory_space<vmem_shared>>
      tpu.wait_indirect_dma semaphore(%arg16 : memref<!tpu.dma_semaphore, #tpu.memory_space<semaphore_mem>>) src(%dma_wait3A_223 : memref<128x64xf32, #tpu.memory_space<vmem>>) dst(%dma_wait3A_229 : memref<10240x64xf32, #tpu.memory_space<vmem_shared>>)
      %scan3A_230 = arith.constant 0 : i32
      scf.yield %scan3A_230 : i32
    }
    %scan3A_28 = arith.constant 40 : i32
    %barrier3A_29 = arith.constant 0 : index
    tpu.barrier barrier_id(%barrier3A_29)
    %scan3A_30 = arith.constant 0 : i32
    %scan3A_31 = arith.constant 0 : i32
    %scan3A_32 = arith.constant 0 : i32
    %scan3A_33 = arith.constant 5 : i32
    %scan3A_34 = arith.addi %scan3A_32, %scan3A_33 : i32
    %scan3A_35 = arith.constant 1 : i32
    %scan3A_36 = scf.for %scan3A_38 = %scan3A_32 to %scan3A_34 step %scan3A_35 iter_args(%scan3A_39 = %scan3A_31) -> (i32)  : i32 {
      %mul3A = arith.constant 640 : i32
      %mul3A_40 = arith.muli %arg1, %mul3A : i32
      %mul3A_41 = arith.constant 128 : i32
      %mul3A_42 = arith.muli %scan3A_38, %mul3A_41 : i32
      %add3A = arith.addi %mul3A_40, %mul3A_42 : i32
      "tpu.region"() ({
        %run_scoped3A = tpu.sem_alloc : memref<!tpu.dma_semaphore, #tpu.memory_space<semaphore_mem>>
        %dma_start3A = arith.constant 0 : i32
        %dma_start3A_44 = arith.constant 0 : i32
        %dma_start3A_45 = tpu.memref_slice %arg8[%scan3A_30, %dma_start3A, %dma_start3A_44] : memref<4x128x64xf32, #tpu.memory_space<vmem>> -> memref<1x128x64xf32, #tpu.memory_space<vmem>>
        %dma_start3A_46 = tpu.memref_squeeze %dma_start3A_45 : memref<1x128x64xf32, #tpu.memory_space<vmem>> -> memref<128x64xf32, #tpu.memory_space<vmem>>
        %dma_start3A_47 = arith.constant 0 : i32
        %dma_start3A_48 = tpu.memref_slice %arg17[%add3A, %dma_start3A_47] : memref<10240x64xf32, #tpu.memory_space<vmem_shared>> -> memref<128x64xf32, #tpu.memory_space<vmem_shared>>
        %dma_start3A_49 = arith.constant 0 : i32
        %dma_start3A_50 = arith.constant 0 : i32
        %dma_start3A_51 = tpu.memref_slice %arg8[%scan3A_30, %dma_start3A_49, %dma_start3A_50] : memref<4x128x64xf32, #tpu.memory_space<vmem>> -> memref<1x128x64xf32, #tpu.memory_space<vmem>>
        %dma_start3A_52 = tpu.memref_squeeze %dma_start3A_51 : memref<1x128x64xf32, #tpu.memory_space<vmem>> -> memref<128x64xf32, #tpu.memory_space<vmem>>
        %dma_start3A_53 = arith.constant 0 : i32
        %dma_start3A_54 = tpu.memref_slice %arg17[%add3A, %dma_start3A_53] : memref<10240x64xf32, #tpu.memory_space<vmem_shared>> -> memref<128x64xf32, #tpu.memory_space<vmem_shared>>
        tpu.enqueue_dma source(%dma_start3A_54 : memref<128x64xf32, #tpu.memory_space<vmem_shared>>) target(%dma_start3A_52 : memref<128x64xf32, #tpu.memory_space<vmem>>) target_semaphore(%run_scoped3A : memref<!tpu.dma_semaphore, #tpu.memory_space<semaphore_mem>>)
        %dma_wait3A = arith.constant 0 : i32
        %dma_wait3A_55 = arith.constant 0 : i32
        %dma_wait3A_56 = tpu.memref_slice %arg8[%scan3A_30, %dma_wait3A, %dma_wait3A_55] : memref<4x128x64xf32, #tpu.memory_space<vmem>> -> memref<1x128x64xf32, #tpu.memory_space<vmem>>
        %dma_wait3A_57 = tpu.memref_squeeze %dma_wait3A_56 : memref<1x128x64xf32, #tpu.memory_space<vmem>> -> memref<128x64xf32, #tpu.memory_space<vmem>>
        %dma_wait3A_58 = arith.constant 0 : i32
        %dma_wait3A_59 = tpu.memref_slice %arg17[%add3A, %dma_wait3A_58] : memref<10240x64xf32, #tpu.memory_space<vmem_shared>> -> memref<128x64xf32, #tpu.memory_space<vmem_shared>>
        %dma_wait3A_60 = arith.constant 0 : i32
        %dma_wait3A_61 = arith.constant 0 : i32
        %dma_wait3A_62 = tpu.memref_slice %arg8[%scan3A_30, %dma_wait3A_60, %dma_wait3A_61] : memref<4x128x64xf32, #tpu.memory_space<vmem>> -> memref<1x128x64xf32, #tpu.memory_space<vmem>>
        %dma_wait3A_63 = tpu.memref_squeeze %dma_wait3A_62 : memref<1x128x64xf32, #tpu.memory_space<vmem>> -> memref<128x64xf32, #tpu.memory_space<vmem>>
        %dma_wait3A_64 = arith.constant 0 : i32
        %dma_wait3A_65 = tpu.memref_slice %arg17[%add3A, %dma_wait3A_64] : memref<10240x64xf32, #tpu.memory_space<vmem_shared>> -> memref<128x64xf32, #tpu.memory_space<vmem_shared>>
        tpu.wait_dma2 semaphore(%run_scoped3A : memref<!tpu.dma_semaphore, #tpu.memory_space<semaphore_mem>>) src(%dma_wait3A_65 : memref<128x64xf32, #tpu.memory_space<vmem_shared>>) dst(%dma_wait3A_63 : memref<128x64xf32, #tpu.memory_space<vmem>>)
        tpu.yield
      }) : () -> ()
      "tpu.region"() ({
        %run_scoped3A = tpu.sem_alloc : memref<!tpu.dma_semaphore, #tpu.memory_space<semaphore_mem>>
        %dma_start3A = arith.constant 0 : i32
        %dma_start3A_44 = arith.constant 0 : i32
        %dma_start3A_45 = tpu.memref_slice %arg8[%scan3A_30, %dma_start3A, %dma_start3A_44] : memref<4x128x64xf32, #tpu.memory_space<vmem>> -> memref<1x128x64xf32, #tpu.memory_space<vmem>>
        %dma_start3A_46 = tpu.memref_squeeze %dma_start3A_45 : memref<1x128x64xf32, #tpu.memory_space<vmem>> -> memref<128x64xf32, #tpu.memory_space<vmem>>
        %dma_start3A_47 = arith.constant 0 : i32
        %dma_start3A_48 = tpu.memref_slice %arg5[%arg0, %add3A, %dma_start3A_47] : memref<2x10240x64xf32, #tpu.memory_space<hbm>> -> memref<1x128x64xf32, #tpu.memory_space<hbm>>
        %dma_start3A_49 = tpu.memref_squeeze %dma_start3A_48 : memref<1x128x64xf32, #tpu.memory_space<hbm>> -> memref<128x64xf32, #tpu.memory_space<hbm>>
        %dma_start3A_50 = arith.constant 0 : i32
        %dma_start3A_51 = tpu.memref_slice %arg5[%arg0, %add3A, %dma_start3A_50] : memref<2x10240x64xf32, #tpu.memory_space<hbm>> -> memref<1x128x64xf32, #tpu.memory_space<hbm>>
        %dma_start3A_52 = tpu.memref_squeeze %dma_start3A_51 : memref<1x128x64xf32, #tpu.memory_space<hbm>> -> memref<128x64xf32, #tpu.memory_space<hbm>>
        %dma_start3A_53 = arith.constant 0 : i32
        %dma_start3A_54 = arith.constant 0 : i32
        %dma_start3A_55 = tpu.memref_slice %arg8[%scan3A_30, %dma_start3A_53, %dma_start3A_54] : memref<4x128x64xf32, #tpu.memory_space<vmem>> -> memref<1x128x64xf32, #tpu.memory_space<vmem>>
        %dma_start3A_56 = tpu.memref_squeeze %dma_start3A_55 : memref<1x128x64xf32, #tpu.memory_space<vmem>> -> memref<128x64xf32, #tpu.memory_space<vmem>>
        tpu.enqueue_dma source(%dma_start3A_56 : memref<128x64xf32, #tpu.memory_space<vmem>>) target(%dma_start3A_52 : memref<128x64xf32, #tpu.memory_space<hbm>>) target_semaphore(%run_scoped3A : memref<!tpu.dma_semaphore, #tpu.memory_space<semaphore_mem>>)
        %dma_wait3A = arith.constant 0 : i32
        %dma_wait3A_57 = arith.constant 0 : i32
        %dma_wait3A_58 = tpu.memref_slice %arg8[%scan3A_30, %dma_wait3A, %dma_wait3A_57] : memref<4x128x64xf32, #tpu.memory_space<vmem>> -> memref<1x128x64xf32, #tpu.memory_space<vmem>>
        %dma_wait3A_59 = tpu.memref_squeeze %dma_wait3A_58 : memref<1x128x64xf32, #tpu.memory_space<vmem>> -> memref<128x64xf32, #tpu.memory_space<vmem>>
        %dma_wait3A_60 = arith.constant 0 : i32
        %dma_wait3A_61 = tpu.memref_slice %arg5[%arg0, %add3A, %dma_wait3A_60] : memref<2x10240x64xf32, #tpu.memory_space<hbm>> -> memref<1x128x64xf32, #tpu.memory_space<hbm>>
        %dma_wait3A_62 = tpu.memref_squeeze %dma_wait3A_61 : memref<1x128x64xf32, #tpu.memory_space<hbm>> -> memref<128x64xf32, #tpu.memory_space<hbm>>
        %dma_wait3A_63 = arith.constant 0 : i32
        %dma_wait3A_64 = tpu.memref_slice %arg5[%arg0, %add3A, %dma_wait3A_63] : memref<2x10240x64xf32, #tpu.memory_space<hbm>> -> memref<1x128x64xf32, #tpu.memory_space<hbm>>
        %dma_wait3A_65 = tpu.memref_squeeze %dma_wait3A_64 : memref<1x128x64xf32, #tpu.memory_space<hbm>> -> memref<128x64xf32, #tpu.memory_space<hbm>>
        %dma_wait3A_66 = arith.constant 0 : i32
        %dma_wait3A_67 = arith.constant 0 : i32
        %dma_wait3A_68 = tpu.memref_slice %arg8[%scan3A_30, %dma_wait3A_66, %dma_wait3A_67] : memref<4x128x64xf32, #tpu.memory_space<vmem>> -> memref<1x128x64xf32, #tpu.memory_space<vmem>>
        %dma_wait3A_69 = tpu.memref_squeeze %dma_wait3A_68 : memref<1x128x64xf32, #tpu.memory_space<vmem>> -> memref<128x64xf32, #tpu.memory_space<vmem>>
        tpu.wait_dma2 semaphore(%run_scoped3A : memref<!tpu.dma_semaphore, #tpu.memory_space<semaphore_mem>>) src(%dma_wait3A_69 : memref<128x64xf32, #tpu.memory_space<vmem>>) dst(%dma_wait3A_65 : memref<128x64xf32, #tpu.memory_space<hbm>>)
        tpu.yield
      }) : () -> ()
      %scan3A_43 = arith.constant 0 : i32
      scf.yield %scan3A_43 : i32
    }
    %scan3A_37 = arith.constant 5 : i32
    return
  }
}

#map = affine_map<(d0, d1) -> (0, 0)>
#map1 = affine_map<(d0, d1) -> (0, 0, 0)>
module attributes {stable_mosaic.version = 14 : i64} {
  func.func @_agg_body(%arg0: i32, %arg1: i32, %arg2: memref<20000x64xf32, #tpu.memory_space<hbm>>, %arg3: memref<16x160x128xi32, #tpu.memory_space<hbm>>, %arg4: memref<16x160x128xi32, #tpu.memory_space<hbm>>, %arg5: memref<2x10240x64xf32, #tpu.memory_space<hbm>>, %arg6: memref<160x128xi32, #tpu.memory_space<vmem>>, %arg7: memref<160x128xi32, #tpu.memory_space<vmem>>, %arg8: memref<4x128x64xf32, #tpu.memory_space<vmem>>, %arg9: memref<!tpu.dma_semaphore, #tpu.memory_space<semaphore_mem>>, %arg10: memref<!tpu.dma_semaphore, #tpu.memory_space<semaphore_mem>>, %arg11: memref<!tpu.dma_semaphore, #tpu.memory_space<semaphore_mem>>, %arg12: memref<!tpu.dma_semaphore, #tpu.memory_space<semaphore_mem>>, %arg13: memref<!tpu.dma_semaphore, #tpu.memory_space<semaphore_mem>>, %arg14: memref<!tpu.dma_semaphore, #tpu.memory_space<semaphore_mem>>, %arg15: memref<!tpu.dma_semaphore, #tpu.memory_space<semaphore_mem>>, %arg16: memref<!tpu.dma_semaphore, #tpu.memory_space<semaphore_mem>>, %arg17: memref<10240x64xf32, #tpu.memory_space<vmem_shared>>) attributes {dimension_semantics = [#tpu.dimension_semantics<core_parallel>, #tpu.dimension_semantics<subcore_parallel>], iteration_bounds = array<i64: 2, 16>, scalar_prefetch = 0 : i64, scratch_operands = 12 : i64, tpu.core_type = #tpu.core_type<sc_vector_subcore>, window_params = [{transform_indices = #map}, {transform_indices = #map1}, {transform_indices = #map1}, {transform_indices = #map1}]} {
    %broadcast_in_dim3A = arith.constant 0.000000e+00 : f32
    %broadcast_in_dim3A_0 = vector.broadcast %broadcast_in_dim3A : f32 to vector<16xf32>
    %scan3A = arith.constant 0 : i32
    %scan3A_1 = arith.constant 0 : i32
    %scan3A_2 = arith.constant 512 : i32
    %scan3A_3 = arith.addi %scan3A_1, %scan3A_2 : i32
    %scan3A_4 = arith.constant 1 : i32
    %scan3A_5 = scf.for %scan3A_38 = %scan3A_1 to %scan3A_3 step %scan3A_4 iter_args(%scan3A_39 = %scan3A) -> (i32)  : i32 {
      %jit3A = arith.constant 4 : i32
      %div3A = arith.divsi %scan3A_38, %jit3A : i32
      %sign3A = arith.constant 0 : i32
      %sign3A_40 = arith.cmpi sgt, %scan3A_38, %sign3A : i32
      %sign3A_41 = arith.extui %sign3A_40 : i1 to i32
      %sign3A_42 = arith.constant 0 : i32
      %sign3A_43 = arith.cmpi slt, %scan3A_38, %sign3A_42 : i32
      %sign3A_44 = arith.extui %sign3A_43 : i1 to i32
      %sign3A_45 = arith.subi %sign3A_41, %sign3A_44 : i32
      %sign3A_46 = arith.constant 0 : i32
      %sign3A_47 = arith.cmpi sgt, %jit3A, %sign3A_46 : i32
      %sign3A_48 = arith.extui %sign3A_47 : i1 to i32
      %sign3A_49 = arith.constant 0 : i32
      %sign3A_50 = arith.cmpi slt, %jit3A, %sign3A_49 : i32
      %sign3A_51 = arith.extui %sign3A_50 : i1 to i32
      %sign3A_52 = arith.subi %sign3A_48, %sign3A_51 : i32
      %ne3A = arith.cmpi ne, %sign3A_45, %sign3A_52 : i32
      %rem3A = arith.remsi %scan3A_38, %jit3A : i32
      %ne3A_53 = arith.constant 0 : i32
      %ne3A_54 = arith.cmpi ne, %rem3A, %ne3A_53 : i32
      %and3A = arith.andi %ne3A, %ne3A_54 : i1
      %sub3A = arith.constant 1 : i32
      %sub3A_55 = arith.subi %div3A, %sub3A : i32
      %select_n3A = arith.select %and3A, %sub3A_55, %div3A : i32
      %jit3A_56 = arith.constant 4 : i32
      %eq3A = arith.constant 0 : i32
      %eq3A_57 = arith.cmpi eq, %jit3A_56, %eq3A : i32
      %jit3A_58 = arith.constant 1 : i32
      %select_n3A_59 = arith.select %eq3A_57, %jit3A_58, %jit3A_56 : i32
      %rem3A_60 = arith.remsi %scan3A_38, %select_n3A_59 : i32
      %ne3A_61 = arith.constant 0 : i32
      %ne3A_62 = arith.cmpi ne, %rem3A_60, %ne3A_61 : i32
      %lt3A = arith.constant 0 : i32
      %lt3A_63 = arith.cmpi slt, %rem3A_60, %lt3A : i32
      %lt3A_64 = arith.constant 0 : i32
      %lt3A_65 = arith.cmpi slt, %select_n3A_59, %lt3A_64 : i32
      %ne3A_66 = arith.xori %lt3A_63, %lt3A_65 : i1
      %and3A_67 = arith.andi %ne3A_66, %ne3A_62 : i1
      %add3A = arith.addi %rem3A_60, %select_n3A_59 : i32
      %select_n3A_68 = arith.select %and3A_67, %add3A, %rem3A_60 : i32
      %mul3A = arith.constant 16 : i32
      %mul3A_69 = arith.muli %select_n3A_68, %mul3A : i32
      %swap3A = arith.constant 0 : i32
      %swap3A_70 = arith.index_cast %swap3A : i32 to index
      %swap3A_71 = arith.index_cast %select_n3A : i32 to index
      %swap3A_72 = arith.index_cast %mul3A_69 : i32 to index
      %swap3A_73 = tpu.vector_load %arg8[%swap3A_70, %swap3A_71, %swap3A_72] {strides = array<i32>} : memref<4x128x64xf32, #tpu.memory_space<vmem>>, vector<1x1x16xf32>,
      %swap3A_74 = vector.shape_cast %swap3A_73 : vector<1x1x16xf32> to vector<16xf32>
      %swap3A_75 = vector.shape_cast %broadcast_in_dim3A_0 : vector<16xf32> to vector<1x1x16xf32>
      tpu.vector_store %arg8[%swap3A_70, %swap3A_71, %swap3A_72], %swap3A_75 {strides = array<i32>} : memref<4x128x64xf32, #tpu.memory_space<vmem>>, vector<1x1x16xf32>,
      %scan3A_76 = arith.constant 0 : i32
      scf.yield %scan3A_76 : i32
    }
    %scan3A_6 = arith.constant 512 : i32
    %scan3A_7 = arith.constant 0 : i32
    %scan3A_8 = arith.constant 0 : i32
    %scan3A_9 = arith.constant 0 : i32
    %scan3A_10 = arith.constant 5 : i32
    %scan3A_11 = arith.addi %scan3A_9, %scan3A_10 : i32
    %scan3A_12 = arith.constant 1 : i32
    %scan3A_13 = scf.for %scan3A_38 = %scan3A_9 to %scan3A_11 step %scan3A_12 iter_args(%scan3A_39 = %scan3A_8) -> (i32)  : i32 {
      %mul3A = arith.constant 640 : i32
      %mul3A_40 = arith.muli %arg1, %mul3A : i32
      %mul3A_41 = arith.constant 128 : i32
      %mul3A_42 = arith.muli %scan3A_38, %mul3A_41 : i32
      %add3A = arith.addi %mul3A_40, %mul3A_42 : i32
      "tpu.region"() ({
        %run_scoped3A = tpu.sem_alloc : memref<!tpu.dma_semaphore, #tpu.memory_space<semaphore_mem>>
        %dma_start3A = arith.constant 0 : i32
        %dma_start3A_44 = arith.constant 0 : i32
        %dma_start3A_45 = tpu.memref_slice %arg8[%scan3A_7, %dma_start3A, %dma_start3A_44] : memref<4x128x64xf32, #tpu.memory_space<vmem>> -> memref<1x128x64xf32, #tpu.memory_space<vmem>>
        %dma_start3A_46 = tpu.memref_squeeze %dma_start3A_45 : memref<1x128x64xf32, #tpu.memory_space<vmem>> -> memref<128x64xf32, #tpu.memory_space<vmem>>
        %dma_start3A_47 = arith.constant 0 : i32
        %dma_start3A_48 = tpu.memref_slice %arg17[%add3A, %dma_start3A_47] : memref<10240x64xf32, #tpu.memory_space<vmem_shared>> -> memref<128x64xf32, #tpu.memory_space<vmem_shared>>
        %dma_start3A_49 = arith.constant 0 : i32
        %dma_start3A_50 = tpu.memref_slice %arg17[%add3A, %dma_start3A_49] : memref<10240x64xf32, #tpu.memory_space<vmem_shared>> -> memref<128x64xf32, #tpu.memory_space<vmem_shared>>
        %dma_start3A_51 = arith.constant 0 : i32
        %dma_start3A_52 = arith.constant 0 : i32
        %dma_start3A_53 = tpu.memref_slice %arg8[%scan3A_7, %dma_start3A_51, %dma_start3A_52] : memref<4x128x64xf32, #tpu.memory_space<vmem>> -> memref<1x128x64xf32, #tpu.memory_space<vmem>>
        %dma_start3A_54 = tpu.memref_squeeze %dma_start3A_53 : memref<1x128x64xf32, #tpu.memory_space<vmem>> -> memref<128x64xf32, #tpu.memory_space<vmem>>
        tpu.enqueue_dma source(%dma_start3A_54 : memref<128x64xf32, #tpu.memory_space<vmem>>) target(%dma_start3A_50 : memref<128x64xf32, #tpu.memory_space<vmem_shared>>) target_semaphore(%run_scoped3A : memref<!tpu.dma_semaphore, #tpu.memory_space<semaphore_mem>>)
        %dma_wait3A = arith.constant 0 : i32
        %dma_wait3A_55 = arith.constant 0 : i32
        %dma_wait3A_56 = tpu.memref_slice %arg8[%scan3A_7, %dma_wait3A, %dma_wait3A_55] : memref<4x128x64xf32, #tpu.memory_space<vmem>> -> memref<1x128x64xf32, #tpu.memory_space<vmem>>
        %dma_wait3A_57 = tpu.memref_squeeze %dma_wait3A_56 : memref<1x128x64xf32, #tpu.memory_space<vmem>> -> memref<128x64xf32, #tpu.memory_space<vmem>>
        %dma_wait3A_58 = arith.constant 0 : i32
        %dma_wait3A_59 = tpu.memref_slice %arg17[%add3A, %dma_wait3A_58] : memref<10240x64xf32, #tpu.memory_space<vmem_shared>> -> memref<128x64xf32, #tpu.memory_space<vmem_shared>>
        %dma_wait3A_60 = arith.constant 0 : i32
        %dma_wait3A_61 = tpu.memref_slice %arg17[%add3A, %dma_wait3A_60] : memref<10240x64xf32, #tpu.memory_space<vmem_shared>> -> memref<128x64xf32, #tpu.memory_space<vmem_shared>>
        %dma_wait3A_62 = arith.constant 0 : i32
        %dma_wait3A_63 = arith.constant 0 : i32
        %dma_wait3A_64 = tpu.memref_slice %arg8[%scan3A_7, %dma_wait3A_62, %dma_wait3A_63] : memref<4x128x64xf32, #tpu.memory_space<vmem>> -> memref<1x128x64xf32, #tpu.memory_space<vmem>>
        %dma_wait3A_65 = tpu.memref_squeeze %dma_wait3A_64 : memref<1x128x64xf32, #tpu.memory_space<vmem>> -> memref<128x64xf32, #tpu.memory_space<vmem>>
        tpu.wait_dma2 semaphore(%run_scoped3A : memref<!tpu.dma_semaphore, #tpu.memory_space<semaphore_mem>>) src(%dma_wait3A_65 : memref<128x64xf32, #tpu.memory_space<vmem>>) dst(%dma_wait3A_61 : memref<128x64xf32, #tpu.memory_space<vmem_shared>>)
        tpu.yield
      }) : () -> ()
      %scan3A_43 = arith.constant 0 : i32
      scf.yield %scan3A_43 : i32
    }
    %scan3A_14 = arith.constant 5 : i32
    %barrier3A = arith.constant 0 : index
    tpu.barrier barrier_id(%barrier3A)
    "tpu.region"() ({
      %run_scoped3A = tpu.sem_alloc : memref<!tpu.dma_semaphore, #tpu.memory_space<semaphore_mem>>
      %dma_start3A = arith.constant 0 : i32
      %dma_start3A_38 = arith.constant 0 : i32
      %dma_start3A_39 = tpu.memref_slice %arg3[%arg1, %dma_start3A, %dma_start3A_38] : memref<16x160x128xi32, #tpu.memory_space<hbm>> -> memref<1x160x128xi32, #tpu.memory_space<hbm>>
      %dma_start3A_40 = tpu.memref_squeeze %dma_start3A_39 : memref<1x160x128xi32, #tpu.memory_space<hbm>> -> memref<160x128xi32, #tpu.memory_space<hbm>>
      %dma_start3A_41 = arith.constant 0 : i32
      %dma_start3A_42 = arith.constant 0 : i32
      %dma_start3A_43 = tpu.memref_slice %arg3[%arg1, %dma_start3A_41, %dma_start3A_42] : memref<16x160x128xi32, #tpu.memory_space<hbm>> -> memref<1x160x128xi32, #tpu.memory_space<hbm>>
      %dma_start3A_44 = tpu.memref_squeeze %dma_start3A_43 : memref<1x160x128xi32, #tpu.memory_space<hbm>> -> memref<160x128xi32, #tpu.memory_space<hbm>>
      tpu.enqueue_dma source(%dma_start3A_44 : memref<160x128xi32, #tpu.memory_space<hbm>>) target(%arg6 : memref<160x128xi32, #tpu.memory_space<vmem>>) target_semaphore(%run_scoped3A : memref<!tpu.dma_semaphore, #tpu.memory_space<semaphore_mem>>)
      %dma_wait3A = arith.constant 0 : i32
      %dma_wait3A_45 = arith.constant 0 : i32
      %dma_wait3A_46 = tpu.memref_slice %arg3[%arg1, %dma_wait3A, %dma_wait3A_45] : memref<16x160x128xi32, #tpu.memory_space<hbm>> -> memref<1x160x128xi32, #tpu.memory_space<hbm>>
      %dma_wait3A_47 = tpu.memref_squeeze %dma_wait3A_46 : memref<1x160x128xi32, #tpu.memory_space<hbm>> -> memref<160x128xi32, #tpu.memory_space<hbm>>
      %dma_wait3A_48 = arith.constant 0 : i32
      %dma_wait3A_49 = arith.constant 0 : i32
      %dma_wait3A_50 = tpu.memref_slice %arg3[%arg1, %dma_wait3A_48, %dma_wait3A_49] : memref<16x160x128xi32, #tpu.memory_space<hbm>> -> memref<1x160x128xi32, #tpu.memory_space<hbm>>
      %dma_wait3A_51 = tpu.memref_squeeze %dma_wait3A_50 : memref<1x160x128xi32, #tpu.memory_space<hbm>> -> memref<160x128xi32, #tpu.memory_space<hbm>>
      tpu.wait_dma2 semaphore(%run_scoped3A : memref<!tpu.dma_semaphore, #tpu.memory_space<semaphore_mem>>) src(%dma_wait3A_51 : memref<160x128xi32, #tpu.memory_space<hbm>>) dst(%arg6 : memref<160x128xi32, #tpu.memory_space<vmem>>)
      tpu.yield
    }) : () -> ()
    "tpu.region"() ({
      %run_scoped3A = tpu.sem_alloc : memref<!tpu.dma_semaphore, #tpu.memory_space<semaphore_mem>>
      %dma_start3A = arith.constant 0 : i32
      %dma_start3A_38 = arith.constant 0 : i32
      %dma_start3A_39 = tpu.memref_slice %arg4[%arg1, %dma_start3A, %dma_start3A_38] : memref<16x160x128xi32, #tpu.memory_space<hbm>> -> memref<1x160x128xi32, #tpu.memory_space<hbm>>
      %dma_start3A_40 = tpu.memref_squeeze %dma_start3A_39 : memref<1x160x128xi32, #tpu.memory_space<hbm>> -> memref<160x128xi32, #tpu.memory_space<hbm>>
      %dma_start3A_41 = arith.constant 0 : i32
      %dma_start3A_42 = arith.constant 0 : i32
      %dma_start3A_43 = tpu.memref_slice %arg4[%arg1, %dma_start3A_41, %dma_start3A_42] : memref<16x160x128xi32, #tpu.memory_space<hbm>> -> memref<1x160x128xi32, #tpu.memory_space<hbm>>
      %dma_start3A_44 = tpu.memref_squeeze %dma_start3A_43 : memref<1x160x128xi32, #tpu.memory_space<hbm>> -> memref<160x128xi32, #tpu.memory_space<hbm>>
      tpu.enqueue_dma source(%dma_start3A_44 : memref<160x128xi32, #tpu.memory_space<hbm>>) target(%arg7 : memref<160x128xi32, #tpu.memory_space<vmem>>) target_semaphore(%run_scoped3A : memref<!tpu.dma_semaphore, #tpu.memory_space<semaphore_mem>>)
      %dma_wait3A = arith.constant 0 : i32
      %dma_wait3A_45 = arith.constant 0 : i32
      %dma_wait3A_46 = tpu.memref_slice %arg4[%arg1, %dma_wait3A, %dma_wait3A_45] : memref<16x160x128xi32, #tpu.memory_space<hbm>> -> memref<1x160x128xi32, #tpu.memory_space<hbm>>
      %dma_wait3A_47 = tpu.memref_squeeze %dma_wait3A_46 : memref<1x160x128xi32, #tpu.memory_space<hbm>> -> memref<160x128xi32, #tpu.memory_space<hbm>>
      %dma_wait3A_48 = arith.constant 0 : i32
      %dma_wait3A_49 = arith.constant 0 : i32
      %dma_wait3A_50 = tpu.memref_slice %arg4[%arg1, %dma_wait3A_48, %dma_wait3A_49] : memref<16x160x128xi32, #tpu.memory_space<hbm>> -> memref<1x160x128xi32, #tpu.memory_space<hbm>>
      %dma_wait3A_51 = tpu.memref_squeeze %dma_wait3A_50 : memref<1x160x128xi32, #tpu.memory_space<hbm>> -> memref<160x128xi32, #tpu.memory_space<hbm>>
      tpu.wait_dma2 semaphore(%run_scoped3A : memref<!tpu.dma_semaphore, #tpu.memory_space<semaphore_mem>>) src(%dma_wait3A_51 : memref<160x128xi32, #tpu.memory_space<hbm>>) dst(%arg7 : memref<160x128xi32, #tpu.memory_space<vmem>>)
      tpu.yield
    }) : () -> ()
    %scan3A_15 = arith.constant 0 : i32
    %scan3A_16 = arith.constant 0 : i32
    %scan3A_17 = arith.constant 1288 : i32
    %scan3A_18 = arith.addi %scan3A_16, %scan3A_17 : i32
    %scan3A_19 = arith.constant 1 : i32
    %scan3A_20 = scf.for %scan3A_38 = %scan3A_16 to %scan3A_18 step %scan3A_19 iter_args(%scan3A_39 = %scan3A_15) -> (i32)  : i32 {
      %jit3A = arith.constant 8 : i32
      %div3A = arith.divsi %scan3A_38, %jit3A : i32
      %sign3A = arith.constant 0 : i32
      %sign3A_40 = arith.cmpi sgt, %scan3A_38, %sign3A : i32
      %sign3A_41 = arith.extui %sign3A_40 : i1 to i32
      %sign3A_42 = arith.constant 0 : i32
      %sign3A_43 = arith.cmpi slt, %scan3A_38, %sign3A_42 : i32
      %sign3A_44 = arith.extui %sign3A_43 : i1 to i32
      %sign3A_45 = arith.subi %sign3A_41, %sign3A_44 : i32
      %sign3A_46 = arith.constant 0 : i32
      %sign3A_47 = arith.cmpi sgt, %jit3A, %sign3A_46 : i32
      %sign3A_48 = arith.extui %sign3A_47 : i1 to i32
      %sign3A_49 = arith.constant 0 : i32
      %sign3A_50 = arith.cmpi slt, %jit3A, %sign3A_49 : i32
      %sign3A_51 = arith.extui %sign3A_50 : i1 to i32
      %sign3A_52 = arith.subi %sign3A_48, %sign3A_51 : i32
      %ne3A = arith.cmpi ne, %sign3A_45, %sign3A_52 : i32
      %rem3A = arith.remsi %scan3A_38, %jit3A : i32
      %ne3A_53 = arith.constant 0 : i32
      %ne3A_54 = arith.cmpi ne, %rem3A, %ne3A_53 : i32
      %and3A = arith.andi %ne3A, %ne3A_54 : i1
      %sub3A = arith.constant 1 : i32
      %sub3A_55 = arith.subi %div3A, %sub3A : i32
      %select_n3A = arith.select %and3A, %sub3A_55, %div3A : i32
      %jit3A_56 = arith.constant 8 : i32
      %eq3A = arith.constant 0 : i32
      %eq3A_57 = arith.cmpi eq, %jit3A_56, %eq3A : i32
      %jit3A_58 = arith.constant 1 : i32
      %select_n3A_59 = arith.select %eq3A_57, %jit3A_58, %jit3A_56 : i32
      %rem3A_60 = arith.remsi %scan3A_38, %select_n3A_59 : i32
      %ne3A_61 = arith.constant 0 : i32
      %ne3A_62 = arith.cmpi ne, %rem3A_60, %ne3A_61 : i32
      %lt3A = arith.constant 0 : i32
      %lt3A_63 = arith.cmpi slt, %rem3A_60, %lt3A : i32
      %lt3A_64 = arith.constant 0 : i32
      %lt3A_65 = arith.cmpi slt, %select_n3A_59, %lt3A_64 : i32
      %ne3A_66 = arith.xori %lt3A_63, %lt3A_65 : i1
      %and3A_67 = arith.andi %ne3A_66, %ne3A_62 : i1
      %add3A = arith.addi %rem3A_60, %select_n3A_59 : i32
      %select_n3A_68 = arith.select %and3A_67, %add3A, %rem3A_60 : i32
      %mul3A = arith.constant 16 : i32
      %mul3A_69 = arith.muli %select_n3A_68, %mul3A : i32
      %get3A = arith.index_cast %select_n3A : i32 to index
      %get3A_70 = arith.index_cast %mul3A_69 : i32 to index
      %get3A_71 = tpu.vector_load %arg6[%get3A, %get3A_70] {strides = array<i32>} : memref<160x128xi32, #tpu.memory_space<vmem>>, vector<1x16xi32>,
      %get3A_72 = vector.shape_cast %get3A_71 : vector<1x16xi32> to vector<16xi32>
      %add3A_73 = vector.broadcast %arg0 : i32 to vector<16xi32>
      %add3A_74 = arith.addi %get3A_72, %add3A_73 : vector<16xi32>
      %swap3A = arith.index_cast %select_n3A : i32 to index
      %swap3A_75 = arith.index_cast %mul3A_69 : i32 to index
      %swap3A_76 = tpu.vector_load %arg6[%swap3A, %swap3A_75] {strides = array<i32>} : memref<160x128xi32, #tpu.memory_space<vmem>>, vector<1x16xi32>,
      %swap3A_77 = vector.shape_cast %swap3A_76 : vector<1x16xi32> to vector<16xi32>
      %swap3A_78 = vector.shape_cast %add3A_74 : vector<16xi32> to vector<1x16xi32>
      tpu.vector_store %arg6[%swap3A, %swap3A_75], %swap3A_78 {strides = array<i32>} : memref<160x128xi32, #tpu.memory_space<vmem>>, vector<1x16xi32>,
      %scan3A_79 = arith.constant 0 : i32
      scf.yield %scan3A_79 : i32
    }
    %scan3A_21 = arith.constant 1288 : i32
    %scan3A_22 = arith.constant 0 : i32
    %scan3A_23 = arith.constant 0 : i32
    %scan3A_24 = arith.constant 40 : i32
    %scan3A_25 = arith.addi %scan3A_23, %scan3A_24 : i32
    %scan3A_26 = arith.constant 1 : i32
    %scan3A_27 = scf.for %scan3A_38 = %scan3A_23 to %scan3A_25 step %scan3A_26 iter_args(%scan3A_39 = %scan3A_22) -> (i32)  : i32 {
      %mul3A = arith.constant 4 : i32
      %mul3A_40 = arith.muli %scan3A_38, %mul3A : i32
      %add3A = arith.constant 0 : i32
      %add3A_41 = arith.addi %mul3A_40, %add3A : i32
      %dma_start3A = arith.constant 0 : i32
      %dma_start3A_42 = arith.constant 0 : i32
      %dma_start3A_43 = arith.constant 0 : i32
      %dma_start3A_44 = tpu.memref_slice %arg8[%dma_start3A, %dma_start3A_42, %dma_start3A_43] : memref<4x128x64xf32, #tpu.memory_space<vmem>> -> memref<1x128x64xf32, #tpu.memory_space<vmem>>
      %dma_start3A_45 = tpu.memref_squeeze %dma_start3A_44 : memref<1x128x64xf32, #tpu.memory_space<vmem>> -> memref<128x64xf32, #tpu.memory_space<vmem>>
      %dma_start3A_46 = arith.constant 0 : i32
      %dma_start3A_47 = tpu.memref_slice %arg6[%add3A_41, %dma_start3A_46] : memref<160x128xi32, #tpu.memory_space<vmem>> -> memref<1x128xi32, #tpu.memory_space<vmem>>
      %dma_start3A_48 = tpu.memref_squeeze %dma_start3A_47 : memref<1x128xi32, #tpu.memory_space<vmem>> -> memref<128xi32, #tpu.memory_space<vmem>>
      %dma_start3A_49 = arith.constant 0 : i32
      %dma_start3A_50 = arith.constant 0 : i32
      %dma_start3A_51 = tpu.memref_slice %arg2[%dma_start3A_49, %dma_start3A_50] : memref<20000x64xf32, #tpu.memory_space<hbm>> -> memref<20000x64xf32, #tpu.memory_space<hbm>>
      tpu.enqueue_indirect_dma source(%dma_start3A_51 : memref<20000x64xf32, #tpu.memory_space<hbm>>) target(%dma_start3A_45 : memref<128x64xf32, #tpu.memory_space<vmem>>) offsets(%dma_start3A_48 : memref<128xi32, #tpu.memory_space<vmem>>) semaphore(%arg9 : memref<!tpu.dma_semaphore, #tpu.memory_space<semaphore_mem>>)
      %add3A_52 = arith.constant 1 : i32
      %add3A_53 = arith.addi %mul3A_40, %add3A_52 : i32
      %dma_start3A_54 = arith.constant 1 : i32
      %dma_start3A_55 = arith.constant 0 : i32
      %dma_start3A_56 = arith.constant 0 : i32
      %dma_start3A_57 = tpu.memref_slice %arg8[%dma_start3A_54, %dma_start3A_55, %dma_start3A_56] : memref<4x128x64xf32, #tpu.memory_space<vmem>> -> memref<1x128x64xf32, #tpu.memory_space<vmem>>
      %dma_start3A_58 = tpu.memref_squeeze %dma_start3A_57 : memref<1x128x64xf32, #tpu.memory_space<vmem>> -> memref<128x64xf32, #tpu.memory_space<vmem>>
      %dma_start3A_59 = arith.constant 0 : i32
      %dma_start3A_60 = tpu.memref_slice %arg6[%add3A_53, %dma_start3A_59] : memref<160x128xi32, #tpu.memory_space<vmem>> -> memref<1x128xi32, #tpu.memory_space<vmem>>
      %dma_start3A_61 = tpu.memref_squeeze %dma_start3A_60 : memref<1x128xi32, #tpu.memory_space<vmem>> -> memref<128xi32, #tpu.memory_space<vmem>>
      %dma_start3A_62 = arith.constant 0 : i32
      %dma_start3A_63 = arith.constant 0 : i32
      %dma_start3A_64 = tpu.memref_slice %arg2[%dma_start3A_62, %dma_start3A_63] : memref<20000x64xf32, #tpu.memory_space<hbm>> -> memref<20000x64xf32, #tpu.memory_space<hbm>>
      tpu.enqueue_indirect_dma source(%dma_start3A_64 : memref<20000x64xf32, #tpu.memory_space<hbm>>) target(%dma_start3A_58 : memref<128x64xf32, #tpu.memory_space<vmem>>) offsets(%dma_start3A_61 : memref<128xi32, #tpu.memory_space<vmem>>) semaphore(%arg10 : memref<!tpu.dma_semaphore, #tpu.memory_space<semaphore_mem>>)
      %add3A_65 = arith.constant 2 : i32
      %add3A_66 = arith.addi %mul3A_40, %add3A_65 : i32
      %dma_start3A_67 = arith.constant 2 : i32
      %dma_start3A_68 = arith.constant 0 : i32
      %dma_start3A_69 = arith.constant 0 : i32
      %dma_start3A_70 = tpu.memref_slice %arg8[%dma_start3A_67, %dma_start3A_68, %dma_start3A_69] : memref<4x128x64xf32, #tpu.memory_space<vmem>> -> memref<1x128x64xf32, #tpu.memory_space<vmem>>
      %dma_start3A_71 = tpu.memref_squeeze %dma_start3A_70 : memref<1x128x64xf32, #tpu.memory_space<vmem>> -> memref<128x64xf32, #tpu.memory_space<vmem>>
      %dma_start3A_72 = arith.constant 0 : i32
      %dma_start3A_73 = tpu.memref_slice %arg6[%add3A_66, %dma_start3A_72] : memref<160x128xi32, #tpu.memory_space<vmem>> -> memref<1x128xi32, #tpu.memory_space<vmem>>
      %dma_start3A_74 = tpu.memref_squeeze %dma_start3A_73 : memref<1x128xi32, #tpu.memory_space<vmem>> -> memref<128xi32, #tpu.memory_space<vmem>>
      %dma_start3A_75 = arith.constant 0 : i32
      %dma_start3A_76 = arith.constant 0 : i32
      %dma_start3A_77 = tpu.memref_slice %arg2[%dma_start3A_75, %dma_start3A_76] : memref<20000x64xf32, #tpu.memory_space<hbm>> -> memref<20000x64xf32, #tpu.memory_space<hbm>>
      tpu.enqueue_indirect_dma source(%dma_start3A_77 : memref<20000x64xf32, #tpu.memory_space<hbm>>) target(%dma_start3A_71 : memref<128x64xf32, #tpu.memory_space<vmem>>) offsets(%dma_start3A_74 : memref<128xi32, #tpu.memory_space<vmem>>) semaphore(%arg11 : memref<!tpu.dma_semaphore, #tpu.memory_space<semaphore_mem>>)
      %add3A_78 = arith.constant 3 : i32
      %add3A_79 = arith.addi %mul3A_40, %add3A_78 : i32
      %dma_start3A_80 = arith.constant 3 : i32
      %dma_start3A_81 = arith.constant 0 : i32
      %dma_start3A_82 = arith.constant 0 : i32
      %dma_start3A_83 = tpu.memref_slice %arg8[%dma_start3A_80, %dma_start3A_81, %dma_start3A_82] : memref<4x128x64xf32, #tpu.memory_space<vmem>> -> memref<1x128x64xf32, #tpu.memory_space<vmem>>
      %dma_start3A_84 = tpu.memref_squeeze %dma_start3A_83 : memref<1x128x64xf32, #tpu.memory_space<vmem>> -> memref<128x64xf32, #tpu.memory_space<vmem>>
      %dma_start3A_85 = arith.constant 0 : i32
      %dma_start3A_86 = tpu.memref_slice %arg6[%add3A_79, %dma_start3A_85] : memref<160x128xi32, #tpu.memory_space<vmem>> -> memref<1x128xi32, #tpu.memory_space<vmem>>
      %dma_start3A_87 = tpu.memref_squeeze %dma_start3A_86 : memref<1x128xi32, #tpu.memory_space<vmem>> -> memref<128xi32, #tpu.memory_space<vmem>>
      %dma_start3A_88 = arith.constant 0 : i32
      %dma_start3A_89 = arith.constant 0 : i32
      %dma_start3A_90 = tpu.memref_slice %arg2[%dma_start3A_88, %dma_start3A_89] : memref<20000x64xf32, #tpu.memory_space<hbm>> -> memref<20000x64xf32, #tpu.memory_space<hbm>>
      tpu.enqueue_indirect_dma source(%dma_start3A_90 : memref<20000x64xf32, #tpu.memory_space<hbm>>) target(%dma_start3A_84 : memref<128x64xf32, #tpu.memory_space<vmem>>) offsets(%dma_start3A_87 : memref<128xi32, #tpu.memory_space<vmem>>) semaphore(%arg12 : memref<!tpu.dma_semaphore, #tpu.memory_space<semaphore_mem>>)
      %dma_wait3A = arith.constant 0 : i32
      %dma_wait3A_91 = arith.constant 0 : i32
      %dma_wait3A_92 = arith.constant 0 : i32
      %dma_wait3A_93 = tpu.memref_slice %arg8[%dma_wait3A, %dma_wait3A_91, %dma_wait3A_92] : memref<4x128x64xf32, #tpu.memory_space<vmem>> -> memref<1x128x64xf32, #tpu.memory_space<vmem>>
      %dma_wait3A_94 = tpu.memref_squeeze %dma_wait3A_93 : memref<1x128x64xf32, #tpu.memory_space<vmem>> -> memref<128x64xf32, #tpu.memory_space<vmem>>
      %dma_wait3A_95 = arith.constant 0 : i32
      %dma_wait3A_96 = tpu.memref_slice %arg6[%add3A_41, %dma_wait3A_95] : memref<160x128xi32, #tpu.memory_space<vmem>> -> memref<1x128xi32, #tpu.memory_space<vmem>>
      %dma_wait3A_97 = tpu.memref_squeeze %dma_wait3A_96 : memref<1x128xi32, #tpu.memory_space<vmem>> -> memref<128xi32, #tpu.memory_space<vmem>>
      %dma_wait3A_98 = arith.constant 0 : i32
      %dma_wait3A_99 = arith.constant 0 : i32
      %dma_wait3A_100 = tpu.memref_slice %arg2[%dma_wait3A_98, %dma_wait3A_99] : memref<20000x64xf32, #tpu.memory_space<hbm>> -> memref<20000x64xf32, #tpu.memory_space<hbm>>
      tpu.wait_indirect_dma semaphore(%arg9 : memref<!tpu.dma_semaphore, #tpu.memory_space<semaphore_mem>>) src(%dma_wait3A_100 : memref<20000x64xf32, #tpu.memory_space<hbm>>) dst(%dma_wait3A_94 : memref<128x64xf32, #tpu.memory_space<vmem>>)
      %add3A_101 = arith.constant 0 : i32
      %add3A_102 = arith.addi %mul3A_40, %add3A_101 : i32
      %dma_start3A_103 = arith.constant 0 : i32
      %dma_start3A_104 = arith.constant 0 : i32
      %dma_start3A_105 = arith.constant 0 : i32
      %dma_start3A_106 = tpu.memref_slice %arg8[%dma_start3A_103, %dma_start3A_104, %dma_start3A_105] : memref<4x128x64xf32, #tpu.memory_space<vmem>> -> memref<1x128x64xf32, #tpu.memory_space<vmem>>
      %dma_start3A_107 = tpu.memref_squeeze %dma_start3A_106 : memref<1x128x64xf32, #tpu.memory_space<vmem>> -> memref<128x64xf32, #tpu.memory_space<vmem>>
      %dma_start3A_108 = arith.constant 0 : i32
      %dma_start3A_109 = tpu.memref_slice %arg7[%add3A_102, %dma_start3A_108] : memref<160x128xi32, #tpu.memory_space<vmem>> -> memref<1x128xi32, #tpu.memory_space<vmem>>
      %dma_start3A_110 = tpu.memref_squeeze %dma_start3A_109 : memref<1x128xi32, #tpu.memory_space<vmem>> -> memref<128xi32, #tpu.memory_space<vmem>>
      %dma_start3A_111 = arith.constant 0 : i32
      %dma_start3A_112 = arith.constant 0 : i32
      %dma_start3A_113 = tpu.memref_slice %arg17[%dma_start3A_111, %dma_start3A_112] : memref<10240x64xf32, #tpu.memory_space<vmem_shared>> -> memref<10240x64xf32, #tpu.memory_space<vmem_shared>>
      tpu.enqueue_indirect_dma source(%dma_start3A_107 : memref<128x64xf32, #tpu.memory_space<vmem>>) target(%dma_start3A_113 : memref<10240x64xf32, #tpu.memory_space<vmem_shared>>) offsets(%dma_start3A_110 : memref<128xi32, #tpu.memory_space<vmem>>) semaphore(%arg13 : memref<!tpu.dma_semaphore, #tpu.memory_space<semaphore_mem>>) {add = true}
      %dma_wait3A_114 = arith.constant 1 : i32
      %dma_wait3A_115 = arith.constant 0 : i32
      %dma_wait3A_116 = arith.constant 0 : i32
      %dma_wait3A_117 = tpu.memref_slice %arg8[%dma_wait3A_114, %dma_wait3A_115, %dma_wait3A_116] : memref<4x128x64xf32, #tpu.memory_space<vmem>> -> memref<1x128x64xf32, #tpu.memory_space<vmem>>
      %dma_wait3A_118 = tpu.memref_squeeze %dma_wait3A_117 : memref<1x128x64xf32, #tpu.memory_space<vmem>> -> memref<128x64xf32, #tpu.memory_space<vmem>>
      %dma_wait3A_119 = arith.constant 0 : i32
      %dma_wait3A_120 = tpu.memref_slice %arg6[%add3A_53, %dma_wait3A_119] : memref<160x128xi32, #tpu.memory_space<vmem>> -> memref<1x128xi32, #tpu.memory_space<vmem>>
      %dma_wait3A_121 = tpu.memref_squeeze %dma_wait3A_120 : memref<1x128xi32, #tpu.memory_space<vmem>> -> memref<128xi32, #tpu.memory_space<vmem>>
      %dma_wait3A_122 = arith.constant 0 : i32
      %dma_wait3A_123 = arith.constant 0 : i32
      %dma_wait3A_124 = tpu.memref_slice %arg2[%dma_wait3A_122, %dma_wait3A_123] : memref<20000x64xf32, #tpu.memory_space<hbm>> -> memref<20000x64xf32, #tpu.memory_space<hbm>>
      tpu.wait_indirect_dma semaphore(%arg10 : memref<!tpu.dma_semaphore, #tpu.memory_space<semaphore_mem>>) src(%dma_wait3A_124 : memref<20000x64xf32, #tpu.memory_space<hbm>>) dst(%dma_wait3A_118 : memref<128x64xf32, #tpu.memory_space<vmem>>)
      %add3A_125 = arith.constant 1 : i32
      %add3A_126 = arith.addi %mul3A_40, %add3A_125 : i32
      %dma_start3A_127 = arith.constant 1 : i32
      %dma_start3A_128 = arith.constant 0 : i32
      %dma_start3A_129 = arith.constant 0 : i32
      %dma_start3A_130 = tpu.memref_slice %arg8[%dma_start3A_127, %dma_start3A_128, %dma_start3A_129] : memref<4x128x64xf32, #tpu.memory_space<vmem>> -> memref<1x128x64xf32, #tpu.memory_space<vmem>>
      %dma_start3A_131 = tpu.memref_squeeze %dma_start3A_130 : memref<1x128x64xf32, #tpu.memory_space<vmem>> -> memref<128x64xf32, #tpu.memory_space<vmem>>
      %dma_start3A_132 = arith.constant 0 : i32
      %dma_start3A_133 = tpu.memref_slice %arg7[%add3A_126, %dma_start3A_132] : memref<160x128xi32, #tpu.memory_space<vmem>> -> memref<1x128xi32, #tpu.memory_space<vmem>>
      %dma_start3A_134 = tpu.memref_squeeze %dma_start3A_133 : memref<1x128xi32, #tpu.memory_space<vmem>> -> memref<128xi32, #tpu.memory_space<vmem>>
      %dma_start3A_135 = arith.constant 0 : i32
      %dma_start3A_136 = arith.constant 0 : i32
      %dma_start3A_137 = tpu.memref_slice %arg17[%dma_start3A_135, %dma_start3A_136] : memref<10240x64xf32, #tpu.memory_space<vmem_shared>> -> memref<10240x64xf32, #tpu.memory_space<vmem_shared>>
      tpu.enqueue_indirect_dma source(%dma_start3A_131 : memref<128x64xf32, #tpu.memory_space<vmem>>) target(%dma_start3A_137 : memref<10240x64xf32, #tpu.memory_space<vmem_shared>>) offsets(%dma_start3A_134 : memref<128xi32, #tpu.memory_space<vmem>>) semaphore(%arg14 : memref<!tpu.dma_semaphore, #tpu.memory_space<semaphore_mem>>) {add = true}
      %dma_wait3A_138 = arith.constant 2 : i32
      %dma_wait3A_139 = arith.constant 0 : i32
      %dma_wait3A_140 = arith.constant 0 : i32
      %dma_wait3A_141 = tpu.memref_slice %arg8[%dma_wait3A_138, %dma_wait3A_139, %dma_wait3A_140] : memref<4x128x64xf32, #tpu.memory_space<vmem>> -> memref<1x128x64xf32, #tpu.memory_space<vmem>>
      %dma_wait3A_142 = tpu.memref_squeeze %dma_wait3A_141 : memref<1x128x64xf32, #tpu.memory_space<vmem>> -> memref<128x64xf32, #tpu.memory_space<vmem>>
      %dma_wait3A_143 = arith.constant 0 : i32
      %dma_wait3A_144 = tpu.memref_slice %arg6[%add3A_66, %dma_wait3A_143] : memref<160x128xi32, #tpu.memory_space<vmem>> -> memref<1x128xi32, #tpu.memory_space<vmem>>
      %dma_wait3A_145 = tpu.memref_squeeze %dma_wait3A_144 : memref<1x128xi32, #tpu.memory_space<vmem>> -> memref<128xi32, #tpu.memory_space<vmem>>
      %dma_wait3A_146 = arith.constant 0 : i32
      %dma_wait3A_147 = arith.constant 0 : i32
      %dma_wait3A_148 = tpu.memref_slice %arg2[%dma_wait3A_146, %dma_wait3A_147] : memref<20000x64xf32, #tpu.memory_space<hbm>> -> memref<20000x64xf32, #tpu.memory_space<hbm>>
      tpu.wait_indirect_dma semaphore(%arg11 : memref<!tpu.dma_semaphore, #tpu.memory_space<semaphore_mem>>) src(%dma_wait3A_148 : memref<20000x64xf32, #tpu.memory_space<hbm>>) dst(%dma_wait3A_142 : memref<128x64xf32, #tpu.memory_space<vmem>>)
      %add3A_149 = arith.constant 2 : i32
      %add3A_150 = arith.addi %mul3A_40, %add3A_149 : i32
      %dma_start3A_151 = arith.constant 2 : i32
      %dma_start3A_152 = arith.constant 0 : i32
      %dma_start3A_153 = arith.constant 0 : i32
      %dma_start3A_154 = tpu.memref_slice %arg8[%dma_start3A_151, %dma_start3A_152, %dma_start3A_153] : memref<4x128x64xf32, #tpu.memory_space<vmem>> -> memref<1x128x64xf32, #tpu.memory_space<vmem>>
      %dma_start3A_155 = tpu.memref_squeeze %dma_start3A_154 : memref<1x128x64xf32, #tpu.memory_space<vmem>> -> memref<128x64xf32, #tpu.memory_space<vmem>>
      %dma_start3A_156 = arith.constant 0 : i32
      %dma_start3A_157 = tpu.memref_slice %arg7[%add3A_150, %dma_start3A_156] : memref<160x128xi32, #tpu.memory_space<vmem>> -> memref<1x128xi32, #tpu.memory_space<vmem>>
      %dma_start3A_158 = tpu.memref_squeeze %dma_start3A_157 : memref<1x128xi32, #tpu.memory_space<vmem>> -> memref<128xi32, #tpu.memory_space<vmem>>
      %dma_start3A_159 = arith.constant 0 : i32
      %dma_start3A_160 = arith.constant 0 : i32
      %dma_start3A_161 = tpu.memref_slice %arg17[%dma_start3A_159, %dma_start3A_160] : memref<10240x64xf32, #tpu.memory_space<vmem_shared>> -> memref<10240x64xf32, #tpu.memory_space<vmem_shared>>
      tpu.enqueue_indirect_dma source(%dma_start3A_155 : memref<128x64xf32, #tpu.memory_space<vmem>>) target(%dma_start3A_161 : memref<10240x64xf32, #tpu.memory_space<vmem_shared>>) offsets(%dma_start3A_158 : memref<128xi32, #tpu.memory_space<vmem>>) semaphore(%arg15 : memref<!tpu.dma_semaphore, #tpu.memory_space<semaphore_mem>>) {add = true}
      %dma_wait3A_162 = arith.constant 3 : i32
      %dma_wait3A_163 = arith.constant 0 : i32
      %dma_wait3A_164 = arith.constant 0 : i32
      %dma_wait3A_165 = tpu.memref_slice %arg8[%dma_wait3A_162, %dma_wait3A_163, %dma_wait3A_164] : memref<4x128x64xf32, #tpu.memory_space<vmem>> -> memref<1x128x64xf32, #tpu.memory_space<vmem>>
      %dma_wait3A_166 = tpu.memref_squeeze %dma_wait3A_165 : memref<1x128x64xf32, #tpu.memory_space<vmem>> -> memref<128x64xf32, #tpu.memory_space<vmem>>
      %dma_wait3A_167 = arith.constant 0 : i32
      %dma_wait3A_168 = tpu.memref_slice %arg6[%add3A_79, %dma_wait3A_167] : memref<160x128xi32, #tpu.memory_space<vmem>> -> memref<1x128xi32, #tpu.memory_space<vmem>>
      %dma_wait3A_169 = tpu.memref_squeeze %dma_wait3A_168 : memref<1x128xi32, #tpu.memory_space<vmem>> -> memref<128xi32, #tpu.memory_space<vmem>>
      %dma_wait3A_170 = arith.constant 0 : i32
      %dma_wait3A_171 = arith.constant 0 : i32
      %dma_wait3A_172 = tpu.memref_slice %arg2[%dma_wait3A_170, %dma_wait3A_171] : memref<20000x64xf32, #tpu.memory_space<hbm>> -> memref<20000x64xf32, #tpu.memory_space<hbm>>
      tpu.wait_indirect_dma semaphore(%arg12 : memref<!tpu.dma_semaphore, #tpu.memory_space<semaphore_mem>>) src(%dma_wait3A_172 : memref<20000x64xf32, #tpu.memory_space<hbm>>) dst(%dma_wait3A_166 : memref<128x64xf32, #tpu.memory_space<vmem>>)
      %add3A_173 = arith.constant 3 : i32
      %add3A_174 = arith.addi %mul3A_40, %add3A_173 : i32
      %dma_start3A_175 = arith.constant 3 : i32
      %dma_start3A_176 = arith.constant 0 : i32
      %dma_start3A_177 = arith.constant 0 : i32
      %dma_start3A_178 = tpu.memref_slice %arg8[%dma_start3A_175, %dma_start3A_176, %dma_start3A_177] : memref<4x128x64xf32, #tpu.memory_space<vmem>> -> memref<1x128x64xf32, #tpu.memory_space<vmem>>
      %dma_start3A_179 = tpu.memref_squeeze %dma_start3A_178 : memref<1x128x64xf32, #tpu.memory_space<vmem>> -> memref<128x64xf32, #tpu.memory_space<vmem>>
      %dma_start3A_180 = arith.constant 0 : i32
      %dma_start3A_181 = tpu.memref_slice %arg7[%add3A_174, %dma_start3A_180] : memref<160x128xi32, #tpu.memory_space<vmem>> -> memref<1x128xi32, #tpu.memory_space<vmem>>
      %dma_start3A_182 = tpu.memref_squeeze %dma_start3A_181 : memref<1x128xi32, #tpu.memory_space<vmem>> -> memref<128xi32, #tpu.memory_space<vmem>>
      %dma_start3A_183 = arith.constant 0 : i32
      %dma_start3A_184 = arith.constant 0 : i32
      %dma_start3A_185 = tpu.memref_slice %arg17[%dma_start3A_183, %dma_start3A_184] : memref<10240x64xf32, #tpu.memory_space<vmem_shared>> -> memref<10240x64xf32, #tpu.memory_space<vmem_shared>>
      tpu.enqueue_indirect_dma source(%dma_start3A_179 : memref<128x64xf32, #tpu.memory_space<vmem>>) target(%dma_start3A_185 : memref<10240x64xf32, #tpu.memory_space<vmem_shared>>) offsets(%dma_start3A_182 : memref<128xi32, #tpu.memory_space<vmem>>) semaphore(%arg16 : memref<!tpu.dma_semaphore, #tpu.memory_space<semaphore_mem>>) {add = true}
      %dma_wait3A_186 = arith.constant 0 : i32
      %dma_wait3A_187 = arith.constant 0 : i32
      %dma_wait3A_188 = arith.constant 0 : i32
      %dma_wait3A_189 = tpu.memref_slice %arg8[%dma_wait3A_186, %dma_wait3A_187, %dma_wait3A_188] : memref<4x128x64xf32, #tpu.memory_space<vmem>> -> memref<1x128x64xf32, #tpu.memory_space<vmem>>
      %dma_wait3A_190 = tpu.memref_squeeze %dma_wait3A_189 : memref<1x128x64xf32, #tpu.memory_space<vmem>> -> memref<128x64xf32, #tpu.memory_space<vmem>>
      %dma_wait3A_191 = arith.constant 0 : i32
      %dma_wait3A_192 = tpu.memref_slice %arg7[%add3A_102, %dma_wait3A_191] : memref<160x128xi32, #tpu.memory_space<vmem>> -> memref<1x128xi32, #tpu.memory_space<vmem>>
      %dma_wait3A_193 = tpu.memref_squeeze %dma_wait3A_192 : memref<1x128xi32, #tpu.memory_space<vmem>> -> memref<128xi32, #tpu.memory_space<vmem>>
      %dma_wait3A_194 = arith.constant 0 : i32
      %dma_wait3A_195 = arith.constant 0 : i32
      %dma_wait3A_196 = tpu.memref_slice %arg17[%dma_wait3A_194, %dma_wait3A_195] : memref<10240x64xf32, #tpu.memory_space<vmem_shared>> -> memref<10240x64xf32, #tpu.memory_space<vmem_shared>>
      tpu.wait_indirect_dma semaphore(%arg13 : memref<!tpu.dma_semaphore, #tpu.memory_space<semaphore_mem>>) src(%dma_wait3A_190 : memref<128x64xf32, #tpu.memory_space<vmem>>) dst(%dma_wait3A_196 : memref<10240x64xf32, #tpu.memory_space<vmem_shared>>)
      %dma_wait3A_197 = arith.constant 1 : i32
      %dma_wait3A_198 = arith.constant 0 : i32
      %dma_wait3A_199 = arith.constant 0 : i32
      %dma_wait3A_200 = tpu.memref_slice %arg8[%dma_wait3A_197, %dma_wait3A_198, %dma_wait3A_199] : memref<4x128x64xf32, #tpu.memory_space<vmem>> -> memref<1x128x64xf32, #tpu.memory_space<vmem>>
      %dma_wait3A_201 = tpu.memref_squeeze %dma_wait3A_200 : memref<1x128x64xf32, #tpu.memory_space<vmem>> -> memref<128x64xf32, #tpu.memory_space<vmem>>
      %dma_wait3A_202 = arith.constant 0 : i32
      %dma_wait3A_203 = tpu.memref_slice %arg7[%add3A_126, %dma_wait3A_202] : memref<160x128xi32, #tpu.memory_space<vmem>> -> memref<1x128xi32, #tpu.memory_space<vmem>>
      %dma_wait3A_204 = tpu.memref_squeeze %dma_wait3A_203 : memref<1x128xi32, #tpu.memory_space<vmem>> -> memref<128xi32, #tpu.memory_space<vmem>>
      %dma_wait3A_205 = arith.constant 0 : i32
      %dma_wait3A_206 = arith.constant 0 : i32
      %dma_wait3A_207 = tpu.memref_slice %arg17[%dma_wait3A_205, %dma_wait3A_206] : memref<10240x64xf32, #tpu.memory_space<vmem_shared>> -> memref<10240x64xf32, #tpu.memory_space<vmem_shared>>
      tpu.wait_indirect_dma semaphore(%arg14 : memref<!tpu.dma_semaphore, #tpu.memory_space<semaphore_mem>>) src(%dma_wait3A_201 : memref<128x64xf32, #tpu.memory_space<vmem>>) dst(%dma_wait3A_207 : memref<10240x64xf32, #tpu.memory_space<vmem_shared>>)
      %dma_wait3A_208 = arith.constant 2 : i32
      %dma_wait3A_209 = arith.constant 0 : i32
      %dma_wait3A_210 = arith.constant 0 : i32
      %dma_wait3A_211 = tpu.memref_slice %arg8[%dma_wait3A_208, %dma_wait3A_209, %dma_wait3A_210] : memref<4x128x64xf32, #tpu.memory_space<vmem>> -> memref<1x128x64xf32, #tpu.memory_space<vmem>>
      %dma_wait3A_212 = tpu.memref_squeeze %dma_wait3A_211 : memref<1x128x64xf32, #tpu.memory_space<vmem>> -> memref<128x64xf32, #tpu.memory_space<vmem>>
      %dma_wait3A_213 = arith.constant 0 : i32
      %dma_wait3A_214 = tpu.memref_slice %arg7[%add3A_150, %dma_wait3A_213] : memref<160x128xi32, #tpu.memory_space<vmem>> -> memref<1x128xi32, #tpu.memory_space<vmem>>
      %dma_wait3A_215 = tpu.memref_squeeze %dma_wait3A_214 : memref<1x128xi32, #tpu.memory_space<vmem>> -> memref<128xi32, #tpu.memory_space<vmem>>
      %dma_wait3A_216 = arith.constant 0 : i32
      %dma_wait3A_217 = arith.constant 0 : i32
      %dma_wait3A_218 = tpu.memref_slice %arg17[%dma_wait3A_216, %dma_wait3A_217] : memref<10240x64xf32, #tpu.memory_space<vmem_shared>> -> memref<10240x64xf32, #tpu.memory_space<vmem_shared>>
      tpu.wait_indirect_dma semaphore(%arg15 : memref<!tpu.dma_semaphore, #tpu.memory_space<semaphore_mem>>) src(%dma_wait3A_212 : memref<128x64xf32, #tpu.memory_space<vmem>>) dst(%dma_wait3A_218 : memref<10240x64xf32, #tpu.memory_space<vmem_shared>>)
      %dma_wait3A_219 = arith.constant 3 : i32
      %dma_wait3A_220 = arith.constant 0 : i32
      %dma_wait3A_221 = arith.constant 0 : i32
      %dma_wait3A_222 = tpu.memref_slice %arg8[%dma_wait3A_219, %dma_wait3A_220, %dma_wait3A_221] : memref<4x128x64xf32, #tpu.memory_space<vmem>> -> memref<1x128x64xf32, #tpu.memory_space<vmem>>
      %dma_wait3A_223 = tpu.memref_squeeze %dma_wait3A_222 : memref<1x128x64xf32, #tpu.memory_space<vmem>> -> memref<128x64xf32, #tpu.memory_space<vmem>>
      %dma_wait3A_224 = arith.constant 0 : i32
      %dma_wait3A_225 = tpu.memref_slice %arg7[%add3A_174, %dma_wait3A_224] : memref<160x128xi32, #tpu.memory_space<vmem>> -> memref<1x128xi32, #tpu.memory_space<vmem>>
      %dma_wait3A_226 = tpu.memref_squeeze %dma_wait3A_225 : memref<1x128xi32, #tpu.memory_space<vmem>> -> memref<128xi32, #tpu.memory_space<vmem>>
      %dma_wait3A_227 = arith.constant 0 : i32
      %dma_wait3A_228 = arith.constant 0 : i32
      %dma_wait3A_229 = tpu.memref_slice %arg17[%dma_wait3A_227, %dma_wait3A_228] : memref<10240x64xf32, #tpu.memory_space<vmem_shared>> -> memref<10240x64xf32, #tpu.memory_space<vmem_shared>>
      tpu.wait_indirect_dma semaphore(%arg16 : memref<!tpu.dma_semaphore, #tpu.memory_space<semaphore_mem>>) src(%dma_wait3A_223 : memref<128x64xf32, #tpu.memory_space<vmem>>) dst(%dma_wait3A_229 : memref<10240x64xf32, #tpu.memory_space<vmem_shared>>)
      %scan3A_230 = arith.constant 0 : i32
      scf.yield %scan3A_230 : i32
    }
    %scan3A_28 = arith.constant 40 : i32
    %barrier3A_29 = arith.constant 0 : index
    tpu.barrier barrier_id(%barrier3A_29)
    %scan3A_30 = arith.constant 0 : i32
    %scan3A_31 = arith.constant 0 : i32
    %scan3A_32 = arith.constant 0 : i32
    %scan3A_33 = arith.constant 5 : i32
    %scan3A_34 = arith.addi %scan3A_32, %scan3A_33 : i32
    %scan3A_35 = arith.constant 1 : i32
    %scan3A_36 = scf.for %scan3A_38 = %scan3A_32 to %scan3A_34 step %scan3A_35 iter_args(%scan3A_39 = %scan3A_31) -> (i32)  : i32 {
      %mul3A = arith.constant 640 : i32
      %mul3A_40 = arith.muli %arg1, %mul3A : i32
      %mul3A_41 = arith.constant 128 : i32
      %mul3A_42 = arith.muli %scan3A_38, %mul3A_41 : i32
      %add3A = arith.addi %mul3A_40, %mul3A_42 : i32
      "tpu.region"() ({
        %run_scoped3A = tpu.sem_alloc : memref<!tpu.dma_semaphore, #tpu.memory_space<semaphore_mem>>
        %dma_start3A = arith.constant 0 : i32
        %dma_start3A_44 = arith.constant 0 : i32
        %dma_start3A_45 = tpu.memref_slice %arg8[%scan3A_30, %dma_start3A, %dma_start3A_44] : memref<4x128x64xf32, #tpu.memory_space<vmem>> -> memref<1x128x64xf32, #tpu.memory_space<vmem>>
        %dma_start3A_46 = tpu.memref_squeeze %dma_start3A_45 : memref<1x128x64xf32, #tpu.memory_space<vmem>> -> memref<128x64xf32, #tpu.memory_space<vmem>>
        %dma_start3A_47 = arith.constant 0 : i32
        %dma_start3A_48 = tpu.memref_slice %arg17[%add3A, %dma_start3A_47] : memref<10240x64xf32, #tpu.memory_space<vmem_shared>> -> memref<128x64xf32, #tpu.memory_space<vmem_shared>>
        %dma_start3A_49 = arith.constant 0 : i32
        %dma_start3A_50 = arith.constant 0 : i32
        %dma_start3A_51 = tpu.memref_slice %arg8[%scan3A_30, %dma_start3A_49, %dma_start3A_50] : memref<4x128x64xf32, #tpu.memory_space<vmem>> -> memref<1x128x64xf32, #tpu.memory_space<vmem>>
        %dma_start3A_52 = tpu.memref_squeeze %dma_start3A_51 : memref<1x128x64xf32, #tpu.memory_space<vmem>> -> memref<128x64xf32, #tpu.memory_space<vmem>>
        %dma_start3A_53 = arith.constant 0 : i32
        %dma_start3A_54 = tpu.memref_slice %arg17[%add3A, %dma_start3A_53] : memref<10240x64xf32, #tpu.memory_space<vmem_shared>> -> memref<128x64xf32, #tpu.memory_space<vmem_shared>>
        tpu.enqueue_dma source(%dma_start3A_54 : memref<128x64xf32, #tpu.memory_space<vmem_shared>>) target(%dma_start3A_52 : memref<128x64xf32, #tpu.memory_space<vmem>>) target_semaphore(%run_scoped3A : memref<!tpu.dma_semaphore, #tpu.memory_space<semaphore_mem>>)
        %dma_wait3A = arith.constant 0 : i32
        %dma_wait3A_55 = arith.constant 0 : i32
        %dma_wait3A_56 = tpu.memref_slice %arg8[%scan3A_30, %dma_wait3A, %dma_wait3A_55] : memref<4x128x64xf32, #tpu.memory_space<vmem>> -> memref<1x128x64xf32, #tpu.memory_space<vmem>>
        %dma_wait3A_57 = tpu.memref_squeeze %dma_wait3A_56 : memref<1x128x64xf32, #tpu.memory_space<vmem>> -> memref<128x64xf32, #tpu.memory_space<vmem>>
        %dma_wait3A_58 = arith.constant 0 : i32
        %dma_wait3A_59 = tpu.memref_slice %arg17[%add3A, %dma_wait3A_58] : memref<10240x64xf32, #tpu.memory_space<vmem_shared>> -> memref<128x64xf32, #tpu.memory_space<vmem_shared>>
        %dma_wait3A_60 = arith.constant 0 : i32
        %dma_wait3A_61 = arith.constant 0 : i32
        %dma_wait3A_62 = tpu.memref_slice %arg8[%scan3A_30, %dma_wait3A_60, %dma_wait3A_61] : memref<4x128x64xf32, #tpu.memory_space<vmem>> -> memref<1x128x64xf32, #tpu.memory_space<vmem>>
        %dma_wait3A_63 = tpu.memref_squeeze %dma_wait3A_62 : memref<1x128x64xf32, #tpu.memory_space<vmem>> -> memref<128x64xf32, #tpu.memory_space<vmem>>
        %dma_wait3A_64 = arith.constant 0 : i32
        %dma_wait3A_65 = tpu.memref_slice %arg17[%add3A, %dma_wait3A_64] : memref<10240x64xf32, #tpu.memory_space<vmem_shared>> -> memref<128x64xf32, #tpu.memory_space<vmem_shared>>
        tpu.wait_dma2 semaphore(%run_scoped3A : memref<!tpu.dma_semaphore, #tpu.memory_space<semaphore_mem>>) src(%dma_wait3A_65 : memref<128x64xf32, #tpu.memory_space<vmem_shared>>) dst(%dma_wait3A_63 : memref<128x64xf32, #tpu.memory_space<vmem>>)
        tpu.yield
      }) : () -> ()
      "tpu.region"() ({
        %run_scoped3A = tpu.sem_alloc : memref<!tpu.dma_semaphore, #tpu.memory_space<semaphore_mem>>
        %dma_start3A = arith.constant 0 : i32
        %dma_start3A_44 = arith.constant 0 : i32
        %dma_start3A_45 = tpu.memref_slice %arg8[%scan3A_30, %dma_start3A, %dma_start3A_44] : memref<4x128x64xf32, #tpu.memory_space<vmem>> -> memref<1x128x64xf32, #tpu.memory_space<vmem>>
        %dma_start3A_46 = tpu.memref_squeeze %dma_start3A_45 : memref<1x128x64xf32, #tpu.memory_space<vmem>> -> memref<128x64xf32, #tpu.memory_space<vmem>>
        %dma_start3A_47 = arith.constant 0 : i32
        %dma_start3A_48 = tpu.memref_slice %arg5[%arg0, %add3A, %dma_start3A_47] : memref<2x10240x64xf32, #tpu.memory_space<hbm>> -> memref<1x128x64xf32, #tpu.memory_space<hbm>>
        %dma_start3A_49 = tpu.memref_squeeze %dma_start3A_48 : memref<1x128x64xf32, #tpu.memory_space<hbm>> -> memref<128x64xf32, #tpu.memory_space<hbm>>
        %dma_start3A_50 = arith.constant 0 : i32
        %dma_start3A_51 = tpu.memref_slice %arg5[%arg0, %add3A, %dma_start3A_50] : memref<2x10240x64xf32, #tpu.memory_space<hbm>> -> memref<1x128x64xf32, #tpu.memory_space<hbm>>
        %dma_start3A_52 = tpu.memref_squeeze %dma_start3A_51 : memref<1x128x64xf32, #tpu.memory_space<hbm>> -> memref<128x64xf32, #tpu.memory_space<hbm>>
        %dma_start3A_53 = arith.constant 0 : i32
        %dma_start3A_54 = arith.constant 0 : i32
        %dma_start3A_55 = tpu.memref_slice %arg8[%scan3A_30, %dma_start3A_53, %dma_start3A_54] : memref<4x128x64xf32, #tpu.memory_space<vmem>> -> memref<1x128x64xf32, #tpu.memory_space<vmem>>
        %dma_start3A_56 = tpu.memref_squeeze %dma_start3A_55 : memref<1x128x64xf32, #tpu.memory_space<vmem>> -> memref<128x64xf32, #tpu.memory_space<vmem>>
        tpu.enqueue_dma source(%dma_start3A_56 : memref<128x64xf32, #tpu.memory_space<vmem>>) target(%dma_start3A_52 : memref<128x64xf32, #tpu.memory_space<hbm>>) target_semaphore(%run_scoped3A : memref<!tpu.dma_semaphore, #tpu.memory_space<semaphore_mem>>)
        %dma_wait3A = arith.constant 0 : i32
        %dma_wait3A_57 = arith.constant 0 : i32
        %dma_wait3A_58 = tpu.memref_slice %arg8[%scan3A_30, %dma_wait3A, %dma_wait3A_57] : memref<4x128x64xf32, #tpu.memory_space<vmem>> -> memref<1x128x64xf32, #tpu.memory_space<vmem>>
        %dma_wait3A_59 = tpu.memref_squeeze %dma_wait3A_58 : memref<1x128x64xf32, #tpu.memory_space<vmem>> -> memref<128x64xf32, #tpu.memory_space<vmem>>
        %dma_wait3A_60 = arith.constant 0 : i32
        %dma_wait3A_61 = tpu.memref_slice %arg5[%arg0, %add3A, %dma_wait3A_60] : memref<2x10240x64xf32, #tpu.memory_space<hbm>> -> memref<1x128x64xf32, #tpu.memory_space<hbm>>
        %dma_wait3A_62 = tpu.memref_squeeze %dma_wait3A_61 : memref<1x128x64xf32, #tpu.memory_space<hbm>> -> memref<128x64xf32, #tpu.memory_space<hbm>>
        %dma_wait3A_63 = arith.constant 0 : i32
        %dma_wait3A_64 = tpu.memref_slice %arg5[%arg0, %add3A, %dma_wait3A_63] : memref<2x10240x64xf32, #tpu.memory_space<hbm>> -> memref<1x128x64xf32, #tpu.memory_space<hbm>>
        %dma_wait3A_65 = tpu.memref_squeeze %dma_wait3A_64 : memref<1x128x64xf32, #tpu.memory_space<hbm>> -> memref<128x64xf32, #tpu.memory_space<hbm>>
        %dma_wait3A_66 = arith.constant 0 : i32
        %dma_wait3A_67 = arith.constant 0 : i32
        %dma_wait3A_68 = tpu.memref_slice %arg8[%scan3A_30, %dma_wait3A_66, %dma_wait3A_67] : memref<4x128x64xf32, #tpu.memory_space<vmem>> -> memref<1x128x64xf32, #tpu.memory_space<vmem>>
        %dma_wait3A_69 = tpu.memref_squeeze %dma_wait3A_68 : memref<1x128x64xf32, #tpu.memory_space<vmem>> -> memref<128x64xf32, #tpu.memory_space<vmem>>
        tpu.wait_dma2 semaphore(%run_scoped3A : memref<!tpu.dma_semaphore, #tpu.memory_space<semaphore_mem>>) src(%dma_wait3A_69 : memref<128x64xf32, #tpu.memory_space<vmem>>) dst(%dma_wait3A_65 : memref<128x64xf32, #tpu.memory_space<hbm>>)
        tpu.yield
      }) : () -> ()
      %scan3A_43 = arith.constant 0 : i32
      scf.yield %scan3A_43 : i32
    }
    %scan3A_37 = arith.constant 5 : i32
    return
  }
}

module attributes {stable_mosaic.version = 14 : i64} {
  func.func @_tc1_body(%arg0: i32, %arg1: memref<1000x128xf32, #tpu.memory_space<vmem>>, %arg2: memref<128x128xf32, #tpu.memory_space<vmem>>, %arg3: memref<1000x16xf32, #tpu.memory_space<vmem>>, %arg4: memref<1000x16xf32, #tpu.memory_space<vmem>>, %arg5: memref<1000x128xf32, #tpu.memory_space<vmem>>, %arg6: memref<1000x16xf32, #tpu.memory_space<vmem>>) attributes {dimension_semantics = [#tpu.dimension_semantics<arbitrary>], iteration_bounds = array<i64: 10>, scalar_prefetch = 0 : i64, scratch_operands = 0 : i64, tpu.core_type = #tpu.core_type<tc>, window_params = [{transform_indices = @transform_0, window_bounds = array<i64: 1000, 128>}, {pipeline_mode = #tpu.pipeline_mode<synchronous>, transform_indices = @transform_1, window_bounds = array<i64: 128, 128>}, {transform_indices = @transform_2, window_bounds = array<i64: 1000, 16>}, {transform_indices = @transform_3, window_bounds = array<i64: 1000, 16>}, {transform_indices = @transform_4, window_bounds = array<i64: 1000, 128>}, {transform_indices = @transform_5, window_bounds = array<i64: 1000, 16>}]} {
    %get3A = arith.constant 0 : index
    %get3A_0 = arith.constant 0 : index
    %get3A_1 = vector.load %arg3[%get3A, %get3A_0] : memref<1000x16xf32, #tpu.memory_space<vmem>>, vector<1000x1xf32>
    %add3A = arith.constant 1.000000e+00 : f32
    %add3A_2 = vector.broadcast %add3A : f32 to vector<1000x1xf32>
    %add3A_3 = arith.addf %add3A_2, %get3A_1 : vector<1000x1xf32>
    %get3A_4 = arith.constant 0 : index
    %get3A_5 = arith.constant 0 : index
    %get3A_6 = vector.load %arg4[%get3A_4, %get3A_5] : memref<1000x16xf32, #tpu.memory_space<vmem>>, vector<1000x1xf32>
    %add3A_7 = arith.addf %add3A_3, %get3A_6 : vector<1000x1xf32>
    %rsqrt3A = math.rsqrt %add3A_7 : vector<1000x1xf32>
    %get3A_8 = arith.constant 0 : index
    %get3A_9 = arith.constant 0 : index
    %get3A_10 = vector.load %arg1[%get3A_8, %get3A_9] : memref<1000x128xf32, #tpu.memory_space<vmem>>, vector<1000x128xf32>
    %get3A_11 = arith.constant 0 : index
    %get3A_12 = arith.constant 0 : index
    %get3A_13 = vector.load %arg2[%get3A_11, %get3A_12] : memref<128x128xf32, #tpu.memory_space<vmem>>, vector<128x128xf32>
    %dot_general3A = arith.constant dense<0.000000e+00> : vector<1000x128xf32>
    %dot_general3A_14 = tpu.matmul %get3A_10, %get3A_13, %dot_general3A {dimension_numbers = #tpu.dot_dimension_numbers<[1], [0], [0], [1], [0, 0, 1, 1], [], []>, transpose_lhs_hint = false} : vector<1000x128xf32>, vector<128x128xf32>, vector<1000x128xf32> -> vector<1000x128xf32>
    %mul3A = vector.broadcast %rsqrt3A : vector<1000x1xf32> to vector<1000x128xf32>
    %mul3A_15 = arith.mulf %dot_general3A_14, %mul3A : vector<1000x128xf32>
    %swap3A = arith.constant 0 : index
    %swap3A_16 = arith.constant 0 : index
    %swap3A_17 = vector.load %arg5[%swap3A, %swap3A_16] : memref<1000x128xf32, #tpu.memory_space<vmem>>, vector<1000x128xf32>
    tpu.vector_store %arg5[%swap3A, %swap3A_16], %mul3A_15 {strides = array<i32>} : memref<1000x128xf32, #tpu.memory_space<vmem>>, vector<1000x128xf32>,
    %broadcast_in_dim3A = vector.shape_cast %rsqrt3A : vector<1000x1xf32> to vector<1000x1xf32>
    %broadcast_in_dim3A_18 = vector.broadcast %broadcast_in_dim3A : vector<1000x1xf32> to vector<1000x16xf32>
    %swap3A_19 = arith.constant 0 : index
    %swap3A_20 = arith.constant 0 : index
    %swap3A_21 = vector.load %arg6[%swap3A_19, %swap3A_20] : memref<1000x16xf32, #tpu.memory_space<vmem>>, vector<1000x16xf32>
    tpu.vector_store %arg6[%swap3A_19, %swap3A_20], %broadcast_in_dim3A_18 {strides = array<i32>} : memref<1000x16xf32, #tpu.memory_space<vmem>>, vector<1000x16xf32>,
    return
  }
  func.func @transform_0(%arg0: i32) -> (i32, i32) {
    %c0_i32 = arith.constant 0 : i32
    %c0_i32_0 = arith.constant 0 : i32
    return %arg0, %c0_i32 : i32, i32
  }
  func.func @transform_1(%arg0: i32) -> (i32, i32) {
    %c0_i32 = arith.constant 0 : i32
    %c0_i32_0 = arith.constant 0 : i32
    %c0_i32_1 = arith.constant 0 : i32
    return %c0_i32, %c0_i32_0 : i32, i32
  }
  func.func @transform_2(%arg0: i32) -> (i32, i32) {
    %c0_i32 = arith.constant 0 : i32
    %c0_i32_0 = arith.constant 0 : i32
    return %arg0, %c0_i32 : i32, i32
  }
  func.func @transform_3(%arg0: i32) -> (i32, i32) {
    %c0_i32 = arith.constant 0 : i32
    %c0_i32_0 = arith.constant 0 : i32
    return %arg0, %c0_i32 : i32, i32
  }
  func.func @transform_4(%arg0: i32) -> (i32, i32) {
    %c0_i32 = arith.constant 0 : i32
    %c0_i32_0 = arith.constant 0 : i32
    return %arg0, %c0_i32 : i32, i32
  }
  func.func @transform_5(%arg0: i32) -> (i32, i32) {
    %c0_i32 = arith.constant 0 : i32
    %c0_i32_0 = arith.constant 0 : i32
    return %arg0, %c0_i32 : i32, i32
  }
}

module attributes {stable_mosaic.version = 14 : i64} {
  func.func @_tc_layer_body(%arg0: i32, %arg1: memref<1000x64xf32, #tpu.memory_space<vmem>>, %arg2: memref<1000x64xf32, #tpu.memory_space<vmem>>, %arg3: memref<1000x128xf32, #tpu.memory_space<vmem>>, %arg4: memref<1000x16xf32, #tpu.memory_space<vmem>>, %arg5: memref<1x128xf32, #tpu.memory_space<vmem>>, %arg6: memref<128x128xf32, #tpu.memory_space<vmem>>, %arg7: memref<1000x128xf32, #tpu.memory_space<vmem>>) attributes {dimension_semantics = [#tpu.dimension_semantics<arbitrary>], iteration_bounds = array<i64: 10>, scalar_prefetch = 0 : i64, scratch_operands = 0 : i64, tpu.core_type = #tpu.core_type<tc>, window_params = [{transform_indices = @transform_0, window_bounds = array<i64: 1000, 64>}, {transform_indices = @transform_1, window_bounds = array<i64: 1000, 64>}, {transform_indices = @transform_2, window_bounds = array<i64: 1000, 128>}, {transform_indices = @transform_3, window_bounds = array<i64: 1000, 16>}, {pipeline_mode = #tpu.pipeline_mode<synchronous>, transform_indices = @transform_4, window_bounds = array<i64: 1, 128>}, {pipeline_mode = #tpu.pipeline_mode<synchronous>, transform_indices = @transform_5, window_bounds = array<i64: 128, 128>}, {transform_indices = @transform_6, window_bounds = array<i64: 1000, 128>}]} {
    %get3A = arith.constant 0 : index
    %get3A_0 = arith.constant 0 : index
    %get3A_1 = vector.load %arg4[%get3A, %get3A_0] : memref<1000x16xf32, #tpu.memory_space<vmem>>, vector<1000x1xf32>
    %get3A_2 = arith.constant 0 : index
    %get3A_3 = arith.constant 0 : index
    %get3A_4 = vector.load %arg1[%get3A_2, %get3A_3] : memref<1000x64xf32, #tpu.memory_space<vmem>>, vector<1000x64xf32>
    %get3A_5 = arith.constant 0 : index
    %get3A_6 = arith.constant 0 : index
    %get3A_7 = vector.load %arg2[%get3A_5, %get3A_6] : memref<1000x64xf32, #tpu.memory_space<vmem>>, vector<1000x64xf32>
    %concatenate3A = tpu.concatenate %get3A_4, %get3A_7 in 1 : vector<1000x64xf32>, vector<1000x64xf32> -> vector<1000x128xf32>
    %get3A_8 = arith.constant 0 : index
    %get3A_9 = arith.constant 0 : index
    %get3A_10 = vector.load %arg3[%get3A_8, %get3A_9] : memref<1000x128xf32, #tpu.memory_space<vmem>>, vector<1000x128xf32>
    %add3A = arith.addf %concatenate3A, %get3A_10 : vector<1000x128xf32>
    %mul3A = vector.broadcast %get3A_1 : vector<1000x1xf32> to vector<1000x128xf32>
    %mul3A_11 = arith.mulf %mul3A, %add3A : vector<1000x128xf32>
    %get3A_12 = arith.constant 0 : index
    %get3A_13 = arith.constant 0 : index
    %get3A_14 = vector.load %arg5[%get3A_12, %get3A_13] : memref<1x128xf32, #tpu.memory_space<vmem>>, vector<1x128xf32>
    %add3A_15 = vector.broadcast %get3A_14 : vector<1x128xf32> to vector<1000x128xf32>
    %add3A_16 = arith.addf %mul3A_11, %add3A_15 : vector<1000x128xf32>
    %max3A = arith.constant 0.000000e+00 : f32
    %max3A_17 = vector.broadcast %max3A : f32 to vector<1000x128xf32>
    %max3A_18 = arith.maximumf %add3A_16, %max3A_17 : vector<1000x128xf32>
    %get3A_19 = arith.constant 0 : index
    %get3A_20 = arith.constant 0 : index
    %get3A_21 = vector.load %arg6[%get3A_19, %get3A_20] : memref<128x128xf32, #tpu.memory_space<vmem>>, vector<128x128xf32>
    %dot_general3A = arith.constant dense<0.000000e+00> : vector<1000x128xf32>
    %dot_general3A_22 = tpu.matmul %max3A_18, %get3A_21, %dot_general3A {dimension_numbers = #tpu.dot_dimension_numbers<[1], [0], [0], [1], [0, 0, 1, 1], [], []>, transpose_lhs_hint = false} : vector<1000x128xf32>, vector<128x128xf32>, vector<1000x128xf32> -> vector<1000x128xf32>
    %mul3A_23 = vector.broadcast %get3A_1 : vector<1000x1xf32> to vector<1000x128xf32>
    %mul3A_24 = arith.mulf %mul3A_23, %dot_general3A_22 : vector<1000x128xf32>
    %swap3A = arith.constant 0 : index
    %swap3A_25 = arith.constant 0 : index
    %swap3A_26 = vector.load %arg7[%swap3A, %swap3A_25] : memref<1000x128xf32, #tpu.memory_space<vmem>>, vector<1000x128xf32>
    tpu.vector_store %arg7[%swap3A, %swap3A_25], %mul3A_24 {strides = array<i32>} : memref<1000x128xf32, #tpu.memory_space<vmem>>, vector<1000x128xf32>,
    return
  }
  func.func @transform_0(%arg0: i32) -> (i32, i32) {
    %c0_i32 = arith.constant 0 : i32
    %c0_i32_0 = arith.constant 0 : i32
    return %arg0, %c0_i32 : i32, i32
  }
  func.func @transform_1(%arg0: i32) -> (i32, i32) {
    %c0_i32 = arith.constant 0 : i32
    %c0_i32_0 = arith.constant 0 : i32
    return %arg0, %c0_i32 : i32, i32
  }
  func.func @transform_2(%arg0: i32) -> (i32, i32) {
    %c0_i32 = arith.constant 0 : i32
    %c0_i32_0 = arith.constant 0 : i32
    return %arg0, %c0_i32 : i32, i32
  }
  func.func @transform_3(%arg0: i32) -> (i32, i32) {
    %c0_i32 = arith.constant 0 : i32
    %c0_i32_0 = arith.constant 0 : i32
    return %arg0, %c0_i32 : i32, i32
  }
  func.func @transform_4(%arg0: i32) -> (i32, i32) {
    %c0_i32 = arith.constant 0 : i32
    %c0_i32_0 = arith.constant 0 : i32
    %c0_i32_1 = arith.constant 0 : i32
    return %c0_i32, %c0_i32_0 : i32, i32
  }
  func.func @transform_5(%arg0: i32) -> (i32, i32) {
    %c0_i32 = arith.constant 0 : i32
    %c0_i32_0 = arith.constant 0 : i32
    %c0_i32_1 = arith.constant 0 : i32
    return %c0_i32, %c0_i32_0 : i32, i32
  }
  func.func @transform_6(%arg0: i32) -> (i32, i32) {
    %c0_i32 = arith.constant 0 : i32
    %c0_i32_0 = arith.constant 0 : i32
    return %arg0, %c0_i32 : i32, i32
  }
}

module attributes {stable_mosaic.version = 14 : i64} {
  func.func @_tc_f1_body(%arg0: i32, %arg1: memref<1000x64xf32, #tpu.memory_space<vmem>>, %arg2: memref<1000x64xf32, #tpu.memory_space<vmem>>, %arg3: memref<1000x128xf32, #tpu.memory_space<vmem>>, %arg4: memref<1000x16xf32, #tpu.memory_space<vmem>>, %arg5: memref<1x128xf32, #tpu.memory_space<vmem>>, %arg6: memref<128x128xf32, #tpu.memory_space<vmem>>, %arg7: memref<1000x16xi32, #tpu.memory_space<vmem>>, %arg8: memref<1000x128xf32, #tpu.memory_space<vmem>>, %arg9: memref<1000x16xf32, #tpu.memory_space<vmem>>, %arg10: memref<8x128xf32, #tpu.memory_space<vmem>>) attributes {dimension_semantics = [#tpu.dimension_semantics<arbitrary>], iteration_bounds = array<i64: 10>, scalar_prefetch = 0 : i64, scratch_operands = 0 : i64, tpu.core_type = #tpu.core_type<tc>, window_params = [{transform_indices = @transform_0, window_bounds = array<i64: 1000, 64>}, {transform_indices = @transform_1, window_bounds = array<i64: 1000, 64>}, {transform_indices = @transform_2, window_bounds = array<i64: 1000, 128>}, {transform_indices = @transform_3, window_bounds = array<i64: 1000, 16>}, {pipeline_mode = #tpu.pipeline_mode<synchronous>, transform_indices = @transform_4, window_bounds = array<i64: 1, 128>}, {pipeline_mode = #tpu.pipeline_mode<synchronous>, transform_indices = @transform_5, window_bounds = array<i64: 128, 128>}, {transform_indices = @transform_6, window_bounds = array<i64: 1000, 16>}, {transform_indices = @transform_7, window_bounds = array<i64: 1000, 128>}, {transform_indices = @transform_8, window_bounds = array<i64: 1000, 16>}, {pipeline_mode = #tpu.pipeline_mode<synchronous>, transform_indices = @transform_9, window_bounds = array<i64: 8, 128>}]} {
    %get3A = arith.constant 0 : index
    %get3A_0 = arith.constant 0 : index
    %get3A_1 = vector.load %arg4[%get3A, %get3A_0] : memref<1000x16xf32, #tpu.memory_space<vmem>>, vector<1000x1xf32>
    %get3A_2 = arith.constant 0 : index
    %get3A_3 = arith.constant 0 : index
    %get3A_4 = vector.load %arg1[%get3A_2, %get3A_3] : memref<1000x64xf32, #tpu.memory_space<vmem>>, vector<1000x64xf32>
    %get3A_5 = arith.constant 0 : index
    %get3A_6 = arith.constant 0 : index
    %get3A_7 = vector.load %arg2[%get3A_5, %get3A_6] : memref<1000x64xf32, #tpu.memory_space<vmem>>, vector<1000x64xf32>
    %concatenate3A = tpu.concatenate %get3A_4, %get3A_7 in 1 : vector<1000x64xf32>, vector<1000x64xf32> -> vector<1000x128xf32>
    %get3A_8 = arith.constant 0 : index
    %get3A_9 = arith.constant 0 : index
    %get3A_10 = vector.load %arg3[%get3A_8, %get3A_9] : memref<1000x128xf32, #tpu.memory_space<vmem>>, vector<1000x128xf32>
    %add3A = arith.addf %concatenate3A, %get3A_10 : vector<1000x128xf32>
    %mul3A = vector.broadcast %get3A_1 : vector<1000x1xf32> to vector<1000x128xf32>
    %mul3A_11 = arith.mulf %mul3A, %add3A : vector<1000x128xf32>
    %get3A_12 = arith.constant 0 : index
    %get3A_13 = arith.constant 0 : index
    %get3A_14 = vector.load %arg5[%get3A_12, %get3A_13] : memref<1x128xf32, #tpu.memory_space<vmem>>, vector<1x128xf32>
    %add3A_15 = vector.broadcast %get3A_14 : vector<1x128xf32> to vector<1000x128xf32>
    %add3A_16 = arith.addf %mul3A_11, %add3A_15 : vector<1000x128xf32>
    %swap3A = arith.constant 0 : index
    %swap3A_17 = arith.constant 0 : index
    %swap3A_18 = vector.load %arg8[%swap3A, %swap3A_17] : memref<1000x128xf32, #tpu.memory_space<vmem>>, vector<1000x128xf32>
    tpu.vector_store %arg8[%swap3A, %swap3A_17], %add3A_16 {strides = array<i32>} : memref<1000x128xf32, #tpu.memory_space<vmem>>, vector<1000x128xf32>,
    %get3A_19 = arith.constant 0 : index
    %get3A_20 = arith.constant 0 : index
    %get3A_21 = vector.load %arg6[%get3A_19, %get3A_20] : memref<128x128xf32, #tpu.memory_space<vmem>>, vector<128x128xf32>
    %dot_general3A = arith.constant dense<0.000000e+00> : vector<1000x128xf32>
    %dot_general3A_22 = tpu.matmul %add3A_16, %get3A_21, %dot_general3A {dimension_numbers = #tpu.dot_dimension_numbers<[1], [0], [0], [1], [0, 0, 1, 1], [], []>, transpose_lhs_hint = false} : vector<1000x128xf32>, vector<128x128xf32>, vector<1000x128xf32> -> vector<1000x128xf32>
    %slice3A = vector.extract_strided_slice %dot_general3A_22 {offsets = [0, 0], sizes = [1000, 1], strides = [1, 1]} : vector<1000x128xf32> to vector<1000x1xf32>
    %broadcast_in_dim3A = vector.shape_cast %slice3A : vector<1000x1xf32> to vector<1000x1xf32>
    %broadcast_in_dim3A_23 = vector.broadcast %broadcast_in_dim3A : vector<1000x1xf32> to vector<1000x16xf32>
    %swap3A_24 = arith.constant 0 : index
    %swap3A_25 = arith.constant 0 : index
    %swap3A_26 = vector.load %arg9[%swap3A_24, %swap3A_25] : memref<1000x16xf32, #tpu.memory_space<vmem>>, vector<1000x16xf32>
    tpu.vector_store %arg9[%swap3A_24, %swap3A_25], %broadcast_in_dim3A_23 {strides = array<i32>} : memref<1000x16xf32, #tpu.memory_space<vmem>>, vector<1000x16xf32>,
    %eq3A = arith.constant 0 : i32
    %eq3A_27 = arith.cmpi eq, %arg0, %eq3A : i32
    %convert_element_type3A = arith.extui %eq3A_27 : i1 to i32
    %cond3A = arith.constant 0 : i32
    %cond3A_28 = arith.cmpi ne, %convert_element_type3A, %cond3A : i32
    scf.if %cond3A_28 {
      %broadcast_in_dim3A_47 = arith.constant 0xFF800000 : f32
      %broadcast_in_dim3A_48 = vector.broadcast %broadcast_in_dim3A_47 : f32 to vector<8x128xf32>
      %swap3A_49 = arith.constant 0 : index
      %swap3A_50 = arith.constant 0 : index
      %swap3A_51 = vector.load %arg10[%swap3A_49, %swap3A_50] : memref<8x128xf32, #tpu.memory_space<vmem>>, vector<8x128xf32>
      tpu.vector_store %arg10[%swap3A_49, %swap3A_50], %broadcast_in_dim3A_48 {strides = array<i32>} : memref<8x128xf32, #tpu.memory_space<vmem>>, vector<8x128xf32>,
    } else {
    }
    %get3A_29 = arith.constant 0 : index
    %get3A_30 = arith.constant 0 : index
    %get3A_31 = vector.load %arg7[%get3A_29, %get3A_30] : memref<1000x16xi32, #tpu.memory_space<vmem>>, vector<1000x1xi32>
    %iota3A = tpu.iota {dimensions = array<i32: 1>} : vector<1000x128xi32>
    %eq3A_32 = vector.broadcast %get3A_31 : vector<1000x1xi32> to vector<1000x128xi32>
    %eq3A_33 = arith.cmpi eq, %eq3A_32, %iota3A : vector<1000x128xi32>
    %jit3A = arith.constant 0xFF800000 : f32
    %broadcast_in_dim3A_34 = vector.shape_cast %slice3A : vector<1000x1xf32> to vector<1000x1xf32>
    %broadcast_in_dim3A_35 = vector.broadcast %broadcast_in_dim3A_34 : vector<1000x1xf32> to vector<1000x128xf32>
    %broadcast_in_dim3A_36 = vector.broadcast %jit3A : f32 to vector<1000x128xf32>
    %select_n3A = arith.select %eq3A_33, %broadcast_in_dim3A_35, %broadcast_in_dim3A_36 : vector<1000x128xi1>, vector<1000x128xf32>
    %reduce_max3A = arith.constant dense<0xFF800000> : vector<128xf32>
    %reduce_max3A_37 = vector.multi_reduction <maximumf>, %select_n3A, %reduce_max3A [0] : vector<1000x128xf32> to vector<128xf32>
    %broadcast_in_dim3A_38 = vector.shape_cast %reduce_max3A_37 : vector<128xf32> to vector<1x128xf32>
    %get3A_39 = arith.constant 0 : index
    %get3A_40 = arith.constant 0 : index
    %get3A_41 = vector.load %arg10[%get3A_39, %get3A_40] : memref<8x128xf32, #tpu.memory_space<vmem>>, vector<8x128xf32>
    %broadcast_in_dim3A_42 = vector.shape_cast %broadcast_in_dim3A_38 : vector<1x128xf32> to vector<1x128xf32>
    %broadcast_in_dim3A_43 = vector.broadcast %broadcast_in_dim3A_42 : vector<1x128xf32> to vector<8x128xf32>
    %max3A = arith.maximumf %get3A_41, %broadcast_in_dim3A_43 : vector<8x128xf32>
    %swap3A_44 = arith.constant 0 : index
    %swap3A_45 = arith.constant 0 : index
    %swap3A_46 = vector.load %arg10[%swap3A_44, %swap3A_45] : memref<8x128xf32, #tpu.memory_space<vmem>>, vector<8x128xf32>
    tpu.vector_store %arg10[%swap3A_44, %swap3A_45], %max3A {strides = array<i32>} : memref<8x128xf32, #tpu.memory_space<vmem>>, vector<8x128xf32>,
    return
  }
  func.func @transform_0(%arg0: i32) -> (i32, i32) {
    %c0_i32 = arith.constant 0 : i32
    %c0_i32_0 = arith.constant 0 : i32
    return %arg0, %c0_i32 : i32, i32
  }
  func.func @transform_1(%arg0: i32) -> (i32, i32) {
    %c0_i32 = arith.constant 0 : i32
    %c0_i32_0 = arith.constant 0 : i32
    return %arg0, %c0_i32 : i32, i32
  }
  func.func @transform_2(%arg0: i32) -> (i32, i32) {
    %c0_i32 = arith.constant 0 : i32
    %c0_i32_0 = arith.constant 0 : i32
    return %arg0, %c0_i32 : i32, i32
  }
  func.func @transform_3(%arg0: i32) -> (i32, i32) {
    %c0_i32 = arith.constant 0 : i32
    %c0_i32_0 = arith.constant 0 : i32
    return %arg0, %c0_i32 : i32, i32
  }
  func.func @transform_4(%arg0: i32) -> (i32, i32) {
    %c0_i32 = arith.constant 0 : i32
    %c0_i32_0 = arith.constant 0 : i32
    %c0_i32_1 = arith.constant 0 : i32
    return %c0_i32, %c0_i32_0 : i32, i32
  }
  func.func @transform_5(%arg0: i32) -> (i32, i32) {
    %c0_i32 = arith.constant 0 : i32
    %c0_i32_0 = arith.constant 0 : i32
    %c0_i32_1 = arith.constant 0 : i32
    return %c0_i32, %c0_i32_0 : i32, i32
  }
  func.func @transform_6(%arg0: i32) -> (i32, i32) {
    %c0_i32 = arith.constant 0 : i32
    %c0_i32_0 = arith.constant 0 : i32
    return %arg0, %c0_i32 : i32, i32
  }
  func.func @transform_7(%arg0: i32) -> (i32, i32) {
    %c0_i32 = arith.constant 0 : i32
    %c0_i32_0 = arith.constant 0 : i32
    return %arg0, %c0_i32 : i32, i32
  }
  func.func @transform_8(%arg0: i32) -> (i32, i32) {
    %c0_i32 = arith.constant 0 : i32
    %c0_i32_0 = arith.constant 0 : i32
    return %arg0, %c0_i32 : i32, i32
  }
  func.func @transform_9(%arg0: i32) -> (i32, i32) {
    %c0_i32 = arith.constant 0 : i32
    %c0_i32_0 = arith.constant 0 : i32
    %c0_i32_1 = arith.constant 0 : i32
    return %c0_i32, %c0_i32_0 : i32, i32
  }
}

module attributes {stable_mosaic.version = 14 : i64} {
  func.func @_tc_f2_body(%arg0: i32, %arg1: memref<1000x128xf32, #tpu.memory_space<vmem>>, %arg2: memref<1000x16xf32, #tpu.memory_space<vmem>>, %arg3: memref<1000x16xi32, #tpu.memory_space<vmem>>, %arg4: memref<8x128xf32, #tpu.memory_space<vmem>>, %arg5: memref<128x128xf32, #tpu.memory_space<vmem>>, %arg6: memref<1x128xf32, #tpu.memory_space<vmem>>, %arg7: memref<128x128xf32, #tpu.memory_space<vmem>>, %arg8: memref<128x128xf32, #tpu.memory_space<vmem>>, %arg9: memref<128x128xf32, #tpu.memory_space<vmem>>) attributes {dimension_semantics = [#tpu.dimension_semantics<arbitrary>], iteration_bounds = array<i64: 10>, scalar_prefetch = 0 : i64, scratch_operands = 2 : i64, tpu.core_type = #tpu.core_type<tc>, window_params = [{transform_indices = @transform_0, window_bounds = array<i64: 1000, 128>}, {transform_indices = @transform_1, window_bounds = array<i64: 1000, 16>}, {transform_indices = @transform_2, window_bounds = array<i64: 1000, 16>}, {pipeline_mode = #tpu.pipeline_mode<synchronous>, transform_indices = @transform_3, window_bounds = array<i64: 8, 128>}, {pipeline_mode = #tpu.pipeline_mode<synchronous>, transform_indices = @transform_4, window_bounds = array<i64: 128, 128>}, {pipeline_mode = #tpu.pipeline_mode<synchronous>, transform_indices = @transform_5, window_bounds = array<i64: 1, 128>}, {pipeline_mode = #tpu.pipeline_mode<synchronous>, transform_indices = @transform_6, window_bounds = array<i64: 128, 128>}]} {
    %eq3A = arith.constant 0 : i32
    %eq3A_0 = arith.cmpi eq, %arg0, %eq3A : i32
    %convert_element_type3A = arith.extui %eq3A_0 : i1 to i32
    %cond3A = arith.constant 0 : i32
    %cond3A_1 = arith.cmpi ne, %convert_element_type3A, %cond3A : i32
    scf.if %cond3A_1 {
      %broadcast_in_dim3A_46 = arith.constant 0.000000e+00 : f32
      %broadcast_in_dim3A_47 = vector.broadcast %broadcast_in_dim3A_46 : f32 to vector<128x128xf32>
      %swap3A_48 = arith.constant 0 : index
      %swap3A_49 = arith.constant 0 : index
      %swap3A_50 = vector.load %arg8[%swap3A_48, %swap3A_49] : memref<128x128xf32, #tpu.memory_space<vmem>>, vector<128x128xf32>
      tpu.vector_store %arg8[%swap3A_48, %swap3A_49], %broadcast_in_dim3A_47 {strides = array<i32>} : memref<128x128xf32, #tpu.memory_space<vmem>>, vector<128x128xf32>,
      %broadcast_in_dim3A_51 = arith.constant 0.000000e+00 : f32
      %broadcast_in_dim3A_52 = vector.broadcast %broadcast_in_dim3A_51 : f32 to vector<128x128xf32>
      %swap3A_53 = arith.constant 0 : index
      %swap3A_54 = arith.constant 0 : index
      %swap3A_55 = vector.load %arg9[%swap3A_53, %swap3A_54] : memref<128x128xf32, #tpu.memory_space<vmem>>, vector<128x128xf32>
      tpu.vector_store %arg9[%swap3A_53, %swap3A_54], %broadcast_in_dim3A_52 {strides = array<i32>} : memref<128x128xf32, #tpu.memory_space<vmem>>, vector<128x128xf32>,
    } else {
    }
    %get3A = arith.constant 0 : index
    %get3A_2 = arith.constant 0 : index
    %get3A_3 = vector.load %arg3[%get3A, %get3A_2] : memref<1000x16xi32, #tpu.memory_space<vmem>>, vector<1000x1xi32>
    %iota3A = tpu.iota {dimensions = array<i32: 1>} : vector<1000x128xi32>
    %eq3A_4 = vector.broadcast %get3A_3 : vector<1000x1xi32> to vector<1000x128xi32>
    %eq3A_5 = arith.cmpi eq, %eq3A_4, %iota3A : vector<1000x128xi32>
    %get3A_6 = arith.constant 0 : index
    %get3A_7 = arith.constant 0 : index
    %get3A_8 = vector.load %arg4[%get3A_6, %get3A_7] : memref<8x128xf32, #tpu.memory_space<vmem>>, vector<1x128xf32>
    %broadcast_in_dim3A = vector.shape_cast %get3A_8 : vector<1x128xf32> to vector<1x128xf32>
    %broadcast_in_dim3A_9 = vector.broadcast %broadcast_in_dim3A : vector<1x128xf32> to vector<1000x128xf32>
    %jit3A = arith.constant 0xFF800000 : f32
    %broadcast_in_dim3A_10 = vector.broadcast %jit3A : f32 to vector<1000x128xf32>
    %select_n3A = arith.select %eq3A_5, %broadcast_in_dim3A_9, %broadcast_in_dim3A_10 : vector<1000x128xi1>, vector<1000x128xf32>
    %reduce_max3A = arith.constant dense<0xFF800000> : vector<1000xf32>
    %reduce_max3A_11 = vector.multi_reduction <maximumf>, %select_n3A, %reduce_max3A [1] : vector<1000x128xf32> to vector<1000xf32>
    %broadcast_in_dim3A_12 = vector.shape_cast %reduce_max3A_11 : vector<1000xf32> to vector<1000x1xf32>
    %get3A_13 = arith.constant 0 : index
    %get3A_14 = arith.constant 0 : index
    %get3A_15 = vector.load %arg2[%get3A_13, %get3A_14] : memref<1000x16xf32, #tpu.memory_space<vmem>>, vector<1000x1xf32>
    %sub3A = arith.subf %get3A_15, %broadcast_in_dim3A_12 : vector<1000x1xf32>
    %exp3A = math.exp %sub3A : vector<1000x1xf32>
    %broadcast_in_dim3A_16 = vector.shape_cast %exp3A : vector<1000x1xf32> to vector<1000x1xf32>
    %broadcast_in_dim3A_17 = vector.broadcast %broadcast_in_dim3A_16 : vector<1000x1xf32> to vector<1000x128xf32>
    %jit3A_18 = arith.constant 0.000000e+00 : f32
    %broadcast_in_dim3A_19 = vector.broadcast %jit3A_18 : f32 to vector<1000x128xf32>
    %select_n3A_20 = arith.select %eq3A_5, %broadcast_in_dim3A_17, %broadcast_in_dim3A_19 : vector<1000x128xi1>, vector<1000x128xf32>
    %get3A_21 = arith.constant 0 : index
    %get3A_22 = arith.constant 0 : index
    %get3A_23 = vector.load %arg8[%get3A_21, %get3A_22] : memref<128x128xf32, #tpu.memory_space<vmem>>, vector<128x128xf32>
    %get3A_24 = arith.constant 0 : index
    %get3A_25 = arith.constant 0 : index
    %get3A_26 = vector.load %arg1[%get3A_24, %get3A_25] : memref<1000x128xf32, #tpu.memory_space<vmem>>, vector<1000x128xf32>
    %dot_general3A = arith.constant dense<0.000000e+00> : vector<128x128xf32>
    %dot_general3A_27 = tpu.matmul %select_n3A_20, %get3A_26, %dot_general3A {dimension_numbers = #tpu.dot_dimension_numbers<[0], [0], [1], [1], [0, 1, 1, 1], [], []>, transpose_lhs_hint = false} : vector<1000x128xf32>, vector<1000x128xf32>, vector<128x128xf32> -> vector<128x128xf32>
    %add3A = arith.addf %get3A_23, %dot_general3A_27 : vector<128x128xf32>
    %swap3A = arith.constant 0 : index
    %swap3A_28 = arith.constant 0 : index
    %swap3A_29 = vector.load %arg8[%swap3A, %swap3A_28] : memref<128x128xf32, #tpu.memory_space<vmem>>, vector<128x128xf32>
    tpu.vector_store %arg8[%swap3A, %swap3A_28], %add3A {strides = array<i32>} : memref<128x128xf32, #tpu.memory_space<vmem>>, vector<128x128xf32>,
    %get3A_30 = arith.constant 0 : index
    %get3A_31 = arith.constant 0 : index
    %get3A_32 = vector.load %arg9[%get3A_30, %get3A_31] : memref<128x128xf32, #tpu.memory_space<vmem>>, vector<128x128xf32>
    %broadcast_in_dim3A_33 = arith.constant 1.000000e+00 : f32
    %broadcast_in_dim3A_34 = vector.broadcast %broadcast_in_dim3A_33 : f32 to vector<1000x128xf32>
    %dot_general3A_35 = arith.constant dense<0.000000e+00> : vector<128x128xf32>
    %dot_general3A_36 = tpu.matmul %select_n3A_20, %broadcast_in_dim3A_34, %dot_general3A_35 {dimension_numbers = #tpu.dot_dimension_numbers<[0], [0], [1], [1], [0, 1, 1, 1], [], []>, transpose_lhs_hint = false} : vector<1000x128xf32>, vector<1000x128xf32>, vector<128x128xf32> -> vector<128x128xf32>
    %add3A_37 = arith.addf %get3A_32, %dot_general3A_36 : vector<128x128xf32>
    %swap3A_38 = arith.constant 0 : index
    %swap3A_39 = arith.constant 0 : index
    %swap3A_40 = vector.load %arg9[%swap3A_38, %swap3A_39] : memref<128x128xf32, #tpu.memory_space<vmem>>, vector<128x128xf32>
    tpu.vector_store %arg9[%swap3A_38, %swap3A_39], %add3A_37 {strides = array<i32>} : memref<128x128xf32, #tpu.memory_space<vmem>>, vector<128x128xf32>,
    %eq3A_41 = arith.constant 9 : i32
    %eq3A_42 = arith.cmpi eq, %arg0, %eq3A_41 : i32
    %convert_element_type3A_43 = arith.extui %eq3A_42 : i1 to i32
    %cond3A_44 = arith.constant 0 : i32
    %cond3A_45 = arith.cmpi ne, %convert_element_type3A_43, %cond3A_44 : i32
    scf.if %cond3A_45 {
      %get3A_46 = arith.constant 0 : index
      %get3A_47 = arith.constant 0 : index
      %get3A_48 = vector.load %arg8[%get3A_46, %get3A_47] : memref<128x128xf32, #tpu.memory_space<vmem>>, vector<128x128xf32>
      %get3A_49 = arith.constant 0 : index
      %get3A_50 = arith.constant 0 : index
      %get3A_51 = vector.load %arg9[%get3A_49, %get3A_50] : memref<128x128xf32, #tpu.memory_space<vmem>>, vector<128x128xf32>
      %add3A_52 = arith.constant 1.000000e-16 : f32
      %add3A_53 = vector.broadcast %add3A_52 : f32 to vector<128x128xf32>
      %add3A_54 = arith.addf %get3A_51, %add3A_53 : vector<128x128xf32>
      %div3A = arith.divf %get3A_48, %add3A_54 : vector<128x128xf32>
      %get3A_55 = arith.constant 0 : index
      %get3A_56 = arith.constant 0 : index
      %get3A_57 = vector.load %arg5[%get3A_55, %get3A_56] : memref<128x128xf32, #tpu.memory_space<vmem>>, vector<128x128xf32>
      %dot_general3A_58 = arith.constant dense<0.000000e+00> : vector<128x128xf32>
      %dot_general3A_59 = tpu.matmul %div3A, %get3A_57, %dot_general3A_58 {dimension_numbers = #tpu.dot_dimension_numbers<[1], [0], [0], [1], [0, 0, 1, 1], [], []>, transpose_lhs_hint = false} : vector<128x128xf32>, vector<128x128xf32>, vector<128x128xf32> -> vector<128x128xf32>
      %get3A_60 = arith.constant 0 : index
      %get3A_61 = arith.constant 0 : index
      %get3A_62 = vector.load %arg6[%get3A_60, %get3A_61] : memref<1x128xf32, #tpu.memory_space<vmem>>, vector<1x128xf32>
      %add3A_63 = vector.broadcast %get3A_62 : vector<1x128xf32> to vector<128x128xf32>
      %add3A_64 = arith.addf %dot_general3A_59, %add3A_63 : vector<128x128xf32>
      %tanh3A = math.tanh %add3A_64 : vector<128x128xf32>
      %mul3A = arith.constant 2.000000e+00 : f32
      %mul3A_65 = vector.broadcast %mul3A : f32 to vector<128x128xf32>
      %mul3A_66 = arith.mulf %mul3A_65, %tanh3A : vector<128x128xf32>
      %swap3A_67 = arith.constant 0 : index
      %swap3A_68 = arith.constant 0 : index
      %swap3A_69 = vector.load %arg7[%swap3A_67, %swap3A_68] : memref<128x128xf32, #tpu.memory_space<vmem>>, vector<128x128xf32>
      tpu.vector_store %arg7[%swap3A_67, %swap3A_68], %mul3A_66 {strides = array<i32>} : memref<128x128xf32, #tpu.memory_space<vmem>>, vector<128x128xf32>,
    } else {
    }
    return
  }
  func.func @transform_0(%arg0: i32) -> (i32, i32) {
    %c0_i32 = arith.constant 0 : i32
    %c0_i32_0 = arith.constant 0 : i32
    return %arg0, %c0_i32 : i32, i32
  }
  func.func @transform_1(%arg0: i32) -> (i32, i32) {
    %c0_i32 = arith.constant 0 : i32
    %c0_i32_0 = arith.constant 0 : i32
    return %arg0, %c0_i32 : i32, i32
  }
  func.func @transform_2(%arg0: i32) -> (i32, i32) {
    %c0_i32 = arith.constant 0 : i32
    %c0_i32_0 = arith.constant 0 : i32
    return %arg0, %c0_i32 : i32, i32
  }
  func.func @transform_3(%arg0: i32) -> (i32, i32) {
    %c0_i32 = arith.constant 0 : i32
    %c0_i32_0 = arith.constant 0 : i32
    %c0_i32_1 = arith.constant 0 : i32
    return %c0_i32, %c0_i32_0 : i32, i32
  }
  func.func @transform_4(%arg0: i32) -> (i32, i32) {
    %c0_i32 = arith.constant 0 : i32
    %c0_i32_0 = arith.constant 0 : i32
    %c0_i32_1 = arith.constant 0 : i32
    return %c0_i32, %c0_i32_0 : i32, i32
  }
  func.func @transform_5(%arg0: i32) -> (i32, i32) {
    %c0_i32 = arith.constant 0 : i32
    %c0_i32_0 = arith.constant 0 : i32
    %c0_i32_1 = arith.constant 0 : i32
    return %c0_i32, %c0_i32_0 : i32, i32
  }
  func.func @transform_6(%arg0: i32) -> (i32, i32) {
    %c0_i32 = arith.constant 0 : i32
    %c0_i32_0 = arith.constant 0 : i32
    %c0_i32_1 = arith.constant 0 : i32
    return %c0_i32, %c0_i32_0 : i32, i32
  }
}

</mosaic_0001>

<sc_bundles>
// kernel: kernel.11.cloned.1.call-start
scs
__scs_entry_jumppad:
0x0: {  	(pc) =	sbr.rel $0x88, $3  }
0x1: {  	(tag) =	ssettag $0x0;
	lr =	simm.s32 $0x1  }
0x2: {  	[smem:$0x3F95] =	sst lr;
	_ =	strace $0xD0000000  }
0x3: {  	_ = 	snop  }
0x4: {  	_ = 	snop  }
0x5: {  	_ = 	snop  }
0x6: {  	_ = 	snop  }
0x7: {  	_ = 	snop  }
__scs_overlays_trampoline_lowered:
0x8: {  	[smem:$0x3FA4] =	sst s0  }
0x9: {  	[smem:$0x3FA5] =	sst s1  }
0xa: {  	[smem:$0x3FA6] =	sst s2  }
0xb: {  	[smem:$0x3FA7] =	sst s3  }
0xc: {  	[smem:$0x3FA8] =	sst s4  }
0xd: {  	[smem:$0x3FA9] =	sst s5  }
0xe: {  	[smem:$0x3FAA] =	sst s6  }
0xf: {  	[smem:$0x3FAB] =	sst s7  }
0x10: {  	[smem:$0x3FAC] =	sst s8  }
0x11: {  	[smem:$0x3FAD] =	sst s9;
	s0 =	simm.s32 @!p0 $0x0  }
0x12: {  	s1 =	sld [smem:$0x3F93];
	s0 =	simm.s32 @p0 $0x1  }
0x13: {  	[smem:$0x3FAE] =	sst s0;
	s0 =	simm.s32 @!p1 $0x0  }
0x14: {  	s2 =	sld [smem:$0x3F92];
	s0 =	simm.s32 @p1 $0x1  }
0x15: {  	[smem:$0x3FAF] =	sst s0;
	s0 =	simm.s32 @!p2 $0x0  }
0x16: {  	s3 =	sld [smem:$0x3FDB];
	s0 =	simm.s32 @p2 $0x1  }
0x17: {  	s4 =	simm.s32 $0x1BF5;
	[smem:$0x3FB1] =	sst s0  }
0x18: {  	s0 =	sld [smem:$0x3F94];
	_ =	swait.ge [sflag:s4], $0x0  }
0x19: {  	s7 =	sld [smem:$0x3F95]  }
0x1a: {  	s8 =	sadd.s32 $0xFFFFE003, lr  }
0x1b: {  	s9 =	sadd.s32 $0xFFFFFEF7, lr;
	s5 =	simm.s32 $0xFFFFFFFF;
	p2 =	slt.u32 s8, $0xFFFFF086  }
0x1c: {  	p1 =	slt.u32 s9, $0xF7A;
	s5 =	simm.s32 @!p2 $0x0  }
0x1d: {  	s5 =	simm.s32 @p1 $0x1;
	p0 =	seq.s32 s7, s2  }
0x1e: {  	s7 =	smul.u32 @!p0 $0xF7A, s2;
	p2 =	seq.s32 @!p0 s5, $0x0  }
0x1f: {  	s9 =	smul.u32 $0xF7A, s1;
	s8 =	simm.s32 @!p0 $0x1BF5;
	p2 =	por !p2, p0  }
0x20: {  	[sflag:s8] =	ssyncset.s32 @!p0 $0xFFFFF086;
	s6 =	sadd.s32 @!p0 s3, s7;
	s7 =	simm.s32 @!p0 $0x108  }
0x21: {  	s3 =	sadd.s32 s3, s9;
	s6 =	sadd.s32 @!p0 $0x88, s6;
	s7 =	simm.s32 @p2 $0x1082  }
0x22: {  	[simem:s7], [sflag:s8] =	dma.local @!p0 [hbm:s6], $0xF7A  }
0x23: {  	s9 =	sor.u32 $0xD0000000, s2;
	s6 =	simm.s32 $0x108;
	_ =	swait.ge @!p0 [sflag:s8], $0x0  }
0x24: {  	s3 =	sadd.s32 $0x88, s3;
	s6 =	simm.s32 @!p1 $0x1082;
	[sflag:s4] =	ssyncset.s32 $0xFFFFF086  }
0x25: {  	[simem:s6], [sflag:s4] =	dma.local [hbm:s3], $0xF7A  }
0x26: {  	[smem:$0x3F95] =	sst s1;
	(tag) =	ssettag s2;
	_ =	strace s9  }
0x27: {  	s1 =	sld [smem:$0x3FA5]  }
0x28: {  	s2 =	sld [smem:$0x3FA6]  }
0x29: {  	s4 =	sld [smem:$0x3FA8]  }
0x2a: {  	p0 =	seq.s32 s5, $0x0;
	s5 =	sld [smem:$0x3FA9]  }
0x2b: {  	s6 =	sld [smem:$0x3FAA]  }
0x2c: {  	s7 =	sld [smem:$0x3FAB]  }
0x2d: {  	s3 =	simm.s32 $0x108;
	s8 =	sld [smem:$0x3FAC]  }
0x2e: {  	s3 =	simm.s32 @!p0 $0x1082;
	s9 =	sld [smem:$0x3FAD]  }
0x2f: {  	lr =	sadd.s32 s0, s3;
	s0 =	sld [smem:$0x3FA4]  }
0x30: {  	s3 =	sld [smem:$0x3FA7]  }
0x31: {  	[smem:$0x3FB0] =	sst s10  }
0x32: {  	s10 =	sld [smem:$0x3FAE];
	_ =	sdelay $0x3  }
0x33: {  	p0 =	seq.s32 s10, $0x1;
	s10 =	sld [smem:$0x3FB0];
	_ =	sdelay $0x3  }
0x34: {  	[smem:$0x3FB0] =	sst s10  }
0x35: {  	s10 =	sld [smem:$0x3FAF];
	_ =	sdelay $0x3  }
0x36: {  	p1 =	seq.s32 s10, $0x1;
	s10 =	sld [smem:$0x3FB0];
	_ =	sdelay $0x3  }
0x37: {  	[smem:$0x3FB0] =	sst s10  }
0x38: {  	s10 =	sld [smem:$0x3FB1]  }
0x39: {  	_ = 	snop;
	(pc) =	sbr.ind lr, $3  }
0x3a: {  	_ = 	snop  }
0x3b: {  	_ = 	snop  }
0x3c: {  	p2 =	seq.s32 s10, $0x1;
	s10 =	sld [smem:$0x3FB0]  }
0x3d: {  	_ =	shalt  }
0x3e: {  	_ =	shalt  }
0x3f: {  	_ =	shalt  }
0x40: {  	_ =	shalt  }
0x41: {  	_ =	shalt  }
0x42: {  	_ =	shalt  }
0x43: {  	_ =	shalt  }
0x44: {  	_ =	shalt  }
0x45: {  	_ =	shalt  }
0x46: {  	_ =	shalt  }
0x47: {  	_ =	shalt  }
0x48: {  	_ =	shalt  }
0x49: {  	_ =	shalt  }
0x4a: {  	_ =	shalt  }
0x4b: {  	_ =	shalt  }
0x4c: {  	_ =	shalt  }
0x4d: {  	_ =	shalt  }
0x4e: {  	_ =	shalt  }
0x4f: {  	_ =	shalt  }
0x50: {  	_ =	shalt  }
0x51: {  	_ =	shalt  }
0x52: {  	_ =	shalt  }
0x53: {  	_ =	shalt  }
0x54: {  	_ =	shalt  }
0x55: {  	_ =	shalt  }
0x56: {  	_ =	shalt  }
0x57: {  	_ =	shalt  }
0x58: {  	_ =	shalt  }
0x59: {  	_ =	shalt  }
0x5a: {  	_ =	shalt  }
0x5b: {  	_ =	shalt  }
0x5c: {  	_ =	shalt  }
0x5d: {  	_ =	shalt  }
0x5e: {  	_ =	shalt  }
0x5f: {  	_ =	shalt  }
0x60: {  	_ =	shalt  }
0x61: {  	_ =	shalt  }
0x62: {  	_ =	shalt  }
0x63: {  	_ =	shalt  }
0x64: {  	_ =	shalt  }
0x65: {  	_ =	shalt  }
0x66: {  	_ =	shalt  }
0x67: {  	_ =	shalt  }
0x68: {  	_ =	shalt  }
0x69: {  	_ =	shalt  }
0x6a: {  	_ =	shalt  }
0x6b: {  	_ =	shalt  }
0x6c: {  	_ =	shalt  }
0x6d: {  	_ =	shalt  }
0x6e: {  	_ =	shalt  }
0x6f: {  	_ =	shalt  }
0x70: {  	_ =	shalt  }
0x71: {  	_ =	shalt  }
0x72: {  	_ =	shalt  }
0x73: {  	_ =	shalt  }
0x74: {  	_ =	shalt  }
0x75: {  	_ =	shalt  }
0x76: {  	_ =	shalt  }
0x77: {  	_ =	shalt  }
0x78: {  	_ =	shalt  }
0x79: {  	_ =	shalt  }
0x7a: {  	_ =	shalt  }
0x7b: {  	_ =	shalt  }
0x7c: {  	_ =	shalt  }
0x7d: {  	_ =	shalt  }
0x7e: {  	_ =	shalt  }
0x7f: {  	_ =	shalt  }
0x80: {  	_ =	shalt  }
0x81: {  	_ =	shalt  }
0x82: {  	_ =	shalt  }
0x83: {  	_ =	shalt  }
0x84: {  	_ =	shalt  }
0x85: {  	_ =	shalt  }
0x86: {  	_ =	shalt  }
0x87: {  	_ =	shalt  }
.Lfunc_end0:
.L_simem_size_0:
called_computation_lowered:
.L_overlay_start_0:
0x88: {  	s2 =	sld [smem:$0x3FD9]  }
0x89: {  	s3 =	sld [smem:$0x3FFE];
	_ =	sdelay $0x1  }
0x8a: {  	s1 =	srdreg.scid  }
0x8b: {  	s0 =	sand.u32 $0x1, s1  }
0x8c: {  	s16 =	sshll.u32 s0, $0xA;
	s2 =	sadd.s32 s3, s2  }
0x8d: {  	s2 =	sadd.s32 s2, s16  }
0x8e: {  	[smem:$0x3FBC] =	sst s2  }
0x8f: {  	_ = 	snop  }
0x90: {  	(tm) =	ssettm $0x1  }
0x91: {  	s17 =	sld [smem:$0x3FFB];
	_ =	sdelay $0x3  }
0x92: {  	_ =	strace s17  }
0x93: {  	s2 =	sld [smem:$0x3FFC];
	_ =	sdelay $0x3  }
0x94: {  	_ =	strace s2  }
0x95: {  	s2 =	sld [smem:$0x3FFD];
	_ =	sdelay $0x3  }
0x96: {  	_ =	strace s2  }
0x97: {  	_ =	strace $0x8FFFFFFF  }
0x98: {  	s18 =	sld [smem:$0x3FDB];
	_ =	sdelay $0x1  }
0x99: {  	s19 =	simm.s32 $_scs_section_size  }
0x9a: {  	s4 =	simm.s32 $_size__tile_overlayer_lowered;
	s5 =	simm.s32 $_tile_overlayer_lowered  }
0x9b: {  	s22 =	simm.s32 $0x1BFF;
	s21 =	sshll.u32 s5, $0x1;
	s2 =	sadd.s32 s19, s18  }
0x9c: {  	s6 =	simm.s32 $0x0;
	s20 =	sshll.u32 s4, $0x1;
	s4 =	sadd.s32 s21, s2  }
0x9d: {  	[timem:s6], [sflag:s22] =	dma.local [hbm:s4], s20  }
0x9e: {  	_ =	swait.ge [sflag:s22], s20  }
0x9f: {  	s3 =	ssub.s32 $0x0, s20;
	[sflag:s22] =	ssyncset.done $0x0  }
0xa0: {  	[sflag:s22] =	ssyncadd.s32 s3;
	_ =	sdelay $0x1  }
0xa1: {  	s23 =	simm.s32 $0x1B8B  }
0xa2: {  	_ =	swait.ge [sflag:s23], $0x1  }
0xa3: {  	[sflag:s23] =	ssyncset.done $0x0  }
0xa4: {  	s25 =	simm.s32 $0x1B8E;
	s24 =	sld [smem:$0x3FFE];
	[sflag:s23] =	ssyncadd.s32 $0xFFFFFFFF  }
0xa5: {  	s26 =	simm.s32 $execute0_lowered;
	[smem:$0x3FD2] =	sst s25  }
0xa6: {  	s4 =	sshll.u32 s26, $0x1;
	_ =	strace $0x80000046;
	[dreg:$0x1] =	wrdreg $0xFFFFFFFF  }
0xa7: {  	s28 =	simm.s32 $_size_execute0_lowered;
	s2 =	sadd.s32 s2, s4;
	[dreg:$0x0] =	wrdreg $0x0  }
0xa8: {  	s4 =	sshll.u32 s28, $0x1;
	[dreg:$0x2] =	wrdreg s2  }
0xa9: {  	[dreg:$0x3] =	wrdreg s4  }
0xaa: {  	[dreg:$0x4] =	wrdreg $0xC0  }
0xab: {  	_ =	task [dreg:s6], $0x5FFFF  }
0xac: {  	[dreg:$0x1] =	wrdreg $0xFFFFFFFF  }
0xad: {  	[dreg:$0x0] =	wrdreg $0x60  }
0xae: {  	[dreg:$0x2] =	wrdreg s24  }
0xaf: {  	[dreg:$0x3] =	wrdreg $0x80000  }
0xb0: {  	[dreg:$0x4] =	wrdreg $0x9  }
0xb1: {  	_ =	task.clear_ibuf [dreg:s6], $0x5FFFF;
	_ =	strace $0x90000046  }
0xb2: {  	s29 =	simm.s32 $0x9;
	_ =	strace $0x80000048  }
0xb3: {  	_ =	swait.ge [sflag:s29], $0x1  }
0xb4: {  	[sflag:s29] =	ssyncadd.s32 $0xFFFFFFFF  }
0xb5: {  	_ =	strace $0x90000048  }
0xb6: {  	_ =	sfence  }
0xb7: {  	s30 =	sld [smem:$0x0];
	_ =	sdelay $0x2  }
0xb8: {  	s31 =	sshll.u32 s1, $0xD;
	s1 =	sshrl.u32 s1, $0x2  }
0xb9: {  	s3 =	sand.u32 $0x4000, s31;
	s1 =	sadd.s32 s1, s30  }
0xba: {  	s0 =	sor.u32 s3, s0;
	s1 =	sshll.u32 s1, $0x11  }
0xbb: {  	s0 =	sor.u32 s1, s0  }
0xbc: {  	s0 =	sadd.s32 $0x8F2B, s0  }
0xbd: {  	[sflag:s0] =	ssyncadd.remote.s32 $0x1  }
0xbe: {  	_ =	sfence.sel $0xFFFF  }
0xbf: {  	[dreg:$0x0] =	wrdreg $0xFFFFFFFF;
	(pc) =	sbr.abs _section_cstart, $3  }
0xc0: {  	[dreg:$0x1] =	wrdreg $0xFFFFFFFF  }
0xc1: {  	_ =	task.clear_ibuf [dreg:s6], $0x2FFFF;
	_ =	strace $0x9FFFFFFF  }
0xc2: {  	(tm) =	ssettm $0x7FFFFFFF  }
0xc3: {  	_ =	shalt  }
tec
execute0_lowered:
.L_overlay_start_1:
0x0: {  	(tag) =	ssettag $0x1  }
0x1: {  	s0 =	stileid.u32  }
0x2: {  	s1 =	srdreg.scid;
	s4 =	rddreg [dreg:$0x0]  }
0x3: {  	s2 =	rddreg [dreg:$0x1];
	s3 =	simm.s32 $0x0;
	s11 =	simm.s32 $0x80  }
0x4: {  	s12 =	simm.s32 $0x5000;
	s13 =	simm.s32 $0x0;
	s6 =	smul.u32 $0x2800, s0  }
0x5: {  	s5 =	sand.u32 $0x1, s1;
	s1 =	rddreg [dreg:$0x2];
	s8 =	smul.u32 $0xA00, s0  }
0x6: {  	[smem:$0x7FF] =	sst s3;
	s7 =	smul.u32 $0x28000, s5;
	s9 =	ssub.s32 $0x2, s5  }
0x7: {  	_ =	strace $0x80000047;
	s10 =	smul.u32 $0xA000, s5;
	s31 =	sshrl.u32 s9, $0x1  }
0x8: {  	s8 =	sadd.s32 s8, s4;
	s7 =	sadd.s32 s6, s7;
	s9 =	ssub.s32 s9, s31  }
0x9: {  	s5 =	sadd.s32 $0x4E00, s8;
	s8 =	sshrl.u32 s10, $0x2;
	s7 =	sshrl.u32 s7, $0x3  }
0xa: {  	s10 =	simm.s32 $0x1;
	s7 =	sadd.s32 s7, s4;
	s4 =	sadd.s32 s6, s2  }
0xb: {  	v0 =	vimm.f32 $1.000000000e+00;
	v1 =	vimm.f32 $0.0e+00;
	s6 =	sadd.s32 $0xEE00, s7;
	s7 =	smax.u32 s9, $0x1;
	s9 =	simm.s32 $0x5800  }
.LBB2_1:
0xc: {  	s14 =	simm.s32 $0x0  }
.LBB2_2:
0xd: {  	p0 =	sne.s32 s14, $0x1FC0  }
.Ltmp0:
0xe: {  	_ = 	snop;
	(pc) =	sbr.rel @p0 .LBB2_2-.Ltmp0, $3  }
0xf: {  	_ =	sdelay $0x1  }
0x10: {  	s15 =	sshra.s32 s14, $0x2  }
0x11: {  	s14 =	sadd.s32 $0x40, s14;
	[tilespmem:s15+$0x5000] =	vst v0  }
0x12: {  	s14 =	simm.s32 $0x40;
	s15 =	simm.s32 $0x0  }
.LBB2_4:
0x13: {  	p0 =	sne.s32 s14, $0x9FC0;
	[tilespmem:s15+$0x5800] =	vst v1;
	s15 =	smov.u32 s14;
	s14 =	sadd.s32 $0x40, s14  }
.Ltmp1:
0x14: {  	(pc) =	sbr.rel @p0 .LBB2_4-.Ltmp1, $2  }
0x15: {  	_ =	sdelay $0x2  }
0x16: {  	s15 =	sshra.s32 s15, $0x2  }
0x17: {  	[tilespmem:s15+$0x5800] =	vst v1  }
0x18: {  	[spmem:s4] =	stream.linear.scatter [tilespmem:s9], [sflag:$0x1], $0x2800, $0x38;
	[tilespmem:$0xA800] =	vst v63  }
0x19: {  	_ =	swait.ge [sflag:s10], $0x2800  }
0x1a: {  	[sflag:s10] =	ssyncset.done $0x0  }
0x1b: {  	[sflag:s10] =	ssyncadd.s32 $0xFFFFD800  }
0x1c: {  	s14 =	simm.s32 $0x0;
	[bflag:$0x0] =	sbarrier.arrive $0xFFFF  }
0x1d: {  	[tilespmem:s14], [sflag:$0x1] =	stream.linear.gather [hbm4b:s5+s14], $0x5000, $0x38;
	[tilespmem:$0xA800] =	vst v63  }
0x1e: {  	_ =	swait.ge [sflag:s10], $0x5000  }
0x1f: {  	[sflag:s10] =	ssyncset.done $0x0  }
0x20: {  	s31 =	sadd.s32 $0x0, s8;
	[sflag:s10] =	ssyncadd.s32 $0xFFFFB000  }
0x21: {  	[spmem:s2] =	stream.indirect.scatter.add.f32 [tilespmem:s12], [sflag:$0x1], $0x10, s31, s11, $0xb8;
	[tilespmem:$0xA800] =	vst v63  }
0x22: {  	s14 =	simm.s32 $0x200;
	_ =	swait.ge [sflag:s10], $0x800  }
.LBB2_6:
0x23: {  	s15 =	sshra.s32 s14, $0x2;
	[sflag:s10] =	ssyncset.done $0x0;
	p0 =	sne.s32 s14, $0x9E00  }
.Ltmp2:
0x24: {  	s15 =	sadd.s32 s15, s8;
	[sflag:s10] =	ssyncadd.s32 $0xFFFFF800;
	(pc) =	sbr.rel @p0 .LBB2_6-.Ltmp2, $3  }
0x25: {  	[spmem:s2] =	stream.indirect.scatter.add.f32 [tilespmem:s12], [sflag:$0x1], $0x10, s15, s11, $0xb8;
	[tilespmem:$0xA800] =	vst v63  }
0x26: {  	s14 =	sadd.s32 $0x200, s14;
	_ =	sdelay $0x1  }
0x27: {  	_ =	swait.ge [sflag:s10], $0x800  }
0x28: {  	[sflag:s10] =	ssyncset.done $0x0  }
0x29: {  	[sflag:s10] =	ssyncadd.s32 $0xFFFFF800  }
0x2a: {  	[bflag:$0x0] =	sbarrier.arrive $0xFFFF  }
0x2b: {  	[tilespmem:s9], [sflag:$0x1] =	stream.linear.gather [spmem:s4], $0x2800, $0x38;
	[tilespmem:$0xA800] =	vst v63  }
0x2c: {  	s13 =	sadd.s32 $0x1, s13;
	_ =	swait.ge [sflag:s10], $0x2800  }
0x2d: {  	p0 =	sne.s32 s13, s7;
	[sflag:s10] =	ssyncset.done $0x0  }
.Ltmp3:
0x2e: {  	[sflag:s10] =	ssyncadd.s32 $0xFFFFD800;
	(pc) =	sbr.rel @p0 .LBB2_1-.Ltmp3, $4  }
0x2f: {  	[hbm4b:s6+s3] =	stream.linear.scatter [tilespmem:s9], [sflag:$0x1], $0x2800, $0x38;
	[tilespmem:$0xA800] =	vst v63  }
0x30: {  	_ =	swait.ge [sflag:s10], $0x2800  }
0x31: {  	[sflag:s10] =	ssyncset.done $0x0  }
0x32: {  	[sflag:s10] =	ssyncadd.s32 $0xFFFFD800  }
0x33: {  	_ =	sfence.sel $0x180000  }
0x34: {  	[bflag:$0x0] =	sbarrier.arrive $0xFFFF  }
0x35: {  	p0 =	sne.s32 s0, $0x0;
	_ =	strace $0x90000047  }
0x36: {  	s0 =	sadd.s32 @!p0 $0x100000, s1;
	[bflag:$0x2] =	sbarrier.arrive $0xFFFF  }
0x37: {  	[sflag:s0] =	ssyncadd.tile.s32 @!p0 $0x1;
	_ =	shalt  }
.Lfunc_end2:
_tile_overlayer_lowered:
.L_overlay_start_2:
0x38: {  	(tag) =	ssettag $0x2  }
0x39: {  	s0 =	rddreg [dreg:$0x0];
	s2 =	stileid.u32  }
0x3a: {  	s1 =	rddreg [dreg:$0x1];
	p0 =	sne.s32 s2, $0x0  }
0x3b: {  	s3 =	rddreg [dreg:$0x2];
	[bflag:$0x3] =	sbarrier.arrive $0xFFFF;
	s2 =	simm.s32 @!p0 $0x1C01  }
0x3c: {  	[timem:s3], [sflag:s2] =	dma.local @!p0 [hbm:s0], s1  }
0x3d: {  	s0 =	simm.s32 @!p0 $0x1  }
0x3e: {  	_ =	swait.ge @!p0 [sflag:s0], s1  }
0x3f: {  	s1 =	ssub.s32 @!p0 $0x0, s1;
	[sflag:s0] =	ssyncset.done @!p0 $0x0  }
0x40: {  	[sflag:s0] =	ssyncadd.s32 @!p0 s1  }
0x41: {  	[bflag:$0x3] =	sbarrier.arrive $0xFFFF  }
0x42: {  	_ =	shalt  }

// kernel: kernel.14.cloned.1.call-start
scs
__scs_entry_jumppad:
0x0: {  	(pc) =	sbr.rel $0x88, $3  }
0x1: {  	(tag) =	ssettag $0x0;
	lr =	simm.s32 $0x1  }
0x2: {  	[smem:$0x3F95] =	sst lr;
	_ =	strace $0xD0000000  }
0x3: {  	_ = 	snop  }
0x4: {  	_ = 	snop  }
0x5: {  	_ = 	snop  }
0x6: {  	_ = 	snop  }
0x7: {  	_ = 	snop  }
__scs_overlays_trampoline_lowered:
0x8: {  	[smem:$0x3FA4] =	sst s0  }
0x9: {  	[smem:$0x3FA5] =	sst s1  }
0xa: {  	[smem:$0x3FA6] =	sst s2  }
0xb: {  	[smem:$0x3FA7] =	sst s3  }
0xc: {  	[smem:$0x3FA8] =	sst s4  }
0xd: {  	[smem:$0x3FA9] =	sst s5  }
0xe: {  	[smem:$0x3FAA] =	sst s6  }
0xf: {  	[smem:$0x3FAB] =	sst s7  }
0x10: {  	[smem:$0x3FAC] =	sst s8  }
0x11: {  	[smem:$0x3FAD] =	sst s9;
	s0 =	simm.s32 @!p0 $0x0  }
0x12: {  	s1 =	sld [smem:$0x3F93];
	s0 =	simm.s32 @p0 $0x1  }
0x13: {  	[smem:$0x3FAE] =	sst s0;
	s0 =	simm.s32 @!p1 $0x0  }
0x14: {  	s2 =	sld [smem:$0x3F92];
	s0 =	simm.s32 @p1 $0x1  }
0x15: {  	[smem:$0x3FAF] =	sst s0;
	s0 =	simm.s32 @!p2 $0x0  }
0x16: {  	s3 =	sld [smem:$0x3FDB];
	s0 =	simm.s32 @p2 $0x1  }
0x17: {  	s4 =	simm.s32 $0x1BF5;
	[smem:$0x3FB1] =	sst s0  }
0x18: {  	s0 =	sld [smem:$0x3F94];
	_ =	swait.ge [sflag:s4], $0x0  }
0x19: {  	s7 =	sld [smem:$0x3F95]  }
0x1a: {  	s8 =	sadd.s32 $0xFFFFE003, lr  }
0x1b: {  	s9 =	sadd.s32 $0xFFFFFEF7, lr;
	s5 =	simm.s32 $0xFFFFFFFF;
	p2 =	slt.u32 s8, $0xFFFFF086  }
0x1c: {  	p1 =	slt.u32 s9, $0xF7A;
	s5 =	simm.s32 @!p2 $0x0  }
0x1d: {  	s5 =	simm.s32 @p1 $0x1;
	p0 =	seq.s32 s7, s2  }
0x1e: {  	s7 =	smul.u32 @!p0 $0xF7A, s2;
	p2 =	seq.s32 @!p0 s5, $0x0  }
0x1f: {  	s9 =	smul.u32 $0xF7A, s1;
	s8 =	simm.s32 @!p0 $0x1BF5;
	p2 =	por !p2, p0  }
0x20: {  	[sflag:s8] =	ssyncset.s32 @!p0 $0xFFFFF086;
	s6 =	sadd.s32 @!p0 s3, s7;
	s7 =	simm.s32 @!p0 $0x108  }
0x21: {  	s3 =	sadd.s32 s3, s9;
	s6 =	sadd.s32 @!p0 $0x88, s6;
	s7 =	simm.s32 @p2 $0x1082  }
0x22: {  	[simem:s7], [sflag:s8] =	dma.local @!p0 [hbm:s6], $0xF7A  }
0x23: {  	s9 =	sor.u32 $0xD0000000, s2;
	s6 =	simm.s32 $0x108;
	_ =	swait.ge @!p0 [sflag:s8], $0x0  }
0x24: {  	s3 =	sadd.s32 $0x88, s3;
	s6 =	simm.s32 @!p1 $0x1082;
	[sflag:s4] =	ssyncset.s32 $0xFFFFF086  }
0x25: {  	[simem:s6], [sflag:s4] =	dma.local [hbm:s3], $0xF7A  }
0x26: {  	[smem:$0x3F95] =	sst s1;
	(tag) =	ssettag s2;
	_ =	strace s9  }
0x27: {  	s1 =	sld [smem:$0x3FA5]  }
0x28: {  	s2 =	sld [smem:$0x3FA6]  }
0x29: {  	s4 =	sld [smem:$0x3FA8]  }
0x2a: {  	p0 =	seq.s32 s5, $0x0;
	s5 =	sld [smem:$0x3FA9]  }
0x2b: {  	s6 =	sld [smem:$0x3FAA]  }
0x2c: {  	s7 =	sld [smem:$0x3FAB]  }
0x2d: {  	s3 =	simm.s32 $0x108;
	s8 =	sld [smem:$0x3FAC]  }
0x2e: {  	s3 =	simm.s32 @!p0 $0x1082;
	s9 =	sld [smem:$0x3FAD]  }
0x2f: {  	lr =	sadd.s32 s0, s3;
	s0 =	sld [smem:$0x3FA4]  }
0x30: {  	s3 =	sld [smem:$0x3FA7]  }
0x31: {  	[smem:$0x3FB0] =	sst s10  }
0x32: {  	s10 =	sld [smem:$0x3FAE];
	_ =	sdelay $0x3  }
0x33: {  	p0 =	seq.s32 s10, $0x1;
	s10 =	sld [smem:$0x3FB0];
	_ =	sdelay $0x3  }
0x34: {  	[smem:$0x3FB0] =	sst s10  }
0x35: {  	s10 =	sld [smem:$0x3FAF];
	_ =	sdelay $0x3  }
0x36: {  	p1 =	seq.s32 s10, $0x1;
	s10 =	sld [smem:$0x3FB0];
	_ =	sdelay $0x3  }
0x37: {  	[smem:$0x3FB0] =	sst s10  }
0x38: {  	s10 =	sld [smem:$0x3FB1]  }
0x39: {  	_ = 	snop;
	(pc) =	sbr.ind lr, $3  }
0x3a: {  	_ = 	snop  }
0x3b: {  	_ = 	snop  }
0x3c: {  	p2 =	seq.s32 s10, $0x1;
	s10 =	sld [smem:$0x3FB0]  }
0x3d: {  	_ =	shalt  }
0x3e: {  	_ =	shalt  }
0x3f: {  	_ =	shalt  }
0x40: {  	_ =	shalt  }
0x41: {  	_ =	shalt  }
0x42: {  	_ =	shalt  }
0x43: {  	_ =	shalt  }
0x44: {  	_ =	shalt  }
0x45: {  	_ =	shalt  }
0x46: {  	_ =	shalt  }
0x47: {  	_ =	shalt  }
0x48: {  	_ =	shalt  }
0x49: {  	_ =	shalt  }
0x4a: {  	_ =	shalt  }
0x4b: {  	_ =	shalt  }
0x4c: {  	_ =	shalt  }
0x4d: {  	_ =	shalt  }
0x4e: {  	_ =	shalt  }
0x4f: {  	_ =	shalt  }
0x50: {  	_ =	shalt  }
0x51: {  	_ =	shalt  }
0x52: {  	_ =	shalt  }
0x53: {  	_ =	shalt  }
0x54: {  	_ =	shalt  }
0x55: {  	_ =	shalt  }
0x56: {  	_ =	shalt  }
0x57: {  	_ =	shalt  }
0x58: {  	_ =	shalt  }
0x59: {  	_ =	shalt  }
0x5a: {  	_ =	shalt  }
0x5b: {  	_ =	shalt  }
0x5c: {  	_ =	shalt  }
0x5d: {  	_ =	shalt  }
0x5e: {  	_ =	shalt  }
0x5f: {  	_ =	shalt  }
0x60: {  	_ =	shalt  }
0x61: {  	_ =	shalt  }
0x62: {  	_ =	shalt  }
0x63: {  	_ =	shalt  }
0x64: {  	_ =	shalt  }
0x65: {  	_ =	shalt  }
0x66: {  	_ =	shalt  }
0x67: {  	_ =	shalt  }
0x68: {  	_ =	shalt  }
0x69: {  	_ =	shalt  }
0x6a: {  	_ =	shalt  }
0x6b: {  	_ =	shalt  }
0x6c: {  	_ =	shalt  }
0x6d: {  	_ =	shalt  }
0x6e: {  	_ =	shalt  }
0x6f: {  	_ =	shalt  }
0x70: {  	_ =	shalt  }
0x71: {  	_ =	shalt  }
0x72: {  	_ =	shalt  }
0x73: {  	_ =	shalt  }
0x74: {  	_ =	shalt  }
0x75: {  	_ =	shalt  }
0x76: {  	_ =	shalt  }
0x77: {  	_ =	shalt  }
0x78: {  	_ =	shalt  }
0x79: {  	_ =	shalt  }
0x7a: {  	_ =	shalt  }
0x7b: {  	_ =	shalt  }
0x7c: {  	_ =	shalt  }
0x7d: {  	_ =	shalt  }
0x7e: {  	_ =	shalt  }
0x7f: {  	_ =	shalt  }
0x80: {  	_ =	shalt  }
0x81: {  	_ =	shalt  }
0x82: {  	_ =	shalt  }
0x83: {  	_ =	shalt  }
0x84: {  	_ =	shalt  }
0x85: {  	_ =	shalt  }
0x86: {  	_ =	shalt  }
0x87: {  	_ =	shalt  }
.Lfunc_end0:
.L_simem_size_0:
called_computation.1_lowered:
.L_overlay_start_0:
0x88: {  	s2 =	sld [smem:$0x3FD9]  }
0x89: {  	s3 =	sld [smem:$0x3FFE];
	_ =	sdelay $0x1  }
0x8a: {  	s1 =	srdreg.scid  }
0x8b: {  	s0 =	sand.u32 $0x1, s1  }
0x8c: {  	s16 =	sshll.u32 s0, $0xA;
	s2 =	sadd.s32 s3, s2  }
0x8d: {  	s2 =	sadd.s32 s2, s16  }
0x8e: {  	[smem:$0x3FBC] =	sst s2  }
0x8f: {  	_ = 	snop  }
0x90: {  	(tm) =	ssettm $0x1  }
0x91: {  	s17 =	sld [smem:$0x3FFB];
	_ =	sdelay $0x3  }
0x92: {  	_ =	strace s17  }
0x93: {  	s2 =	sld [smem:$0x3FFC];
	_ =	sdelay $0x3  }
0x94: {  	_ =	strace s2  }
0x95: {  	s2 =	sld [smem:$0x3FFD];
	_ =	sdelay $0x3  }
0x96: {  	_ =	strace s2  }
0x97: {  	_ =	strace $0x8FFFFFFF  }
0x98: {  	s18 =	sld [smem:$0x3FDB];
	_ =	sdelay $0x1  }
0x99: {  	s19 =	simm.s32 $_scs_section_size  }
0x9a: {  	s4 =	simm.s32 $_size__tile_overlayer_lowered;
	s5 =	simm.s32 $_tile_overlayer_lowered  }
0x9b: {  	s22 =	simm.s32 $0x1BFF;
	s21 =	sshll.u32 s5, $0x1;
	s2 =	sadd.s32 s19, s18  }
0x9c: {  	s6 =	simm.s32 $0x0;
	s20 =	sshll.u32 s4, $0x1;
	s4 =	sadd.s32 s21, s2  }
0x9d: {  	[timem:s6], [sflag:s22] =	dma.local [hbm:s4], s20  }
0x9e: {  	_ =	swait.ge [sflag:s22], s20  }
0x9f: {  	s3 =	ssub.s32 $0x0, s20;
	[sflag:s22] =	ssyncset.done $0x0  }
0xa0: {  	[sflag:s22] =	ssyncadd.s32 s3;
	_ =	sdelay $0x1  }
0xa1: {  	s23 =	simm.s32 $0x1B8B  }
0xa2: {  	_ =	swait.ge [sflag:s23], $0x1  }
0xa3: {  	[sflag:s23] =	ssyncset.done $0x0  }
0xa4: {  	s25 =	simm.s32 $0x1B8E;
	s24 =	sld [smem:$0x3FFE];
	[sflag:s23] =	ssyncadd.s32 $0xFFFFFFFF  }
0xa5: {  	s26 =	simm.s32 $execute0_lowered;
	[smem:$0x3FD2] =	sst s25  }
0xa6: {  	s4 =	sshll.u32 s26, $0x1;
	_ =	strace $0x80000049;
	[dreg:$0x1] =	wrdreg $0xFFFFFFFF  }
0xa7: {  	s28 =	simm.s32 $_size_execute0_lowered;
	s2 =	sadd.s32 s2, s4;
	[dreg:$0x0] =	wrdreg $0x0  }
0xa8: {  	s4 =	sshll.u32 s28, $0x1;
	[dreg:$0x2] =	wrdreg s2  }
0xa9: {  	[dreg:$0x3] =	wrdreg s4  }
0xaa: {  	[dreg:$0x4] =	wrdreg $0xC0  }
0xab: {  	_ =	task [dreg:s6], $0x5FFFF  }
0xac: {  	[dreg:$0x1] =	wrdreg $0xFFFFFFFF  }
0xad: {  	[dreg:$0x0] =	wrdreg $0x60  }
0xae: {  	[dreg:$0x2] =	wrdreg s24  }
0xaf: {  	[dreg:$0x3] =	wrdreg $0x120000  }
0xb0: {  	[dreg:$0x4] =	wrdreg $0x9  }
0xb1: {  	_ =	task.clear_ibuf [dreg:s6], $0x5FFFF;
	_ =	strace $0x90000049  }
0xb2: {  	s29 =	simm.s32 $0x9;
	_ =	strace $0x8000004B  }
0xb3: {  	_ =	swait.ge [sflag:s29], $0x1  }
0xb4: {  	[sflag:s29] =	ssyncadd.s32 $0xFFFFFFFF  }
0xb5: {  	_ =	strace $0x9000004B  }
0xb6: {  	_ =	sfence  }
0xb7: {  	s30 =	sld [smem:$0x0];
	_ =	sdelay $0x2  }
0xb8: {  	s31 =	sshll.u32 s1, $0xD;
	s1 =	sshrl.u32 s1, $0x2  }
0xb9: {  	s3 =	sand.u32 $0x4000, s31;
	s1 =	sadd.s32 s1, s30  }
0xba: {  	s0 =	sor.u32 s3, s0;
	s1 =	sshll.u32 s1, $0x11  }
0xbb: {  	s0 =	sor.u32 s1, s0  }
0xbc: {  	s0 =	sadd.s32 $0x8F2B, s0  }
0xbd: {  	[sflag:s0] =	ssyncadd.remote.s32 $0x1  }
0xbe: {  	_ =	sfence.sel $0xFFFF  }
0xbf: {  	[dreg:$0x0] =	wrdreg $0xFFFFFFFF;
	(pc) =	sbr.abs _section_cstart, $3  }
0xc0: {  	[dreg:$0x1] =	wrdreg $0xFFFFFFFF  }
0xc1: {  	_ =	task.clear_ibuf [dreg:s6], $0x2FFFF;
	_ =	strace $0x9FFFFFFF  }
0xc2: {  	(tm) =	ssettm $0x7FFFFFFF  }
0xc3: {  	_ =	shalt  }
tec
execute0_lowered:
.L_overlay_start_1:
0x0: {  	(tag) =	ssettag $0x1  }
0x1: {  	s0 =	rddreg [dreg:$0x0]  }
0x2: {  	s2 =	rddreg [dreg:$0x1];
	s3 =	simm.s32 $0x0;
	s9 =	stileid.u32  }
0x3: {  	s4 =	srdreg.scid;
	s28 =	simm.s32 $0xC000;
	s29 =	simm.s32 $0xE000  }
0x4: {  	s30 =	simm.s32 $0x10000;
	s31 =	simm.s32 $0x1;
	s1 =	smul.u32 $0xA00, s9  }
0x5: {  	[smem:$0x7FF] =	sst s3;
	s8 =	sand.u32 $0x1, s4;
	s5 =	smul.u32 $0x28000, s9  }
0x6: {  	s4 =	sadd.s32 $0x22E00, s0;
	s13 =	smul.u32 $0xA000, s9;
	_ =	strace $0x8000004A  }
0x7: {  	s6 =	ssub.s32 $0x2, s8;
	s15 =	smul.u32 $0xA0000, s8;
	v0 =	vmov s8;
	s8 =	simm.s32 $0x7  }
0x8: {  	s1 =	sadd.s32 s1, s0;
	s0 =	sadd.s32 $0x71200, s0;
	s7 =	sshrl.u32 s6, $0x1  }
0x9: {  	s5 =	sshrl.u32 s5, $0x2;
	s16 =	sadd.s32 s13, s2;
	s20 =	sadd.s32 $0x2000, s13  }
0xa: {  	s23 =	sadd.s32 $0x4000, s13;
	s24 =	sadd.s32 $0x6000, s13;
	s6 =	ssub.s32 s6, s7  }
0xb: {  	s5 =	sadd.s32 s5, s2;
	s14 =	sadd.s32 $0x18E00, s1;
	s1 =	sadd.s32 $0x4E00, s1  }
0xc: {  	[dreg:$0x5] =	wrdreg s16;
	s19 =	sadd.s32 s15, s13;
	s21 =	sadd.s32 s15, s20  }
0xd: {  	s9 =	sadd.s32 s20, s2;
	s25 =	sadd.s32 s15, s24;
	[dreg:$0x3] =	wrdreg s14  }
0xe: {  	s7 =	sadd.s32 $0x8000, s13;
	[dreg:$0x4] =	wrdreg s1;
	s6 =	smax.u32 s6, $0x1  }
0xf: {  	s17 =	sadd.s32 $0x2000, s5;
	s18 =	sadd.s32 $0x4000, s5;
	[dreg:$0xc] =	wrdreg s9  }
0x10: {  	s10 =	sadd.s32 $0x6000, s5;
	s11 =	sadd.s32 $0x8000, s5;
	[dreg:$0x6] =	wrdreg s6  }
0x11: {  	s22 =	sshrl.u32 s21, $0x3;
	s26 =	sshrl.u32 s25, $0x3;
	[dreg:$0x7] =	wrdreg s17  }
0x12: {  	s1 =	sadd.s32 s15, s7;
	s21 =	sadd.s32 s7, s2;
	[dreg:$0x8] =	wrdreg s18  }
0x13: {  	s25 =	simm.s32 $0x4;
	s7 =	simm.s32 $0x6;
	[dreg:$0x9] =	wrdreg s10  }
0x14: {  	s9 =	simm.s32 $0x8;
	s6 =	sshrl.u32 s19, $0x3;
	[dreg:$0xa] =	wrdreg s11  }
0x15: {  	s16 =	sadd.s32 s0, s22;
	s17 =	sadd.s32 s23, s2;
	s19 =	sadd.s32 s24, s2  }
0x16: {  	s20 =	sadd.s32 s0, s26;
	s1 =	sshrl.u32 s1, $0x3;
	s24 =	simm.s32 $0x9  }
0x17: {  	s26 =	simm.s32 $0x80;
	s10 =	simm.s32 $0x0;
	s6 =	sadd.s32 s0, s6  }
0x18: {  	s22 =	sadd.s32 s0, s1;
	[dreg:$0xb] =	wrdreg s6;
	s6 =	sadd.s32 s15, s23  }
0x19: {  	s1 =	simm.s32 $0x3;
	s23 =	simm.s32 $0xA000;
	s6 =	sshrl.u32 s6, $0x3  }
0x1a: {  	v1 =	vimm.f32 $0.0e+00;
	s18 =	sadd.s32 s0, s6;
	s0 =	simm.s32 $0x2;
	s6 =	simm.s32 $0x5  }
.LBB2_1:
0x1b: {  	s11 =	sand.u32 $0x7F00, s3  }
0x1c: {  	s12 =	sand.u32 $0x30, s3;
	s13 =	sshrl.u32 s11, $0x2  }
0x1d: {  	s11 =	simm.s32 $0x40;
	s13 =	sor.u32 s12, s13;
	s12 =	simm.s32 $0x0  }
.LBB2_2:
0x1e: {  	p0 =	sne.s32 s11, $0x7FC0  }
0x1f: {  	[tilespmem:s13+$0xA000] =	vst v1;
	s12 =	sadd.s32 $0x10, s12;
	s13 =	smov.u32 s11;
	s11 =	sadd.s32 $0x40, s11  }
.Ltmp0:
0x20: {  	(pc) =	sbr.rel @p0 .LBB2_2-.Ltmp0, $4  }
0x21: {  	_ = 	snop  }
0x22: {  	s13 =	sand.u32 $0x7F00, s13  }
0x23: {  	s14 =	sand.u32 $0x30, s12;
	s13 =	sshrl.u32 s13, $0x2  }
0x24: {  	s13 =	sor.u32 s14, s13  }
0x25: {  	[tilespmem:s13+$0xA000] =	vst v1  }
0x26: {  	[spmem:s5] =	stream.linear.scatter [tilespmem:s23], [sflag:$0x9], $0x2000, $0x38;
	[tilespmem:$0x1C000] =	vst v63  }
0x27: {  	_ =	swait.ge [sflag:s24], $0x2000  }
0x28: {  	[sflag:s24] =	ssyncset.done $0x0  }
0x29: {  	s11 =	rddreg [dreg:$0x7];
	[sflag:s24] =	ssyncadd.s32 $0xFFFFE000  }
0x2a: {  	[spmem:s11] =	stream.linear.scatter [tilespmem:s23], [sflag:$0x9], $0x2000, $0x38;
	[tilespmem:$0x1C000] =	vst v63  }
0x2b: {  	_ =	swait.ge [sflag:s24], $0x2000  }
0x2c: {  	[sflag:s24] =	ssyncset.done $0x0  }
0x2d: {  	s15 =	rddreg [dreg:$0x8];
	[sflag:s24] =	ssyncadd.s32 $0xFFFFE000  }
0x2e: {  	[spmem:s15] =	stream.linear.scatter [tilespmem:s23], [sflag:$0x9], $0x2000, $0x38;
	[tilespmem:$0x1C000] =	vst v63  }
0x2f: {  	_ =	swait.ge [sflag:s24], $0x2000  }
0x30: {  	[sflag:s24] =	ssyncset.done $0x0  }
0x31: {  	s12 =	rddreg [dreg:$0x9];
	[sflag:s24] =	ssyncadd.s32 $0xFFFFE000  }
0x32: {  	[spmem:s12] =	stream.linear.scatter [tilespmem:s23], [sflag:$0x9], $0x2000, $0x38;
	[tilespmem:$0x1C000] =	vst v63  }
0x33: {  	_ =	swait.ge [sflag:s24], $0x2000  }
0x34: {  	[sflag:s24] =	ssyncset.done $0x0  }
0x35: {  	s13 =	rddreg [dreg:$0xa];
	[sflag:s24] =	ssyncadd.s32 $0xFFFFE000  }
0x36: {  	[spmem:s13] =	stream.linear.scatter [tilespmem:s23], [sflag:$0x9], $0x2000, $0x38;
	[tilespmem:$0x1C000] =	vst v63  }
0x37: {  	_ =	swait.ge [sflag:s24], $0x2000  }
0x38: {  	[sflag:s24] =	ssyncset.done $0x0  }
0x39: {  	[sflag:s24] =	ssyncadd.s32 $0xFFFFE000  }
0x3a: {  	[bflag:$0x0] =	sbarrier.arrive $0xFFFF  }
0x3b: {  	s11 =	simm.s32 $0x0;
	s12 =	rddreg [dreg:$0x3]  }
0x3c: {  	[tilespmem:s11], [sflag:$0x9] =	stream.linear.gather [hbm4b:s12+s11], $0x5000, $0x38;
	[tilespmem:$0x1C000] =	vst v63  }
0x3d: {  	_ =	swait.ge [sflag:s24], $0x5000  }
0x3e: {  	[sflag:s24] =	ssyncset.done $0x0  }
0x3f: {  	s15 =	simm.s32 $0x5000;
	s14 =	rddreg [dreg:$0x4];
	[sflag:s24] =	ssyncadd.s32 $0xFFFFB000  }
0x40: {  	[tilespmem:s15], [sflag:$0x9] =	stream.linear.gather [hbm4b:s14+s11], $0x5000, $0x38;
	[tilespmem:$0x1C000] =	vst v63  }
0x41: {  	s14 =	sand.u32 $0x1FE00, s11;
	_ =	swait.ge [sflag:s24], $0x5000  }
0x42: {  	s11 =	sand.u32 $0x70, s11;
	s12 =	sshrl.u32 s14, $0x2;
	[sflag:s24] =	ssyncset.done $0x0  }
0x43: {  	s11 =	sor.u32 s11, s12;
	[sflag:s24] =	ssyncadd.s32 $0xFFFFB000  }
0x44: {  	v2 =	vld [tilespmem:s11+$0x0];
	_ =	sdelay $0x2  }
0x45: {  	s15 =	simm.s32 $0x40  }
0x46: {  	s13 =	simm.s32 $0x80;
	s14 =	sand.u32 $0x1FE00, s15;
	s12 =	simm.s32 $0x10  }
.LBB2_4:
0x47: {  	p0 =	sne.s32 s13, $0x141C0;
	s15 =	sand.u32 $0x70, s12;
	s14 =	sshrl.u32 s14, $0x2;
	v2 =	vadd.s32 v0, v2  }
0x48: {  	[tilespmem:s11+$0x0] =	vst v2;
	s11 =	sor.u32 s15, s14  }
.Ltmp1:
0x49: {  	v2 =	vld [tilespmem:s11+$0x0];
	(pc) =	sbr.rel @p0 .LBB2_4-.Ltmp1, $2  }
0x4a: {  	_ =	sdelay $0x2  }
0x4b: {  	s12 =	sadd.s32 $0x10, s12;
	s14 =	sand.u32 $0x1FE00, s13;
	s13 =	sadd.s32 $0x40, s13  }
0x4c: {  	s12 =	sand.u32 $0x70, s12;
	s13 =	sshrl.u32 s14, $0x2;
	v2 =	vadd.s32 v0, v2  }
0x4d: {  	s12 =	sor.u32 s12, s13;
	[tilespmem:s11+$0x0] =	vst v2  }
0x4e: {  	v2 =	vld [tilespmem:s12+$0x0];
	_ =	sdelay $0x4  }
0x4f: {  	v2 =	vadd.s32 v0, v2  }
0x50: {  	[tilespmem:s12+$0x0] =	vst v2;
	s12 =	simm.s32 $0x0  }
0x51: {  	[tilespmem:s23], [sflag:$0x1] =	stream.indirect.gather [hbm4b:s4+s26], $0x40, s12, s26, $0xb8;
	[tilespmem:$0x1C000] =	vst v63  }
0x52: {  	s13 =	simm.s32 $0x80  }
0x53: {  	[tilespmem:s28], [sflag:$0x2] =	stream.indirect.gather [hbm4b:s4+s26], $0x40, s13, s26, $0xb8;
	[tilespmem:$0x1C000] =	vst v63  }
0x54: {  	s14 =	simm.s32 $0x100  }
0x55: {  	[tilespmem:s29], [sflag:$0x3] =	stream.indirect.gather [hbm4b:s4+s26], $0x40, s14, s26, $0xb8;
	[tilespmem:$0x1C000] =	vst v63  }
0x56: {  	s15 =	simm.s32 $0x180  }
0x57: {  	[tilespmem:s30], [sflag:$0x4] =	stream.indirect.gather [hbm4b:s4+s26], $0x40, s15, s26, $0xb8;
	[tilespmem:$0x1C000] =	vst v63  }
0x58: {  	_ =	swait.ge [sflag:s31], $0x2000  }
0x59: {  	[sflag:s31] =	ssyncset.done $0x0  }
0x5a: {  	s12 =	simm.s32 $0x5000;
	[sflag:s31] =	ssyncadd.s32 $0xFFFFE000  }
0x5b: {  	[spmem:s2] =	stream.indirect.scatter.add.f32 [tilespmem:s23], [sflag:$0x5], $0x40, s12, s26, $0xb8;
	[tilespmem:$0x1C000] =	vst v63  }
0x5c: {  	_ =	swait.ge [sflag:s0], $0x2000  }
0x5d: {  	[sflag:s0] =	ssyncset.done $0x0  }
0x5e: {  	s13 =	simm.s32 $0x5080;
	[sflag:s0] =	ssyncadd.s32 $0xFFFFE000  }
0x5f: {  	[spmem:s2] =	stream.indirect.scatter.add.f32 [tilespmem:s28], [sflag:$0x6], $0x40, s13, s26, $0xb8;
	[tilespmem:$0x1C000] =	vst v63  }
0x60: {  	_ =	swait.ge [sflag:s1], $0x2000  }
0x61: {  	[sflag:s1] =	ssyncset.done $0x0  }
0x62: {  	s14 =	simm.s32 $0x5100;
	[sflag:s1] =	ssyncadd.s32 $0xFFFFE000  }
0x63: {  	[spmem:s2] =	stream.indirect.scatter.add.f32 [tilespmem:s29], [sflag:$0x7], $0x40, s14, s26, $0xb8;
	[tilespmem:$0x1C000] =	vst v63  }
0x64: {  	_ =	swait.ge [sflag:s25], $0x2000  }
0x65: {  	[sflag:s25] =	ssyncset.done $0x0  }
0x66: {  	s15 =	simm.s32 $0x5180;
	[sflag:s25] =	ssyncadd.s32 $0xFFFFE000  }
0x67: {  	[spmem:s2] =	stream.indirect.scatter.add.f32 [tilespmem:s30], [sflag:$0x8], $0x40, s15, s26, $0xb8;
	[tilespmem:$0x1C000] =	vst v63  }
0x68: {  	_ =	swait.ge [sflag:s6], $0x2000  }
0x69: {  	[sflag:s6] =	ssyncset.done $0x0  }
0x6a: {  	[sflag:s6] =	ssyncadd.s32 $0xFFFFE000  }
0x6b: {  	_ =	swait.ge [sflag:s7], $0x2000  }
0x6c: {  	[sflag:s7] =	ssyncset.done $0x0  }
0x6d: {  	[sflag:s7] =	ssyncadd.s32 $0xFFFFE000  }
0x6e: {  	_ =	swait.ge [sflag:s8], $0x2000  }
0x6f: {  	[sflag:s8] =	ssyncset.done $0x0  }
0x70: {  	[sflag:s8] =	ssyncadd.s32 $0xFFFFE000  }
0x71: {  	_ =	swait.ge [sflag:s9], $0x2000  }
0x72: {  	s11 =	simm.s32 $0x800;
	s13 =	simm.s32 $0x1000;
	[sflag:s9] =	ssyncset.done $0x0  }
.LBB2_6:
0x73: {  	s14 =	sshra.s32 s11, $0x2  }
0x74: {  	[sflag:s9] =	ssyncadd.s32 $0xFFFFE000;
	s11 =	smov.u32 s13;
	s12 =	sadd.s32 $0x800, s13  }
0x75: {  	[tilespmem:s23], [sflag:$0x1] =	stream.indirect.gather [hbm4b:s4+s26], $0x40, s14, s26, $0xb8;
	[tilespmem:$0x1C000] =	vst v63  }
0x76: {  	p0 =	sne.s32 s13, $0x13800;
	s13 =	sadd.s32 $0x80, s14  }
0x77: {  	[tilespmem:s28], [sflag:$0x2] =	stream.indirect.gather [hbm4b:s4+s26], $0x40, s13, s26, $0xb8;
	[tilespmem:$0x1C000] =	vst v63  }
0x78: {  	s13 =	sadd.s32 $0x100, s14  }
0x79: {  	[tilespmem:s29], [sflag:$0x3] =	stream.indirect.gather [hbm4b:s4+s26], $0x40, s13, s26, $0xb8;
	[tilespmem:$0x1C000] =	vst v63  }
0x7a: {  	s13 =	sadd.s32 $0x180, s14  }
0x7b: {  	[tilespmem:s30], [sflag:$0x4] =	stream.indirect.gather [hbm4b:s4+s26], $0x40, s13, s26, $0xb8;
	[tilespmem:$0x1C000] =	vst v63  }
0x7c: {  	_ =	swait.ge [sflag:s31], $0x2000  }
0x7d: {  	[sflag:s31] =	ssyncset.done $0x0  }
0x7e: {  	s13 =	sadd.s32 $0x5000, s14;
	[sflag:s31] =	ssyncadd.s32 $0xFFFFE000  }
0x7f: {  	[spmem:s2] =	stream.indirect.scatter.add.f32 [tilespmem:s23], [sflag:$0x5], $0x40, s13, s26, $0xb8;
	[tilespmem:$0x1C000] =	vst v63  }
0x80: {  	_ =	swait.ge [sflag:s0], $0x2000  }
0x81: {  	[sflag:s0] =	ssyncset.done $0x0  }
0x82: {  	s13 =	sadd.s32 $0x5080, s14;
	[sflag:s0] =	ssyncadd.s32 $0xFFFFE000  }
0x83: {  	[spmem:s2] =	stream.indirect.scatter.add.f32 [tilespmem:s28], [sflag:$0x6], $0x40, s13, s26, $0xb8;
	[tilespmem:$0x1C000] =	vst v63  }
0x84: {  	_ =	swait.ge [sflag:s1], $0x2000  }
0x85: {  	[sflag:s1] =	ssyncset.done $0x0  }
0x86: {  	s13 =	sadd.s32 $0x5100, s14;
	[sflag:s1] =	ssyncadd.s32 $0xFFFFE000  }
0x87: {  	[spmem:s2] =	stream.indirect.scatter.add.f32 [tilespmem:s29], [sflag:$0x7], $0x40, s13, s26, $0xb8;
	[tilespmem:$0x1C000] =	vst v63  }
0x88: {  	_ =	swait.ge [sflag:s25], $0x2000  }
0x89: {  	[sflag:s25] =	ssyncset.done $0x0  }
0x8a: {  	s13 =	sadd.s32 $0x5180, s14;
	[sflag:s25] =	ssyncadd.s32 $0xFFFFE000  }
0x8b: {  	[spmem:s2] =	stream.indirect.scatter.add.f32 [tilespmem:s30], [sflag:$0x8], $0x40, s13, s26, $0xb8;
	[tilespmem:$0x1C000] =	vst v63  }
0x8c: {  	_ =	swait.ge [sflag:s6], $0x2000  }
0x8d: {  	[sflag:s6] =	ssyncset.done $0x0  }
0x8e: {  	[sflag:s6] =	ssyncadd.s32 $0xFFFFE000  }
0x8f: {  	_ =	swait.ge [sflag:s7], $0x2000  }
0x90: {  	[sflag:s7] =	ssyncset.done $0x0  }
0x91: {  	[sflag:s7] =	ssyncadd.s32 $0xFFFFE000  }
.Ltmp2:
0x92: {  	_ =	swait.ge [sflag:s8], $0x2000;
	(pc) =	sbr.rel @p0 .LBB2_6-.Ltmp2, $4  }
0x93: {  	[sflag:s8] =	ssyncset.done $0x0  }
0x94: {  	[sflag:s8] =	ssyncadd.s32 $0xFFFFE000  }
0x95: {  	_ =	swait.ge [sflag:s9], $0x2000  }
0x96: {  	s13 =	smov.u32 s12;
	[sflag:s9] =	ssyncset.done $0x0  }
0x97: {  	s11 =	sshra.s32 s11, $0x2;
	[sflag:s9] =	ssyncadd.s32 $0xFFFFE000  }
0x98: {  	[tilespmem:s23], [sflag:$0x1] =	stream.indirect.gather [hbm4b:s4+s26], $0x40, s11, s26, $0xb8;
	[tilespmem:$0x1C000] =	vst v63  }
0x99: {  	s12 =	sadd.s32 $0x80, s11  }
0x9a: {  	[tilespmem:s28], [sflag:$0x2] =	stream.indirect.gather [hbm4b:s4+s26], $0x40, s12, s26, $0xb8;
	[tilespmem:$0x1C000] =	vst v63  }
0x9b: {  	s14 =	sadd.s32 $0x100, s11  }
0x9c: {  	[tilespmem:s29], [sflag:$0x3] =	stream.indirect.gather [hbm4b:s4+s26], $0x40, s14, s26, $0xb8;
	[tilespmem:$0x1C000] =	vst v63  }
0x9d: {  	s15 =	sadd.s32 $0x180, s11  }
0x9e: {  	[tilespmem:s30], [sflag:$0x4] =	stream.indirect.gather [hbm4b:s4+s26], $0x40, s15, s26, $0xb8;
	[tilespmem:$0x1C000] =	vst v63  }
0x9f: {  	_ =	swait.ge [sflag:s31], $0x2000  }
0xa0: {  	[sflag:s31] =	ssyncset.done $0x0  }
0xa1: {  	s13 =	sadd.s32 $0x5000, s11;
	[sflag:s31] =	ssyncadd.s32 $0xFFFFE000  }
0xa2: {  	[spmem:s2] =	stream.indirect.scatter.add.f32 [tilespmem:s23], [sflag:$0x5], $0x40, s13, s26, $0xb8;
	[tilespmem:$0x1C000] =	vst v63  }
0xa3: {  	_ =	swait.ge [sflag:s0], $0x2000  }
0xa4: {  	[sflag:s0] =	ssyncset.done $0x0  }
0xa5: {  	s14 =	sadd.s32 $0x5080, s11;
	[sflag:s0] =	ssyncadd.s32 $0xFFFFE000  }
0xa6: {  	[spmem:s2] =	stream.indirect.scatter.add.f32 [tilespmem:s28], [sflag:$0x6], $0x40, s14, s26, $0xb8;
	[tilespmem:$0x1C000] =	vst v63  }
0xa7: {  	_ =	swait.ge [sflag:s1], $0x2000  }
0xa8: {  	[sflag:s1] =	ssyncset.done $0x0  }
0xa9: {  	s15 =	sadd.s32 $0x5100, s11;
	[sflag:s1] =	ssyncadd.s32 $0xFFFFE000  }
0xaa: {  	[spmem:s2] =	stream.indirect.scatter.add.f32 [tilespmem:s29], [sflag:$0x7], $0x40, s15, s26, $0xb8;
	[tilespmem:$0x1C000] =	vst v63  }
0xab: {  	_ =	swait.ge [sflag:s25], $0x2000  }
0xac: {  	[sflag:s25] =	ssyncset.done $0x0  }
0xad: {  	s11 =	sadd.s32 $0x5180, s11;
	[sflag:s25] =	ssyncadd.s32 $0xFFFFE000  }
0xae: {  	[spmem:s2] =	stream.indirect.scatter.add.f32 [tilespmem:s30], [sflag:$0x8], $0x40, s11, s26, $0xb8;
	[tilespmem:$0x1C000] =	vst v63  }
0xaf: {  	_ =	swait.ge [sflag:s6], $0x2000  }
0xb0: {  	[sflag:s6] =	ssyncset.done $0x0  }
0xb1: {  	[sflag:s6] =	ssyncadd.s32 $0xFFFFE000  }
0xb2: {  	_ =	swait.ge [sflag:s7], $0x2000  }
0xb3: {  	[sflag:s7] =	ssyncset.done $0x0  }
0xb4: {  	[sflag:s7] =	ssyncadd.s32 $0xFFFFE000  }
0xb5: {  	_ =	swait.ge [sflag:s8], $0x2000  }
0xb6: {  	[sflag:s8] =	ssyncset.done $0x0  }
0xb7: {  	[sflag:s8] =	ssyncadd.s32 $0xFFFFE000  }
0xb8: {  	_ =	swait.ge [sflag:s9], $0x2000  }
0xb9: {  	[sflag:s9] =	ssyncset.done $0x0  }
0xba: {  	[sflag:s9] =	ssyncadd.s32 $0xFFFFE000  }
0xbb: {  	[bflag:$0x0] =	sbarrier.arrive $0xFFFF  }
0xbc: {  	s12 =	rddreg [dreg:$0x5]  }
0xbd: {  	[tilespmem:s23], [sflag:$0x9] =	stream.linear.gather [spmem:s12], $0x2000, $0x38;
	[tilespmem:$0x1C000] =	vst v63  }
0xbe: {  	_ =	swait.ge [sflag:s24], $0x2000  }
0xbf: {  	[sflag:s24] =	ssyncset.done $0x0  }
0xc0: {  	s13 =	rddreg [dreg:$0xb];
	[sflag:s24] =	ssyncadd.s32 $0xFFFFE000  }
0xc1: {  	[hbm4b:s13+s3] =	stream.linear.scatter [tilespmem:s23], [sflag:$0x9], $0x2000, $0x38;
	[tilespmem:$0x1C000] =	vst v63  }
0xc2: {  	_ =	swait.ge [sflag:s24], $0x2000  }
0xc3: {  	[sflag:s24] =	ssyncset.done $0x0  }
0xc4: {  	s14 =	rddreg [dreg:$0xc];
	[sflag:s24] =	ssyncadd.s32 $0xFFFFE000  }
0xc5: {  	[tilespmem:s23], [sflag:$0x9] =	stream.linear.gather [spmem:s14], $0x2000, $0x38;
	[tilespmem:$0x1C000] =	vst v63  }
0xc6: {  	_ =	swait.ge [sflag:s24], $0x2000  }
0xc7: {  	[sflag:s24] =	ssyncset.done $0x0  }
0xc8: {  	[sflag:s24] =	ssyncadd.s32 $0xFFFFE000  }
0xc9: {  	[hbm4b:s16+s3] =	stream.linear.scatter [tilespmem:s23], [sflag:$0x9], $0x2000, $0x38;
	[tilespmem:$0x1C000] =	vst v63  }
0xca: {  	_ =	swait.ge [sflag:s24], $0x2000  }
0xcb: {  	[sflag:s24] =	ssyncset.done $0x0  }
0xcc: {  	[sflag:s24] =	ssyncadd.s32 $0xFFFFE000  }
0xcd: {  	[tilespmem:s23], [sflag:$0x9] =	stream.linear.gather [spmem:s17], $0x2000, $0x38;
	[tilespmem:$0x1C000] =	vst v63  }
0xce: {  	_ =	swait.ge [sflag:s24], $0x2000  }
0xcf: {  	[sflag:s24] =	ssyncset.done $0x0  }
0xd0: {  	[sflag:s24] =	ssyncadd.s32 $0xFFFFE000  }
0xd1: {  	[hbm4b:s18+s3] =	stream.linear.scatter [tilespmem:s23], [sflag:$0x9], $0x2000, $0x38;
	[tilespmem:$0x1C000] =	vst v63  }
0xd2: {  	_ =	swait.ge [sflag:s24], $0x2000  }
0xd3: {  	[sflag:s24] =	ssyncset.done $0x0  }
0xd4: {  	[sflag:s24] =	ssyncadd.s32 $0xFFFFE000  }
0xd5: {  	[tilespmem:s23], [sflag:$0x9] =	stream.linear.gather [spmem:s19], $0x2000, $0x38;
	[tilespmem:$0x1C000] =	vst v63  }
0xd6: {  	_ =	swait.ge [sflag:s24], $0x2000  }
0xd7: {  	[sflag:s24] =	ssyncset.done $0x0  }
0xd8: {  	[sflag:s24] =	ssyncadd.s32 $0xFFFFE000  }
0xd9: {  	[hbm4b:s20+s3] =	stream.linear.scatter [tilespmem:s23], [sflag:$0x9], $0x2000, $0x38;
	[tilespmem:$0x1C000] =	vst v63  }
0xda: {  	_ =	swait.ge [sflag:s24], $0x2000  }
0xdb: {  	[sflag:s24] =	ssyncset.done $0x0  }
0xdc: {  	[sflag:s24] =	ssyncadd.s32 $0xFFFFE000  }
0xdd: {  	[tilespmem:s23], [sflag:$0x9] =	stream.linear.gather [spmem:s21], $0x2000, $0x38;
	[tilespmem:$0x1C000] =	vst v63  }
0xde: {  	_ =	swait.ge [sflag:s24], $0x2000  }
0xdf: {  	[sflag:s24] =	ssyncset.done $0x0  }
0xe0: {  	[sflag:s24] =	ssyncadd.s32 $0xFFFFE000  }
0xe1: {  	[hbm4b:s22+s3] =	stream.linear.scatter [tilespmem:s23], [sflag:$0x9], $0x2000, $0x38;
	[tilespmem:$0x1C000] =	vst v63  }
0xe2: {  	_ =	swait.ge [sflag:s24], $0x2000  }
0xe3: {  	s10 =	sadd.s32 $0x1, s10;
	s15 =	rddreg [dreg:$0x6]  }
0xe4: {  	p0 =	sne.s32 s10, s15  }
.Ltmp3:
0xe5: {  	_ = 	snop;
	(pc) =	sbr.rel @p0 .LBB2_1-.Ltmp3, $3  }
0xe6: {  	_ =	sdelay $0x1  }
0xe7: {  	[sflag:s24] =	ssyncset.done $0x0  }
0xe8: {  	[sflag:s24] =	ssyncadd.s32 $0xFFFFE000  }
0xe9: {  	_ =	sfence.sel $0x180000  }
0xea: {  	[bflag:$0x0] =	sbarrier.arrive $0xFFFF  }
0xeb: {  	_ =	strace $0x9000004A  }
0xec: {  	s0 =	stileid.u32;
	[bflag:$0x2] =	sbarrier.arrive $0xFFFF  }
0xed: {  	p0 =	sne.s32 s0, $0x0;
	s0 =	rddreg [dreg:$0x2]  }
0xee: {  	s0 =	sadd.s32 @!p0 $0x100000, s0  }
0xef: {  	[sflag:s0] =	ssyncadd.tile.s32 @!p0 $0x1;
	_ =	shalt  }
.Lfunc_end2:
_tile_overlayer_lowered:
.L_overlay_start_2:
0xf0: {  	(tag) =	ssettag $0x2  }
0xf1: {  	s0 =	rddreg [dreg:$0x0];
	s2 =	stileid.u32  }
0xf2: {  	s1 =	rddreg [dreg:$0x1];
	p0 =	sne.s32 s2, $0x0  }
0xf3: {  	s3 =	rddreg [dreg:$0x2];
	[bflag:$0x3] =	sbarrier.arrive $0xFFFF;
	s2 =	simm.s32 @!p0 $0x1C09  }
0xf4: {  	[timem:s3], [sflag:s2] =	dma.local @!p0 [hbm:s0], s1  }
0xf5: {  	s0 =	simm.s32 @!p0 $0x9  }
0xf6: {  	_ =	swait.ge @!p0 [sflag:s0], s1  }
0xf7: {  	s1 =	ssub.s32 @!p0 $0x0, s1;
	[sflag:s0] =	ssyncset.done @!p0 $0x0  }
0xf8: {  	[sflag:s0] =	ssyncadd.s32 @!p0 s1  }
0xf9: {  	[bflag:$0x3] =	sbarrier.arrive $0xFFFF  }
0xfa: {  	_ =	shalt  }

// kernel: kernel.17.cloned.1.call-start
scs
__scs_entry_jumppad:
0x0: {  	(pc) =	sbr.rel $0x88, $3  }
0x1: {  	(tag) =	ssettag $0x0;
	lr =	simm.s32 $0x1  }
0x2: {  	[smem:$0x3F95] =	sst lr;
	_ =	strace $0xD0000000  }
0x3: {  	_ = 	snop  }
0x4: {  	_ = 	snop  }
0x5: {  	_ = 	snop  }
0x6: {  	_ = 	snop  }
0x7: {  	_ = 	snop  }
__scs_overlays_trampoline_lowered:
0x8: {  	[smem:$0x3FA4] =	sst s0  }
0x9: {  	[smem:$0x3FA5] =	sst s1  }
0xa: {  	[smem:$0x3FA6] =	sst s2  }
0xb: {  	[smem:$0x3FA7] =	sst s3  }
0xc: {  	[smem:$0x3FA8] =	sst s4  }
0xd: {  	[smem:$0x3FA9] =	sst s5  }
0xe: {  	[smem:$0x3FAA] =	sst s6  }
0xf: {  	[smem:$0x3FAB] =	sst s7  }
0x10: {  	[smem:$0x3FAC] =	sst s8  }
0x11: {  	[smem:$0x3FAD] =	sst s9;
	s0 =	simm.s32 @!p0 $0x0  }
0x12: {  	s1 =	sld [smem:$0x3F93];
	s0 =	simm.s32 @p0 $0x1  }
0x13: {  	[smem:$0x3FAE] =	sst s0;
	s0 =	simm.s32 @!p1 $0x0  }
0x14: {  	s2 =	sld [smem:$0x3F92];
	s0 =	simm.s32 @p1 $0x1  }
0x15: {  	[smem:$0x3FAF] =	sst s0;
	s0 =	simm.s32 @!p2 $0x0  }
0x16: {  	s3 =	sld [smem:$0x3FDB];
	s0 =	simm.s32 @p2 $0x1  }
0x17: {  	s4 =	simm.s32 $0x1BF5;
	[smem:$0x3FB1] =	sst s0  }
0x18: {  	s0 =	sld [smem:$0x3F94];
	_ =	swait.ge [sflag:s4], $0x0  }
0x19: {  	s7 =	sld [smem:$0x3F95]  }
0x1a: {  	s8 =	sadd.s32 $0xFFFFE003, lr  }
0x1b: {  	s9 =	sadd.s32 $0xFFFFFEF7, lr;
	s5 =	simm.s32 $0xFFFFFFFF;
	p2 =	slt.u32 s8, $0xFFFFF086  }
0x1c: {  	p1 =	slt.u32 s9, $0xF7A;
	s5 =	simm.s32 @!p2 $0x0  }
0x1d: {  	s5 =	simm.s32 @p1 $0x1;
	p0 =	seq.s32 s7, s2  }
0x1e: {  	s7 =	smul.u32 @!p0 $0xF7A, s2;
	p2 =	seq.s32 @!p0 s5, $0x0  }
0x1f: {  	s9 =	smul.u32 $0xF7A, s1;
	s8 =	simm.s32 @!p0 $0x1BF5;
	p2 =	por !p2, p0  }
0x20: {  	[sflag:s8] =	ssyncset.s32 @!p0 $0xFFFFF086;
	s6 =	sadd.s32 @!p0 s3, s7;
	s7 =	simm.s32 @!p0 $0x108  }
0x21: {  	s3 =	sadd.s32 s3, s9;
	s6 =	sadd.s32 @!p0 $0x88, s6;
	s7 =	simm.s32 @p2 $0x1082  }
0x22: {  	[simem:s7], [sflag:s8] =	dma.local @!p0 [hbm:s6], $0xF7A  }
0x23: {  	s9 =	sor.u32 $0xD0000000, s2;
	s6 =	simm.s32 $0x108;
	_ =	swait.ge @!p0 [sflag:s8], $0x0  }
0x24: {  	s3 =	sadd.s32 $0x88, s3;
	s6 =	simm.s32 @!p1 $0x1082;
	[sflag:s4] =	ssyncset.s32 $0xFFFFF086  }
0x25: {  	[simem:s6], [sflag:s4] =	dma.local [hbm:s3], $0xF7A  }
0x26: {  	[smem:$0x3F95] =	sst s1;
	(tag) =	ssettag s2;
	_ =	strace s9  }
0x27: {  	s1 =	sld [smem:$0x3FA5]  }
0x28: {  	s2 =	sld [smem:$0x3FA6]  }
0x29: {  	s4 =	sld [smem:$0x3FA8]  }
0x2a: {  	p0 =	seq.s32 s5, $0x0;
	s5 =	sld [smem:$0x3FA9]  }
0x2b: {  	s6 =	sld [smem:$0x3FAA]  }
0x2c: {  	s7 =	sld [smem:$0x3FAB]  }
0x2d: {  	s3 =	simm.s32 $0x108;
	s8 =	sld [smem:$0x3FAC]  }
0x2e: {  	s3 =	simm.s32 @!p0 $0x1082;
	s9 =	sld [smem:$0x3FAD]  }
0x2f: {  	lr =	sadd.s32 s0, s3;
	s0 =	sld [smem:$0x3FA4]  }
0x30: {  	s3 =	sld [smem:$0x3FA7]  }
0x31: {  	[smem:$0x3FB0] =	sst s10  }
0x32: {  	s10 =	sld [smem:$0x3FAE];
	_ =	sdelay $0x3  }
0x33: {  	p0 =	seq.s32 s10, $0x1;
	s10 =	sld [smem:$0x3FB0];
	_ =	sdelay $0x3  }
0x34: {  	[smem:$0x3FB0] =	sst s10  }
0x35: {  	s10 =	sld [smem:$0x3FAF];
	_ =	sdelay $0x3  }
0x36: {  	p1 =	seq.s32 s10, $0x1;
	s10 =	sld [smem:$0x3FB0];
	_ =	sdelay $0x3  }
0x37: {  	[smem:$0x3FB0] =	sst s10  }
0x38: {  	s10 =	sld [smem:$0x3FB1]  }
0x39: {  	_ = 	snop;
	(pc) =	sbr.ind lr, $3  }
0x3a: {  	_ = 	snop  }
0x3b: {  	_ = 	snop  }
0x3c: {  	p2 =	seq.s32 s10, $0x1;
	s10 =	sld [smem:$0x3FB0]  }
0x3d: {  	_ =	shalt  }
0x3e: {  	_ =	shalt  }
0x3f: {  	_ =	shalt  }
0x40: {  	_ =	shalt  }
0x41: {  	_ =	shalt  }
0x42: {  	_ =	shalt  }
0x43: {  	_ =	shalt  }
0x44: {  	_ =	shalt  }
0x45: {  	_ =	shalt  }
0x46: {  	_ =	shalt  }
0x47: {  	_ =	shalt  }
0x48: {  	_ =	shalt  }
0x49: {  	_ =	shalt  }
0x4a: {  	_ =	shalt  }
0x4b: {  	_ =	shalt  }
0x4c: {  	_ =	shalt  }
0x4d: {  	_ =	shalt  }
0x4e: {  	_ =	shalt  }
0x4f: {  	_ =	shalt  }
0x50: {  	_ =	shalt  }
0x51: {  	_ =	shalt  }
0x52: {  	_ =	shalt  }
0x53: {  	_ =	shalt  }
0x54: {  	_ =	shalt  }
0x55: {  	_ =	shalt  }
0x56: {  	_ =	shalt  }
0x57: {  	_ =	shalt  }
0x58: {  	_ =	shalt  }
0x59: {  	_ =	shalt  }
0x5a: {  	_ =	shalt  }
0x5b: {  	_ =	shalt  }
0x5c: {  	_ =	shalt  }
0x5d: {  	_ =	shalt  }
0x5e: {  	_ =	shalt  }
0x5f: {  	_ =	shalt  }
0x60: {  	_ =	shalt  }
0x61: {  	_ =	shalt  }
0x62: {  	_ =	shalt  }
0x63: {  	_ =	shalt  }
0x64: {  	_ =	shalt  }
0x65: {  	_ =	shalt  }
0x66: {  	_ =	shalt  }
0x67: {  	_ =	shalt  }
0x68: {  	_ =	shalt  }
0x69: {  	_ =	shalt  }
0x6a: {  	_ =	shalt  }
0x6b: {  	_ =	shalt  }
0x6c: {  	_ =	shalt  }
0x6d: {  	_ =	shalt  }
0x6e: {  	_ =	shalt  }
0x6f: {  	_ =	shalt  }
0x70: {  	_ =	shalt  }
0x71: {  	_ =	shalt  }
0x72: {  	_ =	shalt  }
0x73: {  	_ =	shalt  }
0x74: {  	_ =	shalt  }
0x75: {  	_ =	shalt  }
0x76: {  	_ =	shalt  }
0x77: {  	_ =	shalt  }
0x78: {  	_ =	shalt  }
0x79: {  	_ =	shalt  }
0x7a: {  	_ =	shalt  }
0x7b: {  	_ =	shalt  }
0x7c: {  	_ =	shalt  }
0x7d: {  	_ =	shalt  }
0x7e: {  	_ =	shalt  }
0x7f: {  	_ =	shalt  }
0x80: {  	_ =	shalt  }
0x81: {  	_ =	shalt  }
0x82: {  	_ =	shalt  }
0x83: {  	_ =	shalt  }
0x84: {  	_ =	shalt  }
0x85: {  	_ =	shalt  }
0x86: {  	_ =	shalt  }
0x87: {  	_ =	shalt  }
.Lfunc_end0:
.L_simem_size_0:
called_computation.2_lowered:
.L_overlay_start_0:
0x88: {  	s2 =	sld [smem:$0x3FD9]  }
0x89: {  	s3 =	sld [smem:$0x3FFE];
	_ =	sdelay $0x1  }
0x8a: {  	s1 =	srdreg.scid  }
0x8b: {  	s0 =	sand.u32 $0x1, s1  }
0x8c: {  	s16 =	sshll.u32 s0, $0xA;
	s2 =	sadd.s32 s3, s2  }
0x8d: {  	s2 =	sadd.s32 s2, s16  }
0x8e: {  	[smem:$0x3FBC] =	sst s2  }
0x8f: {  	_ = 	snop  }
0x90: {  	(tm) =	ssettm $0x1  }
0x91: {  	s17 =	sld [smem:$0x3FFB];
	_ =	sdelay $0x3  }
0x92: {  	_ =	strace s17  }
0x93: {  	s2 =	sld [smem:$0x3FFC];
	_ =	sdelay $0x3  }
0x94: {  	_ =	strace s2  }
0x95: {  	s2 =	sld [smem:$0x3FFD];
	_ =	sdelay $0x3  }
0x96: {  	_ =	strace s2  }
0x97: {  	_ =	strace $0x8FFFFFFF  }
0x98: {  	s18 =	sld [smem:$0x3FDB];
	_ =	sdelay $0x1  }
0x99: {  	s19 =	simm.s32 $_scs_section_size  }
0x9a: {  	s4 =	simm.s32 $_size__tile_overlayer_lowered;
	s5 =	simm.s32 $_tile_overlayer_lowered  }
0x9b: {  	s22 =	simm.s32 $0x1BFF;
	s21 =	sshll.u32 s5, $0x1;
	s2 =	sadd.s32 s19, s18  }
0x9c: {  	s6 =	simm.s32 $0x0;
	s20 =	sshll.u32 s4, $0x1;
	s4 =	sadd.s32 s21, s2  }
0x9d: {  	[timem:s6], [sflag:s22] =	dma.local [hbm:s4], s20  }
0x9e: {  	_ =	swait.ge [sflag:s22], s20  }
0x9f: {  	s3 =	ssub.s32 $0x0, s20;
	[sflag:s22] =	ssyncset.done $0x0  }
0xa0: {  	[sflag:s22] =	ssyncadd.s32 s3;
	_ =	sdelay $0x1  }
0xa1: {  	s23 =	simm.s32 $0x1B8B  }
0xa2: {  	_ =	swait.ge [sflag:s23], $0x1  }
0xa3: {  	[sflag:s23] =	ssyncset.done $0x0  }
0xa4: {  	s25 =	simm.s32 $0x1B8E;
	s24 =	sld [smem:$0x3FFE];
	[sflag:s23] =	ssyncadd.s32 $0xFFFFFFFF  }
0xa5: {  	s26 =	simm.s32 $execute0_lowered;
	[smem:$0x3FD2] =	sst s25  }
0xa6: {  	s4 =	sshll.u32 s26, $0x1;
	_ =	strace $0x8000004C;
	[dreg:$0x1] =	wrdreg $0xFFFFFFFF  }
0xa7: {  	s28 =	simm.s32 $_size_execute0_lowered;
	s2 =	sadd.s32 s2, s4;
	[dreg:$0x0] =	wrdreg $0x0  }
0xa8: {  	s4 =	sshll.u32 s28, $0x1;
	[dreg:$0x2] =	wrdreg s2  }
0xa9: {  	[dreg:$0x3] =	wrdreg s4  }
0xaa: {  	[dreg:$0x4] =	wrdreg $0xC0  }
0xab: {  	_ =	task [dreg:s6], $0x5FFFF  }
0xac: {  	[dreg:$0x1] =	wrdreg $0xFFFFFFFF  }
0xad: {  	[dreg:$0x0] =	wrdreg $0x60  }
0xae: {  	[dreg:$0x2] =	wrdreg s24  }
0xaf: {  	[dreg:$0x3] =	wrdreg $0x120000  }
0xb0: {  	[dreg:$0x4] =	wrdreg $0x9  }
0xb1: {  	_ =	task.clear_ibuf [dreg:s6], $0x5FFFF;
	_ =	strace $0x9000004C  }
0xb2: {  	s29 =	simm.s32 $0x9;
	_ =	strace $0x8000004E  }
0xb3: {  	_ =	swait.ge [sflag:s29], $0x1  }
0xb4: {  	[sflag:s29] =	ssyncadd.s32 $0xFFFFFFFF  }
0xb5: {  	_ =	strace $0x9000004E  }
0xb6: {  	_ =	sfence  }
0xb7: {  	s30 =	sld [smem:$0x0];
	_ =	sdelay $0x2  }
0xb8: {  	s31 =	sshll.u32 s1, $0xD;
	s1 =	sshrl.u32 s1, $0x2  }
0xb9: {  	s3 =	sand.u32 $0x4000, s31;
	s1 =	sadd.s32 s1, s30  }
0xba: {  	s0 =	sor.u32 s3, s0;
	s1 =	sshll.u32 s1, $0x11  }
0xbb: {  	s0 =	sor.u32 s1, s0  }
0xbc: {  	s0 =	sadd.s32 $0x8F2B, s0  }
0xbd: {  	[sflag:s0] =	ssyncadd.remote.s32 $0x1  }
0xbe: {  	_ =	sfence.sel $0xFFFF  }
0xbf: {  	[dreg:$0x0] =	wrdreg $0xFFFFFFFF;
	(pc) =	sbr.abs _section_cstart, $3  }
0xc0: {  	[dreg:$0x1] =	wrdreg $0xFFFFFFFF  }
0xc1: {  	_ =	task.clear_ibuf [dreg:s6], $0x2FFFF;
	_ =	strace $0x9FFFFFFF  }
0xc2: {  	(tm) =	ssettm $0x7FFFFFFF  }
0xc3: {  	_ =	shalt  }
tec
execute0_lowered:
.L_overlay_start_1:
0x0: {  	(tag) =	ssettag $0x1  }
0x1: {  	s0 =	rddreg [dreg:$0x0]  }
0x2: {  	s2 =	rddreg [dreg:$0x1];
	s3 =	simm.s32 $0x0;
	s9 =	stileid.u32  }
0x3: {  	s4 =	srdreg.scid;
	s28 =	simm.s32 $0xC000;
	s29 =	simm.s32 $0xE000  }
0x4: {  	s30 =	simm.s32 $0x10000;
	s31 =	simm.s32 $0x1;
	s1 =	smul.u32 $0xA00, s9  }
0x5: {  	[smem:$0x7FF] =	sst s3;
	s8 =	sand.u32 $0x1, s4;
	s5 =	smul.u32 $0x28000, s9  }
0x6: {  	s4 =	sadd.s32 $0x22E00, s0;
	s13 =	smul.u32 $0xA000, s9;
	_ =	strace $0x8000004D  }
0x7: {  	s6 =	ssub.s32 $0x2, s8;
	s15 =	smul.u32 $0xA0000, s8;
	v0 =	vmov s8;
	s8 =	simm.s32 $0x7  }
0x8: {  	s1 =	sadd.s32 s1, s0;
	s0 =	sadd.s32 $0x71200, s0;
	s7 =	sshrl.u32 s6, $0x1  }
0x9: {  	s5 =	sshrl.u32 s5, $0x2;
	s16 =	sadd.s32 s13, s2;
	s20 =	sadd.s32 $0x2000, s13  }
0xa: {  	s23 =	sadd.s32 $0x4000, s13;
	s24 =	sadd.s32 $0x6000, s13;
	s6 =	ssub.s32 s6, s7  }
0xb: {  	s5 =	sadd.s32 s5, s2;
	s14 =	sadd.s32 $0x18E00, s1;
	s1 =	sadd.s32 $0x4E00, s1  }
0xc: {  	[dreg:$0x5] =	wrdreg s16;
	s19 =	sadd.s32 s15, s13;
	s21 =	sadd.s32 s15, s20  }
0xd: {  	s9 =	sadd.s32 s20, s2;
	s25 =	sadd.s32 s15, s24;
	[dreg:$0x3] =	wrdreg s14  }
0xe: {  	s7 =	sadd.s32 $0x8000, s13;
	[dreg:$0x4] =	wrdreg s1;
	s6 =	smax.u32 s6, $0x1  }
0xf: {  	s17 =	sadd.s32 $0x2000, s5;
	s18 =	sadd.s32 $0x4000, s5;
	[dreg:$0xc] =	wrdreg s9  }
0x10: {  	s10 =	sadd.s32 $0x6000, s5;
	s11 =	sadd.s32 $0x8000, s5;
	[dreg:$0x6] =	wrdreg s6  }
0x11: {  	s22 =	sshrl.u32 s21, $0x3;
	s26 =	sshrl.u32 s25, $0x3;
	[dreg:$0x7] =	wrdreg s17  }
0x12: {  	s1 =	sadd.s32 s15, s7;
	s21 =	sadd.s32 s7, s2;
	[dreg:$0x8] =	wrdreg s18  }
0x13: {  	s25 =	simm.s32 $0x4;
	s7 =	simm.s32 $0x6;
	[dreg:$0x9] =	wrdreg s10  }
0x14: {  	s9 =	simm.s32 $0x8;
	s6 =	sshrl.u32 s19, $0x3;
	[dreg:$0xa] =	wrdreg s11  }
0x15: {  	s16 =	sadd.s32 s0, s22;
	s17 =	sadd.s32 s23, s2;
	s19 =	sadd.s32 s24, s2  }
0x16: {  	s20 =	sadd.s32 s0, s26;
	s1 =	sshrl.u32 s1, $0x3;
	s24 =	simm.s32 $0x9  }
0x17: {  	s26 =	simm.s32 $0x80;
	s10 =	simm.s32 $0x0;
	s6 =	sadd.s32 s0, s6  }
0x18: {  	s22 =	sadd.s32 s0, s1;
	[dreg:$0xb] =	wrdreg s6;
	s6 =	sadd.s32 s15, s23  }
0x19: {  	s1 =	simm.s32 $0x3;
	s23 =	simm.s32 $0xA000;
	s6 =	sshrl.u32 s6, $0x3  }
0x1a: {  	v1 =	vimm.f32 $0.0e+00;
	s18 =	sadd.s32 s0, s6;
	s0 =	simm.s32 $0x2;
	s6 =	simm.s32 $0x5  }
.LBB2_1:
0x1b: {  	s11 =	sand.u32 $0x7F00, s3  }
0x1c: {  	s12 =	sand.u32 $0x30, s3;
	s13 =	sshrl.u32 s11, $0x2  }
0x1d: {  	s11 =	simm.s32 $0x40;
	s13 =	sor.u32 s12, s13;
	s12 =	simm.s32 $0x0  }
.LBB2_2:
0x1e: {  	p0 =	sne.s32 s11, $0x7FC0  }
0x1f: {  	[tilespmem:s13+$0xA000] =	vst v1;
	s12 =	sadd.s32 $0x10, s12;
	s13 =	smov.u32 s11;
	s11 =	sadd.s32 $0x40, s11  }
.Ltmp0:
0x20: {  	(pc) =	sbr.rel @p0 .LBB2_2-.Ltmp0, $4  }
0x21: {  	_ = 	snop  }
0x22: {  	s13 =	sand.u32 $0x7F00, s13  }
0x23: {  	s14 =	sand.u32 $0x30, s12;
	s13 =	sshrl.u32 s13, $0x2  }
0x24: {  	s13 =	sor.u32 s14, s13  }
0x25: {  	[tilespmem:s13+$0xA000] =	vst v1  }
0x26: {  	[spmem:s5] =	stream.linear.scatter [tilespmem:s23], [sflag:$0x9], $0x2000, $0x38;
	[tilespmem:$0x1C000] =	vst v63  }
0x27: {  	_ =	swait.ge [sflag:s24], $0x2000  }
0x28: {  	[sflag:s24] =	ssyncset.done $0x0  }
0x29: {  	s11 =	rddreg [dreg:$0x7];
	[sflag:s24] =	ssyncadd.s32 $0xFFFFE000  }
0x2a: {  	[spmem:s11] =	stream.linear.scatter [tilespmem:s23], [sflag:$0x9], $0x2000, $0x38;
	[tilespmem:$0x1C000] =	vst v63  }
0x2b: {  	_ =	swait.ge [sflag:s24], $0x2000  }
0x2c: {  	[sflag:s24] =	ssyncset.done $0x0  }
0x2d: {  	s15 =	rddreg [dreg:$0x8];
	[sflag:s24] =	ssyncadd.s32 $0xFFFFE000  }
0x2e: {  	[spmem:s15] =	stream.linear.scatter [tilespmem:s23], [sflag:$0x9], $0x2000, $0x38;
	[tilespmem:$0x1C000] =	vst v63  }
0x2f: {  	_ =	swait.ge [sflag:s24], $0x2000  }
0x30: {  	[sflag:s24] =	ssyncset.done $0x0  }
0x31: {  	s12 =	rddreg [dreg:$0x9];
	[sflag:s24] =	ssyncadd.s32 $0xFFFFE000  }
0x32: {  	[spmem:s12] =	stream.linear.scatter [tilespmem:s23], [sflag:$0x9], $0x2000, $0x38;
	[tilespmem:$0x1C000] =	vst v63  }
0x33: {  	_ =	swait.ge [sflag:s24], $0x2000  }
0x34: {  	[sflag:s24] =	ssyncset.done $0x0  }
0x35: {  	s13 =	rddreg [dreg:$0xa];
	[sflag:s24] =	ssyncadd.s32 $0xFFFFE000  }
0x36: {  	[spmem:s13] =	stream.linear.scatter [tilespmem:s23], [sflag:$0x9], $0x2000, $0x38;
	[tilespmem:$0x1C000] =	vst v63  }
0x37: {  	_ =	swait.ge [sflag:s24], $0x2000  }
0x38: {  	[sflag:s24] =	ssyncset.done $0x0  }
0x39: {  	[sflag:s24] =	ssyncadd.s32 $0xFFFFE000  }
0x3a: {  	[bflag:$0x0] =	sbarrier.arrive $0xFFFF  }
0x3b: {  	s11 =	simm.s32 $0x0;
	s12 =	rddreg [dreg:$0x3]  }
0x3c: {  	[tilespmem:s11], [sflag:$0x9] =	stream.linear.gather [hbm4b:s12+s11], $0x5000, $0x38;
	[tilespmem:$0x1C000] =	vst v63  }
0x3d: {  	_ =	swait.ge [sflag:s24], $0x5000  }
0x3e: {  	[sflag:s24] =	ssyncset.done $0x0  }
0x3f: {  	s15 =	simm.s32 $0x5000;
	s14 =	rddreg [dreg:$0x4];
	[sflag:s24] =	ssyncadd.s32 $0xFFFFB000  }
0x40: {  	[tilespmem:s15], [sflag:$0x9] =	stream.linear.gather [hbm4b:s14+s11], $0x5000, $0x38;
	[tilespmem:$0x1C000] =	vst v63  }
0x41: {  	s14 =	sand.u32 $0x1FE00, s11;
	_ =	swait.ge [sflag:s24], $0x5000  }
0x42: {  	s11 =	sand.u32 $0x70, s11;
	s12 =	sshrl.u32 s14, $0x2;
	[sflag:s24] =	ssyncset.done $0x0  }
0x43: {  	s11 =	sor.u32 s11, s12;
	[sflag:s24] =	ssyncadd.s32 $0xFFFFB000  }
0x44: {  	v2 =	vld [tilespmem:s11+$0x0];
	_ =	sdelay $0x2  }
0x45: {  	s15 =	simm.s32 $0x40  }
0x46: {  	s13 =	simm.s32 $0x80;
	s14 =	sand.u32 $0x1FE00, s15;
	s12 =	simm.s32 $0x10  }
.LBB2_4:
0x47: {  	p0 =	sne.s32 s13, $0x141C0;
	s15 =	sand.u32 $0x70, s12;
	s14 =	sshrl.u32 s14, $0x2;
	v2 =	vadd.s32 v0, v2  }
0x48: {  	[tilespmem:s11+$0x0] =	vst v2;
	s11 =	sor.u32 s15, s14  }
.Ltmp1:
0x49: {  	v2 =	vld [tilespmem:s11+$0x0];
	(pc) =	sbr.rel @p0 .LBB2_4-.Ltmp1, $2  }
0x4a: {  	_ =	sdelay $0x2  }
0x4b: {  	s12 =	sadd.s32 $0x10, s12;
	s14 =	sand.u32 $0x1FE00, s13;
	s13 =	sadd.s32 $0x40, s13  }
0x4c: {  	s12 =	sand.u32 $0x70, s12;
	s13 =	sshrl.u32 s14, $0x2;
	v2 =	vadd.s32 v0, v2  }
0x4d: {  	s12 =	sor.u32 s12, s13;
	[tilespmem:s11+$0x0] =	vst v2  }
0x4e: {  	v2 =	vld [tilespmem:s12+$0x0];
	_ =	sdelay $0x4  }
0x4f: {  	v2 =	vadd.s32 v0, v2  }
0x50: {  	[tilespmem:s12+$0x0] =	vst v2;
	s12 =	simm.s32 $0x0  }
0x51: {  	[tilespmem:s23], [sflag:$0x1] =	stream.indirect.gather [hbm4b:s4+s26], $0x40, s12, s26, $0xb8;
	[tilespmem:$0x1C000] =	vst v63  }
0x52: {  	s13 =	simm.s32 $0x80  }
0x53: {  	[tilespmem:s28], [sflag:$0x2] =	stream.indirect.gather [hbm4b:s4+s26], $0x40, s13, s26, $0xb8;
	[tilespmem:$0x1C000] =	vst v63  }
0x54: {  	s14 =	simm.s32 $0x100  }
0x55: {  	[tilespmem:s29], [sflag:$0x3] =	stream.indirect.gather [hbm4b:s4+s26], $0x40, s14, s26, $0xb8;
	[tilespmem:$0x1C000] =	vst v63  }
0x56: {  	s15 =	simm.s32 $0x180  }
0x57: {  	[tilespmem:s30], [sflag:$0x4] =	stream.indirect.gather [hbm4b:s4+s26], $0x40, s15, s26, $0xb8;
	[tilespmem:$0x1C000] =	vst v63  }
0x58: {  	_ =	swait.ge [sflag:s31], $0x2000  }
0x59: {  	[sflag:s31] =	ssyncset.done $0x0  }
0x5a: {  	s12 =	simm.s32 $0x5000;
	[sflag:s31] =	ssyncadd.s32 $0xFFFFE000  }
0x5b: {  	[spmem:s2] =	stream.indirect.scatter.add.f32 [tilespmem:s23], [sflag:$0x5], $0x40, s12, s26, $0xb8;
	[tilespmem:$0x1C000] =	vst v63  }
0x5c: {  	_ =	swait.ge [sflag:s0], $0x2000  }
0x5d: {  	[sflag:s0] =	ssyncset.done $0x0  }
0x5e: {  	s13 =	simm.s32 $0x5080;
	[sflag:s0] =	ssyncadd.s32 $0xFFFFE000  }
0x5f: {  	[spmem:s2] =	stream.indirect.scatter.add.f32 [tilespmem:s28], [sflag:$0x6], $0x40, s13, s26, $0xb8;
	[tilespmem:$0x1C000] =	vst v63  }
0x60: {  	_ =	swait.ge [sflag:s1], $0x2000  }
0x61: {  	[sflag:s1] =	ssyncset.done $0x0  }
0x62: {  	s14 =	simm.s32 $0x5100;
	[sflag:s1] =	ssyncadd.s32 $0xFFFFE000  }
0x63: {  	[spmem:s2] =	stream.indirect.scatter.add.f32 [tilespmem:s29], [sflag:$0x7], $0x40, s14, s26, $0xb8;
	[tilespmem:$0x1C000] =	vst v63  }
0x64: {  	_ =	swait.ge [sflag:s25], $0x2000  }
0x65: {  	[sflag:s25] =	ssyncset.done $0x0  }
0x66: {  	s15 =	simm.s32 $0x5180;
	[sflag:s25] =	ssyncadd.s32 $0xFFFFE000  }
0x67: {  	[spmem:s2] =	stream.indirect.scatter.add.f32 [tilespmem:s30], [sflag:$0x8], $0x40, s15, s26, $0xb8;
	[tilespmem:$0x1C000] =	vst v63  }
0x68: {  	_ =	swait.ge [sflag:s6], $0x2000  }
0x69: {  	[sflag:s6] =	ssyncset.done $0x0  }
0x6a: {  	[sflag:s6] =	ssyncadd.s32 $0xFFFFE000  }
0x6b: {  	_ =	swait.ge [sflag:s7], $0x2000  }
0x6c: {  	[sflag:s7] =	ssyncset.done $0x0  }
0x6d: {  	[sflag:s7] =	ssyncadd.s32 $0xFFFFE000  }
0x6e: {  	_ =	swait.ge [sflag:s8], $0x2000  }
0x6f: {  	[sflag:s8] =	ssyncset.done $0x0  }
0x70: {  	[sflag:s8] =	ssyncadd.s32 $0xFFFFE000  }
0x71: {  	_ =	swait.ge [sflag:s9], $0x2000  }
0x72: {  	s11 =	simm.s32 $0x800;
	s13 =	simm.s32 $0x1000;
	[sflag:s9] =	ssyncset.done $0x0  }
.LBB2_6:
0x73: {  	s14 =	sshra.s32 s11, $0x2  }
0x74: {  	[sflag:s9] =	ssyncadd.s32 $0xFFFFE000;
	s11 =	smov.u32 s13;
	s12 =	sadd.s32 $0x800, s13  }
0x75: {  	[tilespmem:s23], [sflag:$0x1] =	stream.indirect.gather [hbm4b:s4+s26], $0x40, s14, s26, $0xb8;
	[tilespmem:$0x1C000] =	vst v63  }
0x76: {  	p0 =	sne.s32 s13, $0x13800;
	s13 =	sadd.s32 $0x80, s14  }
0x77: {  	[tilespmem:s28], [sflag:$0x2] =	stream.indirect.gather [hbm4b:s4+s26], $0x40, s13, s26, $0xb8;
	[tilespmem:$0x1C000] =	vst v63  }
0x78: {  	s13 =	sadd.s32 $0x100, s14  }
0x79: {  	[tilespmem:s29], [sflag:$0x3] =	stream.indirect.gather [hbm4b:s4+s26], $0x40, s13, s26, $0xb8;
	[tilespmem:$0x1C000] =	vst v63  }
0x7a: {  	s13 =	sadd.s32 $0x180, s14  }
0x7b: {  	[tilespmem:s30], [sflag:$0x4] =	stream.indirect.gather [hbm4b:s4+s26], $0x40, s13, s26, $0xb8;
	[tilespmem:$0x1C000] =	vst v63  }
0x7c: {  	_ =	swait.ge [sflag:s31], $0x2000  }
0x7d: {  	[sflag:s31] =	ssyncset.done $0x0  }
0x7e: {  	s13 =	sadd.s32 $0x5000, s14;
	[sflag:s31] =	ssyncadd.s32 $0xFFFFE000  }
0x7f: {  	[spmem:s2] =	stream.indirect.scatter.add.f32 [tilespmem:s23], [sflag:$0x5], $0x40, s13, s26, $0xb8;
	[tilespmem:$0x1C000] =	vst v63  }
0x80: {  	_ =	swait.ge [sflag:s0], $0x2000  }
0x81: {  	[sflag:s0] =	ssyncset.done $0x0  }
0x82: {  	s13 =	sadd.s32 $0x5080, s14;
	[sflag:s0] =	ssyncadd.s32 $0xFFFFE000  }
0x83: {  	[spmem:s2] =	stream.indirect.scatter.add.f32 [tilespmem:s28], [sflag:$0x6], $0x40, s13, s26, $0xb8;
	[tilespmem:$0x1C000] =	vst v63  }
0x84: {  	_ =	swait.ge [sflag:s1], $0x2000  }
0x85: {  	[sflag:s1] =	ssyncset.done $0x0  }
0x86: {  	s13 =	sadd.s32 $0x5100, s14;
	[sflag:s1] =	ssyncadd.s32 $0xFFFFE000  }
0x87: {  	[spmem:s2] =	stream.indirect.scatter.add.f32 [tilespmem:s29], [sflag:$0x7], $0x40, s13, s26, $0xb8;
	[tilespmem:$0x1C000] =	vst v63  }
0x88: {  	_ =	swait.ge [sflag:s25], $0x2000  }
0x89: {  	[sflag:s25] =	ssyncset.done $0x0  }
0x8a: {  	s13 =	sadd.s32 $0x5180, s14;
	[sflag:s25] =	ssyncadd.s32 $0xFFFFE000  }
0x8b: {  	[spmem:s2] =	stream.indirect.scatter.add.f32 [tilespmem:s30], [sflag:$0x8], $0x40, s13, s26, $0xb8;
	[tilespmem:$0x1C000] =	vst v63  }
0x8c: {  	_ =	swait.ge [sflag:s6], $0x2000  }
0x8d: {  	[sflag:s6] =	ssyncset.done $0x0  }
0x8e: {  	[sflag:s6] =	ssyncadd.s32 $0xFFFFE000  }
0x8f: {  	_ =	swait.ge [sflag:s7], $0x2000  }
0x90: {  	[sflag:s7] =	ssyncset.done $0x0  }
0x91: {  	[sflag:s7] =	ssyncadd.s32 $0xFFFFE000  }
.Ltmp2:
0x92: {  	_ =	swait.ge [sflag:s8], $0x2000;
	(pc) =	sbr.rel @p0 .LBB2_6-.Ltmp2, $4  }
0x93: {  	[sflag:s8] =	ssyncset.done $0x0  }
0x94: {  	[sflag:s8] =	ssyncadd.s32 $0xFFFFE000  }
0x95: {  	_ =	swait.ge [sflag:s9], $0x2000  }
0x96: {  	s13 =	smov.u32 s12;
	[sflag:s9] =	ssyncset.done $0x0  }
0x97: {  	s11 =	sshra.s32 s11, $0x2;
	[sflag:s9] =	ssyncadd.s32 $0xFFFFE000  }
0x98: {  	[tilespmem:s23], [sflag:$0x1] =	stream.indirect.gather [hbm4b:s4+s26], $0x40, s11, s26, $0xb8;
	[tilespmem:$0x1C000] =	vst v63  }
0x99: {  	s12 =	sadd.s32 $0x80, s11  }
0x9a: {  	[tilespmem:s28], [sflag:$0x2] =	stream.indirect.gather [hbm4b:s4+s26], $0x40, s12, s26, $0xb8;
	[tilespmem:$0x1C000] =	vst v63  }
0x9b: {  	s14 =	sadd.s32 $0x100, s11  }
0x9c: {  	[tilespmem:s29], [sflag:$0x3] =	stream.indirect.gather [hbm4b:s4+s26], $0x40, s14, s26, $0xb8;
	[tilespmem:$0x1C000] =	vst v63  }
0x9d: {  	s15 =	sadd.s32 $0x180, s11  }
0x9e: {  	[tilespmem:s30], [sflag:$0x4] =	stream.indirect.gather [hbm4b:s4+s26], $0x40, s15, s26, $0xb8;
	[tilespmem:$0x1C000] =	vst v63  }
0x9f: {  	_ =	swait.ge [sflag:s31], $0x2000  }
0xa0: {  	[sflag:s31] =	ssyncset.done $0x0  }
0xa1: {  	s13 =	sadd.s32 $0x5000, s11;
	[sflag:s31] =	ssyncadd.s32 $0xFFFFE000  }
0xa2: {  	[spmem:s2] =	stream.indirect.scatter.add.f32 [tilespmem:s23], [sflag:$0x5], $0x40, s13, s26, $0xb8;
	[tilespmem:$0x1C000] =	vst v63  }
0xa3: {  	_ =	swait.ge [sflag:s0], $0x2000  }
0xa4: {  	[sflag:s0] =	ssyncset.done $0x0  }
0xa5: {  	s14 =	sadd.s32 $0x5080, s11;
	[sflag:s0] =	ssyncadd.s32 $0xFFFFE000  }
0xa6: {  	[spmem:s2] =	stream.indirect.scatter.add.f32 [tilespmem:s28], [sflag:$0x6], $0x40, s14, s26, $0xb8;
	[tilespmem:$0x1C000] =	vst v63  }
0xa7: {  	_ =	swait.ge [sflag:s1], $0x2000  }
0xa8: {  	[sflag:s1] =	ssyncset.done $0x0  }
0xa9: {  	s15 =	sadd.s32 $0x5100, s11;
	[sflag:s1] =	ssyncadd.s32 $0xFFFFE000  }
0xaa: {  	[spmem:s2] =	stream.indirect.scatter.add.f32 [tilespmem:s29], [sflag:$0x7], $0x40, s15, s26, $0xb8;
	[tilespmem:$0x1C000] =	vst v63  }
0xab: {  	_ =	swait.ge [sflag:s25], $0x2000  }
0xac: {  	[sflag:s25] =	ssyncset.done $0x0  }
0xad: {  	s11 =	sadd.s32 $0x5180, s11;
	[sflag:s25] =	ssyncadd.s32 $0xFFFFE000  }
0xae: {  	[spmem:s2] =	stream.indirect.scatter.add.f32 [tilespmem:s30], [sflag:$0x8], $0x40, s11, s26, $0xb8;
	[tilespmem:$0x1C000] =	vst v63  }
0xaf: {  	_ =	swait.ge [sflag:s6], $0x2000  }
0xb0: {  	[sflag:s6] =	ssyncset.done $0x0  }
0xb1: {  	[sflag:s6] =	ssyncadd.s32 $0xFFFFE000  }
0xb2: {  	_ =	swait.ge [sflag:s7], $0x2000  }
0xb3: {  	[sflag:s7] =	ssyncset.done $0x0  }
0xb4: {  	[sflag:s7] =	ssyncadd.s32 $0xFFFFE000  }
0xb5: {  	_ =	swait.ge [sflag:s8], $0x2000  }
0xb6: {  	[sflag:s8] =	ssyncset.done $0x0  }
0xb7: {  	[sflag:s8] =	ssyncadd.s32 $0xFFFFE000  }
0xb8: {  	_ =	swait.ge [sflag:s9], $0x2000  }
0xb9: {  	[sflag:s9] =	ssyncset.done $0x0  }
0xba: {  	[sflag:s9] =	ssyncadd.s32 $0xFFFFE000  }
0xbb: {  	[bflag:$0x0] =	sbarrier.arrive $0xFFFF  }
0xbc: {  	s12 =	rddreg [dreg:$0x5]  }
0xbd: {  	[tilespmem:s23], [sflag:$0x9] =	stream.linear.gather [spmem:s12], $0x2000, $0x38;
	[tilespmem:$0x1C000] =	vst v63  }
0xbe: {  	_ =	swait.ge [sflag:s24], $0x2000  }
0xbf: {  	[sflag:s24] =	ssyncset.done $0x0  }
0xc0: {  	s13 =	rddreg [dreg:$0xb];
	[sflag:s24] =	ssyncadd.s32 $0xFFFFE000  }
0xc1: {  	[hbm4b:s13+s3] =	stream.linear.scatter [tilespmem:s23], [sflag:$0x9], $0x2000, $0x38;
	[tilespmem:$0x1C000] =	vst v63  }
0xc2: {  	_ =	swait.ge [sflag:s24], $0x2000  }
0xc3: {  	[sflag:s24] =	ssyncset.done $0x0  }
0xc4: {  	s14 =	rddreg [dreg:$0xc];
	[sflag:s24] =	ssyncadd.s32 $0xFFFFE000  }
0xc5: {  	[tilespmem:s23], [sflag:$0x9] =	stream.linear.gather [spmem:s14], $0x2000, $0x38;
	[tilespmem:$0x1C000] =	vst v63  }
0xc6: {  	_ =	swait.ge [sflag:s24], $0x2000  }
0xc7: {  	[sflag:s24] =	ssyncset.done $0x0  }
0xc8: {  	[sflag:s24] =	ssyncadd.s32 $0xFFFFE000  }
0xc9: {  	[hbm4b:s16+s3] =	stream.linear.scatter [tilespmem:s23], [sflag:$0x9], $0x2000, $0x38;
	[tilespmem:$0x1C000] =	vst v63  }
0xca: {  	_ =	swait.ge [sflag:s24], $0x2000  }
0xcb: {  	[sflag:s24] =	ssyncset.done $0x0  }
0xcc: {  	[sflag:s24] =	ssyncadd.s32 $0xFFFFE000  }
0xcd: {  	[tilespmem:s23], [sflag:$0x9] =	stream.linear.gather [spmem:s17], $0x2000, $0x38;
	[tilespmem:$0x1C000] =	vst v63  }
0xce: {  	_ =	swait.ge [sflag:s24], $0x2000  }
0xcf: {  	[sflag:s24] =	ssyncset.done $0x0  }
0xd0: {  	[sflag:s24] =	ssyncadd.s32 $0xFFFFE000  }
0xd1: {  	[hbm4b:s18+s3] =	stream.linear.scatter [tilespmem:s23], [sflag:$0x9], $0x2000, $0x38;
	[tilespmem:$0x1C000] =	vst v63  }
0xd2: {  	_ =	swait.ge [sflag:s24], $0x2000  }
0xd3: {  	[sflag:s24] =	ssyncset.done $0x0  }
0xd4: {  	[sflag:s24] =	ssyncadd.s32 $0xFFFFE000  }
0xd5: {  	[tilespmem:s23], [sflag:$0x9] =	stream.linear.gather [spmem:s19], $0x2000, $0x38;
	[tilespmem:$0x1C000] =	vst v63  }
0xd6: {  	_ =	swait.ge [sflag:s24], $0x2000  }
0xd7: {  	[sflag:s24] =	ssyncset.done $0x0  }
0xd8: {  	[sflag:s24] =	ssyncadd.s32 $0xFFFFE000  }
0xd9: {  	[hbm4b:s20+s3] =	stream.linear.scatter [tilespmem:s23], [sflag:$0x9], $0x2000, $0x38;
	[tilespmem:$0x1C000] =	vst v63  }
0xda: {  	_ =	swait.ge [sflag:s24], $0x2000  }
0xdb: {  	[sflag:s24] =	ssyncset.done $0x0  }
0xdc: {  	[sflag:s24] =	ssyncadd.s32 $0xFFFFE000  }
0xdd: {  	[tilespmem:s23], [sflag:$0x9] =	stream.linear.gather [spmem:s21], $0x2000, $0x38;
	[tilespmem:$0x1C000] =	vst v63  }
0xde: {  	_ =	swait.ge [sflag:s24], $0x2000  }
0xdf: {  	[sflag:s24] =	ssyncset.done $0x0  }
0xe0: {  	[sflag:s24] =	ssyncadd.s32 $0xFFFFE000  }
0xe1: {  	[hbm4b:s22+s3] =	stream.linear.scatter [tilespmem:s23], [sflag:$0x9], $0x2000, $0x38;
	[tilespmem:$0x1C000] =	vst v63  }
0xe2: {  	_ =	swait.ge [sflag:s24], $0x2000  }
0xe3: {  	s10 =	sadd.s32 $0x1, s10;
	s15 =	rddreg [dreg:$0x6]  }
0xe4: {  	p0 =	sne.s32 s10, s15  }
.Ltmp3:
0xe5: {  	_ = 	snop;
	(pc) =	sbr.rel @p0 .LBB2_1-.Ltmp3, $3  }
0xe6: {  	_ =	sdelay $0x1  }
0xe7: {  	[sflag:s24] =	ssyncset.done $0x0  }
0xe8: {  	[sflag:s24] =	ssyncadd.s32 $0xFFFFE000  }
0xe9: {  	_ =	sfence.sel $0x180000  }
0xea: {  	[bflag:$0x0] =	sbarrier.arrive $0xFFFF  }
0xeb: {  	_ =	strace $0x9000004D  }
0xec: {  	s0 =	stileid.u32;
	[bflag:$0x2] =	sbarrier.arrive $0xFFFF  }
0xed: {  	p0 =	sne.s32 s0, $0x0;
	s0 =	rddreg [dreg:$0x2]  }
0xee: {  	s0 =	sadd.s32 @!p0 $0x100000, s0  }
0xef: {  	[sflag:s0] =	ssyncadd.tile.s32 @!p0 $0x1;
	_ =	shalt  }
.Lfunc_end2:
_tile_overlayer_lowered:
.L_overlay_start_2:
0xf0: {  	(tag) =	ssettag $0x2  }
0xf1: {  	s0 =	rddreg [dreg:$0x0];
	s2 =	stileid.u32  }
0xf2: {  	s1 =	rddreg [dreg:$0x1];
	p0 =	sne.s32 s2, $0x0  }
0xf3: {  	s3 =	rddreg [dreg:$0x2];
	[bflag:$0x3] =	sbarrier.arrive $0xFFFF;
	s2 =	simm.s32 @!p0 $0x1C09  }
0xf4: {  	[timem:s3], [sflag:s2] =	dma.local @!p0 [hbm:s0], s1  }
0xf5: {  	s0 =	simm.s32 @!p0 $0x9  }
0xf6: {  	_ =	swait.ge @!p0 [sflag:s0], s1  }
0xf7: {  	s1 =	ssub.s32 @!p0 $0x0, s1;
	[sflag:s0] =	ssyncset.done @!p0 $0x0  }
0xf8: {  	[sflag:s0] =	ssyncadd.s32 @!p0 s1  }
0xf9: {  	[bflag:$0x3] =	sbarrier.arrive $0xFFFF  }
0xfa: {  	_ =	shalt  }

// kernel: kernel.20.cloned.1.call-start
scs
__scs_entry_jumppad:
0x0: {  	(pc) =	sbr.rel $0x88, $3  }
0x1: {  	(tag) =	ssettag $0x0;
	lr =	simm.s32 $0x1  }
0x2: {  	[smem:$0x3F95] =	sst lr;
	_ =	strace $0xD0000000  }
0x3: {  	_ = 	snop  }
0x4: {  	_ = 	snop  }
0x5: {  	_ = 	snop  }
0x6: {  	_ = 	snop  }
0x7: {  	_ = 	snop  }
__scs_overlays_trampoline_lowered:
0x8: {  	[smem:$0x3FA4] =	sst s0  }
0x9: {  	[smem:$0x3FA5] =	sst s1  }
0xa: {  	[smem:$0x3FA6] =	sst s2  }
0xb: {  	[smem:$0x3FA7] =	sst s3  }
0xc: {  	[smem:$0x3FA8] =	sst s4  }
0xd: {  	[smem:$0x3FA9] =	sst s5  }
0xe: {  	[smem:$0x3FAA] =	sst s6  }
0xf: {  	[smem:$0x3FAB] =	sst s7  }
0x10: {  	[smem:$0x3FAC] =	sst s8  }
0x11: {  	[smem:$0x3FAD] =	sst s9;
	s0 =	simm.s32 @!p0 $0x0  }
0x12: {  	s1 =	sld [smem:$0x3F93];
	s0 =	simm.s32 @p0 $0x1  }
0x13: {  	[smem:$0x3FAE] =	sst s0;
	s0 =	simm.s32 @!p1 $0x0  }
0x14: {  	s2 =	sld [smem:$0x3F92];
	s0 =	simm.s32 @p1 $0x1  }
0x15: {  	[smem:$0x3FAF] =	sst s0;
	s0 =	simm.s32 @!p2 $0x0  }
0x16: {  	s3 =	sld [smem:$0x3FDB];
	s0 =	simm.s32 @p2 $0x1  }
0x17: {  	s4 =	simm.s32 $0x1BF5;
	[smem:$0x3FB1] =	sst s0  }
0x18: {  	s0 =	sld [smem:$0x3F94];
	_ =	swait.ge [sflag:s4], $0x0  }
0x19: {  	s7 =	sld [smem:$0x3F95]  }
0x1a: {  	s8 =	sadd.s32 $0xFFFFE003, lr  }
0x1b: {  	s9 =	sadd.s32 $0xFFFFFEF7, lr;
	s5 =	simm.s32 $0xFFFFFFFF;
	p2 =	slt.u32 s8, $0xFFFFF086  }
0x1c: {  	p1 =	slt.u32 s9, $0xF7A;
	s5 =	simm.s32 @!p2 $0x0  }
0x1d: {  	s5 =	simm.s32 @p1 $0x1;
	p0 =	seq.s32 s7, s2  }
0x1e: {  	s7 =	smul.u32 @!p0 $0xF7A, s2;
	p2 =	seq.s32 @!p0 s5, $0x0  }
0x1f: {  	s9 =	smul.u32 $0xF7A, s1;
	s8 =	simm.s32 @!p0 $0x1BF5;
	p2 =	por !p2, p0  }
0x20: {  	[sflag:s8] =	ssyncset.s32 @!p0 $0xFFFFF086;
	s6 =	sadd.s32 @!p0 s3, s7;
	s7 =	simm.s32 @!p0 $0x108  }
0x21: {  	s3 =	sadd.s32 s3, s9;
	s6 =	sadd.s32 @!p0 $0x88, s6;
	s7 =	simm.s32 @p2 $0x1082  }
0x22: {  	[simem:s7], [sflag:s8] =	dma.local @!p0 [hbm:s6], $0xF7A  }
0x23: {  	s9 =	sor.u32 $0xD0000000, s2;
	s6 =	simm.s32 $0x108;
	_ =	swait.ge @!p0 [sflag:s8], $0x0  }
0x24: {  	s3 =	sadd.s32 $0x88, s3;
	s6 =	simm.s32 @!p1 $0x1082;
	[sflag:s4] =	ssyncset.s32 $0xFFFFF086  }
0x25: {  	[simem:s6], [sflag:s4] =	dma.local [hbm:s3], $0xF7A  }
0x26: {  	[smem:$0x3F95] =	sst s1;
	(tag) =	ssettag s2;
	_ =	strace s9  }
0x27: {  	s1 =	sld [smem:$0x3FA5]  }
0x28: {  	s2 =	sld [smem:$0x3FA6]  }
0x29: {  	s4 =	sld [smem:$0x3FA8]  }
0x2a: {  	p0 =	seq.s32 s5, $0x0;
	s5 =	sld [smem:$0x3FA9]  }
0x2b: {  	s6 =	sld [smem:$0x3FAA]  }
0x2c: {  	s7 =	sld [smem:$0x3FAB]  }
0x2d: {  	s3 =	simm.s32 $0x108;
	s8 =	sld [smem:$0x3FAC]  }
0x2e: {  	s3 =	simm.s32 @!p0 $0x1082;
	s9 =	sld [smem:$0x3FAD]  }
0x2f: {  	lr =	sadd.s32 s0, s3;
	s0 =	sld [smem:$0x3FA4]  }
0x30: {  	s3 =	sld [smem:$0x3FA7]  }
0x31: {  	[smem:$0x3FB0] =	sst s10  }
0x32: {  	s10 =	sld [smem:$0x3FAE];
	_ =	sdelay $0x3  }
0x33: {  	p0 =	seq.s32 s10, $0x1;
	s10 =	sld [smem:$0x3FB0];
	_ =	sdelay $0x3  }
0x34: {  	[smem:$0x3FB0] =	sst s10  }
0x35: {  	s10 =	sld [smem:$0x3FAF];
	_ =	sdelay $0x3  }
0x36: {  	p1 =	seq.s32 s10, $0x1;
	s10 =	sld [smem:$0x3FB0];
	_ =	sdelay $0x3  }
0x37: {  	[smem:$0x3FB0] =	sst s10  }
0x38: {  	s10 =	sld [smem:$0x3FB1]  }
0x39: {  	_ = 	snop;
	(pc) =	sbr.ind lr, $3  }
0x3a: {  	_ = 	snop  }
0x3b: {  	_ = 	snop  }
0x3c: {  	p2 =	seq.s32 s10, $0x1;
	s10 =	sld [smem:$0x3FB0]  }
0x3d: {  	_ =	shalt  }
0x3e: {  	_ =	shalt  }
0x3f: {  	_ =	shalt  }
0x40: {  	_ =	shalt  }
0x41: {  	_ =	shalt  }
0x42: {  	_ =	shalt  }
0x43: {  	_ =	shalt  }
0x44: {  	_ =	shalt  }
0x45: {  	_ =	shalt  }
0x46: {  	_ =	shalt  }
0x47: {  	_ =	shalt  }
0x48: {  	_ =	shalt  }
0x49: {  	_ =	shalt  }
0x4a: {  	_ =	shalt  }
0x4b: {  	_ =	shalt  }
0x4c: {  	_ =	shalt  }
0x4d: {  	_ =	shalt  }
0x4e: {  	_ =	shalt  }
0x4f: {  	_ =	shalt  }
0x50: {  	_ =	shalt  }
0x51: {  	_ =	shalt  }
0x52: {  	_ =	shalt  }
0x53: {  	_ =	shalt  }
0x54: {  	_ =	shalt  }
0x55: {  	_ =	shalt  }
0x56: {  	_ =	shalt  }
0x57: {  	_ =	shalt  }
0x58: {  	_ =	shalt  }
0x59: {  	_ =	shalt  }
0x5a: {  	_ =	shalt  }
0x5b: {  	_ =	shalt  }
0x5c: {  	_ =	shalt  }
0x5d: {  	_ =	shalt  }
0x5e: {  	_ =	shalt  }
0x5f: {  	_ =	shalt  }
0x60: {  	_ =	shalt  }
0x61: {  	_ =	shalt  }
0x62: {  	_ =	shalt  }
0x63: {  	_ =	shalt  }
0x64: {  	_ =	shalt  }
0x65: {  	_ =	shalt  }
0x66: {  	_ =	shalt  }
0x67: {  	_ =	shalt  }
0x68: {  	_ =	shalt  }
0x69: {  	_ =	shalt  }
0x6a: {  	_ =	shalt  }
0x6b: {  	_ =	shalt  }
0x6c: {  	_ =	shalt  }
0x6d: {  	_ =	shalt  }
0x6e: {  	_ =	shalt  }
0x6f: {  	_ =	shalt  }
0x70: {  	_ =	shalt  }
0x71: {  	_ =	shalt  }
0x72: {  	_ =	shalt  }
0x73: {  	_ =	shalt  }
0x74: {  	_ =	shalt  }
0x75: {  	_ =	shalt  }
0x76: {  	_ =	shalt  }
0x77: {  	_ =	shalt  }
0x78: {  	_ =	shalt  }
0x79: {  	_ =	shalt  }
0x7a: {  	_ =	shalt  }
0x7b: {  	_ =	shalt  }
0x7c: {  	_ =	shalt  }
0x7d: {  	_ =	shalt  }
0x7e: {  	_ =	shalt  }
0x7f: {  	_ =	shalt  }
0x80: {  	_ =	shalt  }
0x81: {  	_ =	shalt  }
0x82: {  	_ =	shalt  }
0x83: {  	_ =	shalt  }
0x84: {  	_ =	shalt  }
0x85: {  	_ =	shalt  }
0x86: {  	_ =	shalt  }
0x87: {  	_ =	shalt  }
.Lfunc_end0:
.L_simem_size_0:
called_computation.3_lowered:
.L_overlay_start_0:
0x88: {  	s2 =	sld [smem:$0x3FD9]  }
0x89: {  	s3 =	sld [smem:$0x3FFE];
	_ =	sdelay $0x1  }
0x8a: {  	s1 =	srdreg.scid  }
0x8b: {  	s0 =	sand.u32 $0x1, s1  }
0x8c: {  	s16 =	sshll.u32 s0, $0xA;
	s2 =	sadd.s32 s3, s2  }
0x8d: {  	s2 =	sadd.s32 s2, s16  }
0x8e: {  	[smem:$0x3FBC] =	sst s2  }
0x8f: {  	_ = 	snop  }
0x90: {  	(tm) =	ssettm $0x1  }
0x91: {  	s17 =	sld [smem:$0x3FFB];
	_ =	sdelay $0x3  }
0x92: {  	_ =	strace s17  }
0x93: {  	s2 =	sld [smem:$0x3FFC];
	_ =	sdelay $0x3  }
0x94: {  	_ =	strace s2  }
0x95: {  	s2 =	sld [smem:$0x3FFD];
	_ =	sdelay $0x3  }
0x96: {  	_ =	strace s2  }
0x97: {  	_ =	strace $0x8FFFFFFF  }
0x98: {  	s18 =	sld [smem:$0x3FDB];
	_ =	sdelay $0x1  }
0x99: {  	s19 =	simm.s32 $_scs_section_size  }
0x9a: {  	s4 =	simm.s32 $_size__tile_overlayer_lowered;
	s5 =	simm.s32 $_tile_overlayer_lowered  }
0x9b: {  	s22 =	simm.s32 $0x1BFF;
	s21 =	sshll.u32 s5, $0x1;
	s2 =	sadd.s32 s19, s18  }
0x9c: {  	s6 =	simm.s32 $0x0;
	s20 =	sshll.u32 s4, $0x1;
	s4 =	sadd.s32 s21, s2  }
0x9d: {  	[timem:s6], [sflag:s22] =	dma.local [hbm:s4], s20  }
0x9e: {  	_ =	swait.ge [sflag:s22], s20  }
0x9f: {  	s3 =	ssub.s32 $0x0, s20;
	[sflag:s22] =	ssyncset.done $0x0  }
0xa0: {  	[sflag:s22] =	ssyncadd.s32 s3;
	_ =	sdelay $0x1  }
0xa1: {  	s23 =	simm.s32 $0x1B8B  }
0xa2: {  	_ =	swait.ge [sflag:s23], $0x1  }
0xa3: {  	[sflag:s23] =	ssyncset.done $0x0  }
0xa4: {  	s25 =	simm.s32 $0x1B8E;
	s24 =	sld [smem:$0x3FFE];
	[sflag:s23] =	ssyncadd.s32 $0xFFFFFFFF  }
0xa5: {  	s26 =	simm.s32 $execute0_lowered;
	[smem:$0x3FD2] =	sst s25  }
0xa6: {  	s4 =	sshll.u32 s26, $0x1;
	_ =	strace $0x8000004F;
	[dreg:$0x1] =	wrdreg $0xFFFFFFFF  }
0xa7: {  	s28 =	simm.s32 $_size_execute0_lowered;
	s2 =	sadd.s32 s2, s4;
	[dreg:$0x0] =	wrdreg $0x0  }
0xa8: {  	s4 =	sshll.u32 s28, $0x1;
	[dreg:$0x2] =	wrdreg s2  }
0xa9: {  	[dreg:$0x3] =	wrdreg s4  }
0xaa: {  	[dreg:$0x4] =	wrdreg $0xC0  }
0xab: {  	_ =	task [dreg:s6], $0x5FFFF  }
0xac: {  	[dreg:$0x1] =	wrdreg $0xFFFFFFFF  }
0xad: {  	[dreg:$0x0] =	wrdreg $0x60  }
0xae: {  	[dreg:$0x2] =	wrdreg s24  }
0xaf: {  	[dreg:$0x3] =	wrdreg $0x120000  }
0xb0: {  	[dreg:$0x4] =	wrdreg $0x9  }
0xb1: {  	_ =	task.clear_ibuf [dreg:s6], $0x5FFFF;
	_ =	strace $0x9000004F  }
0xb2: {  	s29 =	simm.s32 $0x9;
	_ =	strace $0x80000051  }
0xb3: {  	_ =	swait.ge [sflag:s29], $0x1  }
0xb4: {  	[sflag:s29] =	ssyncadd.s32 $0xFFFFFFFF  }
0xb5: {  	_ =	strace $0x90000051  }
0xb6: {  	_ =	sfence  }
0xb7: {  	s30 =	sld [smem:$0x0];
	_ =	sdelay $0x2  }
0xb8: {  	s31 =	sshll.u32 s1, $0xD;
	s1 =	sshrl.u32 s1, $0x2  }
0xb9: {  	s3 =	sand.u32 $0x4000, s31;
	s1 =	sadd.s32 s1, s30  }
0xba: {  	s0 =	sor.u32 s3, s0;
	s1 =	sshll.u32 s1, $0x11  }
0xbb: {  	s0 =	sor.u32 s1, s0  }
0xbc: {  	s0 =	sadd.s32 $0x8F2B, s0  }
0xbd: {  	[sflag:s0] =	ssyncadd.remote.s32 $0x1  }
0xbe: {  	_ =	sfence.sel $0xFFFF  }
0xbf: {  	[dreg:$0x0] =	wrdreg $0xFFFFFFFF;
	(pc) =	sbr.abs _section_cstart, $3  }
0xc0: {  	[dreg:$0x1] =	wrdreg $0xFFFFFFFF  }
0xc1: {  	_ =	task.clear_ibuf [dreg:s6], $0x2FFFF;
	_ =	strace $0x9FFFFFFF  }
0xc2: {  	(tm) =	ssettm $0x7FFFFFFF  }
0xc3: {  	_ =	shalt  }
tec
execute0_lowered:
.L_overlay_start_1:
0x0: {  	(tag) =	ssettag $0x1  }
0x1: {  	s0 =	rddreg [dreg:$0x0]  }
0x2: {  	s2 =	rddreg [dreg:$0x1];
	s3 =	simm.s32 $0x0;
	s9 =	stileid.u32  }
0x3: {  	s4 =	srdreg.scid;
	s28 =	simm.s32 $0xC000;
	s29 =	simm.s32 $0xE000  }
0x4: {  	s30 =	simm.s32 $0x10000;
	s31 =	simm.s32 $0x1;
	s1 =	smul.u32 $0xA00, s9  }
0x5: {  	[smem:$0x7FF] =	sst s3;
	s8 =	sand.u32 $0x1, s4;
	s5 =	smul.u32 $0x28000, s9  }
0x6: {  	s4 =	sadd.s32 $0x22E00, s0;
	s13 =	smul.u32 $0xA000, s9;
	_ =	strace $0x80000050  }
0x7: {  	s6 =	ssub.s32 $0x2, s8;
	s15 =	smul.u32 $0xA0000, s8;
	v0 =	vmov s8;
	s8 =	simm.s32 $0x7  }
0x8: {  	s1 =	sadd.s32 s1, s0;
	s0 =	sadd.s32 $0x71200, s0;
	s7 =	sshrl.u32 s6, $0x1  }
0x9: {  	s5 =	sshrl.u32 s5, $0x2;
	s16 =	sadd.s32 s13, s2;
	s20 =	sadd.s32 $0x2000, s13  }
0xa: {  	s23 =	sadd.s32 $0x4000, s13;
	s24 =	sadd.s32 $0x6000, s13;
	s6 =	ssub.s32 s6, s7  }
0xb: {  	s5 =	sadd.s32 s5, s2;
	s14 =	sadd.s32 $0x18E00, s1;
	s1 =	sadd.s32 $0x4E00, s1  }
0xc: {  	[dreg:$0x5] =	wrdreg s16;
	s19 =	sadd.s32 s15, s13;
	s21 =	sadd.s32 s15, s20  }
0xd: {  	s9 =	sadd.s32 s20, s2;
	s25 =	sadd.s32 s15, s24;
	[dreg:$0x3] =	wrdreg s14  }
0xe: {  	s7 =	sadd.s32 $0x8000, s13;
	[dreg:$0x4] =	wrdreg s1;
	s6 =	smax.u32 s6, $0x1  }
0xf: {  	s17 =	sadd.s32 $0x2000, s5;
	s18 =	sadd.s32 $0x4000, s5;
	[dreg:$0xc] =	wrdreg s9  }
0x10: {  	s10 =	sadd.s32 $0x6000, s5;
	s11 =	sadd.s32 $0x8000, s5;
	[dreg:$0x6] =	wrdreg s6  }
0x11: {  	s22 =	sshrl.u32 s21, $0x3;
	s26 =	sshrl.u32 s25, $0x3;
	[dreg:$0x7] =	wrdreg s17  }
0x12: {  	s1 =	sadd.s32 s15, s7;
	s21 =	sadd.s32 s7, s2;
	[dreg:$0x8] =	wrdreg s18  }
0x13: {  	s25 =	simm.s32 $0x4;
	s7 =	simm.s32 $0x6;
	[dreg:$0x9] =	wrdreg s10  }
0x14: {  	s9 =	simm.s32 $0x8;
	s6 =	sshrl.u32 s19, $0x3;
	[dreg:$0xa] =	wrdreg s11  }
0x15: {  	s16 =	sadd.s32 s0, s22;
	s17 =	sadd.s32 s23, s2;
	s19 =	sadd.s32 s24, s2  }
0x16: {  	s20 =	sadd.s32 s0, s26;
	s1 =	sshrl.u32 s1, $0x3;
	s24 =	simm.s32 $0x9  }
0x17: {  	s26 =	simm.s32 $0x80;
	s10 =	simm.s32 $0x0;
	s6 =	sadd.s32 s0, s6  }
0x18: {  	s22 =	sadd.s32 s0, s1;
	[dreg:$0xb] =	wrdreg s6;
	s6 =	sadd.s32 s15, s23  }
0x19: {  	s1 =	simm.s32 $0x3;
	s23 =	simm.s32 $0xA000;
	s6 =	sshrl.u32 s6, $0x3  }
0x1a: {  	v1 =	vimm.f32 $0.0e+00;
	s18 =	sadd.s32 s0, s6;
	s0 =	simm.s32 $0x2;
	s6 =	simm.s32 $0x5  }
.LBB2_1:
0x1b: {  	s11 =	sand.u32 $0x7F00, s3  }
0x1c: {  	s12 =	sand.u32 $0x30, s3;
	s13 =	sshrl.u32 s11, $0x2  }
0x1d: {  	s11 =	simm.s32 $0x40;
	s13 =	sor.u32 s12, s13;
	s12 =	simm.s32 $0x0  }
.LBB2_2:
0x1e: {  	p0 =	sne.s32 s11, $0x7FC0  }
0x1f: {  	[tilespmem:s13+$0xA000] =	vst v1;
	s12 =	sadd.s32 $0x10, s12;
	s13 =	smov.u32 s11;
	s11 =	sadd.s32 $0x40, s11  }
.Ltmp0:
0x20: {  	(pc) =	sbr.rel @p0 .LBB2_2-.Ltmp0, $4  }
0x21: {  	_ = 	snop  }
0x22: {  	s13 =	sand.u32 $0x7F00, s13  }
0x23: {  	s14 =	sand.u32 $0x30, s12;
	s13 =	sshrl.u32 s13, $0x2  }
0x24: {  	s13 =	sor.u32 s14, s13  }
0x25: {  	[tilespmem:s13+$0xA000] =	vst v1  }
0x26: {  	[spmem:s5] =	stream.linear.scatter [tilespmem:s23], [sflag:$0x9], $0x2000, $0x38;
	[tilespmem:$0x1C000] =	vst v63  }
0x27: {  	_ =	swait.ge [sflag:s24], $0x2000  }
0x28: {  	[sflag:s24] =	ssyncset.done $0x0  }
0x29: {  	s11 =	rddreg [dreg:$0x7];
	[sflag:s24] =	ssyncadd.s32 $0xFFFFE000  }
0x2a: {  	[spmem:s11] =	stream.linear.scatter [tilespmem:s23], [sflag:$0x9], $0x2000, $0x38;
	[tilespmem:$0x1C000] =	vst v63  }
0x2b: {  	_ =	swait.ge [sflag:s24], $0x2000  }
0x2c: {  	[sflag:s24] =	ssyncset.done $0x0  }
0x2d: {  	s15 =	rddreg [dreg:$0x8];
	[sflag:s24] =	ssyncadd.s32 $0xFFFFE000  }
0x2e: {  	[spmem:s15] =	stream.linear.scatter [tilespmem:s23], [sflag:$0x9], $0x2000, $0x38;
	[tilespmem:$0x1C000] =	vst v63  }
0x2f: {  	_ =	swait.ge [sflag:s24], $0x2000  }
0x30: {  	[sflag:s24] =	ssyncset.done $0x0  }
0x31: {  	s12 =	rddreg [dreg:$0x9];
	[sflag:s24] =	ssyncadd.s32 $0xFFFFE000  }
0x32: {  	[spmem:s12] =	stream.linear.scatter [tilespmem:s23], [sflag:$0x9], $0x2000, $0x38;
	[tilespmem:$0x1C000] =	vst v63  }
0x33: {  	_ =	swait.ge [sflag:s24], $0x2000  }
0x34: {  	[sflag:s24] =	ssyncset.done $0x0  }
0x35: {  	s13 =	rddreg [dreg:$0xa];
	[sflag:s24] =	ssyncadd.s32 $0xFFFFE000  }
0x36: {  	[spmem:s13] =	stream.linear.scatter [tilespmem:s23], [sflag:$0x9], $0x2000, $0x38;
	[tilespmem:$0x1C000] =	vst v63  }
0x37: {  	_ =	swait.ge [sflag:s24], $0x2000  }
0x38: {  	[sflag:s24] =	ssyncset.done $0x0  }
0x39: {  	[sflag:s24] =	ssyncadd.s32 $0xFFFFE000  }
0x3a: {  	[bflag:$0x0] =	sbarrier.arrive $0xFFFF  }
0x3b: {  	s11 =	simm.s32 $0x0;
	s12 =	rddreg [dreg:$0x3]  }
0x3c: {  	[tilespmem:s11], [sflag:$0x9] =	stream.linear.gather [hbm4b:s12+s11], $0x5000, $0x38;
	[tilespmem:$0x1C000] =	vst v63  }
0x3d: {  	_ =	swait.ge [sflag:s24], $0x5000  }
0x3e: {  	[sflag:s24] =	ssyncset.done $0x0  }
0x3f: {  	s15 =	simm.s32 $0x5000;
	s14 =	rddreg [dreg:$0x4];
	[sflag:s24] =	ssyncadd.s32 $0xFFFFB000  }
0x40: {  	[tilespmem:s15], [sflag:$0x9] =	stream.linear.gather [hbm4b:s14+s11], $0x5000, $0x38;
	[tilespmem:$0x1C000] =	vst v63  }
0x41: {  	s14 =	sand.u32 $0x1FE00, s11;
	_ =	swait.ge [sflag:s24], $0x5000  }
0x42: {  	s11 =	sand.u32 $0x70, s11;
	s12 =	sshrl.u32 s14, $0x2;
	[sflag:s24] =	ssyncset.done $0x0  }
0x43: {  	s11 =	sor.u32 s11, s12;
	[sflag:s24] =	ssyncadd.s32 $0xFFFFB000  }
0x44: {  	v2 =	vld [tilespmem:s11+$0x0];
	_ =	sdelay $0x2  }
0x45: {  	s15 =	simm.s32 $0x40  }
0x46: {  	s13 =	simm.s32 $0x80;
	s14 =	sand.u32 $0x1FE00, s15;
	s12 =	simm.s32 $0x10  }
.LBB2_4:
0x47: {  	p0 =	sne.s32 s13, $0x141C0;
	s15 =	sand.u32 $0x70, s12;
	s14 =	sshrl.u32 s14, $0x2;
	v2 =	vadd.s32 v0, v2  }
0x48: {  	[tilespmem:s11+$0x0] =	vst v2;
	s11 =	sor.u32 s15, s14  }
.Ltmp1:
0x49: {  	v2 =	vld [tilespmem:s11+$0x0];
	(pc) =	sbr.rel @p0 .LBB2_4-.Ltmp1, $2  }
0x4a: {  	_ =	sdelay $0x2  }
0x4b: {  	s12 =	sadd.s32 $0x10, s12;
	s14 =	sand.u32 $0x1FE00, s13;
	s13 =	sadd.s32 $0x40, s13  }
0x4c: {  	s12 =	sand.u32 $0x70, s12;
	s13 =	sshrl.u32 s14, $0x2;
	v2 =	vadd.s32 v0, v2  }
0x4d: {  	s12 =	sor.u32 s12, s13;
	[tilespmem:s11+$0x0] =	vst v2  }
0x4e: {  	v2 =	vld [tilespmem:s12+$0x0];
	_ =	sdelay $0x4  }
0x4f: {  	v2 =	vadd.s32 v0, v2  }
0x50: {  	[tilespmem:s12+$0x0] =	vst v2;
	s12 =	simm.s32 $0x0  }
0x51: {  	[tilespmem:s23], [sflag:$0x1] =	stream.indirect.gather [hbm4b:s4+s26], $0x40, s12, s26, $0xb8;
	[tilespmem:$0x1C000] =	vst v63  }
0x52: {  	s13 =	simm.s32 $0x80  }
0x53: {  	[tilespmem:s28], [sflag:$0x2] =	stream.indirect.gather [hbm4b:s4+s26], $0x40, s13, s26, $0xb8;
	[tilespmem:$0x1C000] =	vst v63  }
0x54: {  	s14 =	simm.s32 $0x100  }
0x55: {  	[tilespmem:s29], [sflag:$0x3] =	stream.indirect.gather [hbm4b:s4+s26], $0x40, s14, s26, $0xb8;
	[tilespmem:$0x1C000] =	vst v63  }
0x56: {  	s15 =	simm.s32 $0x180  }
0x57: {  	[tilespmem:s30], [sflag:$0x4] =	stream.indirect.gather [hbm4b:s4+s26], $0x40, s15, s26, $0xb8;
	[tilespmem:$0x1C000] =	vst v63  }
0x58: {  	_ =	swait.ge [sflag:s31], $0x2000  }
0x59: {  	[sflag:s31] =	ssyncset.done $0x0  }
0x5a: {  	s12 =	simm.s32 $0x5000;
	[sflag:s31] =	ssyncadd.s32 $0xFFFFE000  }
0x5b: {  	[spmem:s2] =	stream.indirect.scatter.add.f32 [tilespmem:s23], [sflag:$0x5], $0x40, s12, s26, $0xb8;
	[tilespmem:$0x1C000] =	vst v63  }
0x5c: {  	_ =	swait.ge [sflag:s0], $0x2000  }
0x5d: {  	[sflag:s0] =	ssyncset.done $0x0  }
0x5e: {  	s13 =	simm.s32 $0x5080;
	[sflag:s0] =	ssyncadd.s32 $0xFFFFE000  }
0x5f: {  	[spmem:s2] =	stream.indirect.scatter.add.f32 [tilespmem:s28], [sflag:$0x6], $0x40, s13, s26, $0xb8;
	[tilespmem:$0x1C000] =	vst v63  }
0x60: {  	_ =	swait.ge [sflag:s1], $0x2000  }
0x61: {  	[sflag:s1] =	ssyncset.done $0x0  }
0x62: {  	s14 =	simm.s32 $0x5100;
	[sflag:s1] =	ssyncadd.s32 $0xFFFFE000  }
0x63: {  	[spmem:s2] =	stream.indirect.scatter.add.f32 [tilespmem:s29], [sflag:$0x7], $0x40, s14, s26, $0xb8;
	[tilespmem:$0x1C000] =	vst v63  }
0x64: {  	_ =	swait.ge [sflag:s25], $0x2000  }
0x65: {  	[sflag:s25] =	ssyncset.done $0x0  }
0x66: {  	s15 =	simm.s32 $0x5180;
	[sflag:s25] =	ssyncadd.s32 $0xFFFFE000  }
0x67: {  	[spmem:s2] =	stream.indirect.scatter.add.f32 [tilespmem:s30], [sflag:$0x8], $0x40, s15, s26, $0xb8;
	[tilespmem:$0x1C000] =	vst v63  }
0x68: {  	_ =	swait.ge [sflag:s6], $0x2000  }
0x69: {  	[sflag:s6] =	ssyncset.done $0x0  }
0x6a: {  	[sflag:s6] =	ssyncadd.s32 $0xFFFFE000  }
0x6b: {  	_ =	swait.ge [sflag:s7], $0x2000  }
0x6c: {  	[sflag:s7] =	ssyncset.done $0x0  }
0x6d: {  	[sflag:s7] =	ssyncadd.s32 $0xFFFFE000  }
0x6e: {  	_ =	swait.ge [sflag:s8], $0x2000  }
0x6f: {  	[sflag:s8] =	ssyncset.done $0x0  }
0x70: {  	[sflag:s8] =	ssyncadd.s32 $0xFFFFE000  }
0x71: {  	_ =	swait.ge [sflag:s9], $0x2000  }
0x72: {  	s11 =	simm.s32 $0x800;
	s13 =	simm.s32 $0x1000;
	[sflag:s9] =	ssyncset.done $0x0  }
.LBB2_6:
0x73: {  	s14 =	sshra.s32 s11, $0x2  }
0x74: {  	[sflag:s9] =	ssyncadd.s32 $0xFFFFE000;
	s11 =	smov.u32 s13;
	s12 =	sadd.s32 $0x800, s13  }
0x75: {  	[tilespmem:s23], [sflag:$0x1] =	stream.indirect.gather [hbm4b:s4+s26], $0x40, s14, s26, $0xb8;
	[tilespmem:$0x1C000] =	vst v63  }
0x76: {  	p0 =	sne.s32 s13, $0x13800;
	s13 =	sadd.s32 $0x80, s14  }
0x77: {  	[tilespmem:s28], [sflag:$0x2] =	stream.indirect.gather [hbm4b:s4+s26], $0x40, s13, s26, $0xb8;
	[tilespmem:$0x1C000] =	vst v63  }
0x78: {  	s13 =	sadd.s32 $0x100, s14  }
0x79: {  	[tilespmem:s29], [sflag:$0x3] =	stream.indirect.gather [hbm4b:s4+s26], $0x40, s13, s26, $0xb8;
	[tilespmem:$0x1C000] =	vst v63  }
0x7a: {  	s13 =	sadd.s32 $0x180, s14  }
0x7b: {  	[tilespmem:s30], [sflag:$0x4] =	stream.indirect.gather [hbm4b:s4+s26], $0x40, s13, s26, $0xb8;
	[tilespmem:$0x1C000] =	vst v63  }
0x7c: {  	_ =	swait.ge [sflag:s31], $0x2000  }
0x7d: {  	[sflag:s31] =	ssyncset.done $0x0  }
0x7e: {  	s13 =	sadd.s32 $0x5000, s14;
	[sflag:s31] =	ssyncadd.s32 $0xFFFFE000  }
0x7f: {  	[spmem:s2] =	stream.indirect.scatter.add.f32 [tilespmem:s23], [sflag:$0x5], $0x40, s13, s26, $0xb8;
	[tilespmem:$0x1C000] =	vst v63  }
0x80: {  	_ =	swait.ge [sflag:s0], $0x2000  }
0x81: {  	[sflag:s0] =	ssyncset.done $0x0  }
0x82: {  	s13 =	sadd.s32 $0x5080, s14;
	[sflag:s0] =	ssyncadd.s32 $0xFFFFE000  }
0x83: {  	[spmem:s2] =	stream.indirect.scatter.add.f32 [tilespmem:s28], [sflag:$0x6], $0x40, s13, s26, $0xb8;
	[tilespmem:$0x1C000] =	vst v63  }
0x84: {  	_ =	swait.ge [sflag:s1], $0x2000  }
0x85: {  	[sflag:s1] =	ssyncset.done $0x0  }
0x86: {  	s13 =	sadd.s32 $0x5100, s14;
	[sflag:s1] =	ssyncadd.s32 $0xFFFFE000  }
0x87: {  	[spmem:s2] =	stream.indirect.scatter.add.f32 [tilespmem:s29], [sflag:$0x7], $0x40, s13, s26, $0xb8;
	[tilespmem:$0x1C000] =	vst v63  }
0x88: {  	_ =	swait.ge [sflag:s25], $0x2000  }
0x89: {  	[sflag:s25] =	ssyncset.done $0x0  }
0x8a: {  	s13 =	sadd.s32 $0x5180, s14;
	[sflag:s25] =	ssyncadd.s32 $0xFFFFE000  }
0x8b: {  	[spmem:s2] =	stream.indirect.scatter.add.f32 [tilespmem:s30], [sflag:$0x8], $0x40, s13, s26, $0xb8;
	[tilespmem:$0x1C000] =	vst v63  }
0x8c: {  	_ =	swait.ge [sflag:s6], $0x2000  }
0x8d: {  	[sflag:s6] =	ssyncset.done $0x0  }
0x8e: {  	[sflag:s6] =	ssyncadd.s32 $0xFFFFE000  }
0x8f: {  	_ =	swait.ge [sflag:s7], $0x2000  }
0x90: {  	[sflag:s7] =	ssyncset.done $0x0  }
0x91: {  	[sflag:s7] =	ssyncadd.s32 $0xFFFFE000  }
.Ltmp2:
0x92: {  	_ =	swait.ge [sflag:s8], $0x2000;
	(pc) =	sbr.rel @p0 .LBB2_6-.Ltmp2, $4  }
0x93: {  	[sflag:s8] =	ssyncset.done $0x0  }
0x94: {  	[sflag:s8] =	ssyncadd.s32 $0xFFFFE000  }
0x95: {  	_ =	swait.ge [sflag:s9], $0x2000  }
0x96: {  	s13 =	smov.u32 s12;
	[sflag:s9] =	ssyncset.done $0x0  }
0x97: {  	s11 =	sshra.s32 s11, $0x2;
	[sflag:s9] =	ssyncadd.s32 $0xFFFFE000  }
0x98: {  	[tilespmem:s23], [sflag:$0x1] =	stream.indirect.gather [hbm4b:s4+s26], $0x40, s11, s26, $0xb8;
	[tilespmem:$0x1C000] =	vst v63  }
0x99: {  	s12 =	sadd.s32 $0x80, s11  }
0x9a: {  	[tilespmem:s28], [sflag:$0x2] =	stream.indirect.gather [hbm4b:s4+s26], $0x40, s12, s26, $0xb8;
	[tilespmem:$0x1C000] =	vst v63  }
0x9b: {  	s14 =	sadd.s32 $0x100, s11  }
0x9c: {  	[tilespmem:s29], [sflag:$0x3] =	stream.indirect.gather [hbm4b:s4+s26], $0x40, s14, s26, $0xb8;
	[tilespmem:$0x1C000] =	vst v63  }
0x9d: {  	s15 =	sadd.s32 $0x180, s11  }
0x9e: {  	[tilespmem:s30], [sflag:$0x4] =	stream.indirect.gather [hbm4b:s4+s26], $0x40, s15, s26, $0xb8;
	[tilespmem:$0x1C000] =	vst v63  }
0x9f: {  	_ =	swait.ge [sflag:s31], $0x2000  }
0xa0: {  	[sflag:s31] =	ssyncset.done $0x0  }
0xa1: {  	s13 =	sadd.s32 $0x5000, s11;
	[sflag:s31] =	ssyncadd.s32 $0xFFFFE000  }
0xa2: {  	[spmem:s2] =	stream.indirect.scatter.add.f32 [tilespmem:s23], [sflag:$0x5], $0x40, s13, s26, $0xb8;
	[tilespmem:$0x1C000] =	vst v63  }
0xa3: {  	_ =	swait.ge [sflag:s0], $0x2000  }
0xa4: {  	[sflag:s0] =	ssyncset.done $0x0  }
0xa5: {  	s14 =	sadd.s32 $0x5080, s11;
	[sflag:s0] =	ssyncadd.s32 $0xFFFFE000  }
0xa6: {  	[spmem:s2] =	stream.indirect.scatter.add.f32 [tilespmem:s28], [sflag:$0x6], $0x40, s14, s26, $0xb8;
	[tilespmem:$0x1C000] =	vst v63  }
0xa7: {  	_ =	swait.ge [sflag:s1], $0x2000  }
0xa8: {  	[sflag:s1] =	ssyncset.done $0x0  }
0xa9: {  	s15 =	sadd.s32 $0x5100, s11;
	[sflag:s1] =	ssyncadd.s32 $0xFFFFE000  }
0xaa: {  	[spmem:s2] =	stream.indirect.scatter.add.f32 [tilespmem:s29], [sflag:$0x7], $0x40, s15, s26, $0xb8;
	[tilespmem:$0x1C000] =	vst v63  }
0xab: {  	_ =	swait.ge [sflag:s25], $0x2000  }
0xac: {  	[sflag:s25] =	ssyncset.done $0x0  }
0xad: {  	s11 =	sadd.s32 $0x5180, s11;
	[sflag:s25] =	ssyncadd.s32 $0xFFFFE000  }
0xae: {  	[spmem:s2] =	stream.indirect.scatter.add.f32 [tilespmem:s30], [sflag:$0x8], $0x40, s11, s26, $0xb8;
	[tilespmem:$0x1C000] =	vst v63  }
0xaf: {  	_ =	swait.ge [sflag:s6], $0x2000  }
0xb0: {  	[sflag:s6] =	ssyncset.done $0x0  }
0xb1: {  	[sflag:s6] =	ssyncadd.s32 $0xFFFFE000  }
0xb2: {  	_ =	swait.ge [sflag:s7], $0x2000  }
0xb3: {  	[sflag:s7] =	ssyncset.done $0x0  }
0xb4: {  	[sflag:s7] =	ssyncadd.s32 $0xFFFFE000  }
0xb5: {  	_ =	swait.ge [sflag:s8], $0x2000  }
0xb6: {  	[sflag:s8] =	ssyncset.done $0x0  }
0xb7: {  	[sflag:s8] =	ssyncadd.s32 $0xFFFFE000  }
0xb8: {  	_ =	swait.ge [sflag:s9], $0x2000  }
0xb9: {  	[sflag:s9] =	ssyncset.done $0x0  }
0xba: {  	[sflag:s9] =	ssyncadd.s32 $0xFFFFE000  }
0xbb: {  	[bflag:$0x0] =	sbarrier.arrive $0xFFFF  }
0xbc: {  	s12 =	rddreg [dreg:$0x5]  }
0xbd: {  	[tilespmem:s23], [sflag:$0x9] =	stream.linear.gather [spmem:s12], $0x2000, $0x38;
	[tilespmem:$0x1C000] =	vst v63  }
0xbe: {  	_ =	swait.ge [sflag:s24], $0x2000  }
0xbf: {  	[sflag:s24] =	ssyncset.done $0x0  }
0xc0: {  	s13 =	rddreg [dreg:$0xb];
	[sflag:s24] =	ssyncadd.s32 $0xFFFFE000  }
0xc1: {  	[hbm4b:s13+s3] =	stream.linear.scatter [tilespmem:s23], [sflag:$0x9], $0x2000, $0x38;
	[tilespmem:$0x1C000] =	vst v63  }
0xc2: {  	_ =	swait.ge [sflag:s24], $0x2000  }
0xc3: {  	[sflag:s24] =	ssyncset.done $0x0  }
0xc4: {  	s14 =	rddreg [dreg:$0xc];
	[sflag:s24] =	ssyncadd.s32 $0xFFFFE000  }
0xc5: {  	[tilespmem:s23], [sflag:$0x9] =	stream.linear.gather [spmem:s14], $0x2000, $0x38;
	[tilespmem:$0x1C000] =	vst v63  }
0xc6: {  	_ =	swait.ge [sflag:s24], $0x2000  }
0xc7: {  	[sflag:s24] =	ssyncset.done $0x0  }
0xc8: {  	[sflag:s24] =	ssyncadd.s32 $0xFFFFE000  }
0xc9: {  	[hbm4b:s16+s3] =	stream.linear.scatter [tilespmem:s23], [sflag:$0x9], $0x2000, $0x38;
	[tilespmem:$0x1C000] =	vst v63  }
0xca: {  	_ =	swait.ge [sflag:s24], $0x2000  }
0xcb: {  	[sflag:s24] =	ssyncset.done $0x0  }
0xcc: {  	[sflag:s24] =	ssyncadd.s32 $0xFFFFE000  }
0xcd: {  	[tilespmem:s23], [sflag:$0x9] =	stream.linear.gather [spmem:s17], $0x2000, $0x38;
	[tilespmem:$0x1C000] =	vst v63  }
0xce: {  	_ =	swait.ge [sflag:s24], $0x2000  }
0xcf: {  	[sflag:s24] =	ssyncset.done $0x0  }
0xd0: {  	[sflag:s24] =	ssyncadd.s32 $0xFFFFE000  }
0xd1: {  	[hbm4b:s18+s3] =	stream.linear.scatter [tilespmem:s23], [sflag:$0x9], $0x2000, $0x38;
	[tilespmem:$0x1C000] =	vst v63  }
0xd2: {  	_ =	swait.ge [sflag:s24], $0x2000  }
0xd3: {  	[sflag:s24] =	ssyncset.done $0x0  }
0xd4: {  	[sflag:s24] =	ssyncadd.s32 $0xFFFFE000  }
0xd5: {  	[tilespmem:s23], [sflag:$0x9] =	stream.linear.gather [spmem:s19], $0x2000, $0x38;
	[tilespmem:$0x1C000] =	vst v63  }
0xd6: {  	_ =	swait.ge [sflag:s24], $0x2000  }
0xd7: {  	[sflag:s24] =	ssyncset.done $0x0  }
0xd8: {  	[sflag:s24] =	ssyncadd.s32 $0xFFFFE000  }
0xd9: {  	[hbm4b:s20+s3] =	stream.linear.scatter [tilespmem:s23], [sflag:$0x9], $0x2000, $0x38;
	[tilespmem:$0x1C000] =	vst v63  }
0xda: {  	_ =	swait.ge [sflag:s24], $0x2000  }
0xdb: {  	[sflag:s24] =	ssyncset.done $0x0  }
0xdc: {  	[sflag:s24] =	ssyncadd.s32 $0xFFFFE000  }
0xdd: {  	[tilespmem:s23], [sflag:$0x9] =	stream.linear.gather [spmem:s21], $0x2000, $0x38;
	[tilespmem:$0x1C000] =	vst v63  }
0xde: {  	_ =	swait.ge [sflag:s24], $0x2000  }
0xdf: {  	[sflag:s24] =	ssyncset.done $0x0  }
0xe0: {  	[sflag:s24] =	ssyncadd.s32 $0xFFFFE000  }
0xe1: {  	[hbm4b:s22+s3] =	stream.linear.scatter [tilespmem:s23], [sflag:$0x9], $0x2000, $0x38;
	[tilespmem:$0x1C000] =	vst v63  }
0xe2: {  	_ =	swait.ge [sflag:s24], $0x2000  }
0xe3: {  	s10 =	sadd.s32 $0x1, s10;
	s15 =	rddreg [dreg:$0x6]  }
0xe4: {  	p0 =	sne.s32 s10, s15  }
.Ltmp3:
0xe5: {  	_ = 	snop;
	(pc) =	sbr.rel @p0 .LBB2_1-.Ltmp3, $3  }
0xe6: {  	_ =	sdelay $0x1  }
0xe7: {  	[sflag:s24] =	ssyncset.done $0x0  }
0xe8: {  	[sflag:s24] =	ssyncadd.s32 $0xFFFFE000  }
0xe9: {  	_ =	sfence.sel $0x180000  }
0xea: {  	[bflag:$0x0] =	sbarrier.arrive $0xFFFF  }
0xeb: {  	_ =	strace $0x90000050  }
0xec: {  	s0 =	stileid.u32;
	[bflag:$0x2] =	sbarrier.arrive $0xFFFF  }
0xed: {  	p0 =	sne.s32 s0, $0x0;
	s0 =	rddreg [dreg:$0x2]  }
0xee: {  	s0 =	sadd.s32 @!p0 $0x100000, s0  }
0xef: {  	[sflag:s0] =	ssyncadd.tile.s32 @!p0 $0x1;
	_ =	shalt  }
.Lfunc_end2:
_tile_overlayer_lowered:
.L_overlay_start_2:
0xf0: {  	(tag) =	ssettag $0x2  }
0xf1: {  	s0 =	rddreg [dreg:$0x0];
	s2 =	stileid.u32  }
0xf2: {  	s1 =	rddreg [dreg:$0x1];
	p0 =	sne.s32 s2, $0x0  }
0xf3: {  	s3 =	rddreg [dreg:$0x2];
	[bflag:$0x3] =	sbarrier.arrive $0xFFFF;
	s2 =	simm.s32 @!p0 $0x1C09  }
0xf4: {  	[timem:s3], [sflag:s2] =	dma.local @!p0 [hbm:s0], s1  }
0xf5: {  	s0 =	simm.s32 @!p0 $0x9  }
0xf6: {  	_ =	swait.ge @!p0 [sflag:s0], s1  }
0xf7: {  	s1 =	ssub.s32 @!p0 $0x0, s1;
	[sflag:s0] =	ssyncset.done @!p0 $0x0  }
0xf8: {  	[sflag:s0] =	ssyncadd.s32 @!p0 s1  }
0xf9: {  	[bflag:$0x3] =	sbarrier.arrive $0xFFFF  }
0xfa: {  	_ =	shalt  }

</sc_bundles>
